<compile_context>
chip_gen: v7x
topology: tpu7x:2x2x1
jax: 0.10.2.dev20260603
libtpu: 0.0.44.dev20260713+nightly
codegen_flags: <defaults>
</compile_context>

<pallas_src>
import functools

import jax
import jax.numpy as jnp
from jax import lax
from jax.experimental import pallas as pl
from jax.experimental.pallas import tpu as pltpu
from jax.experimental.pallas import tpu_sc as plsc

N = 10000
E = 160000
D_IN = 16
D_H = 16
D_EDGE = 4

NC = 2
NS = 16
NW = NC * NS
PER_TILE = E // NW
C = 500
NCHUNK = PER_TILE // C
NPAD = ((N + NS - 1) // NS + 7) // 8 * 8 * NS
ZR = NPAD // NS
CR = N // 16


def _make_sc_edge_pass(with_count: bool):
    mesh = plsc.VectorSubcoreMesh(core_axis_name="c", subcore_axis_name="s")

    out_type = [jax.ShapeDtypeStruct((NC, NPAD, 16), jnp.float32)]
    scratch = [
        pltpu.VMEM((2, C), jnp.int32),
        pltpu.VMEM((2, C), jnp.int32),
        pltpu.VMEM((2, C * D_EDGE), jnp.float32),
        pltpu.VMEM((2, C, 80), jnp.float32),
        pltpu.VMEM((2, C, 16), jnp.float32),
        pltpu.VMEM_SHARED((NPAD, 16), jnp.float32),
        pltpu.SemaphoreType.DMA((2,)),
        pltpu.SemaphoreType.DMA((2,)),
    ]
    if with_count:
        out_type.append(jax.ShapeDtypeStruct((NC, NS, CR, 16), jnp.float32))
        scratch.append(pltpu.VMEM((CR, 16), jnp.float32))

    @functools.partial(
        pl.kernel,
        out_type=out_type,
        mesh=mesh,
        compiler_params=pltpu.CompilerParams(use_tc_tiling_on_sc=False,
                                             needs_layout_passes=False),
        scratch_types=scratch,
    )
    def sc_pass(u_hbm, src_hbm, dst_hbm, ea_hbm, z_hbm, *rest):
        if with_count:
            (out_hbm, cnt_out, src_v, dst_v, ea_v, rows_v, msg_v, acc_sh,
             sem_i, sem_g, cnt_v) = rest
        else:
            (out_hbm, src_v, dst_v, ea_v, rows_v, msg_v, acc_sh,
             sem_i, sem_g) = rest
        cid = lax.axis_index("c")
        sid = lax.axis_index("s")
        base0 = (cid * NS + sid) * NCHUNK

        def issue_idx(j, b):
            row = base0 + j
            return (
                pltpu.async_copy(src_hbm.at[row], src_v.at[b], sem_i.at[b]),
                pltpu.async_copy(dst_hbm.at[row], dst_v.at[b], sem_i.at[b]),
                pltpu.async_copy(ea_hbm.at[row], ea_v.at[b], sem_i.at[b]),
            )

        idx_d0 = issue_idx(0, 0)
        idx_d1 = issue_idx(1, 1)
        pltpu.sync_copy(z_hbm, acc_sh.at[pl.ds(sid * ZR, ZR)])
        if with_count:
            zv = jnp.zeros((16,), jnp.float32)

            @plsc.parallel_loop(0, CR, step=1, unroll=8)
            def zstep(i):
                cnt_v[i, pl.ds(0, 16)] = zv

            ones16 = jnp.ones((16,), jnp.float32)
        plsc.subcore_barrier()
        for d in idx_d0:
            d.wait()
        pltpu.async_copy(u_hbm.at[src_v.at[0]], rows_v.at[0], sem_g.at[0])

        def wait_idx(b):
            row = base0
            pltpu.make_async_copy(src_hbm.at[row], src_v.at[b],
                                  sem_i.at[b]).wait()
            pltpu.make_async_copy(dst_hbm.at[row], dst_v.at[b],
                                  sem_i.at[b]).wait()
            pltpu.make_async_copy(ea_hbm.at[row], ea_v.at[b],
                                  sem_i.at[b]).wait()

        def body(j2, carry):
            for b in (0, 1):
                nb = 1 - b
                j = j2 * 2 + b
                pltpu.make_async_copy(u_hbm.at[src_v.at[b]], rows_v.at[b],
                                      sem_g.at[b]).wait()

                @pl.when(j + 1 < NCHUNK)
                def _():
                    wait_idx(nb)
                    pltpu.async_copy(u_hbm.at[src_v.at[nb]], rows_v.at[nb],
                                     sem_g.at[nb])

                if with_count:
                    @plsc.parallel_loop(0, C // 16, step=1, unroll=4)
                    def hstep(g):
                        d = dst_v[b, pl.ds(g * 16, 16)]
                        row = lax.shift_right_logical(d, 4)
                        col = jnp.bitwise_and(d, 15)
                        plsc.addupdate_scatter(cnt_v, [row, col], ones16)

                    if C % 16:
                        d = dst_v[b, pl.ds(C - 16, 16)]
                        row = lax.shift_right_logical(d, 4)
                        col = jnp.bitwise_and(d, 15)
                        plsc.addupdate_scatter(
                            cnt_v, [row, col], ones16,
                            mask=lax.iota(jnp.int32, 16) >= (16 - C % 16))

                @plsc.parallel_loop(0, C // 4, step=1, unroll=4)
                def step(g):
                    eav = ea_v[b, pl.ds(g * 16, 16)]
                    for i in range(4):
                        e = g * 4 + i
                        m = rows_v[b, e, pl.ds(64, 16)]
                        m = m + eav[4 * i + 0] * rows_v[b, e, pl.ds(0, 16)]
                        m = m + eav[4 * i + 1] * rows_v[b, e, pl.ds(16, 16)]
                        m = m + eav[4 * i + 2] * rows_v[b, e, pl.ds(32, 16)]
                        m = m + eav[4 * i + 3] * rows_v[b, e, pl.ds(48, 16)]
                        msg_v[b, e, pl.ds(0, 16)] = m

                pltpu.sync_copy(msg_v.at[b], acc_sh.at[dst_v.at[b]], add=True)

                @pl.when(j + 2 < NCHUNK)
                def _():
                    issue_idx(j + 2, b)
            return carry

        lax.fori_loop(0, NCHUNK // 2, body, 0)

        plsc.subcore_barrier()
        pltpu.sync_copy(acc_sh.at[pl.ds(sid * ZR, ZR)],
                        out_hbm.at[cid, pl.ds(sid * ZR, ZR)])
        if with_count:
            pltpu.sync_copy(cnt_v, cnt_out.at[cid, sid])

    return sc_pass


_sc_pass_l0 = _make_sc_edge_pass(with_count=True)
_sc_pass_l1 = _make_sc_edge_pass(with_count=False)

_DOT = dict(precision=lax.Precision.HIGHEST, preferred_element_type=jnp.float32)
_TC_PARAMS = pltpu.CompilerParams(vmem_limit_bytes=100 * 2**20)


def _tc_in(x_ref, wc_ref, root_ref, bias_ref, u_ref, r_ref):
    x = x_ref[...]
    u_ref[...] = jnp.dot(x, wc_ref[...], **_DOT)
    r_ref[...] = jnp.dot(x, root_ref[...], **_DOT) + bias_ref[...]


def _mean(s, inv2):
    return (s.reshape(CR, 16, 16) * inv2[:, :, None]).reshape(N, 16)


def _tc_mid(sp_ref, cnt_ref, r0_ref, wc_ref, root_ref, bias_ref,
            u_ref, r_ref, inv_ref):
    c = jnp.sum(cnt_ref[...], axis=(0, 1))
    inv2 = 1.0 / jnp.maximum(c, 1.0)
    s = (sp_ref[0] + sp_ref[1])[:N]
    h = jnp.maximum(r0_ref[...] + _mean(s, inv2), 0.0)
    u_ref[...] = jnp.dot(h, wc_ref[...], **_DOT)
    r_ref[...] = jnp.dot(h, root_ref[...], **_DOT) + bias_ref[...]
    inv_ref[...] = inv2


def _tc_out(sp_ref, r1_ref, inv_ref, hw_ref, hb_ref, out_ref):
    s = (sp_ref[0] + sp_ref[1])[:N]
    h = jnp.maximum(r1_ref[...] + _mean(s, inv_ref[...]), 0.0)
    out_ref[...] = jnp.dot(h, hw_ref[...], **_DOT) + hb_ref[...]


def _wcat(w, b):
    wk = w.reshape(D_EDGE, 16, 16).transpose(1, 0, 2).reshape(16, D_EDGE * 16)
    return jnp.concatenate([wk, b.reshape(16, 16)], axis=1)


def kernel(x, edge_index, edge_attr, enn0_w, enn0_b, root0, bias0,
           enn1_w, enn1_b, root1, bias1, head_w, head_b):
    src = edge_index[0].astype(jnp.int32).reshape(E // C, C)
    dst = edge_index[1].astype(jnp.int32).reshape(E // C, C)
    ea_flat = edge_attr.reshape(E // C, C * D_EDGE)
    wc0 = _wcat(enn0_w, enn0_b)
    wc1 = _wcat(enn1_w, enn1_b)
    z16 = jnp.zeros((ZR, 16), jnp.float32)

    u0, r0 = pl.pallas_call(
        _tc_in,
        compiler_params=_TC_PARAMS,
        out_shape=[jax.ShapeDtypeStruct((N, 80), jnp.float32),
                   jax.ShapeDtypeStruct((N, 16), jnp.float32)],
    )(x, wc0, root0, bias0.reshape(1, 16))

    s0, c0 = _sc_pass_l0(u0, src, dst, ea_flat, z16)

    u1, r1, inv2 = pl.pallas_call(
        _tc_mid,
        compiler_params=_TC_PARAMS,
        out_shape=[jax.ShapeDtypeStruct((N, 80), jnp.float32),
                   jax.ShapeDtypeStruct((N, 16), jnp.float32),
                   jax.ShapeDtypeStruct((CR, 16), jnp.float32)],
    )(s0, c0, r0, wc1, root1, bias1.reshape(1, 16))

    s1 = _sc_pass_l1(u1, src, dst, ea_flat, z16)
    if isinstance(s1, (list, tuple)):
        s1 = s1[0]

    out = pl.pallas_call(
        _tc_out,
        compiler_params=_TC_PARAMS,
        out_shape=jax.ShapeDtypeStruct((N, 1), jnp.float32),
    )(s1, r1, inv2, head_w, head_b.reshape(1, 1))
    return out

# --- scband reference (transcript-rebuilt; emitter-appended) ---
"""Pipeline reference for scband-obm-nnconv-4724464026138 (READ-ONLY COPY).

The authoritative reference and input builder live on the scoring server;
editing this copy changes nothing except your own understanding.
"""

import jax, jax.numpy as jnp
import numpy as np

N = 10000
E = 160000
D_IN = 16
D_H = 16
D_EDGE = 4
D_OUT = 1


def setup_inputs(seed: int = 0) -> dict:
    key = jax.random.key(seed)
    ks = jax.random.split(key, 14)

    def u(k, shape, fan_in):
        s = 1.0 / np.sqrt(fan_in)
        return jax.random.uniform(k, shape, jnp.float32, -s, s)

    return {
        "x": jax.random.normal(ks[0], (N, D_IN), jnp.float32),
        "edge_index": jax.random.randint(ks[1], (2, E), 0, N),
        "edge_attr": jax.random.normal(ks[2], (E, D_EDGE), jnp.float32),
        "enn0_w": u(ks[3], (D_EDGE, D_IN * D_H), D_EDGE),
        "enn0_b": u(ks[4], (D_IN * D_H,), D_EDGE),
        "root0": u(ks[5], (D_IN, D_H), D_IN),
        "bias0": u(ks[6], (D_H,), D_IN),
        "enn1_w": u(ks[7], (D_EDGE, D_H * D_H), D_EDGE),
        "enn1_b": u(ks[8], (D_H * D_H,), D_EDGE),
        "root1": u(ks[9], (D_H, D_H), D_H),
        "bias1": u(ks[10], (D_H,), D_H),
        "head_w": u(ks[11], (D_H, D_OUT), D_H),
        "head_b": u(ks[12], (D_OUT,), D_H),
    }


def _nnconv(h, ea, src, dst, w, b, root, bias, din, dout):
    # Edge network: Linear(d_edge -> din*dout), reshaped to per-edge weight [E, din, dout]
    W = (ea @ w + b).reshape(-1, din, dout)
    # message_j = x_src @ W_e (per-edge matmul)
    msg = jnp.einsum("ei,eio->eo", h[src], W)
    # aggr = 'mean' over incoming edges at dst
    s = jax.ops.segment_sum(msg, dst, num_segments=N)
    cnt = jax.ops.segment_sum(jnp.ones(dst.shape, jnp.float32), dst, num_segments=N)
    agg = s / jnp.clip(cnt, 1.0, None)[:, None]
    # root weight + bias (PyG NNConv)
    return h @ root + agg + bias


def reference(x, edge_index, edge_attr, enn0_w, enn0_b, root0, bias0, enn1_w, enn1_b, root1, bias1, head_w, head_b):
    src = edge_index[0]
    dst = edge_index[1]
    # layer 1: NNConv -> relu -> dropout(p=0.0, eval => identity)
    h = jax.nn.relu(_nnconv(x, edge_attr, src, dst, enn0_w, enn0_b, root0, bias0, D_IN, D_H))
    # layer 2
    h = jax.nn.relu(_nnconv(h, edge_attr, src, dst, enn1_w, enn1_b, root1, bias1, D_H, D_H))
    # graph_feature_dim == 0 -> plain regression head; head='regression' -> no classify reshape
    return h @ head_w + head_b

if __name__ == "__main__":
    import jax
    _d = setup_inputs()
    print(jax.jit(kernel)(*tuple(_d.values())))

</pallas_src>

<mosaic_0001>
#map = affine_map<(d0, d1) -> (0, 0)>
#map1 = affine_map<(d0, d1) -> (0, 0, 0)>
#map2 = affine_map<(d0, d1) -> (0, 0, 0, 0)>
module attributes {stable_mosaic.version = 14 : i64} {
  func.func @sc_pass(%arg0: i32, %arg1: i32, %arg2: memref<10000x80xf32, #tpu.memory_space<hbm>>, %arg3: memref<320x500xi32, #tpu.memory_space<hbm>>, %arg4: memref<320x500xi32, #tpu.memory_space<hbm>>, %arg5: memref<320x2000xf32, #tpu.memory_space<hbm>>, %arg6: memref<632x16xf32, #tpu.memory_space<hbm>>, %arg7: memref<2x10112x16xf32, #tpu.memory_space<hbm>>, %arg8: memref<2x16x625x16xf32, #tpu.memory_space<hbm>>, %arg9: memref<2x500xi32, #tpu.memory_space<vmem>>, %arg10: memref<2x500xi32, #tpu.memory_space<vmem>>, %arg11: memref<2x2000xf32, #tpu.memory_space<vmem>>, %arg12: memref<2x500x80xf32, #tpu.memory_space<vmem>>, %arg13: memref<2x500x16xf32, #tpu.memory_space<vmem>>, %arg14: memref<10112x16xf32, #tpu.memory_space<vmem_shared>>, %arg15: memref<2x!tpu.dma_semaphore, #tpu.memory_space<semaphore_mem>>, %arg16: memref<2x!tpu.dma_semaphore, #tpu.memory_space<semaphore_mem>>, %arg17: memref<625x16xf32, #tpu.memory_space<vmem>>) attributes {dimension_semantics = [#tpu.dimension_semantics<core_parallel>, #tpu.dimension_semantics<subcore_parallel>], iteration_bounds = array<i64: 2, 16>, scalar_prefetch = 0 : i64, scratch_operands = 9 : i64, tpu.core_type = #tpu.core_type<sc_vector_subcore>, window_params = [{transform_indices = #map}, {transform_indices = #map}, {transform_indices = #map}, {transform_indices = #map}, {transform_indices = #map}, {transform_indices = #map1}, {transform_indices = #map2}]} {
    %mul3A = arith.constant 16 : i32
    %mul3A_0 = arith.muli %arg0, %mul3A : i32
    %add3A = arith.addi %mul3A_0, %arg1 : i32
    %mul3A_1 = arith.constant 10 : i32
    %mul3A_2 = arith.muli %add3A, %mul3A_1 : i32
    %add3A_3 = arith.constant 0 : i32
    %add3A_4 = arith.addi %mul3A_2, %add3A_3 : i32
    %dma_start3A = arith.constant 0 : i32
    %dma_start3A_5 = arith.constant 0 : i32
    %dma_start3A_6 = arith.constant 0 : i32
    %dma_start3A_7 = tpu.memref_slice %arg9[%dma_start3A, %dma_start3A_6] : memref<2x500xi32, #tpu.memory_space<vmem>> -> memref<1x500xi32, #tpu.memory_space<vmem>>
    %dma_start3A_8 = tpu.memref_squeeze %dma_start3A_7 : memref<1x500xi32, #tpu.memory_space<vmem>> -> memref<500xi32, #tpu.memory_space<vmem>>
    %dma_start3A_9 = arith.constant 0 : i32
    %dma_start3A_10 = tpu.memref_slice %arg3[%add3A_4, %dma_start3A_9] : memref<320x500xi32, #tpu.memory_space<hbm>> -> memref<1x500xi32, #tpu.memory_space<hbm>>
    %dma_start3A_11 = tpu.memref_squeeze %dma_start3A_10 : memref<1x500xi32, #tpu.memory_space<hbm>> -> memref<500xi32, #tpu.memory_space<hbm>>
    %dma_start3A_12 = tpu.memref_slice %arg15[%dma_start3A_5] : memref<2x!tpu.dma_semaphore, #tpu.memory_space<semaphore_mem>> -> memref<1x!tpu.dma_semaphore, #tpu.memory_space<semaphore_mem>>
    %dma_start3A_13 = tpu.memref_squeeze %dma_start3A_12 : memref<1x!tpu.dma_semaphore, #tpu.memory_space<semaphore_mem>> -> memref<!tpu.dma_semaphore, #tpu.memory_space<semaphore_mem>>
    %dma_start3A_14 = arith.constant 0 : i32
    %dma_start3A_15 = tpu.memref_slice %arg9[%dma_start3A, %dma_start3A_14] : memref<2x500xi32, #tpu.memory_space<vmem>> -> memref<1x500xi32, #tpu.memory_space<vmem>>
    %dma_start3A_16 = tpu.memref_squeeze %dma_start3A_15 : memref<1x500xi32, #tpu.memory_space<vmem>> -> memref<500xi32, #tpu.memory_space<vmem>>
    %dma_start3A_17 = arith.constant 0 : i32
    %dma_start3A_18 = tpu.memref_slice %arg3[%add3A_4, %dma_start3A_17] : memref<320x500xi32, #tpu.memory_space<hbm>> -> memref<1x500xi32, #tpu.memory_space<hbm>>
    %dma_start3A_19 = tpu.memref_squeeze %dma_start3A_18 : memref<1x500xi32, #tpu.memory_space<hbm>> -> memref<500xi32, #tpu.memory_space<hbm>>
    tpu.enqueue_dma source(%dma_start3A_19 : memref<500xi32, #tpu.memory_space<hbm>>) target(%dma_start3A_16 : memref<500xi32, #tpu.memory_space<vmem>>) target_semaphore(%dma_start3A_13 : memref<!tpu.dma_semaphore, #tpu.memory_space<semaphore_mem>>)
    %dma_start3A_20 = arith.constant 0 : i32
    %dma_start3A_21 = arith.constant 0 : i32
    %dma_start3A_22 = arith.constant 0 : i32
    %dma_start3A_23 = tpu.memref_slice %arg10[%dma_start3A_20, %dma_start3A_22] : memref<2x500xi32, #tpu.memory_space<vmem>> -> memref<1x500xi32, #tpu.memory_space<vmem>>
    %dma_start3A_24 = tpu.memref_squeeze %dma_start3A_23 : memref<1x500xi32, #tpu.memory_space<vmem>> -> memref<500xi32, #tpu.memory_space<vmem>>
    %dma_start3A_25 = arith.constant 0 : i32
    %dma_start3A_26 = tpu.memref_slice %arg4[%add3A_4, %dma_start3A_25] : memref<320x500xi32, #tpu.memory_space<hbm>> -> memref<1x500xi32, #tpu.memory_space<hbm>>
    %dma_start3A_27 = tpu.memref_squeeze %dma_start3A_26 : memref<1x500xi32, #tpu.memory_space<hbm>> -> memref<500xi32, #tpu.memory_space<hbm>>
    %dma_start3A_28 = tpu.memref_slice %arg15[%dma_start3A_21] : memref<2x!tpu.dma_semaphore, #tpu.memory_space<semaphore_mem>> -> memref<1x!tpu.dma_semaphore, #tpu.memory_space<semaphore_mem>>
    %dma_start3A_29 = tpu.memref_squeeze %dma_start3A_28 : memref<1x!tpu.dma_semaphore, #tpu.memory_space<semaphore_mem>> -> memref<!tpu.dma_semaphore, #tpu.memory_space<semaphore_mem>>
    %dma_start3A_30 = arith.constant 0 : i32
    %dma_start3A_31 = tpu.memref_slice %arg10[%dma_start3A_20, %dma_start3A_30] : memref<2x500xi32, #tpu.memory_space<vmem>> -> memref<1x500xi32, #tpu.memory_space<vmem>>
    %dma_start3A_32 = tpu.memref_squeeze %dma_start3A_31 : memref<1x500xi32, #tpu.memory_space<vmem>> -> memref<500xi32, #tpu.memory_space<vmem>>
    %dma_start3A_33 = arith.constant 0 : i32
    %dma_start3A_34 = tpu.memref_slice %arg4[%add3A_4, %dma_start3A_33] : memref<320x500xi32, #tpu.memory_space<hbm>> -> memref<1x500xi32, #tpu.memory_space<hbm>>
    %dma_start3A_35 = tpu.memref_squeeze %dma_start3A_34 : memref<1x500xi32, #tpu.memory_space<hbm>> -> memref<500xi32, #tpu.memory_space<hbm>>
    tpu.enqueue_dma source(%dma_start3A_35 : memref<500xi32, #tpu.memory_space<hbm>>) target(%dma_start3A_32 : memref<500xi32, #tpu.memory_space<vmem>>) target_semaphore(%dma_start3A_29 : memref<!tpu.dma_semaphore, #tpu.memory_space<semaphore_mem>>)
    %dma_start3A_36 = arith.constant 0 : i32
    %dma_start3A_37 = arith.constant 0 : i32
    %dma_start3A_38 = arith.constant 0 : i32
    %dma_start3A_39 = tpu.memref_slice %arg11[%dma_start3A_36, %dma_start3A_38] : memref<2x2000xf32, #tpu.memory_space<vmem>> -> memref<1x2000xf32, #tpu.memory_space<vmem>>
    %dma_start3A_40 = tpu.memref_squeeze %dma_start3A_39 : memref<1x2000xf32, #tpu.memory_space<vmem>> -> memref<2000xf32, #tpu.memory_space<vmem>>
    %dma_start3A_41 = arith.constant 0 : i32
    %dma_start3A_42 = tpu.memref_slice %arg5[%add3A_4, %dma_start3A_41] : memref<320x2000xf32, #tpu.memory_space<hbm>> -> memref<1x2000xf32, #tpu.memory_space<hbm>>
    %dma_start3A_43 = tpu.memref_squeeze %dma_start3A_42 : memref<1x2000xf32, #tpu.memory_space<hbm>> -> memref<2000xf32, #tpu.memory_space<hbm>>
    %dma_start3A_44 = tpu.memref_slice %arg15[%dma_start3A_37] : memref<2x!tpu.dma_semaphore, #tpu.memory_space<semaphore_mem>> -> memref<1x!tpu.dma_semaphore, #tpu.memory_space<semaphore_mem>>
    %dma_start3A_45 = tpu.memref_squeeze %dma_start3A_44 : memref<1x!tpu.dma_semaphore, #tpu.memory_space<semaphore_mem>> -> memref<!tpu.dma_semaphore, #tpu.memory_space<semaphore_mem>>
    %dma_start3A_46 = arith.constant 0 : i32
    %dma_start3A_47 = tpu.memref_slice %arg11[%dma_start3A_36, %dma_start3A_46] : memref<2x2000xf32, #tpu.memory_space<vmem>> -> memref<1x2000xf32, #tpu.memory_space<vmem>>
    %dma_start3A_48 = tpu.memref_squeeze %dma_start3A_47 : memref<1x2000xf32, #tpu.memory_space<vmem>> -> memref<2000xf32, #tpu.memory_space<vmem>>
    %dma_start3A_49 = arith.constant 0 : i32
    %dma_start3A_50 = tpu.memref_slice %arg5[%add3A_4, %dma_start3A_49] : memref<320x2000xf32, #tpu.memory_space<hbm>> -> memref<1x2000xf32, #tpu.memory_space<hbm>>
    %dma_start3A_51 = tpu.memref_squeeze %dma_start3A_50 : memref<1x2000xf32, #tpu.memory_space<hbm>> -> memref<2000xf32, #tpu.memory_space<hbm>>
    tpu.enqueue_dma source(%dma_start3A_51 : memref<2000xf32, #tpu.memory_space<hbm>>) target(%dma_start3A_48 : memref<2000xf32, #tpu.memory_space<vmem>>) target_semaphore(%dma_start3A_45 : memref<!tpu.dma_semaphore, #tpu.memory_space<semaphore_mem>>)
    %add3A_52 = arith.constant 1 : i32
    %add3A_53 = arith.addi %mul3A_2, %add3A_52 : i32
    %dma_start3A_54 = arith.constant 1 : i32
    %dma_start3A_55 = arith.constant 1 : i32
    %dma_start3A_56 = arith.constant 0 : i32
    %dma_start3A_57 = tpu.memref_slice %arg9[%dma_start3A_54, %dma_start3A_56] : memref<2x500xi32, #tpu.memory_space<vmem>> -> memref<1x500xi32, #tpu.memory_space<vmem>>
    %dma_start3A_58 = tpu.memref_squeeze %dma_start3A_57 : memref<1x500xi32, #tpu.memory_space<vmem>> -> memref<500xi32, #tpu.memory_space<vmem>>
    %dma_start3A_59 = arith.constant 0 : i32
    %dma_start3A_60 = tpu.memref_slice %arg3[%add3A_53, %dma_start3A_59] : memref<320x500xi32, #tpu.memory_space<hbm>> -> memref<1x500xi32, #tpu.memory_space<hbm>>
    %dma_start3A_61 = tpu.memref_squeeze %dma_start3A_60 : memref<1x500xi32, #tpu.memory_space<hbm>> -> memref<500xi32, #tpu.memory_space<hbm>>
    %dma_start3A_62 = tpu.memref_slice %arg15[%dma_start3A_55] : memref<2x!tpu.dma_semaphore, #tpu.memory_space<semaphore_mem>> -> memref<1x!tpu.dma_semaphore, #tpu.memory_space<semaphore_mem>>
    %dma_start3A_63 = tpu.memref_squeeze %dma_start3A_62 : memref<1x!tpu.dma_semaphore, #tpu.memory_space<semaphore_mem>> -> memref<!tpu.dma_semaphore, #tpu.memory_space<semaphore_mem>>
    %dma_start3A_64 = arith.constant 0 : i32
    %dma_start3A_65 = tpu.memref_slice %arg9[%dma_start3A_54, %dma_start3A_64] : memref<2x500xi32, #tpu.memory_space<vmem>> -> memref<1x500xi32, #tpu.memory_space<vmem>>
    %dma_start3A_66 = tpu.memref_squeeze %dma_start3A_65 : memref<1x500xi32, #tpu.memory_space<vmem>> -> memref<500xi32, #tpu.memory_space<vmem>>
    %dma_start3A_67 = arith.constant 0 : i32
    %dma_start3A_68 = tpu.memref_slice %arg3[%add3A_53, %dma_start3A_67] : memref<320x500xi32, #tpu.memory_space<hbm>> -> memref<1x500xi32, #tpu.memory_space<hbm>>
    %dma_start3A_69 = tpu.memref_squeeze %dma_start3A_68 : memref<1x500xi32, #tpu.memory_space<hbm>> -> memref<500xi32, #tpu.memory_space<hbm>>
    tpu.enqueue_dma source(%dma_start3A_69 : memref<500xi32, #tpu.memory_space<hbm>>) target(%dma_start3A_66 : memref<500xi32, #tpu.memory_space<vmem>>) target_semaphore(%dma_start3A_63 : memref<!tpu.dma_semaphore, #tpu.memory_space<semaphore_mem>>)
    %dma_start3A_70 = arith.constant 1 : i32
    %dma_start3A_71 = arith.constant 1 : i32
    %dma_start3A_72 = arith.constant 0 : i32
    %dma_start3A_73 = tpu.memref_slice %arg10[%dma_start3A_70, %dma_start3A_72] : memref<2x500xi32, #tpu.memory_space<vmem>> -> memref<1x500xi32, #tpu.memory_space<vmem>>
    %dma_start3A_74 = tpu.memref_squeeze %dma_start3A_73 : memref<1x500xi32, #tpu.memory_space<vmem>> -> memref<500xi32, #tpu.memory_space<vmem>>
    %dma_start3A_75 = arith.constant 0 : i32
    %dma_start3A_76 = tpu.memref_slice %arg4[%add3A_53, %dma_start3A_75] : memref<320x500xi32, #tpu.memory_space<hbm>> -> memref<1x500xi32, #tpu.memory_space<hbm>>
    %dma_start3A_77 = tpu.memref_squeeze %dma_start3A_76 : memref<1x500xi32, #tpu.memory_space<hbm>> -> memref<500xi32, #tpu.memory_space<hbm>>
    %dma_start3A_78 = tpu.memref_slice %arg15[%dma_start3A_71] : memref<2x!tpu.dma_semaphore, #tpu.memory_space<semaphore_mem>> -> memref<1x!tpu.dma_semaphore, #tpu.memory_space<semaphore_mem>>
    %dma_start3A_79 = tpu.memref_squeeze %dma_start3A_78 : memref<1x!tpu.dma_semaphore, #tpu.memory_space<semaphore_mem>> -> memref<!tpu.dma_semaphore, #tpu.memory_space<semaphore_mem>>
    %dma_start3A_80 = arith.constant 0 : i32
    %dma_start3A_81 = tpu.memref_slice %arg10[%dma_start3A_70, %dma_start3A_80] : memref<2x500xi32, #tpu.memory_space<vmem>> -> memref<1x500xi32, #tpu.memory_space<vmem>>
    %dma_start3A_82 = tpu.memref_squeeze %dma_start3A_81 : memref<1x500xi32, #tpu.memory_space<vmem>> -> memref<500xi32, #tpu.memory_space<vmem>>
    %dma_start3A_83 = arith.constant 0 : i32
    %dma_start3A_84 = tpu.memref_slice %arg4[%add3A_53, %dma_start3A_83] : memref<320x500xi32, #tpu.memory_space<hbm>> -> memref<1x500xi32, #tpu.memory_space<hbm>>
    %dma_start3A_85 = tpu.memref_squeeze %dma_start3A_84 : memref<1x500xi32, #tpu.memory_space<hbm>> -> memref<500xi32, #tpu.memory_space<hbm>>
    tpu.enqueue_dma source(%dma_start3A_85 : memref<500xi32, #tpu.memory_space<hbm>>) target(%dma_start3A_82 : memref<500xi32, #tpu.memory_space<vmem>>) target_semaphore(%dma_start3A_79 : memref<!tpu.dma_semaphore, #tpu.memory_space<semaphore_mem>>)
    %dma_start3A_86 = arith.constant 1 : i32
    %dma_start3A_87 = arith.constant 1 : i32
    %dma_start3A_88 = arith.constant 0 : i32
    %dma_start3A_89 = tpu.memref_slice %arg11[%dma_start3A_86, %dma_start3A_88] : memref<2x2000xf32, #tpu.memory_space<vmem>> -> memref<1x2000xf32, #tpu.memory_space<vmem>>
    %dma_start3A_90 = tpu.memref_squeeze %dma_start3A_89 : memref<1x2000xf32, #tpu.memory_space<vmem>> -> memref<2000xf32, #tpu.memory_space<vmem>>
    %dma_start3A_91 = arith.constant 0 : i32
    %dma_start3A_92 = tpu.memref_slice %arg5[%add3A_53, %dma_start3A_91] : memref<320x2000xf32, #tpu.memory_space<hbm>> -> memref<1x2000xf32, #tpu.memory_space<hbm>>
    %dma_start3A_93 = tpu.memref_squeeze %dma_start3A_92 : memref<1x2000xf32, #tpu.memory_space<hbm>> -> memref<2000xf32, #tpu.memory_space<hbm>>
    %dma_start3A_94 = tpu.memref_slice %arg15[%dma_start3A_87] : memref<2x!tpu.dma_semaphore, #tpu.memory_space<semaphore_mem>> -> memref<1x!tpu.dma_semaphore, #tpu.memory_space<semaphore_mem>>
    %dma_start3A_95 = tpu.memref_squeeze %dma_start3A_94 : memref<1x!tpu.dma_semaphore, #tpu.memory_space<semaphore_mem>> -> memref<!tpu.dma_semaphore, #tpu.memory_space<semaphore_mem>>
    %dma_start3A_96 = arith.constant 0 : i32
    %dma_start3A_97 = tpu.memref_slice %arg11[%dma_start3A_86, %dma_start3A_96] : memref<2x2000xf32, #tpu.memory_space<vmem>> -> memref<1x2000xf32, #tpu.memory_space<vmem>>
    %dma_start3A_98 = tpu.memref_squeeze %dma_start3A_97 : memref<1x2000xf32, #tpu.memory_space<vmem>> -> memref<2000xf32, #tpu.memory_space<vmem>>
    %dma_start3A_99 = arith.constant 0 : i32
    %dma_start3A_100 = tpu.memref_slice %arg5[%add3A_53, %dma_start3A_99] : memref<320x2000xf32, #tpu.memory_space<hbm>> -> memref<1x2000xf32, #tpu.memory_space<hbm>>
    %dma_start3A_101 = tpu.memref_squeeze %dma_start3A_100 : memref<1x2000xf32, #tpu.memory_space<hbm>> -> memref<2000xf32, #tpu.memory_space<hbm>>
    tpu.enqueue_dma source(%dma_start3A_101 : memref<2000xf32, #tpu.memory_space<hbm>>) target(%dma_start3A_98 : memref<2000xf32, #tpu.memory_space<vmem>>) target_semaphore(%dma_start3A_95 : memref<!tpu.dma_semaphore, #tpu.memory_space<semaphore_mem>>)
    %mul3A_102 = arith.constant 632 : i32
    %mul3A_103 = arith.muli %arg1, %mul3A_102 : i32
    "tpu.region"() ({
      %run_scoped3A = tpu.sem_alloc : memref<!tpu.dma_semaphore, #tpu.memory_space<semaphore_mem>>
      %dma_start3A_181 = arith.constant 0 : i32
      %dma_start3A_182 = tpu.memref_slice %arg14[%mul3A_103, %dma_start3A_181] : memref<10112x16xf32, #tpu.memory_space<vmem_shared>> -> memref<632x16xf32, #tpu.memory_space<vmem_shared>>
      tpu.enqueue_dma source(%arg6 : memref<632x16xf32, #tpu.memory_space<hbm>>) target(%dma_start3A_182 : memref<632x16xf32, #tpu.memory_space<vmem_shared>>) target_semaphore(%run_scoped3A : memref<!tpu.dma_semaphore, #tpu.memory_space<semaphore_mem>>)
      %dma_wait3A_183 = arith.constant 0 : i32
      %dma_wait3A_184 = tpu.memref_slice %arg14[%mul3A_103, %dma_wait3A_183] : memref<10112x16xf32, #tpu.memory_space<vmem_shared>> -> memref<632x16xf32, #tpu.memory_space<vmem_shared>>
      tpu.wait_dma2 semaphore(%run_scoped3A : memref<!tpu.dma_semaphore, #tpu.memory_space<semaphore_mem>>) src(%arg6 : memref<632x16xf32, #tpu.memory_space<hbm>>) dst(%dma_wait3A_184 : memref<632x16xf32, #tpu.memory_space<vmem_shared>>)
      tpu.yield
    }) : () -> ()
    %broadcast_in_dim3A = arith.constant 0.000000e+00 : f32
    %broadcast_in_dim3A_104 = vector.broadcast %broadcast_in_dim3A : f32 to vector<16xf32>
    %parallel_loop3A = arith.constant 0 : i32
    %parallel_loop3A_105 = arith.constant 625 : i32
    %parallel_loop3A_106 = arith.constant 1 : i32
    scf.for %parallel_loop3A_181 = %parallel_loop3A to %parallel_loop3A_105 step %parallel_loop3A_106  : i32 {
      %parallel_loop3A_182 = arith.index_cast %parallel_loop3A_181 : i32 to index
      %parallel_loop3A_183 = arith.constant 0 : index
      %parallel_loop3A_184 = tpu.vector_load %arg17[%parallel_loop3A_182, %parallel_loop3A_183] {strides = array<i32>} : memref<625x16xf32, #tpu.memory_space<vmem>>, vector<16xf32>,
      tpu.vector_store %arg17[%parallel_loop3A_182, %parallel_loop3A_183], %broadcast_in_dim3A_104 {strides = array<i32>} : memref<625x16xf32, #tpu.memory_space<vmem>>, vector<16xf32>,
    } {sc.loop_unroll_factor = 8 : i64, sc.parallel_access}
    %broadcast_in_dim3A_107 = arith.constant 1.000000e+00 : f32
    %broadcast_in_dim3A_108 = vector.broadcast %broadcast_in_dim3A_107 : f32 to vector<16xf32>
    %barrier3A = arith.constant 0 : index
    tpu.barrier barrier_id(%barrier3A)
    %dma_wait3A = arith.constant 0 : i32
    %dma_wait3A_109 = arith.constant 0 : i32
    %dma_wait3A_110 = arith.constant 0 : i32
    %dma_wait3A_111 = tpu.memref_slice %arg9[%dma_wait3A, %dma_wait3A_110] : memref<2x500xi32, #tpu.memory_space<vmem>> -> memref<1x500xi32, #tpu.memory_space<vmem>>
    %dma_wait3A_112 = tpu.memref_squeeze %dma_wait3A_111 : memref<1x500xi32, #tpu.memory_space<vmem>> -> memref<500xi32, #tpu.memory_space<vmem>>
    %dma_wait3A_113 = arith.constant 0 : i32
    %dma_wait3A_114 = tpu.memref_slice %arg3[%add3A_4, %dma_wait3A_113] : memref<320x500xi32, #tpu.memory_space<hbm>> -> memref<1x500xi32, #tpu.memory_space<hbm>>
    %dma_wait3A_115 = tpu.memref_squeeze %dma_wait3A_114 : memref<1x500xi32, #tpu.memory_space<hbm>> -> memref<500xi32, #tpu.memory_space<hbm>>
    %dma_wait3A_116 = tpu.memref_slice %arg15[%dma_wait3A_109] : memref<2x!tpu.dma_semaphore, #tpu.memory_space<semaphore_mem>> -> memref<1x!tpu.dma_semaphore, #tpu.memory_space<semaphore_mem>>
    %dma_wait3A_117 = tpu.memref_squeeze %dma_wait3A_116 : memref<1x!tpu.dma_semaphore, #tpu.memory_space<semaphore_mem>> -> memref<!tpu.dma_semaphore, #tpu.memory_space<semaphore_mem>>
    %dma_wait3A_118 = arith.constant 0 : i32
    %dma_wait3A_119 = tpu.memref_slice %arg9[%dma_wait3A, %dma_wait3A_118] : memref<2x500xi32, #tpu.memory_space<vmem>> -> memref<1x500xi32, #tpu.memory_space<vmem>>
    %dma_wait3A_120 = tpu.memref_squeeze %dma_wait3A_119 : memref<1x500xi32, #tpu.memory_space<vmem>> -> memref<500xi32, #tpu.memory_space<vmem>>
    %dma_wait3A_121 = arith.constant 0 : i32
    %dma_wait3A_122 = tpu.memref_slice %arg3[%add3A_4, %dma_wait3A_121] : memref<320x500xi32, #tpu.memory_space<hbm>> -> memref<1x500xi32, #tpu.memory_space<hbm>>
    %dma_wait3A_123 = tpu.memref_squeeze %dma_wait3A_122 : memref<1x500xi32, #tpu.memory_space<hbm>> -> memref<500xi32, #tpu.memory_space<hbm>>
    tpu.wait_dma2 semaphore(%dma_wait3A_117 : memref<!tpu.dma_semaphore, #tpu.memory_space<semaphore_mem>>) src(%dma_wait3A_123 : memref<500xi32, #tpu.memory_space<hbm>>) dst(%dma_wait3A_120 : memref<500xi32, #tpu.memory_space<vmem>>)
    %dma_wait3A_124 = arith.constant 0 : i32
    %dma_wait3A_125 = arith.constant 0 : i32
    %dma_wait3A_126 = arith.constant 0 : i32
    %dma_wait3A_127 = tpu.memref_slice %arg10[%dma_wait3A_124, %dma_wait3A_126] : memref<2x500xi32, #tpu.memory_space<vmem>> -> memref<1x500xi32, #tpu.memory_space<vmem>>
    %dma_wait3A_128 = tpu.memref_squeeze %dma_wait3A_127 : memref<1x500xi32, #tpu.memory_space<vmem>> -> memref<500xi32, #tpu.memory_space<vmem>>
    %dma_wait3A_129 = arith.constant 0 : i32
    %dma_wait3A_130 = tpu.memref_slice %arg4[%add3A_4, %dma_wait3A_129] : memref<320x500xi32, #tpu.memory_space<hbm>> -> memref<1x500xi32, #tpu.memory_space<hbm>>
    %dma_wait3A_131 = tpu.memref_squeeze %dma_wait3A_130 : memref<1x500xi32, #tpu.memory_space<hbm>> -> memref<500xi32, #tpu.memory_space<hbm>>
    %dma_wait3A_132 = tpu.memref_slice %arg15[%dma_wait3A_125] : memref<2x!tpu.dma_semaphore, #tpu.memory_space<semaphore_mem>> -> memref<1x!tpu.dma_semaphore, #tpu.memory_space<semaphore_mem>>
    %dma_wait3A_133 = tpu.memref_squeeze %dma_wait3A_132 : memref<1x!tpu.dma_semaphore, #tpu.memory_space<semaphore_mem>> -> memref<!tpu.dma_semaphore, #tpu.memory_space<semaphore_mem>>
    %dma_wait3A_134 = arith.constant 0 : i32
    %dma_wait3A_135 = tpu.memref_slice %arg10[%dma_wait3A_124, %dma_wait3A_134] : memref<2x500xi32, #tpu.memory_space<vmem>> -> memref<1x500xi32, #tpu.memory_space<vmem>>
    %dma_wait3A_136 = tpu.memref_squeeze %dma_wait3A_135 : memref<1x500xi32, #tpu.memory_space<vmem>> -> memref<500xi32, #tpu.memory_space<vmem>>
    %dma_wait3A_137 = arith.constant 0 : i32
    %dma_wait3A_138 = tpu.memref_slice %arg4[%add3A_4, %dma_wait3A_137] : memref<320x500xi32, #tpu.memory_space<hbm>> -> memref<1x500xi32, #tpu.memory_space<hbm>>
    %dma_wait3A_139 = tpu.memref_squeeze %dma_wait3A_138 : memref<1x500xi32, #tpu.memory_space<hbm>> -> memref<500xi32, #tpu.memory_space<hbm>>
    tpu.wait_dma2 semaphore(%dma_wait3A_133 : memref<!tpu.dma_semaphore, #tpu.memory_space<semaphore_mem>>) src(%dma_wait3A_139 : memref<500xi32, #tpu.memory_space<hbm>>) dst(%dma_wait3A_136 : memref<500xi32, #tpu.memory_space<vmem>>)
    %dma_wait3A_140 = arith.constant 0 : i32
    %dma_wait3A_141 = arith.constant 0 : i32
    %dma_wait3A_142 = arith.constant 0 : i32
    %dma_wait3A_143 = tpu.memref_slice %arg11[%dma_wait3A_140, %dma_wait3A_142] : memref<2x2000xf32, #tpu.memory_space<vmem>> -> memref<1x2000xf32, #tpu.memory_space<vmem>>
    %dma_wait3A_144 = tpu.memref_squeeze %dma_wait3A_143 : memref<1x2000xf32, #tpu.memory_space<vmem>> -> memref<2000xf32, #tpu.memory_space<vmem>>
    %dma_wait3A_145 = arith.constant 0 : i32
    %dma_wait3A_146 = tpu.memref_slice %arg5[%add3A_4, %dma_wait3A_145] : memref<320x2000xf32, #tpu.memory_space<hbm>> -> memref<1x2000xf32, #tpu.memory_space<hbm>>
    %dma_wait3A_147 = tpu.memref_squeeze %dma_wait3A_146 : memref<1x2000xf32, #tpu.memory_space<hbm>> -> memref<2000xf32, #tpu.memory_space<hbm>>
    %dma_wait3A_148 = tpu.memref_slice %arg15[%dma_wait3A_141] : memref<2x!tpu.dma_semaphore, #tpu.memory_space<semaphore_mem>> -> memref<1x!tpu.dma_semaphore, #tpu.memory_space<semaphore_mem>>
    %dma_wait3A_149 = tpu.memref_squeeze %dma_wait3A_148 : memref<1x!tpu.dma_semaphore, #tpu.memory_space<semaphore_mem>> -> memref<!tpu.dma_semaphore, #tpu.memory_space<semaphore_mem>>
    %dma_wait3A_150 = arith.constant 0 : i32
    %dma_wait3A_151 = tpu.memref_slice %arg11[%dma_wait3A_140, %dma_wait3A_150] : memref<2x2000xf32, #tpu.memory_space<vmem>> -> memref<1x2000xf32, #tpu.memory_space<vmem>>
    %dma_wait3A_152 = tpu.memref_squeeze %dma_wait3A_151 : memref<1x2000xf32, #tpu.memory_space<vmem>> -> memref<2000xf32, #tpu.memory_space<vmem>>
    %dma_wait3A_153 = arith.constant 0 : i32
    %dma_wait3A_154 = tpu.memref_slice %arg5[%add3A_4, %dma_wait3A_153] : memref<320x2000xf32, #tpu.memory_space<hbm>> -> memref<1x2000xf32, #tpu.memory_space<hbm>>
    %dma_wait3A_155 = tpu.memref_squeeze %dma_wait3A_154 : memref<1x2000xf32, #tpu.memory_space<hbm>> -> memref<2000xf32, #tpu.memory_space<hbm>>
    tpu.wait_dma2 semaphore(%dma_wait3A_149 : memref<!tpu.dma_semaphore, #tpu.memory_space<semaphore_mem>>) src(%dma_wait3A_155 : memref<2000xf32, #tpu.memory_space<hbm>>) dst(%dma_wait3A_152 : memref<2000xf32, #tpu.memory_space<vmem>>)
    %dma_start3A_156 = arith.constant 0 : i32
    %dma_start3A_157 = arith.constant 0 : i32
    %dma_start3A_158 = arith.constant 0 : i32
    %dma_start3A_159 = arith.constant 0 : i32
    %dma_start3A_160 = arith.constant 0 : i32
    %dma_start3A_161 = tpu.memref_slice %arg12[%dma_start3A_157, %dma_start3A_159, %dma_start3A_160] : memref<2x500x80xf32, #tpu.memory_space<vmem>> -> memref<1x500x80xf32, #tpu.memory_space<vmem>>
    %dma_start3A_162 = tpu.memref_squeeze %dma_start3A_161 : memref<1x500x80xf32, #tpu.memory_space<vmem>> -> memref<500x80xf32, #tpu.memory_space<vmem>>
    %dma_start3A_163 = arith.constant 0 : i32
    %dma_start3A_164 = tpu.memref_slice %arg9[%dma_start3A_156, %dma_start3A_163] : memref<2x500xi32, #tpu.memory_space<vmem>> -> memref<1x500xi32, #tpu.memory_space<vmem>>
    %dma_start3A_165 = tpu.memref_squeeze %dma_start3A_164 : memref<1x500xi32, #tpu.memory_space<vmem>> -> memref<500xi32, #tpu.memory_space<vmem>>
    %dma_start3A_166 = arith.constant 0 : i32
    %dma_start3A_167 = arith.constant 0 : i32
    %dma_start3A_168 = tpu.memref_slice %arg2[%dma_start3A_166, %dma_start3A_167] : memref<10000x80xf32, #tpu.memory_space<hbm>> -> memref<10000x80xf32, #tpu.memory_space<hbm>>
    %dma_start3A_169 = tpu.memref_slice %arg16[%dma_start3A_158] : memref<2x!tpu.dma_semaphore, #tpu.memory_space<semaphore_mem>> -> memref<1x!tpu.dma_semaphore, #tpu.memory_space<semaphore_mem>>
    %dma_start3A_170 = tpu.memref_squeeze %dma_start3A_169 : memref<1x!tpu.dma_semaphore, #tpu.memory_space<semaphore_mem>> -> memref<!tpu.dma_semaphore, #tpu.memory_space<semaphore_mem>>
    tpu.enqueue_indirect_dma source(%dma_start3A_168 : memref<10000x80xf32, #tpu.memory_space<hbm>>) target(%dma_start3A_162 : memref<500x80xf32, #tpu.memory_space<vmem>>) offsets(%dma_start3A_165 : memref<500xi32, #tpu.memory_space<vmem>>) semaphore(%dma_start3A_170 : memref<!tpu.dma_semaphore, #tpu.memory_space<semaphore_mem>>)
    %scan3A = arith.constant 0 : i32
    %scan3A_171 = arith.constant 0 : i32
    %scan3A_172 = arith.constant 5 : i32
    %scan3A_173 = arith.addi %scan3A_171, %scan3A_172 : i32
    %scan3A_174 = arith.constant 1 : i32
    scf.for %scan3A_181 = %scan3A_171 to %scan3A_173 step %scan3A_174  : i32 {
      %mul3A_182 = arith.constant 2 : i32
      %mul3A_183 = arith.muli %scan3A_181, %mul3A_182 : i32
      %add3A_184 = arith.constant 0 : i32
      %add3A_185 = arith.addi %mul3A_183, %add3A_184 : i32
      %dma_wait3A_186 = arith.constant 0 : i32
      %dma_wait3A_187 = arith.constant 0 : i32
      %dma_wait3A_188 = arith.constant 0 : i32
      %dma_wait3A_189 = arith.constant 0 : i32
      %dma_wait3A_190 = arith.constant 0 : i32
      %dma_wait3A_191 = tpu.memref_slice %arg12[%dma_wait3A_187, %dma_wait3A_189, %dma_wait3A_190] : memref<2x500x80xf32, #tpu.memory_space<vmem>> -> memref<1x500x80xf32, #tpu.memory_space<vmem>>
      %dma_wait3A_192 = tpu.memref_squeeze %dma_wait3A_191 : memref<1x500x80xf32, #tpu.memory_space<vmem>> -> memref<500x80xf32, #tpu.memory_space<vmem>>
      %dma_wait3A_193 = arith.constant 0 : i32
      %dma_wait3A_194 = tpu.memref_slice %arg9[%dma_wait3A_186, %dma_wait3A_193] : memref<2x500xi32, #tpu.memory_space<vmem>> -> memref<1x500xi32, #tpu.memory_space<vmem>>
      %dma_wait3A_195 = tpu.memref_squeeze %dma_wait3A_194 : memref<1x500xi32, #tpu.memory_space<vmem>> -> memref<500xi32, #tpu.memory_space<vmem>>
      %dma_wait3A_196 = arith.constant 0 : i32
      %dma_wait3A_197 = arith.constant 0 : i32
      %dma_wait3A_198 = tpu.memref_slice %arg2[%dma_wait3A_196, %dma_wait3A_197] : memref<10000x80xf32, #tpu.memory_space<hbm>> -> memref<10000x80xf32, #tpu.memory_space<hbm>>
      %dma_wait3A_199 = tpu.memref_slice %arg16[%dma_wait3A_188] : memref<2x!tpu.dma_semaphore, #tpu.memory_space<semaphore_mem>> -> memref<1x!tpu.dma_semaphore, #tpu.memory_space<semaphore_mem>>
      %dma_wait3A_200 = tpu.memref_squeeze %dma_wait3A_199 : memref<1x!tpu.dma_semaphore, #tpu.memory_space<semaphore_mem>> -> memref<!tpu.dma_semaphore, #tpu.memory_space<semaphore_mem>>
      tpu.wait_indirect_dma semaphore(%dma_wait3A_200 : memref<!tpu.dma_semaphore, #tpu.memory_space<semaphore_mem>>) src(%dma_wait3A_198 : memref<10000x80xf32, #tpu.memory_space<hbm>>) dst(%dma_wait3A_192 : memref<500x80xf32, #tpu.memory_space<vmem>>)
      %add3A_201 = arith.constant 1 : i32
      %add3A_202 = arith.addi %add3A_185, %add3A_201 : i32
      %lt3A = arith.constant 10 : i32
      %lt3A_203 = arith.cmpi slt, %add3A_202, %lt3A : i32
      %convert_element_type3A = arith.extui %lt3A_203 : i1 to i32
      %cond3A = arith.constant 0 : i32
      %cond3A_204 = arith.cmpi ne, %convert_element_type3A, %cond3A : i32
      scf.if %cond3A_204 {
        %dma_wait3A_283 = arith.constant 1 : i32
        %dma_wait3A_284 = arith.constant 1 : i32
        %dma_wait3A_285 = arith.constant 0 : i32
        %dma_wait3A_286 = tpu.memref_slice %arg9[%dma_wait3A_283, %dma_wait3A_285] : memref<2x500xi32, #tpu.memory_space<vmem>> -> memref<1x500xi32, #tpu.memory_space<vmem>>
        %dma_wait3A_287 = tpu.memref_squeeze %dma_wait3A_286 : memref<1x500xi32, #tpu.memory_space<vmem>> -> memref<500xi32, #tpu.memory_space<vmem>>
        %dma_wait3A_288 = arith.constant 0 : i32
        %dma_wait3A_289 = tpu.memref_slice %arg3[%mul3A_2, %dma_wait3A_288] : memref<320x500xi32, #tpu.memory_space<hbm>> -> memref<1x500xi32, #tpu.memory_space<hbm>>
        %dma_wait3A_290 = tpu.memref_squeeze %dma_wait3A_289 : memref<1x500xi32, #tpu.memory_space<hbm>> -> memref<500xi32, #tpu.memory_space<hbm>>
        %dma_wait3A_291 = tpu.memref_slice %arg15[%dma_wait3A_284] : memref<2x!tpu.dma_semaphore, #tpu.memory_space<semaphore_mem>> -> memref<1x!tpu.dma_semaphore, #tpu.memory_space<semaphore_mem>>
        %dma_wait3A_292 = tpu.memref_squeeze %dma_wait3A_291 : memref<1x!tpu.dma_semaphore, #tpu.memory_space<semaphore_mem>> -> memref<!tpu.dma_semaphore, #tpu.memory_space<semaphore_mem>>
        %dma_wait3A_293 = arith.constant 0 : i32
        %dma_wait3A_294 = tpu.memref_slice %arg9[%dma_wait3A_283, %dma_wait3A_293] : memref<2x500xi32, #tpu.memory_space<vmem>> -> memref<1x500xi32, #tpu.memory_space<vmem>>
        %dma_wait3A_295 = tpu.memref_squeeze %dma_wait3A_294 : memref<1x500xi32, #tpu.memory_space<vmem>> -> memref<500xi32, #tpu.memory_space<vmem>>
        %dma_wait3A_296 = arith.constant 0 : i32
        %dma_wait3A_297 = tpu.memref_slice %arg3[%mul3A_2, %dma_wait3A_296] : memref<320x500xi32, #tpu.memory_space<hbm>> -> memref<1x500xi32, #tpu.memory_space<hbm>>
        %dma_wait3A_298 = tpu.memref_squeeze %dma_wait3A_297 : memref<1x500xi32, #tpu.memory_space<hbm>> -> memref<500xi32, #tpu.memory_space<hbm>>
        tpu.wait_dma2 semaphore(%dma_wait3A_292 : memref<!tpu.dma_semaphore, #tpu.memory_space<semaphore_mem>>) src(%dma_wait3A_298 : memref<500xi32, #tpu.memory_space<hbm>>) dst(%dma_wait3A_295 : memref<500xi32, #tpu.memory_space<vmem>>)
        %dma_wait3A_299 = arith.constant 1 : i32
        %dma_wait3A_300 = arith.constant 1 : i32
        %dma_wait3A_301 = arith.constant 0 : i32
        %dma_wait3A_302 = tpu.memref_slice %arg10[%dma_wait3A_299, %dma_wait3A_301] : memref<2x500xi32, #tpu.memory_space<vmem>> -> memref<1x500xi32, #tpu.memory_space<vmem>>
        %dma_wait3A_303 = tpu.memref_squeeze %dma_wait3A_302 : memref<1x500xi32, #tpu.memory_space<vmem>> -> memref<500xi32, #tpu.memory_space<vmem>>
        %dma_wait3A_304 = arith.constant 0 : i32
        %dma_wait3A_305 = tpu.memref_slice %arg4[%mul3A_2, %dma_wait3A_304] : memref<320x500xi32, #tpu.memory_space<hbm>> -> memref<1x500xi32, #tpu.memory_space<hbm>>
        %dma_wait3A_306 = tpu.memref_squeeze %dma_wait3A_305 : memref<1x500xi32, #tpu.memory_space<hbm>> -> memref<500xi32, #tpu.memory_space<hbm>>
        %dma_wait3A_307 = tpu.memref_slice %arg15[%dma_wait3A_300] : memref<2x!tpu.dma_semaphore, #tpu.memory_space<semaphore_mem>> -> memref<1x!tpu.dma_semaphore, #tpu.memory_space<semaphore_mem>>
        %dma_wait3A_308 = tpu.memref_squeeze %dma_wait3A_307 : memref<1x!tpu.dma_semaphore, #tpu.memory_space<semaphore_mem>> -> memref<!tpu.dma_semaphore, #tpu.memory_space<semaphore_mem>>
        %dma_wait3A_309 = arith.constant 0 : i32
        %dma_wait3A_310 = tpu.memref_slice %arg10[%dma_wait3A_299, %dma_wait3A_309] : memref<2x500xi32, #tpu.memory_space<vmem>> -> memref<1x500xi32, #tpu.memory_space<vmem>>
        %dma_wait3A_311 = tpu.memref_squeeze %dma_wait3A_310 : memref<1x500xi32, #tpu.memory_space<vmem>> -> memref<500xi32, #tpu.memory_space<vmem>>
        %dma_wait3A_312 = arith.constant 0 : i32
        %dma_wait3A_313 = tpu.memref_slice %arg4[%mul3A_2, %dma_wait3A_312] : memref<320x500xi32, #tpu.memory_space<hbm>> -> memref<1x500xi32, #tpu.memory_space<hbm>>
        %dma_wait3A_314 = tpu.memref_squeeze %dma_wait3A_313 : memref<1x500xi32, #tpu.memory_space<hbm>> -> memref<500xi32, #tpu.memory_space<hbm>>
        tpu.wait_dma2 semaphore(%dma_wait3A_308 : memref<!tpu.dma_semaphore, #tpu.memory_space<semaphore_mem>>) src(%dma_wait3A_314 : memref<500xi32, #tpu.memory_space<hbm>>) dst(%dma_wait3A_311 : memref<500xi32, #tpu.memory_space<vmem>>)
        %dma_wait3A_315 = arith.constant 1 : i32
        %dma_wait3A_316 = arith.constant 1 : i32
        %dma_wait3A_317 = arith.constant 0 : i32
        %dma_wait3A_318 = tpu.memref_slice %arg11[%dma_wait3A_315, %dma_wait3A_317] : memref<2x2000xf32, #tpu.memory_space<vmem>> -> memref<1x2000xf32, #tpu.memory_space<vmem>>
        %dma_wait3A_319 = tpu.memref_squeeze %dma_wait3A_318 : memref<1x2000xf32, #tpu.memory_space<vmem>> -> memref<2000xf32, #tpu.memory_space<vmem>>
        %dma_wait3A_320 = arith.constant 0 : i32
        %dma_wait3A_321 = tpu.memref_slice %arg5[%mul3A_2, %dma_wait3A_320] : memref<320x2000xf32, #tpu.memory_space<hbm>> -> memref<1x2000xf32, #tpu.memory_space<hbm>>
        %dma_wait3A_322 = tpu.memref_squeeze %dma_wait3A_321 : memref<1x2000xf32, #tpu.memory_space<hbm>> -> memref<2000xf32, #tpu.memory_space<hbm>>
        %dma_wait3A_323 = tpu.memref_slice %arg15[%dma_wait3A_316] : memref<2x!tpu.dma_semaphore, #tpu.memory_space<semaphore_mem>> -> memref<1x!tpu.dma_semaphore, #tpu.memory_space<semaphore_mem>>
        %dma_wait3A_324 = tpu.memref_squeeze %dma_wait3A_323 : memref<1x!tpu.dma_semaphore, #tpu.memory_space<semaphore_mem>> -> memref<!tpu.dma_semaphore, #tpu.memory_space<semaphore_mem>>
        %dma_wait3A_325 = arith.constant 0 : i32
        %dma_wait3A_326 = tpu.memref_slice %arg11[%dma_wait3A_315, %dma_wait3A_325] : memref<2x2000xf32, #tpu.memory_space<vmem>> -> memref<1x2000xf32, #tpu.memory_space<vmem>>
        %dma_wait3A_327 = tpu.memref_squeeze %dma_wait3A_326 : memref<1x2000xf32, #tpu.memory_space<vmem>> -> memref<2000xf32, #tpu.memory_space<vmem>>
        %dma_wait3A_328 = arith.constant 0 : i32
        %dma_wait3A_329 = tpu.memref_slice %arg5[%mul3A_2, %dma_wait3A_328] : memref<320x2000xf32, #tpu.memory_space<hbm>> -> memref<1x2000xf32, #tpu.memory_space<hbm>>
        %dma_wait3A_330 = tpu.memref_squeeze %dma_wait3A_329 : memref<1x2000xf32, #tpu.memory_space<hbm>> -> memref<2000xf32, #tpu.memory_space<hbm>>
        tpu.wait_dma2 semaphore(%dma_wait3A_324 : memref<!tpu.dma_semaphore, #tpu.memory_space<semaphore_mem>>) src(%dma_wait3A_330 : memref<2000xf32, #tpu.memory_space<hbm>>) dst(%dma_wait3A_327 : memref<2000xf32, #tpu.memory_space<vmem>>)
        %dma_start3A_331 = arith.constant 1 : i32
        %dma_start3A_332 = arith.constant 1 : i32
        %dma_start3A_333 = arith.constant 1 : i32
        %dma_start3A_334 = arith.constant 0 : i32
        %dma_start3A_335 = arith.constant 0 : i32
        %dma_start3A_336 = tpu.memref_slice %arg12[%dma_start3A_332, %dma_start3A_334, %dma_start3A_335] : memref<2x500x80xf32, #tpu.memory_space<vmem>> -> memref<1x500x80xf32, #tpu.memory_space<vmem>>
        %dma_start3A_337 = tpu.memref_squeeze %dma_start3A_336 : memref<1x500x80xf32, #tpu.memory_space<vmem>> -> memref<500x80xf32, #tpu.memory_space<vmem>>
        %dma_start3A_338 = arith.constant 0 : i32
        %dma_start3A_339 = tpu.memref_slice %arg9[%dma_start3A_331, %dma_start3A_338] : memref<2x500xi32, #tpu.memory_space<vmem>> -> memref<1x500xi32, #tpu.memory_space<vmem>>
        %dma_start3A_340 = tpu.memref_squeeze %dma_start3A_339 : memref<1x500xi32, #tpu.memory_space<vmem>> -> memref<500xi32, #tpu.memory_space<vmem>>
        %dma_start3A_341 = arith.constant 0 : i32
        %dma_start3A_342 = arith.constant 0 : i32
        %dma_start3A_343 = tpu.memref_slice %arg2[%dma_start3A_341, %dma_start3A_342] : memref<10000x80xf32, #tpu.memory_space<hbm>> -> memref<10000x80xf32, #tpu.memory_space<hbm>>
        %dma_start3A_344 = tpu.memref_slice %arg16[%dma_start3A_333] : memref<2x!tpu.dma_semaphore, #tpu.memory_space<semaphore_mem>> -> memref<1x!tpu.dma_semaphore, #tpu.memory_space<semaphore_mem>>
        %dma_start3A_345 = tpu.memref_squeeze %dma_start3A_344 : memref<1x!tpu.dma_semaphore, #tpu.memory_space<semaphore_mem>> -> memref<!tpu.dma_semaphore, #tpu.memory_space<semaphore_mem>>
        tpu.enqueue_indirect_dma source(%dma_start3A_343 : memref<10000x80xf32, #tpu.memory_space<hbm>>) target(%dma_start3A_337 : memref<500x80xf32, #tpu.memory_space<vmem>>) offsets(%dma_start3A_340 : memref<500xi32, #tpu.memory_space<vmem>>) semaphore(%dma_start3A_345 : memref<!tpu.dma_semaphore, #tpu.memory_space<semaphore_mem>>)
      } else {
      }
      %parallel_loop3A_205 = arith.constant 0 : i32
      %parallel_loop3A_206 = arith.constant 31 : i32
      %parallel_loop3A_207 = arith.constant 1 : i32
      scf.for %parallel_loop3A_283 = %parallel_loop3A_205 to %parallel_loop3A_206 step %parallel_loop3A_207  : i32 {
        %parallel_loop3A_284 = arith.constant 16 : i32
        %parallel_loop3A_285 = arith.muli %parallel_loop3A_283, %parallel_loop3A_284 : i32
        %parallel_loop3A_286 = arith.constant 0 : i32
        %parallel_loop3A_287 = arith.index_cast %parallel_loop3A_286 : i32 to index
        %parallel_loop3A_288 = arith.index_cast %parallel_loop3A_285 : i32 to index
        %parallel_loop3A_289 = tpu.vector_load %arg10[%parallel_loop3A_287, %parallel_loop3A_288] {strides = array<i32>} : memref<2x500xi32, #tpu.memory_space<vmem>>, vector<16xi32>,
        %parallel_loop3A_290 = arith.constant 4 : i32
        %parallel_loop3A_291 = vector.broadcast %parallel_loop3A_290 : i32 to vector<16xi32>
        %parallel_loop3A_292 = arith.shrui %parallel_loop3A_289, %parallel_loop3A_291 : vector<16xi32>
        %parallel_loop3A_293 = arith.constant 15 : i32
        %parallel_loop3A_294 = vector.broadcast %parallel_loop3A_293 : i32 to vector<16xi32>
        %parallel_loop3A_295 = arith.andi %parallel_loop3A_289, %parallel_loop3A_294 : vector<16xi32>
        tpu.vector_store_idx %arg17[%parallel_loop3A_292, %parallel_loop3A_295], %broadcast_in_dim3A_108 {add = true} : memref<625x16xf32, #tpu.memory_space<vmem>>[vector<16xi32>, vector<16xi32>], vector<16xf32>,
      } {sc.loop_unroll_factor = 4 : i64, sc.parallel_access}
      %get3A = arith.constant 0 : i32
      %get3A_208 = arith.index_cast %get3A : i32 to index
      %get3A_209 = arith.constant 484 : index
      %get3A_210 = tpu.vector_load %arg10[%get3A_208, %get3A_209] {strides = array<i32>} : memref<2x500xi32, #tpu.memory_space<vmem>>, vector<16xi32>,
      %shift_right_logical3A = arith.constant 4 : i32
      %shift_right_logical3A_211 = vector.broadcast %shift_right_logical3A : i32 to vector<16xi32>
      %shift_right_logical3A_212 = arith.shrui %get3A_210, %shift_right_logical3A_211 : vector<16xi32>
      %and3A = arith.constant 15 : i32
      %and3A_213 = vector.broadcast %and3A : i32 to vector<16xi32>
      %and3A_214 = arith.andi %get3A_210, %and3A_213 : vector<16xi32>
      %iota3A = tpu.iota {dimensions = array<i32: 0>} : vector<16xi32>
      %ge3A = arith.constant 12 : i32
      %ge3A_215 = vector.broadcast %ge3A : i32 to vector<16xi32>
      %ge3A_216 = arith.cmpi sge, %iota3A, %ge3A_215 : vector<16xi32>
      tpu.vector_store_idx %arg17[%shift_right_logical3A_212, %and3A_214], %broadcast_in_dim3A_108 masked %ge3A_216 {add = true} : memref<625x16xf32, #tpu.memory_space<vmem>>[vector<16xi32>, vector<16xi32>], vector<16xf32>, vector<16xi1>
      %parallel_loop3A_217 = arith.constant 0 : i32
      %parallel_loop3A_218 = arith.constant 125 : i32
      %parallel_loop3A_219 = arith.constant 1 : i32
      scf.for %parallel_loop3A_283 = %parallel_loop3A_217 to %parallel_loop3A_218 step %parallel_loop3A_219  : i32 {
        %parallel_loop3A_284 = arith.constant 16 : i32
        %parallel_loop3A_285 = arith.muli %parallel_loop3A_283, %parallel_loop3A_284 : i32
        %parallel_loop3A_286 = arith.constant 0 : i32
        %parallel_loop3A_287 = arith.index_cast %parallel_loop3A_286 : i32 to index
        %parallel_loop3A_288 = arith.index_cast %parallel_loop3A_285 : i32 to index
        %parallel_loop3A_289 = tpu.vector_load %arg11[%parallel_loop3A_287, %parallel_loop3A_288] {strides = array<i32>} : memref<2x2000xf32, #tpu.memory_space<vmem>>, vector<16xf32>,
        %parallel_loop3A_290 = arith.constant 4 : i32
        %parallel_loop3A_291 = arith.muli %parallel_loop3A_283, %parallel_loop3A_290 : i32
        %parallel_loop3A_292 = arith.constant 0 : i32
        %parallel_loop3A_293 = arith.addi %parallel_loop3A_291, %parallel_loop3A_292 : i32
        %parallel_loop3A_294 = arith.constant 0 : i32
        %parallel_loop3A_295 = arith.index_cast %parallel_loop3A_294 : i32 to index
        %parallel_loop3A_296 = arith.index_cast %parallel_loop3A_293 : i32 to index
        %parallel_loop3A_297 = arith.constant 64 : index
        %parallel_loop3A_298 = tpu.vector_load %arg12[%parallel_loop3A_295, %parallel_loop3A_296, %parallel_loop3A_297] {strides = array<i32>} : memref<2x500x80xf32, #tpu.memory_space<vmem>>, vector<16xf32>,
        %parallel_loop3A_299 = vector.extract_strided_slice %parallel_loop3A_289 {offsets = [0], sizes = [1], strides = [1]} : vector<16xf32> to vector<1xf32>
        %parallel_loop3A_300 = vector.extract %parallel_loop3A_299[0] : f32 from vector<1xf32>
        %parallel_loop3A_301 = arith.constant 0 : i32
        %parallel_loop3A_302 = arith.index_cast %parallel_loop3A_301 : i32 to index
        %parallel_loop3A_303 = arith.index_cast %parallel_loop3A_293 : i32 to index
        %parallel_loop3A_304 = arith.constant 0 : index
        %parallel_loop3A_305 = tpu.vector_load %arg12[%parallel_loop3A_302, %parallel_loop3A_303, %parallel_loop3A_304] {strides = array<i32>} : memref<2x500x80xf32, #tpu.memory_space<vmem>>, vector<16xf32>,
        %parallel_loop3A_306 = vector.broadcast %parallel_loop3A_300 : f32 to vector<16xf32>
        %parallel_loop3A_307 = arith.mulf %parallel_loop3A_306, %parallel_loop3A_305 : vector<16xf32>
        %parallel_loop3A_308 = arith.addf %parallel_loop3A_298, %parallel_loop3A_307 : vector<16xf32>
        %parallel_loop3A_309 = vector.extract_strided_slice %parallel_loop3A_289 {offsets = [1], sizes = [1], strides = [1]} : vector<16xf32> to vector<1xf32>
        %parallel_loop3A_310 = vector.extract %parallel_loop3A_309[0] : f32 from vector<1xf32>
        %parallel_loop3A_311 = arith.constant 0 : i32
        %parallel_loop3A_312 = arith.index_cast %parallel_loop3A_311 : i32 to index
        %parallel_loop3A_313 = arith.index_cast %parallel_loop3A_293 : i32 to index
        %parallel_loop3A_314 = arith.constant 16 : index
        %parallel_loop3A_315 = tpu.vector_load %arg12[%parallel_loop3A_312, %parallel_loop3A_313, %parallel_loop3A_314] {strides = array<i32>} : memref<2x500x80xf32, #tpu.memory_space<vmem>>, vector<16xf32>,
        %parallel_loop3A_316 = vector.broadcast %parallel_loop3A_310 : f32 to vector<16xf32>
        %parallel_loop3A_317 = arith.mulf %parallel_loop3A_316, %parallel_loop3A_315 : vector<16xf32>
        %parallel_loop3A_318 = arith.addf %parallel_loop3A_308, %parallel_loop3A_317 : vector<16xf32>
        %parallel_loop3A_319 = vector.extract_strided_slice %parallel_loop3A_289 {offsets = [2], sizes = [1], strides = [1]} : vector<16xf32> to vector<1xf32>
        %parallel_loop3A_320 = vector.extract %parallel_loop3A_319[0] : f32 from vector<1xf32>
        %parallel_loop3A_321 = arith.constant 0 : i32
        %parallel_loop3A_322 = arith.index_cast %parallel_loop3A_321 : i32 to index
        %parallel_loop3A_323 = arith.index_cast %parallel_loop3A_293 : i32 to index
        %parallel_loop3A_324 = arith.constant 32 : index
        %parallel_loop3A_325 = tpu.vector_load %arg12[%parallel_loop3A_322, %parallel_loop3A_323, %parallel_loop3A_324] {strides = array<i32>} : memref<2x500x80xf32, #tpu.memory_space<vmem>>, vector<16xf32>,
        %parallel_loop3A_326 = vector.broadcast %parallel_loop3A_320 : f32 to vector<16xf32>
        %parallel_loop3A_327 = arith.mulf %parallel_loop3A_326, %parallel_loop3A_325 : vector<16xf32>
        %parallel_loop3A_328 = arith.addf %parallel_loop3A_318, %parallel_loop3A_327 : vector<16xf32>
        %parallel_loop3A_329 = vector.extract_strided_slice %parallel_loop3A_289 {offsets = [3], sizes = [1], strides = [1]} : vector<16xf32> to vector<1xf32>
        %parallel_loop3A_330 = vector.extract %parallel_loop3A_329[0] : f32 from vector<1xf32>
        %parallel_loop3A_331 = arith.constant 0 : i32
        %parallel_loop3A_332 = arith.index_cast %parallel_loop3A_331 : i32 to index
        %parallel_loop3A_333 = arith.index_cast %parallel_loop3A_293 : i32 to index
        %parallel_loop3A_334 = arith.constant 48 : index
        %parallel_loop3A_335 = tpu.vector_load %arg12[%parallel_loop3A_332, %parallel_loop3A_333, %parallel_loop3A_334] {strides = array<i32>} : memref<2x500x80xf32, #tpu.memory_space<vmem>>, vector<16xf32>,
        %parallel_loop3A_336 = vector.broadcast %parallel_loop3A_330 : f32 to vector<16xf32>
        %parallel_loop3A_337 = arith.mulf %parallel_loop3A_336, %parallel_loop3A_335 : vector<16xf32>
        %parallel_loop3A_338 = arith.addf %parallel_loop3A_328, %parallel_loop3A_337 : vector<16xf32>
        %parallel_loop3A_339 = arith.constant 0 : i32
        %parallel_loop3A_340 = arith.index_cast %parallel_loop3A_339 : i32 to index
        %parallel_loop3A_341 = arith.index_cast %parallel_loop3A_293 : i32 to index
        %parallel_loop3A_342 = arith.constant 0 : index
        %parallel_loop3A_343 = tpu.vector_load %arg13[%parallel_loop3A_340, %parallel_loop3A_341, %parallel_loop3A_342] {strides = array<i32>} : memref<2x500x16xf32, #tpu.memory_space<vmem>>, vector<16xf32>,
        tpu.vector_store %arg13[%parallel_loop3A_340, %parallel_loop3A_341, %parallel_loop3A_342], %parallel_loop3A_338 {strides = array<i32>} : memref<2x500x16xf32, #tpu.memory_space<vmem>>, vector<16xf32>,
        %parallel_loop3A_344 = arith.constant 4 : i32
        %parallel_loop3A_345 = arith.muli %parallel_loop3A_283, %parallel_loop3A_344 : i32
        %parallel_loop3A_346 = arith.constant 1 : i32
        %parallel_loop3A_347 = arith.addi %parallel_loop3A_345, %parallel_loop3A_346 : i32
        %parallel_loop3A_348 = arith.constant 0 : i32
        %parallel_loop3A_349 = arith.index_cast %parallel_loop3A_348 : i32 to index
        %parallel_loop3A_350 = arith.index_cast %parallel_loop3A_347 : i32 to index
        %parallel_loop3A_351 = arith.constant 64 : index
        %parallel_loop3A_352 = tpu.vector_load %arg12[%parallel_loop3A_349, %parallel_loop3A_350, %parallel_loop3A_351] {strides = array<i32>} : memref<2x500x80xf32, #tpu.memory_space<vmem>>, vector<16xf32>,
        %parallel_loop3A_353 = vector.extract_strided_slice %parallel_loop3A_289 {offsets = [4], sizes = [1], strides = [1]} : vector<16xf32> to vector<1xf32>
        %parallel_loop3A_354 = vector.extract %parallel_loop3A_353[0] : f32 from vector<1xf32>
        %parallel_loop3A_355 = arith.constant 0 : i32
        %parallel_loop3A_356 = arith.index_cast %parallel_loop3A_355 : i32 to index
        %parallel_loop3A_357 = arith.index_cast %parallel_loop3A_347 : i32 to index
        %parallel_loop3A_358 = arith.constant 0 : index
        %parallel_loop3A_359 = tpu.vector_load %arg12[%parallel_loop3A_356, %parallel_loop3A_357, %parallel_loop3A_358] {strides = array<i32>} : memref<2x500x80xf32, #tpu.memory_space<vmem>>, vector<16xf32>,
        %parallel_loop3A_360 = vector.broadcast %parallel_loop3A_354 : f32 to vector<16xf32>
        %parallel_loop3A_361 = arith.mulf %parallel_loop3A_360, %parallel_loop3A_359 : vector<16xf32>
        %parallel_loop3A_362 = arith.addf %parallel_loop3A_352, %parallel_loop3A_361 : vector<16xf32>
        %parallel_loop3A_363 = vector.extract_strided_slice %parallel_loop3A_289 {offsets = [5], sizes = [1], strides = [1]} : vector<16xf32> to vector<1xf32>
        %parallel_loop3A_364 = vector.extract %parallel_loop3A_363[0] : f32 from vector<1xf32>
        %parallel_loop3A_365 = arith.constant 0 : i32
        %parallel_loop3A_366 = arith.index_cast %parallel_loop3A_365 : i32 to index
        %parallel_loop3A_367 = arith.index_cast %parallel_loop3A_347 : i32 to index
        %parallel_loop3A_368 = arith.constant 16 : index
        %parallel_loop3A_369 = tpu.vector_load %arg12[%parallel_loop3A_366, %parallel_loop3A_367, %parallel_loop3A_368] {strides = array<i32>} : memref<2x500x80xf32, #tpu.memory_space<vmem>>, vector<16xf32>,
        %parallel_loop3A_370 = vector.broadcast %parallel_loop3A_364 : f32 to vector<16xf32>
        %parallel_loop3A_371 = arith.mulf %parallel_loop3A_370, %parallel_loop3A_369 : vector<16xf32>
        %parallel_loop3A_372 = arith.addf %parallel_loop3A_362, %parallel_loop3A_371 : vector<16xf32>
        %parallel_loop3A_373 = vector.extract_strided_slice %parallel_loop3A_289 {offsets = [6], sizes = [1], strides = [1]} : vector<16xf32> to vector<1xf32>
        %parallel_loop3A_374 = vector.extract %parallel_loop3A_373[0] : f32 from vector<1xf32>
        %parallel_loop3A_375 = arith.constant 0 : i32
        %parallel_loop3A_376 = arith.index_cast %parallel_loop3A_375 : i32 to index
        %parallel_loop3A_377 = arith.index_cast %parallel_loop3A_347 : i32 to index
        %parallel_loop3A_378 = arith.constant 32 : index
        %parallel_loop3A_379 = tpu.vector_load %arg12[%parallel_loop3A_376, %parallel_loop3A_377, %parallel_loop3A_378] {strides = array<i32>} : memref<2x500x80xf32, #tpu.memory_space<vmem>>, vector<16xf32>,
        %parallel_loop3A_380 = vector.broadcast %parallel_loop3A_374 : f32 to vector<16xf32>
        %parallel_loop3A_381 = arith.mulf %parallel_loop3A_380, %parallel_loop3A_379 : vector<16xf32>
        %parallel_loop3A_382 = arith.addf %parallel_loop3A_372, %parallel_loop3A_381 : vector<16xf32>
        %parallel_loop3A_383 = vector.extract_strided_slice %parallel_loop3A_289 {offsets = [7], sizes = [1], strides = [1]} : vector<16xf32> to vector<1xf32>
        %parallel_loop3A_384 = vector.extract %parallel_loop3A_383[0] : f32 from vector<1xf32>
        %parallel_loop3A_385 = arith.constant 0 : i32
        %parallel_loop3A_386 = arith.index_cast %parallel_loop3A_385 : i32 to index
        %parallel_loop3A_387 = arith.index_cast %parallel_loop3A_347 : i32 to index
        %parallel_loop3A_388 = arith.constant 48 : index
        %parallel_loop3A_389 = tpu.vector_load %arg12[%parallel_loop3A_386, %parallel_loop3A_387, %parallel_loop3A_388] {strides = array<i32>} : memref<2x500x80xf32, #tpu.memory_space<vmem>>, vector<16xf32>,
        %parallel_loop3A_390 = vector.broadcast %parallel_loop3A_384 : f32 to vector<16xf32>
        %parallel_loop3A_391 = arith.mulf %parallel_loop3A_390, %parallel_loop3A_389 : vector<16xf32>
        %parallel_loop3A_392 = arith.addf %parallel_loop3A_382, %parallel_loop3A_391 : vector<16xf32>
        %parallel_loop3A_393 = arith.constant 0 : i32
        %parallel_loop3A_394 = arith.index_cast %parallel_loop3A_393 : i32 to index
        %parallel_loop3A_395 = arith.index_cast %parallel_loop3A_347 : i32 to index
        %parallel_loop3A_396 = arith.constant 0 : index
        %parallel_loop3A_397 = tpu.vector_load %arg13[%parallel_loop3A_394, %parallel_loop3A_395, %parallel_loop3A_396] {strides = array<i32>} : memref<2x500x16xf32, #tpu.memory_space<vmem>>, vector<16xf32>,
        tpu.vector_store %arg13[%parallel_loop3A_394, %parallel_loop3A_395, %parallel_loop3A_396], %parallel_loop3A_392 {strides = array<i32>} : memref<2x500x16xf32, #tpu.memory_space<vmem>>, vector<16xf32>,
        %parallel_loop3A_398 = arith.constant 4 : i32
        %parallel_loop3A_399 = arith.muli %parallel_loop3A_283, %parallel_loop3A_398 : i32
        %parallel_loop3A_400 = arith.constant 2 : i32
        %parallel_loop3A_401 = arith.addi %parallel_loop3A_399, %parallel_loop3A_400 : i32
        %parallel_loop3A_402 = arith.constant 0 : i32
        %parallel_loop3A_403 = arith.index_cast %parallel_loop3A_402 : i32 to index
        %parallel_loop3A_404 = arith.index_cast %parallel_loop3A_401 : i32 to index
        %parallel_loop3A_405 = arith.constant 64 : index
        %parallel_loop3A_406 = tpu.vector_load %arg12[%parallel_loop3A_403, %parallel_loop3A_404, %parallel_loop3A_405] {strides = array<i32>} : memref<2x500x80xf32, #tpu.memory_space<vmem>>, vector<16xf32>,
        %parallel_loop3A_407 = vector.extract_strided_slice %parallel_loop3A_289 {offsets = [8], sizes = [1], strides = [1]} : vector<16xf32> to vector<1xf32>
        %parallel_loop3A_408 = vector.extract %parallel_loop3A_407[0] : f32 from vector<1xf32>
        %parallel_loop3A_409 = arith.constant 0 : i32
        %parallel_loop3A_410 = arith.index_cast %parallel_loop3A_409 : i32 to index
        %parallel_loop3A_411 = arith.index_cast %parallel_loop3A_401 : i32 to index
        %parallel_loop3A_412 = arith.constant 0 : index
        %parallel_loop3A_413 = tpu.vector_load %arg12[%parallel_loop3A_410, %parallel_loop3A_411, %parallel_loop3A_412] {strides = array<i32>} : memref<2x500x80xf32, #tpu.memory_space<vmem>>, vector<16xf32>,
        %parallel_loop3A_414 = vector.broadcast %parallel_loop3A_408 : f32 to vector<16xf32>
        %parallel_loop3A_415 = arith.mulf %parallel_loop3A_414, %parallel_loop3A_413 : vector<16xf32>
        %parallel_loop3A_416 = arith.addf %parallel_loop3A_406, %parallel_loop3A_415 : vector<16xf32>
        %parallel_loop3A_417 = vector.extract_strided_slice %parallel_loop3A_289 {offsets = [9], sizes = [1], strides = [1]} : vector<16xf32> to vector<1xf32>
        %parallel_loop3A_418 = vector.extract %parallel_loop3A_417[0] : f32 from vector<1xf32>
        %parallel_loop3A_419 = arith.constant 0 : i32
        %parallel_loop3A_420 = arith.index_cast %parallel_loop3A_419 : i32 to index
        %parallel_loop3A_421 = arith.index_cast %parallel_loop3A_401 : i32 to index
        %parallel_loop3A_422 = arith.constant 16 : index
        %parallel_loop3A_423 = tpu.vector_load %arg12[%parallel_loop3A_420, %parallel_loop3A_421, %parallel_loop3A_422] {strides = array<i32>} : memref<2x500x80xf32, #tpu.memory_space<vmem>>, vector<16xf32>,
        %parallel_loop3A_424 = vector.broadcast %parallel_loop3A_418 : f32 to vector<16xf32>
        %parallel_loop3A_425 = arith.mulf %parallel_loop3A_424, %parallel_loop3A_423 : vector<16xf32>
        %parallel_loop3A_426 = arith.addf %parallel_loop3A_416, %parallel_loop3A_425 : vector<16xf32>
        %parallel_loop3A_427 = vector.extract_strided_slice %parallel_loop3A_289 {offsets = [10], sizes = [1], strides = [1]} : vector<16xf32> to vector<1xf32>
        %parallel_loop3A_428 = vector.extract %parallel_loop3A_427[0] : f32 from vector<1xf32>
        %parallel_loop3A_429 = arith.constant 0 : i32
        %parallel_loop3A_430 = arith.index_cast %parallel_loop3A_429 : i32 to index
        %parallel_loop3A_431 = arith.index_cast %parallel_loop3A_401 : i32 to index
        %parallel_loop3A_432 = arith.constant 32 : index
        %parallel_loop3A_433 = tpu.vector_load %arg12[%parallel_loop3A_430, %parallel_loop3A_431, %parallel_loop3A_432] {strides = array<i32>} : memref<2x500x80xf32, #tpu.memory_space<vmem>>, vector<16xf32>,
        %parallel_loop3A_434 = vector.broadcast %parallel_loop3A_428 : f32 to vector<16xf32>
        %parallel_loop3A_435 = arith.mulf %parallel_loop3A_434, %parallel_loop3A_433 : vector<16xf32>
        %parallel_loop3A_436 = arith.addf %parallel_loop3A_426, %parallel_loop3A_435 : vector<16xf32>
        %parallel_loop3A_437 = vector.extract_strided_slice %parallel_loop3A_289 {offsets = [11], sizes = [1], strides = [1]} : vector<16xf32> to vector<1xf32>
        %parallel_loop3A_438 = vector.extract %parallel_loop3A_437[0] : f32 from vector<1xf32>
        %parallel_loop3A_439 = arith.constant 0 : i32
        %parallel_loop3A_440 = arith.index_cast %parallel_loop3A_439 : i32 to index
        %parallel_loop3A_441 = arith.index_cast %parallel_loop3A_401 : i32 to index
        %parallel_loop3A_442 = arith.constant 48 : index
        %parallel_loop3A_443 = tpu.vector_load %arg12[%parallel_loop3A_440, %parallel_loop3A_441, %parallel_loop3A_442] {strides = array<i32>} : memref<2x500x80xf32, #tpu.memory_space<vmem>>, vector<16xf32>,
        %parallel_loop3A_444 = vector.broadcast %parallel_loop3A_438 : f32 to vector<16xf32>
        %parallel_loop3A_445 = arith.mulf %parallel_loop3A_444, %parallel_loop3A_443 : vector<16xf32>
        %parallel_loop3A_446 = arith.addf %parallel_loop3A_436, %parallel_loop3A_445 : vector<16xf32>
        %parallel_loop3A_447 = arith.constant 0 : i32
        %parallel_loop3A_448 = arith.index_cast %parallel_loop3A_447 : i32 to index
        %parallel_loop3A_449 = arith.index_cast %parallel_loop3A_401 : i32 to index
        %parallel_loop3A_450 = arith.constant 0 : index
        %parallel_loop3A_451 = tpu.vector_load %arg13[%parallel_loop3A_448, %parallel_loop3A_449, %parallel_loop3A_450] {strides = array<i32>} : memref<2x500x16xf32, #tpu.memory_space<vmem>>, vector<16xf32>,
        tpu.vector_store %arg13[%parallel_loop3A_448, %parallel_loop3A_449, %parallel_loop3A_450], %parallel_loop3A_446 {strides = array<i32>} : memref<2x500x16xf32, #tpu.memory_space<vmem>>, vector<16xf32>,
        %parallel_loop3A_452 = arith.constant 4 : i32
        %parallel_loop3A_453 = arith.muli %parallel_loop3A_283, %parallel_loop3A_452 : i32
        %parallel_loop3A_454 = arith.constant 3 : i32
        %parallel_loop3A_455 = arith.addi %parallel_loop3A_453, %parallel_loop3A_454 : i32
        %parallel_loop3A_456 = arith.constant 0 : i32
        %parallel_loop3A_457 = arith.index_cast %parallel_loop3A_456 : i32 to index
        %parallel_loop3A_458 = arith.index_cast %parallel_loop3A_455 : i32 to index
        %parallel_loop3A_459 = arith.constant 64 : index
        %parallel_loop3A_460 = tpu.vector_load %arg12[%parallel_loop3A_457, %parallel_loop3A_458, %parallel_loop3A_459] {strides = array<i32>} : memref<2x500x80xf32, #tpu.memory_space<vmem>>, vector<16xf32>,
        %parallel_loop3A_461 = vector.extract_strided_slice %parallel_loop3A_289 {offsets = [12], sizes = [1], strides = [1]} : vector<16xf32> to vector<1xf32>
        %parallel_loop3A_462 = vector.extract %parallel_loop3A_461[0] : f32 from vector<1xf32>
        %parallel_loop3A_463 = arith.constant 0 : i32
        %parallel_loop3A_464 = arith.index_cast %parallel_loop3A_463 : i32 to index
        %parallel_loop3A_465 = arith.index_cast %parallel_loop3A_455 : i32 to index
        %parallel_loop3A_466 = arith.constant 0 : index
        %parallel_loop3A_467 = tpu.vector_load %arg12[%parallel_loop3A_464, %parallel_loop3A_465, %parallel_loop3A_466] {strides = array<i32>} : memref<2x500x80xf32, #tpu.memory_space<vmem>>, vector<16xf32>,
        %parallel_loop3A_468 = vector.broadcast %parallel_loop3A_462 : f32 to vector<16xf32>
        %parallel_loop3A_469 = arith.mulf %parallel_loop3A_468, %parallel_loop3A_467 : vector<16xf32>
        %parallel_loop3A_470 = arith.addf %parallel_loop3A_460, %parallel_loop3A_469 : vector<16xf32>
        %parallel_loop3A_471 = vector.extract_strided_slice %parallel_loop3A_289 {offsets = [13], sizes = [1], strides = [1]} : vector<16xf32> to vector<1xf32>
        %parallel_loop3A_472 = vector.extract %parallel_loop3A_471[0] : f32 from vector<1xf32>
        %parallel_loop3A_473 = arith.constant 0 : i32
        %parallel_loop3A_474 = arith.index_cast %parallel_loop3A_473 : i32 to index
        %parallel_loop3A_475 = arith.index_cast %parallel_loop3A_455 : i32 to index
        %parallel_loop3A_476 = arith.constant 16 : index
        %parallel_loop3A_477 = tpu.vector_load %arg12[%parallel_loop3A_474, %parallel_loop3A_475, %parallel_loop3A_476] {strides = array<i32>} : memref<2x500x80xf32, #tpu.memory_space<vmem>>, vector<16xf32>,
        %parallel_loop3A_478 = vector.broadcast %parallel_loop3A_472 : f32 to vector<16xf32>
        %parallel_loop3A_479 = arith.mulf %parallel_loop3A_478, %parallel_loop3A_477 : vector<16xf32>
        %parallel_loop3A_480 = arith.addf %parallel_loop3A_470, %parallel_loop3A_479 : vector<16xf32>
        %parallel_loop3A_481 = vector.extract_strided_slice %parallel_loop3A_289 {offsets = [14], sizes = [1], strides = [1]} : vector<16xf32> to vector<1xf32>
        %parallel_loop3A_482 = vector.extract %parallel_loop3A_481[0] : f32 from vector<1xf32>
        %parallel_loop3A_483 = arith.constant 0 : i32
        %parallel_loop3A_484 = arith.index_cast %parallel_loop3A_483 : i32 to index
        %parallel_loop3A_485 = arith.index_cast %parallel_loop3A_455 : i32 to index
        %parallel_loop3A_486 = arith.constant 32 : index
        %parallel_loop3A_487 = tpu.vector_load %arg12[%parallel_loop3A_484, %parallel_loop3A_485, %parallel_loop3A_486] {strides = array<i32>} : memref<2x500x80xf32, #tpu.memory_space<vmem>>, vector<16xf32>,
        %parallel_loop3A_488 = vector.broadcast %parallel_loop3A_482 : f32 to vector<16xf32>
        %parallel_loop3A_489 = arith.mulf %parallel_loop3A_488, %parallel_loop3A_487 : vector<16xf32>
        %parallel_loop3A_490 = arith.addf %parallel_loop3A_480, %parallel_loop3A_489 : vector<16xf32>
        %parallel_loop3A_491 = vector.extract_strided_slice %parallel_loop3A_289 {offsets = [15], sizes = [1], strides = [1]} : vector<16xf32> to vector<1xf32>
        %parallel_loop3A_492 = vector.extract %parallel_loop3A_491[0] : f32 from vector<1xf32>
        %parallel_loop3A_493 = arith.constant 0 : i32
        %parallel_loop3A_494 = arith.index_cast %parallel_loop3A_493 : i32 to index
        %parallel_loop3A_495 = arith.index_cast %parallel_loop3A_455 : i32 to index
        %parallel_loop3A_496 = arith.constant 48 : index
        %parallel_loop3A_497 = tpu.vector_load %arg12[%parallel_loop3A_494, %parallel_loop3A_495, %parallel_loop3A_496] {strides = array<i32>} : memref<2x500x80xf32, #tpu.memory_space<vmem>>, vector<16xf32>,
        %parallel_loop3A_498 = vector.broadcast %parallel_loop3A_492 : f32 to vector<16xf32>
        %parallel_loop3A_499 = arith.mulf %parallel_loop3A_498, %parallel_loop3A_497 : vector<16xf32>
        %parallel_loop3A_500 = arith.addf %parallel_loop3A_490, %parallel_loop3A_499 : vector<16xf32>
        %parallel_loop3A_501 = arith.constant 0 : i32
        %parallel_loop3A_502 = arith.index_cast %parallel_loop3A_501 : i32 to index
        %parallel_loop3A_503 = arith.index_cast %parallel_loop3A_455 : i32 to index
        %parallel_loop3A_504 = arith.constant 0 : index
        %parallel_loop3A_505 = tpu.vector_load %arg13[%parallel_loop3A_502, %parallel_loop3A_503, %parallel_loop3A_504] {strides = array<i32>} : memref<2x500x16xf32, #tpu.memory_space<vmem>>, vector<16xf32>,
        tpu.vector_store %arg13[%parallel_loop3A_502, %parallel_loop3A_503, %parallel_loop3A_504], %parallel_loop3A_500 {strides = array<i32>} : memref<2x500x16xf32, #tpu.memory_space<vmem>>, vector<16xf32>,
      } {sc.loop_unroll_factor = 4 : i64, sc.parallel_access}
      %run_scoped3A = arith.constant 0 : i32
      %run_scoped3A_220 = arith.constant 0 : i32
      "tpu.region"() ({
        %run_scoped3A_283 = tpu.sem_alloc : memref<!tpu.dma_semaphore, #tpu.memory_space<semaphore_mem>>
        %dma_start3A_284 = arith.constant 0 : i32
        %dma_start3A_285 = arith.constant 0 : i32
        %dma_start3A_286 = tpu.memref_slice %arg13[%run_scoped3A, %dma_start3A_284, %dma_start3A_285] : memref<2x500x16xf32, #tpu.memory_space<vmem>> -> memref<1x500x16xf32, #tpu.memory_space<vmem>>
        %dma_start3A_287 = tpu.memref_squeeze %dma_start3A_286 : memref<1x500x16xf32, #tpu.memory_space<vmem>> -> memref<500x16xf32, #tpu.memory_space<vmem>>
        %dma_start3A_288 = arith.constant 0 : i32
        %dma_start3A_289 = tpu.memref_slice %arg10[%run_scoped3A_220, %dma_start3A_288] : memref<2x500xi32, #tpu.memory_space<vmem>> -> memref<1x500xi32, #tpu.memory_space<vmem>>
        %dma_start3A_290 = tpu.memref_squeeze %dma_start3A_289 : memref<1x500xi32, #tpu.memory_space<vmem>> -> memref<500xi32, #tpu.memory_space<vmem>>
        %dma_start3A_291 = arith.constant 0 : i32
        %dma_start3A_292 = arith.constant 0 : i32
        %dma_start3A_293 = tpu.memref_slice %arg14[%dma_start3A_291, %dma_start3A_292] : memref<10112x16xf32, #tpu.memory_space<vmem_shared>> -> memref<10112x16xf32, #tpu.memory_space<vmem_shared>>
        tpu.enqueue_indirect_dma source(%dma_start3A_287 : memref<500x16xf32, #tpu.memory_space<vmem>>) target(%dma_start3A_293 : memref<10112x16xf32, #tpu.memory_space<vmem_shared>>) offsets(%dma_start3A_290 : memref<500xi32, #tpu.memory_space<vmem>>) semaphore(%run_scoped3A_283 : memref<!tpu.dma_semaphore, #tpu.memory_space<semaphore_mem>>) {add = true}
        %dma_wait3A_294 = arith.constant 0 : i32
        %dma_wait3A_295 = arith.constant 0 : i32
        %dma_wait3A_296 = tpu.memref_slice %arg13[%run_scoped3A, %dma_wait3A_294, %dma_wait3A_295] : memref<2x500x16xf32, #tpu.memory_space<vmem>> -> memref<1x500x16xf32, #tpu.memory_space<vmem>>
        %dma_wait3A_297 = tpu.memref_squeeze %dma_wait3A_296 : memref<1x500x16xf32, #tpu.memory_space<vmem>> -> memref<500x16xf32, #tpu.memory_space<vmem>>
        %dma_wait3A_298 = arith.constant 0 : i32
        %dma_wait3A_299 = tpu.memref_slice %arg10[%run_scoped3A_220, %dma_wait3A_298] : memref<2x500xi32, #tpu.memory_space<vmem>> -> memref<1x500xi32, #tpu.memory_space<vmem>>
        %dma_wait3A_300 = tpu.memref_squeeze %dma_wait3A_299 : memref<1x500xi32, #tpu.memory_space<vmem>> -> memref<500xi32, #tpu.memory_space<vmem>>
        %dma_wait3A_301 = arith.constant 0 : i32
        %dma_wait3A_302 = arith.constant 0 : i32
        %dma_wait3A_303 = tpu.memref_slice %arg14[%dma_wait3A_301, %dma_wait3A_302] : memref<10112x16xf32, #tpu.memory_space<vmem_shared>> -> memref<10112x16xf32, #tpu.memory_space<vmem_shared>>
        tpu.wait_indirect_dma semaphore(%run_scoped3A_283 : memref<!tpu.dma_semaphore, #tpu.memory_space<semaphore_mem>>) src(%dma_wait3A_297 : memref<500x16xf32, #tpu.memory_space<vmem>>) dst(%dma_wait3A_303 : memref<10112x16xf32, #tpu.memory_space<vmem_shared>>)
        tpu.yield
      }) : () -> ()
      %add3A_221 = arith.constant 2 : i32
      %add3A_222 = arith.addi %add3A_185, %add3A_221 : i32
      %lt3A_223 = arith.constant 10 : i32
      %lt3A_224 = arith.cmpi slt, %add3A_222, %lt3A_223 : i32
      %convert_element_type3A_225 = arith.extui %lt3A_224 : i1 to i32
      %cond3A_226 = arith.constant 0 : i32
      %cond3A_227 = arith.cmpi ne, %convert_element_type3A_225, %cond3A_226 : i32
      scf.if %cond3A_227 {
        %add3A_283 = arith.constant 2 : i32
        %add3A_284 = arith.addi %add3A_185, %add3A_283 : i32
        %add3A_285 = arith.addi %mul3A_2, %add3A_284 : i32
        %dma_start3A_286 = arith.constant 0 : i32
        %dma_start3A_287 = arith.constant 0 : i32
        %dma_start3A_288 = arith.constant 0 : i32
        %dma_start3A_289 = tpu.memref_slice %arg9[%dma_start3A_286, %dma_start3A_288] : memref<2x500xi32, #tpu.memory_space<vmem>> -> memref<1x500xi32, #tpu.memory_space<vmem>>
        %dma_start3A_290 = tpu.memref_squeeze %dma_start3A_289 : memref<1x500xi32, #tpu.memory_space<vmem>> -> memref<500xi32, #tpu.memory_space<vmem>>
        %dma_start3A_291 = arith.constant 0 : i32
        %dma_start3A_292 = tpu.memref_slice %arg3[%add3A_285, %dma_start3A_291] : memref<320x500xi32, #tpu.memory_space<hbm>> -> memref<1x500xi32, #tpu.memory_space<hbm>>
        %dma_start3A_293 = tpu.memref_squeeze %dma_start3A_292 : memref<1x500xi32, #tpu.memory_space<hbm>> -> memref<500xi32, #tpu.memory_space<hbm>>
        %dma_start3A_294 = tpu.memref_slice %arg15[%dma_start3A_287] : memref<2x!tpu.dma_semaphore, #tpu.memory_space<semaphore_mem>> -> memref<1x!tpu.dma_semaphore, #tpu.memory_space<semaphore_mem>>
        %dma_start3A_295 = tpu.memref_squeeze %dma_start3A_294 : memref<1x!tpu.dma_semaphore, #tpu.memory_space<semaphore_mem>> -> memref<!tpu.dma_semaphore, #tpu.memory_space<semaphore_mem>>
        %dma_start3A_296 = arith.constant 0 : i32
        %dma_start3A_297 = tpu.memref_slice %arg9[%dma_start3A_286, %dma_start3A_296] : memref<2x500xi32, #tpu.memory_space<vmem>> -> memref<1x500xi32, #tpu.memory_space<vmem>>
        %dma_start3A_298 = tpu.memref_squeeze %dma_start3A_297 : memref<1x500xi32, #tpu.memory_space<vmem>> -> memref<500xi32, #tpu.memory_space<vmem>>
        %dma_start3A_299 = arith.constant 0 : i32
        %dma_start3A_300 = tpu.memref_slice %arg3[%add3A_285, %dma_start3A_299] : memref<320x500xi32, #tpu.memory_space<hbm>> -> memref<1x500xi32, #tpu.memory_space<hbm>>
        %dma_start3A_301 = tpu.memref_squeeze %dma_start3A_300 : memref<1x500xi32, #tpu.memory_space<hbm>> -> memref<500xi32, #tpu.memory_space<hbm>>
        tpu.enqueue_dma source(%dma_start3A_301 : memref<500xi32, #tpu.memory_space<hbm>>) target(%dma_start3A_298 : memref<500xi32, #tpu.memory_space<vmem>>) target_semaphore(%dma_start3A_295 : memref<!tpu.dma_semaphore, #tpu.memory_space<semaphore_mem>>)
        %dma_start3A_302 = arith.constant 0 : i32
        %dma_start3A_303 = arith.constant 0 : i32
        %dma_start3A_304 = arith.constant 0 : i32
        %dma_start3A_305 = tpu.memref_slice %arg10[%dma_start3A_302, %dma_start3A_304] : memref<2x500xi32, #tpu.memory_space<vmem>> -> memref<1x500xi32, #tpu.memory_space<vmem>>
        %dma_start3A_306 = tpu.memref_squeeze %dma_start3A_305 : memref<1x500xi32, #tpu.memory_space<vmem>> -> memref<500xi32, #tpu.memory_space<vmem>>
        %dma_start3A_307 = arith.constant 0 : i32
        %dma_start3A_308 = tpu.memref_slice %arg4[%add3A_285, %dma_start3A_307] : memref<320x500xi32, #tpu.memory_space<hbm>> -> memref<1x500xi32, #tpu.memory_space<hbm>>
        %dma_start3A_309 = tpu.memref_squeeze %dma_start3A_308 : memref<1x500xi32, #tpu.memory_space<hbm>> -> memref<500xi32, #tpu.memory_space<hbm>>
        %dma_start3A_310 = tpu.memref_slice %arg15[%dma_start3A_303] : memref<2x!tpu.dma_semaphore, #tpu.memory_space<semaphore_mem>> -> memref<1x!tpu.dma_semaphore, #tpu.memory_space<semaphore_mem>>
        %dma_start3A_311 = tpu.memref_squeeze %dma_start3A_310 : memref<1x!tpu.dma_semaphore, #tpu.memory_space<semaphore_mem>> -> memref<!tpu.dma_semaphore, #tpu.memory_space<semaphore_mem>>
        %dma_start3A_312 = arith.constant 0 : i32
        %dma_start3A_313 = tpu.memref_slice %arg10[%dma_start3A_302, %dma_start3A_312] : memref<2x500xi32, #tpu.memory_space<vmem>> -> memref<1x500xi32, #tpu.memory_space<vmem>>
        %dma_start3A_314 = tpu.memref_squeeze %dma_start3A_313 : memref<1x500xi32, #tpu.memory_space<vmem>> -> memref<500xi32, #tpu.memory_space<vmem>>
        %dma_start3A_315 = arith.constant 0 : i32
        %dma_start3A_316 = tpu.memref_slice %arg4[%add3A_285, %dma_start3A_315] : memref<320x500xi32, #tpu.memory_space<hbm>> -> memref<1x500xi32, #tpu.memory_space<hbm>>
        %dma_start3A_317 = tpu.memref_squeeze %dma_start3A_316 : memref<1x500xi32, #tpu.memory_space<hbm>> -> memref<500xi32, #tpu.memory_space<hbm>>
        tpu.enqueue_dma source(%dma_start3A_317 : memref<500xi32, #tpu.memory_space<hbm>>) target(%dma_start3A_314 : memref<500xi32, #tpu.memory_space<vmem>>) target_semaphore(%dma_start3A_311 : memref<!tpu.dma_semaphore, #tpu.memory_space<semaphore_mem>>)
        %dma_start3A_318 = arith.constant 0 : i32
        %dma_start3A_319 = arith.constant 0 : i32
        %dma_start3A_320 = arith.constant 0 : i32
        %dma_start3A_321 = tpu.memref_slice %arg11[%dma_start3A_318, %dma_start3A_320] : memref<2x2000xf32, #tpu.memory_space<vmem>> -> memref<1x2000xf32, #tpu.memory_space<vmem>>
        %dma_start3A_322 = tpu.memref_squeeze %dma_start3A_321 : memref<1x2000xf32, #tpu.memory_space<vmem>> -> memref<2000xf32, #tpu.memory_space<vmem>>
        %dma_start3A_323 = arith.constant 0 : i32
        %dma_start3A_324 = tpu.memref_slice %arg5[%add3A_285, %dma_start3A_323] : memref<320x2000xf32, #tpu.memory_space<hbm>> -> memref<1x2000xf32, #tpu.memory_space<hbm>>
        %dma_start3A_325 = tpu.memref_squeeze %dma_start3A_324 : memref<1x2000xf32, #tpu.memory_space<hbm>> -> memref<2000xf32, #tpu.memory_space<hbm>>
        %dma_start3A_326 = tpu.memref_slice %arg15[%dma_start3A_319] : memref<2x!tpu.dma_semaphore, #tpu.memory_space<semaphore_mem>> -> memref<1x!tpu.dma_semaphore, #tpu.memory_space<semaphore_mem>>
        %dma_start3A_327 = tpu.memref_squeeze %dma_start3A_326 : memref<1x!tpu.dma_semaphore, #tpu.memory_space<semaphore_mem>> -> memref<!tpu.dma_semaphore, #tpu.memory_space<semaphore_mem>>
        %dma_start3A_328 = arith.constant 0 : i32
        %dma_start3A_329 = tpu.memref_slice %arg11[%dma_start3A_318, %dma_start3A_328] : memref<2x2000xf32, #tpu.memory_space<vmem>> -> memref<1x2000xf32, #tpu.memory_space<vmem>>
        %dma_start3A_330 = tpu.memref_squeeze %dma_start3A_329 : memref<1x2000xf32, #tpu.memory_space<vmem>> -> memref<2000xf32, #tpu.memory_space<vmem>>
        %dma_start3A_331 = arith.constant 0 : i32
        %dma_start3A_332 = tpu.memref_slice %arg5[%add3A_285, %dma_start3A_331] : memref<320x2000xf32, #tpu.memory_space<hbm>> -> memref<1x2000xf32, #tpu.memory_space<hbm>>
        %dma_start3A_333 = tpu.memref_squeeze %dma_start3A_332 : memref<1x2000xf32, #tpu.memory_space<hbm>> -> memref<2000xf32, #tpu.memory_space<hbm>>
        tpu.enqueue_dma source(%dma_start3A_333 : memref<2000xf32, #tpu.memory_space<hbm>>) target(%dma_start3A_330 : memref<2000xf32, #tpu.memory_space<vmem>>) target_semaphore(%dma_start3A_327 : memref<!tpu.dma_semaphore, #tpu.memory_space<semaphore_mem>>)
      } else {
      }
      %mul3A_228 = arith.constant 2 : i32
      %mul3A_229 = arith.muli %scan3A_181, %mul3A_228 : i32
      %add3A_230 = arith.constant 1 : i32
      %add3A_231 = arith.addi %mul3A_229, %add3A_230 : i32
      %dma_wait3A_232 = arith.constant 1 : i32
      %dma_wait3A_233 = arith.constant 1 : i32
      %dma_wait3A_234 = arith.constant 1 : i32
      %dma_wait3A_235 = arith.constant 0 : i32
      %dma_wait3A_236 = arith.constant 0 : i32
      %dma_wait3A_237 = tpu.memref_slice %arg12[%dma_wait3A_233, %dma_wait3A_235, %dma_wait3A_236] : memref<2x500x80xf32, #tpu.memory_space<vmem>> -> memref<1x500x80xf32, #tpu.memory_space<vmem>>
      %dma_wait3A_238 = tpu.memref_squeeze %dma_wait3A_237 : memref<1x500x80xf32, #tpu.memory_space<vmem>> -> memref<500x80xf32, #tpu.memory_space<vmem>>
      %dma_wait3A_239 = arith.constant 0 : i32
      %dma_wait3A_240 = tpu.memref_slice %arg9[%dma_wait3A_232, %dma_wait3A_239] : memref<2x500xi32, #tpu.memory_space<vmem>> -> memref<1x500xi32, #tpu.memory_space<vmem>>
      %dma_wait3A_241 = tpu.memref_squeeze %dma_wait3A_240 : memref<1x500xi32, #tpu.memory_space<vmem>> -> memref<500xi32, #tpu.memory_space<vmem>>
      %dma_wait3A_242 = arith.constant 0 : i32
      %dma_wait3A_243 = arith.constant 0 : i32
      %dma_wait3A_244 = tpu.memref_slice %arg2[%dma_wait3A_242, %dma_wait3A_243] : memref<10000x80xf32, #tpu.memory_space<hbm>> -> memref<10000x80xf32, #tpu.memory_space<hbm>>
      %dma_wait3A_245 = tpu.memref_slice %arg16[%dma_wait3A_234] : memref<2x!tpu.dma_semaphore, #tpu.memory_space<semaphore_mem>> -> memref<1x!tpu.dma_semaphore, #tpu.memory_space<semaphore_mem>>
      %dma_wait3A_246 = tpu.memref_squeeze %dma_wait3A_245 : memref<1x!tpu.dma_semaphore, #tpu.memory_space<semaphore_mem>> -> memref<!tpu.dma_semaphore, #tpu.memory_space<semaphore_mem>>
      tpu.wait_indirect_dma semaphore(%dma_wait3A_246 : memref<!tpu.dma_semaphore, #tpu.memory_space<semaphore_mem>>) src(%dma_wait3A_244 : memref<10000x80xf32, #tpu.memory_space<hbm>>) dst(%dma_wait3A_238 : memref<500x80xf32, #tpu.memory_space<vmem>>)
      %add3A_247 = arith.constant 1 : i32
      %add3A_248 = arith.addi %add3A_231, %add3A_247 : i32
      %lt3A_249 = arith.constant 10 : i32
      %lt3A_250 = arith.cmpi slt, %add3A_248, %lt3A_249 : i32
      %convert_element_type3A_251 = arith.extui %lt3A_250 : i1 to i32
      %cond3A_252 = arith.constant 0 : i32
      %cond3A_253 = arith.cmpi ne, %convert_element_type3A_251, %cond3A_252 : i32
      scf.if %cond3A_253 {
        %dma_wait3A_283 = arith.constant 0 : i32
        %dma_wait3A_284 = arith.constant 0 : i32
        %dma_wait3A_285 = arith.constant 0 : i32
        %dma_wait3A_286 = tpu.memref_slice %arg9[%dma_wait3A_283, %dma_wait3A_285] : memref<2x500xi32, #tpu.memory_space<vmem>> -> memref<1x500xi32, #tpu.memory_space<vmem>>
        %dma_wait3A_287 = tpu.memref_squeeze %dma_wait3A_286 : memref<1x500xi32, #tpu.memory_space<vmem>> -> memref<500xi32, #tpu.memory_space<vmem>>
        %dma_wait3A_288 = arith.constant 0 : i32
        %dma_wait3A_289 = tpu.memref_slice %arg3[%mul3A_2, %dma_wait3A_288] : memref<320x500xi32, #tpu.memory_space<hbm>> -> memref<1x500xi32, #tpu.memory_space<hbm>>
        %dma_wait3A_290 = tpu.memref_squeeze %dma_wait3A_289 : memref<1x500xi32, #tpu.memory_space<hbm>> -> memref<500xi32, #tpu.memory_space<hbm>>
        %dma_wait3A_291 = tpu.memref_slice %arg15[%dma_wait3A_284] : memref<2x!tpu.dma_semaphore, #tpu.memory_space<semaphore_mem>> -> memref<1x!tpu.dma_semaphore, #tpu.memory_space<semaphore_mem>>
        %dma_wait3A_292 = tpu.memref_squeeze %dma_wait3A_291 : memref<1x!tpu.dma_semaphore, #tpu.memory_space<semaphore_mem>> -> memref<!tpu.dma_semaphore, #tpu.memory_space<semaphore_mem>>
        %dma_wait3A_293 = arith.constant 0 : i32
        %dma_wait3A_294 = tpu.memref_slice %arg9[%dma_wait3A_283, %dma_wait3A_293] : memref<2x500xi32, #tpu.memory_space<vmem>> -> memref<1x500xi32, #tpu.memory_space<vmem>>
        %dma_wait3A_295 = tpu.memref_squeeze %dma_wait3A_294 : memref<1x500xi32, #tpu.memory_space<vmem>> -> memref<500xi32, #tpu.memory_space<vmem>>
        %dma_wait3A_296 = arith.constant 0 : i32
        %dma_wait3A_297 = tpu.memref_slice %arg3[%mul3A_2, %dma_wait3A_296] : memref<320x500xi32, #tpu.memory_space<hbm>> -> memref<1x500xi32, #tpu.memory_space<hbm>>
        %dma_wait3A_298 = tpu.memref_squeeze %dma_wait3A_297 : memref<1x500xi32, #tpu.memory_space<hbm>> -> memref<500xi32, #tpu.memory_space<hbm>>
        tpu.wait_dma2 semaphore(%dma_wait3A_292 : memref<!tpu.dma_semaphore, #tpu.memory_space<semaphore_mem>>) src(%dma_wait3A_298 : memref<500xi32, #tpu.memory_space<hbm>>) dst(%dma_wait3A_295 : memref<500xi32, #tpu.memory_space<vmem>>)
        %dma_wait3A_299 = arith.constant 0 : i32
        %dma_wait3A_300 = arith.constant 0 : i32
        %dma_wait3A_301 = arith.constant 0 : i32
        %dma_wait3A_302 = tpu.memref_slice %arg10[%dma_wait3A_299, %dma_wait3A_301] : memref<2x500xi32, #tpu.memory_space<vmem>> -> memref<1x500xi32, #tpu.memory_space<vmem>>
        %dma_wait3A_303 = tpu.memref_squeeze %dma_wait3A_302 : memref<1x500xi32, #tpu.memory_space<vmem>> -> memref<500xi32, #tpu.memory_space<vmem>>
        %dma_wait3A_304 = arith.constant 0 : i32
        %dma_wait3A_305 = tpu.memref_slice %arg4[%mul3A_2, %dma_wait3A_304] : memref<320x500xi32, #tpu.memory_space<hbm>> -> memref<1x500xi32, #tpu.memory_space<hbm>>
        %dma_wait3A_306 = tpu.memref_squeeze %dma_wait3A_305 : memref<1x500xi32, #tpu.memory_space<hbm>> -> memref<500xi32, #tpu.memory_space<hbm>>
        %dma_wait3A_307 = tpu.memref_slice %arg15[%dma_wait3A_300] : memref<2x!tpu.dma_semaphore, #tpu.memory_space<semaphore_mem>> -> memref<1x!tpu.dma_semaphore, #tpu.memory_space<semaphore_mem>>
        %dma_wait3A_308 = tpu.memref_squeeze %dma_wait3A_307 : memref<1x!tpu.dma_semaphore, #tpu.memory_space<semaphore_mem>> -> memref<!tpu.dma_semaphore, #tpu.memory_space<semaphore_mem>>
        %dma_wait3A_309 = arith.constant 0 : i32
        %dma_wait3A_310 = tpu.memref_slice %arg10[%dma_wait3A_299, %dma_wait3A_309] : memref<2x500xi32, #tpu.memory_space<vmem>> -> memref<1x500xi32, #tpu.memory_space<vmem>>
        %dma_wait3A_311 = tpu.memref_squeeze %dma_wait3A_310 : memref<1x500xi32, #tpu.memory_space<vmem>> -> memref<500xi32, #tpu.memory_space<vmem>>
        %dma_wait3A_312 = arith.constant 0 : i32
        %dma_wait3A_313 = tpu.memref_slice %arg4[%mul3A_2, %dma_wait3A_312] : memref<320x500xi32, #tpu.memory_space<hbm>> -> memref<1x500xi32, #tpu.memory_space<hbm>>
        %dma_wait3A_314 = tpu.memref_squeeze %dma_wait3A_313 : memref<1x500xi32, #tpu.memory_space<hbm>> -> memref<500xi32, #tpu.memory_space<hbm>>
        tpu.wait_dma2 semaphore(%dma_wait3A_308 : memref<!tpu.dma_semaphore, #tpu.memory_space<semaphore_mem>>) src(%dma_wait3A_314 : memref<500xi32, #tpu.memory_space<hbm>>) dst(%dma_wait3A_311 : memref<500xi32, #tpu.memory_space<vmem>>)
        %dma_wait3A_315 = arith.constant 0 : i32
        %dma_wait3A_316 = arith.constant 0 : i32
        %dma_wait3A_317 = arith.constant 0 : i32
        %dma_wait3A_318 = tpu.memref_slice %arg11[%dma_wait3A_315, %dma_wait3A_317] : memref<2x2000xf32, #tpu.memory_space<vmem>> -> memref<1x2000xf32, #tpu.memory_space<vmem>>
        %dma_wait3A_319 = tpu.memref_squeeze %dma_wait3A_318 : memref<1x2000xf32, #tpu.memory_space<vmem>> -> memref<2000xf32, #tpu.memory_space<vmem>>
        %dma_wait3A_320 = arith.constant 0 : i32
        %dma_wait3A_321 = tpu.memref_slice %arg5[%mul3A_2, %dma_wait3A_320] : memref<320x2000xf32, #tpu.memory_space<hbm>> -> memref<1x2000xf32, #tpu.memory_space<hbm>>
        %dma_wait3A_322 = tpu.memref_squeeze %dma_wait3A_321 : memref<1x2000xf32, #tpu.memory_space<hbm>> -> memref<2000xf32, #tpu.memory_space<hbm>>
        %dma_wait3A_323 = tpu.memref_slice %arg15[%dma_wait3A_316] : memref<2x!tpu.dma_semaphore, #tpu.memory_space<semaphore_mem>> -> memref<1x!tpu.dma_semaphore, #tpu.memory_space<semaphore_mem>>
        %dma_wait3A_324 = tpu.memref_squeeze %dma_wait3A_323 : memref<1x!tpu.dma_semaphore, #tpu.memory_space<semaphore_mem>> -> memref<!tpu.dma_semaphore, #tpu.memory_space<semaphore_mem>>
        %dma_wait3A_325 = arith.constant 0 : i32
        %dma_wait3A_326 = tpu.memref_slice %arg11[%dma_wait3A_315, %dma_wait3A_325] : memref<2x2000xf32, #tpu.memory_space<vmem>> -> memref<1x2000xf32, #tpu.memory_space<vmem>>
        %dma_wait3A_327 = tpu.memref_squeeze %dma_wait3A_326 : memref<1x2000xf32, #tpu.memory_space<vmem>> -> memref<2000xf32, #tpu.memory_space<vmem>>
        %dma_wait3A_328 = arith.constant 0 : i32
        %dma_wait3A_329 = tpu.memref_slice %arg5[%mul3A_2, %dma_wait3A_328] : memref<320x2000xf32, #tpu.memory_space<hbm>> -> memref<1x2000xf32, #tpu.memory_space<hbm>>
        %dma_wait3A_330 = tpu.memref_squeeze %dma_wait3A_329 : memref<1x2000xf32, #tpu.memory_space<hbm>> -> memref<2000xf32, #tpu.memory_space<hbm>>
        tpu.wait_dma2 semaphore(%dma_wait3A_324 : memref<!tpu.dma_semaphore, #tpu.memory_space<semaphore_mem>>) src(%dma_wait3A_330 : memref<2000xf32, #tpu.memory_space<hbm>>) dst(%dma_wait3A_327 : memref<2000xf32, #tpu.memory_space<vmem>>)
        %dma_start3A_331 = arith.constant 0 : i32
        %dma_start3A_332 = arith.constant 0 : i32
        %dma_start3A_333 = arith.constant 0 : i32
        %dma_start3A_334 = arith.constant 0 : i32
        %dma_start3A_335 = arith.constant 0 : i32
        %dma_start3A_336 = tpu.memref_slice %arg12[%dma_start3A_332, %dma_start3A_334, %dma_start3A_335] : memref<2x500x80xf32, #tpu.memory_space<vmem>> -> memref<1x500x80xf32, #tpu.memory_space<vmem>>
        %dma_start3A_337 = tpu.memref_squeeze %dma_start3A_336 : memref<1x500x80xf32, #tpu.memory_space<vmem>> -> memref<500x80xf32, #tpu.memory_space<vmem>>
        %dma_start3A_338 = arith.constant 0 : i32
        %dma_start3A_339 = tpu.memref_slice %arg9[%dma_start3A_331, %dma_start3A_338] : memref<2x500xi32, #tpu.memory_space<vmem>> -> memref<1x500xi32, #tpu.memory_space<vmem>>
        %dma_start3A_340 = tpu.memref_squeeze %dma_start3A_339 : memref<1x500xi32, #tpu.memory_space<vmem>> -> memref<500xi32, #tpu.memory_space<vmem>>
        %dma_start3A_341 = arith.constant 0 : i32
        %dma_start3A_342 = arith.constant 0 : i32
        %dma_start3A_343 = tpu.memref_slice %arg2[%dma_start3A_341, %dma_start3A_342] : memref<10000x80xf32, #tpu.memory_space<hbm>> -> memref<10000x80xf32, #tpu.memory_space<hbm>>
        %dma_start3A_344 = tpu.memref_slice %arg16[%dma_start3A_333] : memref<2x!tpu.dma_semaphore, #tpu.memory_space<semaphore_mem>> -> memref<1x!tpu.dma_semaphore, #tpu.memory_space<semaphore_mem>>
        %dma_start3A_345 = tpu.memref_squeeze %dma_start3A_344 : memref<1x!tpu.dma_semaphore, #tpu.memory_space<semaphore_mem>> -> memref<!tpu.dma_semaphore, #tpu.memory_space<semaphore_mem>>
        tpu.enqueue_indirect_dma source(%dma_start3A_343 : memref<10000x80xf32, #tpu.memory_space<hbm>>) target(%dma_start3A_337 : memref<500x80xf32, #tpu.memory_space<vmem>>) offsets(%dma_start3A_340 : memref<500xi32, #tpu.memory_space<vmem>>) semaphore(%dma_start3A_345 : memref<!tpu.dma_semaphore, #tpu.memory_space<semaphore_mem>>)
      } else {
      }
      %parallel_loop3A_254 = arith.constant 0 : i32
      %parallel_loop3A_255 = arith.constant 31 : i32
      %parallel_loop3A_256 = arith.constant 1 : i32
      scf.for %parallel_loop3A_283 = %parallel_loop3A_254 to %parallel_loop3A_255 step %parallel_loop3A_256  : i32 {
        %parallel_loop3A_284 = arith.constant 16 : i32
        %parallel_loop3A_285 = arith.muli %parallel_loop3A_283, %parallel_loop3A_284 : i32
        %parallel_loop3A_286 = arith.constant 1 : i32
        %parallel_loop3A_287 = arith.index_cast %parallel_loop3A_286 : i32 to index
        %parallel_loop3A_288 = arith.index_cast %parallel_loop3A_285 : i32 to index
        %parallel_loop3A_289 = tpu.vector_load %arg10[%parallel_loop3A_287, %parallel_loop3A_288] {strides = array<i32>} : memref<2x500xi32, #tpu.memory_space<vmem>>, vector<16xi32>,
        %parallel_loop3A_290 = arith.constant 4 : i32
        %parallel_loop3A_291 = vector.broadcast %parallel_loop3A_290 : i32 to vector<16xi32>
        %parallel_loop3A_292 = arith.shrui %parallel_loop3A_289, %parallel_loop3A_291 : vector<16xi32>
        %parallel_loop3A_293 = arith.constant 15 : i32
        %parallel_loop3A_294 = vector.broadcast %parallel_loop3A_293 : i32 to vector<16xi32>
        %parallel_loop3A_295 = arith.andi %parallel_loop3A_289, %parallel_loop3A_294 : vector<16xi32>
        tpu.vector_store_idx %arg17[%parallel_loop3A_292, %parallel_loop3A_295], %broadcast_in_dim3A_108 {add = true} : memref<625x16xf32, #tpu.memory_space<vmem>>[vector<16xi32>, vector<16xi32>], vector<16xf32>,
      } {sc.loop_unroll_factor = 4 : i64, sc.parallel_access}
      %get3A_257 = arith.constant 1 : i32
      %get3A_258 = arith.index_cast %get3A_257 : i32 to index
      %get3A_259 = arith.constant 484 : index
      %get3A_260 = tpu.vector_load %arg10[%get3A_258, %get3A_259] {strides = array<i32>} : memref<2x500xi32, #tpu.memory_space<vmem>>, vector<16xi32>,
      %shift_right_logical3A_261 = arith.constant 4 : i32
      %shift_right_logical3A_262 = vector.broadcast %shift_right_logical3A_261 : i32 to vector<16xi32>
      %shift_right_logical3A_263 = arith.shrui %get3A_260, %shift_right_logical3A_262 : vector<16xi32>
      %and3A_264 = arith.constant 15 : i32
      %and3A_265 = vector.broadcast %and3A_264 : i32 to vector<16xi32>
      %and3A_266 = arith.andi %get3A_260, %and3A_265 : vector<16xi32>
      %iota3A_267 = tpu.iota {dimensions = array<i32: 0>} : vector<16xi32>
      %ge3A_268 = arith.constant 12 : i32
      %ge3A_269 = vector.broadcast %ge3A_268 : i32 to vector<16xi32>
      %ge3A_270 = arith.cmpi sge, %iota3A_267, %ge3A_269 : vector<16xi32>
      tpu.vector_store_idx %arg17[%shift_right_logical3A_263, %and3A_266], %broadcast_in_dim3A_108 masked %ge3A_270 {add = true} : memref<625x16xf32, #tpu.memory_space<vmem>>[vector<16xi32>, vector<16xi32>], vector<16xf32>, vector<16xi1>
      %parallel_loop3A_271 = arith.constant 0 : i32
      %parallel_loop3A_272 = arith.constant 125 : i32
      %parallel_loop3A_273 = arith.constant 1 : i32
      scf.for %parallel_loop3A_283 = %parallel_loop3A_271 to %parallel_loop3A_272 step %parallel_loop3A_273  : i32 {
        %parallel_loop3A_284 = arith.constant 16 : i32
        %parallel_loop3A_285 = arith.muli %parallel_loop3A_283, %parallel_loop3A_284 : i32
        %parallel_loop3A_286 = arith.constant 1 : i32
        %parallel_loop3A_287 = arith.index_cast %parallel_loop3A_286 : i32 to index
        %parallel_loop3A_288 = arith.index_cast %parallel_loop3A_285 : i32 to index
        %parallel_loop3A_289 = tpu.vector_load %arg11[%parallel_loop3A_287, %parallel_loop3A_288] {strides = array<i32>} : memref<2x2000xf32, #tpu.memory_space<vmem>>, vector<16xf32>,
        %parallel_loop3A_290 = arith.constant 4 : i32
        %parallel_loop3A_291 = arith.muli %parallel_loop3A_283, %parallel_loop3A_290 : i32
        %parallel_loop3A_292 = arith.constant 0 : i32
        %parallel_loop3A_293 = arith.addi %parallel_loop3A_291, %parallel_loop3A_292 : i32
        %parallel_loop3A_294 = arith.constant 1 : i32
        %parallel_loop3A_295 = arith.index_cast %parallel_loop3A_294 : i32 to index
        %parallel_loop3A_296 = arith.index_cast %parallel_loop3A_293 : i32 to index
        %parallel_loop3A_297 = arith.constant 64 : index
        %parallel_loop3A_298 = tpu.vector_load %arg12[%parallel_loop3A_295, %parallel_loop3A_296, %parallel_loop3A_297] {strides = array<i32>} : memref<2x500x80xf32, #tpu.memory_space<vmem>>, vector<16xf32>,
        %parallel_loop3A_299 = vector.extract_strided_slice %parallel_loop3A_289 {offsets = [0], sizes = [1], strides = [1]} : vector<16xf32> to vector<1xf32>
        %parallel_loop3A_300 = vector.extract %parallel_loop3A_299[0] : f32 from vector<1xf32>
        %parallel_loop3A_301 = arith.constant 1 : i32
        %parallel_loop3A_302 = arith.index_cast %parallel_loop3A_301 : i32 to index
        %parallel_loop3A_303 = arith.index_cast %parallel_loop3A_293 : i32 to index
        %parallel_loop3A_304 = arith.constant 0 : index
        %parallel_loop3A_305 = tpu.vector_load %arg12[%parallel_loop3A_302, %parallel_loop3A_303, %parallel_loop3A_304] {strides = array<i32>} : memref<2x500x80xf32, #tpu.memory_space<vmem>>, vector<16xf32>,
        %parallel_loop3A_306 = vector.broadcast %parallel_loop3A_300 : f32 to vector<16xf32>
        %parallel_loop3A_307 = arith.mulf %parallel_loop3A_306, %parallel_loop3A_305 : vector<16xf32>
        %parallel_loop3A_308 = arith.addf %parallel_loop3A_298, %parallel_loop3A_307 : vector<16xf32>
        %parallel_loop3A_309 = vector.extract_strided_slice %parallel_loop3A_289 {offsets = [1], sizes = [1], strides = [1]} : vector<16xf32> to vector<1xf32>
        %parallel_loop3A_310 = vector.extract %parallel_loop3A_309[0] : f32 from vector<1xf32>
        %parallel_loop3A_311 = arith.constant 1 : i32
        %parallel_loop3A_312 = arith.index_cast %parallel_loop3A_311 : i32 to index
        %parallel_loop3A_313 = arith.index_cast %parallel_loop3A_293 : i32 to index
        %parallel_loop3A_314 = arith.constant 16 : index
        %parallel_loop3A_315 = tpu.vector_load %arg12[%parallel_loop3A_312, %parallel_loop3A_313, %parallel_loop3A_314] {strides = array<i32>} : memref<2x500x80xf32, #tpu.memory_space<vmem>>, vector<16xf32>,
        %parallel_loop3A_316 = vector.broadcast %parallel_loop3A_310 : f32 to vector<16xf32>
        %parallel_loop3A_317 = arith.mulf %parallel_loop3A_316, %parallel_loop3A_315 : vector<16xf32>
        %parallel_loop3A_318 = arith.addf %parallel_loop3A_308, %parallel_loop3A_317 : vector<16xf32>
        %parallel_loop3A_319 = vector.extract_strided_slice %parallel_loop3A_289 {offsets = [2], sizes = [1], strides = [1]} : vector<16xf32> to vector<1xf32>
        %parallel_loop3A_320 = vector.extract %parallel_loop3A_319[0] : f32 from vector<1xf32>
        %parallel_loop3A_321 = arith.constant 1 : i32
        %parallel_loop3A_322 = arith.index_cast %parallel_loop3A_321 : i32 to index
        %parallel_loop3A_323 = arith.index_cast %parallel_loop3A_293 : i32 to index
        %parallel_loop3A_324 = arith.constant 32 : index
        %parallel_loop3A_325 = tpu.vector_load %arg12[%parallel_loop3A_322, %parallel_loop3A_323, %parallel_loop3A_324] {strides = array<i32>} : memref<2x500x80xf32, #tpu.memory_space<vmem>>, vector<16xf32>,
        %parallel_loop3A_326 = vector.broadcast %parallel_loop3A_320 : f32 to vector<16xf32>
        %parallel_loop3A_327 = arith.mulf %parallel_loop3A_326, %parallel_loop3A_325 : vector<16xf32>
        %parallel_loop3A_328 = arith.addf %parallel_loop3A_318, %parallel_loop3A_327 : vector<16xf32>
        %parallel_loop3A_329 = vector.extract_strided_slice %parallel_loop3A_289 {offsets = [3], sizes = [1], strides = [1]} : vector<16xf32> to vector<1xf32>
        %parallel_loop3A_330 = vector.extract %parallel_loop3A_329[0] : f32 from vector<1xf32>
        %parallel_loop3A_331 = arith.constant 1 : i32
        %parallel_loop3A_332 = arith.index_cast %parallel_loop3A_331 : i32 to index
        %parallel_loop3A_333 = arith.index_cast %parallel_loop3A_293 : i32 to index
        %parallel_loop3A_334 = arith.constant 48 : index
        %parallel_loop3A_335 = tpu.vector_load %arg12[%parallel_loop3A_332, %parallel_loop3A_333, %parallel_loop3A_334] {strides = array<i32>} : memref<2x500x80xf32, #tpu.memory_space<vmem>>, vector<16xf32>,
        %parallel_loop3A_336 = vector.broadcast %parallel_loop3A_330 : f32 to vector<16xf32>
        %parallel_loop3A_337 = arith.mulf %parallel_loop3A_336, %parallel_loop3A_335 : vector<16xf32>
        %parallel_loop3A_338 = arith.addf %parallel_loop3A_328, %parallel_loop3A_337 : vector<16xf32>
        %parallel_loop3A_339 = arith.constant 1 : i32
        %parallel_loop3A_340 = arith.index_cast %parallel_loop3A_339 : i32 to index
        %parallel_loop3A_341 = arith.index_cast %parallel_loop3A_293 : i32 to index
        %parallel_loop3A_342 = arith.constant 0 : index
        %parallel_loop3A_343 = tpu.vector_load %arg13[%parallel_loop3A_340, %parallel_loop3A_341, %parallel_loop3A_342] {strides = array<i32>} : memref<2x500x16xf32, #tpu.memory_space<vmem>>, vector<16xf32>,
        tpu.vector_store %arg13[%parallel_loop3A_340, %parallel_loop3A_341, %parallel_loop3A_342], %parallel_loop3A_338 {strides = array<i32>} : memref<2x500x16xf32, #tpu.memory_space<vmem>>, vector<16xf32>,
        %parallel_loop3A_344 = arith.constant 4 : i32
        %parallel_loop3A_345 = arith.muli %parallel_loop3A_283, %parallel_loop3A_344 : i32
        %parallel_loop3A_346 = arith.constant 1 : i32
        %parallel_loop3A_347 = arith.addi %parallel_loop3A_345, %parallel_loop3A_346 : i32
        %parallel_loop3A_348 = arith.constant 1 : i32
        %parallel_loop3A_349 = arith.index_cast %parallel_loop3A_348 : i32 to index
        %parallel_loop3A_350 = arith.index_cast %parallel_loop3A_347 : i32 to index
        %parallel_loop3A_351 = arith.constant 64 : index
        %parallel_loop3A_352 = tpu.vector_load %arg12[%parallel_loop3A_349, %parallel_loop3A_350, %parallel_loop3A_351] {strides = array<i32>} : memref<2x500x80xf32, #tpu.memory_space<vmem>>, vector<16xf32>,
        %parallel_loop3A_353 = vector.extract_strided_slice %parallel_loop3A_289 {offsets = [4], sizes = [1], strides = [1]} : vector<16xf32> to vector<1xf32>
        %parallel_loop3A_354 = vector.extract %parallel_loop3A_353[0] : f32 from vector<1xf32>
        %parallel_loop3A_355 = arith.constant 1 : i32
        %parallel_loop3A_356 = arith.index_cast %parallel_loop3A_355 : i32 to index
        %parallel_loop3A_357 = arith.index_cast %parallel_loop3A_347 : i32 to index
        %parallel_loop3A_358 = arith.constant 0 : index
        %parallel_loop3A_359 = tpu.vector_load %arg12[%parallel_loop3A_356, %parallel_loop3A_357, %parallel_loop3A_358] {strides = array<i32>} : memref<2x500x80xf32, #tpu.memory_space<vmem>>, vector<16xf32>,
        %parallel_loop3A_360 = vector.broadcast %parallel_loop3A_354 : f32 to vector<16xf32>
        %parallel_loop3A_361 = arith.mulf %parallel_loop3A_360, %parallel_loop3A_359 : vector<16xf32>
        %parallel_loop3A_362 = arith.addf %parallel_loop3A_352, %parallel_loop3A_361 : vector<16xf32>
        %parallel_loop3A_363 = vector.extract_strided_slice %parallel_loop3A_289 {offsets = [5], sizes = [1], strides = [1]} : vector<16xf32> to vector<1xf32>
        %parallel_loop3A_364 = vector.extract %parallel_loop3A_363[0] : f32 from vector<1xf32>
        %parallel_loop3A_365 = arith.constant 1 : i32
        %parallel_loop3A_366 = arith.index_cast %parallel_loop3A_365 : i32 to index
        %parallel_loop3A_367 = arith.index_cast %parallel_loop3A_347 : i32 to index
        %parallel_loop3A_368 = arith.constant 16 : index
        %parallel_loop3A_369 = tpu.vector_load %arg12[%parallel_loop3A_366, %parallel_loop3A_367, %parallel_loop3A_368] {strides = array<i32>} : memref<2x500x80xf32, #tpu.memory_space<vmem>>, vector<16xf32>,
        %parallel_loop3A_370 = vector.broadcast %parallel_loop3A_364 : f32 to vector<16xf32>
        %parallel_loop3A_371 = arith.mulf %parallel_loop3A_370, %parallel_loop3A_369 : vector<16xf32>
        %parallel_loop3A_372 = arith.addf %parallel_loop3A_362, %parallel_loop3A_371 : vector<16xf32>
        %parallel_loop3A_373 = vector.extract_strided_slice %parallel_loop3A_289 {offsets = [6], sizes = [1], strides = [1]} : vector<16xf32> to vector<1xf32>
        %parallel_loop3A_374 = vector.extract %parallel_loop3A_373[0] : f32 from vector<1xf32>
        %parallel_loop3A_375 = arith.constant 1 : i32
        %parallel_loop3A_376 = arith.index_cast %parallel_loop3A_375 : i32 to index
        %parallel_loop3A_377 = arith.index_cast %parallel_loop3A_347 : i32 to index
        %parallel_loop3A_378 = arith.constant 32 : index
        %parallel_loop3A_379 = tpu.vector_load %arg12[%parallel_loop3A_376, %parallel_loop3A_377, %parallel_loop3A_378] {strides = array<i32>} : memref<2x500x80xf32, #tpu.memory_space<vmem>>, vector<16xf32>,
        %parallel_loop3A_380 = vector.broadcast %parallel_loop3A_374 : f32 to vector<16xf32>
        %parallel_loop3A_381 = arith.mulf %parallel_loop3A_380, %parallel_loop3A_379 : vector<16xf32>
        %parallel_loop3A_382 = arith.addf %parallel_loop3A_372, %parallel_loop3A_381 : vector<16xf32>
        %parallel_loop3A_383 = vector.extract_strided_slice %parallel_loop3A_289 {offsets = [7], sizes = [1], strides = [1]} : vector<16xf32> to vector<1xf32>
        %parallel_loop3A_384 = vector.extract %parallel_loop3A_383[0] : f32 from vector<1xf32>
        %parallel_loop3A_385 = arith.constant 1 : i32
        %parallel_loop3A_386 = arith.index_cast %parallel_loop3A_385 : i32 to index
        %parallel_loop3A_387 = arith.index_cast %parallel_loop3A_347 : i32 to index
        %parallel_loop3A_388 = arith.constant 48 : index
        %parallel_loop3A_389 = tpu.vector_load %arg12[%parallel_loop3A_386, %parallel_loop3A_387, %parallel_loop3A_388] {strides = array<i32>} : memref<2x500x80xf32, #tpu.memory_space<vmem>>, vector<16xf32>,
        %parallel_loop3A_390 = vector.broadcast %parallel_loop3A_384 : f32 to vector<16xf32>
        %parallel_loop3A_391 = arith.mulf %parallel_loop3A_390, %parallel_loop3A_389 : vector<16xf32>
        %parallel_loop3A_392 = arith.addf %parallel_loop3A_382, %parallel_loop3A_391 : vector<16xf32>
        %parallel_loop3A_393 = arith.constant 1 : i32
        %parallel_loop3A_394 = arith.index_cast %parallel_loop3A_393 : i32 to index
        %parallel_loop3A_395 = arith.index_cast %parallel_loop3A_347 : i32 to index
        %parallel_loop3A_396 = arith.constant 0 : index
        %parallel_loop3A_397 = tpu.vector_load %arg13[%parallel_loop3A_394, %parallel_loop3A_395, %parallel_loop3A_396] {strides = array<i32>} : memref<2x500x16xf32, #tpu.memory_space<vmem>>, vector<16xf32>,
        tpu.vector_store %arg13[%parallel_loop3A_394, %parallel_loop3A_395, %parallel_loop3A_396], %parallel_loop3A_392 {strides = array<i32>} : memref<2x500x16xf32, #tpu.memory_space<vmem>>, vector<16xf32>,
        %parallel_loop3A_398 = arith.constant 4 : i32
        %parallel_loop3A_399 = arith.muli %parallel_loop3A_283, %parallel_loop3A_398 : i32
        %parallel_loop3A_400 = arith.constant 2 : i32
        %parallel_loop3A_401 = arith.addi %parallel_loop3A_399, %parallel_loop3A_400 : i32
        %parallel_loop3A_402 = arith.constant 1 : i32
        %parallel_loop3A_403 = arith.index_cast %parallel_loop3A_402 : i32 to index
        %parallel_loop3A_404 = arith.index_cast %parallel_loop3A_401 : i32 to index
        %parallel_loop3A_405 = arith.constant 64 : index
        %parallel_loop3A_406 = tpu.vector_load %arg12[%parallel_loop3A_403, %parallel_loop3A_404, %parallel_loop3A_405] {strides = array<i32>} : memref<2x500x80xf32, #tpu.memory_space<vmem>>, vector<16xf32>,
        %parallel_loop3A_407 = vector.extract_strided_slice %parallel_loop3A_289 {offsets = [8], sizes = [1], strides = [1]} : vector<16xf32> to vector<1xf32>
        %parallel_loop3A_408 = vector.extract %parallel_loop3A_407[0] : f32 from vector<1xf32>
        %parallel_loop3A_409 = arith.constant 1 : i32
        %parallel_loop3A_410 = arith.index_cast %parallel_loop3A_409 : i32 to index
        %parallel_loop3A_411 = arith.index_cast %parallel_loop3A_401 : i32 to index
        %parallel_loop3A_412 = arith.constant 0 : index
        %parallel_loop3A_413 = tpu.vector_load %arg12[%parallel_loop3A_410, %parallel_loop3A_411, %parallel_loop3A_412] {strides = array<i32>} : memref<2x500x80xf32, #tpu.memory_space<vmem>>, vector<16xf32>,
        %parallel_loop3A_414 = vector.broadcast %parallel_loop3A_408 : f32 to vector<16xf32>
        %parallel_loop3A_415 = arith.mulf %parallel_loop3A_414, %parallel_loop3A_413 : vector<16xf32>
        %parallel_loop3A_416 = arith.addf %parallel_loop3A_406, %parallel_loop3A_415 : vector<16xf32>
        %parallel_loop3A_417 = vector.extract_strided_slice %parallel_loop3A_289 {offsets = [9], sizes = [1], strides = [1]} : vector<16xf32> to vector<1xf32>
        %parallel_loop3A_418 = vector.extract %parallel_loop3A_417[0] : f32 from vector<1xf32>
        %parallel_loop3A_419 = arith.constant 1 : i32
        %parallel_loop3A_420 = arith.index_cast %parallel_loop3A_419 : i32 to index
        %parallel_loop3A_421 = arith.index_cast %parallel_loop3A_401 : i32 to index
        %parallel_loop3A_422 = arith.constant 16 : index
        %parallel_loop3A_423 = tpu.vector_load %arg12[%parallel_loop3A_420, %parallel_loop3A_421, %parallel_loop3A_422] {strides = array<i32>} : memref<2x500x80xf32, #tpu.memory_space<vmem>>, vector<16xf32>,
        %parallel_loop3A_424 = vector.broadcast %parallel_loop3A_418 : f32 to vector<16xf32>
        %parallel_loop3A_425 = arith.mulf %parallel_loop3A_424, %parallel_loop3A_423 : vector<16xf32>
        %parallel_loop3A_426 = arith.addf %parallel_loop3A_416, %parallel_loop3A_425 : vector<16xf32>
        %parallel_loop3A_427 = vector.extract_strided_slice %parallel_loop3A_289 {offsets = [10], sizes = [1], strides = [1]} : vector<16xf32> to vector<1xf32>
        %parallel_loop3A_428 = vector.extract %parallel_loop3A_427[0] : f32 from vector<1xf32>
        %parallel_loop3A_429 = arith.constant 1 : i32
        %parallel_loop3A_430 = arith.index_cast %parallel_loop3A_429 : i32 to index
        %parallel_loop3A_431 = arith.index_cast %parallel_loop3A_401 : i32 to index
        %parallel_loop3A_432 = arith.constant 32 : index
        %parallel_loop3A_433 = tpu.vector_load %arg12[%parallel_loop3A_430, %parallel_loop3A_431, %parallel_loop3A_432] {strides = array<i32>} : memref<2x500x80xf32, #tpu.memory_space<vmem>>, vector<16xf32>,
        %parallel_loop3A_434 = vector.broadcast %parallel_loop3A_428 : f32 to vector<16xf32>
        %parallel_loop3A_435 = arith.mulf %parallel_loop3A_434, %parallel_loop3A_433 : vector<16xf32>
        %parallel_loop3A_436 = arith.addf %parallel_loop3A_426, %parallel_loop3A_435 : vector<16xf32>
        %parallel_loop3A_437 = vector.extract_strided_slice %parallel_loop3A_289 {offsets = [11], sizes = [1], strides = [1]} : vector<16xf32> to vector<1xf32>
        %parallel_loop3A_438 = vector.extract %parallel_loop3A_437[0] : f32 from vector<1xf32>
        %parallel_loop3A_439 = arith.constant 1 : i32
        %parallel_loop3A_440 = arith.index_cast %parallel_loop3A_439 : i32 to index
        %parallel_loop3A_441 = arith.index_cast %parallel_loop3A_401 : i32 to index
        %parallel_loop3A_442 = arith.constant 48 : index
        %parallel_loop3A_443 = tpu.vector_load %arg12[%parallel_loop3A_440, %parallel_loop3A_441, %parallel_loop3A_442] {strides = array<i32>} : memref<2x500x80xf32, #tpu.memory_space<vmem>>, vector<16xf32>,
        %parallel_loop3A_444 = vector.broadcast %parallel_loop3A_438 : f32 to vector<16xf32>
        %parallel_loop3A_445 = arith.mulf %parallel_loop3A_444, %parallel_loop3A_443 : vector<16xf32>
        %parallel_loop3A_446 = arith.addf %parallel_loop3A_436, %parallel_loop3A_445 : vector<16xf32>
        %parallel_loop3A_447 = arith.constant 1 : i32
        %parallel_loop3A_448 = arith.index_cast %parallel_loop3A_447 : i32 to index
        %parallel_loop3A_449 = arith.index_cast %parallel_loop3A_401 : i32 to index
        %parallel_loop3A_450 = arith.constant 0 : index
        %parallel_loop3A_451 = tpu.vector_load %arg13[%parallel_loop3A_448, %parallel_loop3A_449, %parallel_loop3A_450] {strides = array<i32>} : memref<2x500x16xf32, #tpu.memory_space<vmem>>, vector<16xf32>,
        tpu.vector_store %arg13[%parallel_loop3A_448, %parallel_loop3A_449, %parallel_loop3A_450], %parallel_loop3A_446 {strides = array<i32>} : memref<2x500x16xf32, #tpu.memory_space<vmem>>, vector<16xf32>,
        %parallel_loop3A_452 = arith.constant 4 : i32
        %parallel_loop3A_453 = arith.muli %parallel_loop3A_283, %parallel_loop3A_452 : i32
        %parallel_loop3A_454 = arith.constant 3 : i32
        %parallel_loop3A_455 = arith.addi %parallel_loop3A_453, %parallel_loop3A_454 : i32
        %parallel_loop3A_456 = arith.constant 1 : i32
        %parallel_loop3A_457 = arith.index_cast %parallel_loop3A_456 : i32 to index
        %parallel_loop3A_458 = arith.index_cast %parallel_loop3A_455 : i32 to index
        %parallel_loop3A_459 = arith.constant 64 : index
        %parallel_loop3A_460 = tpu.vector_load %arg12[%parallel_loop3A_457, %parallel_loop3A_458, %parallel_loop3A_459] {strides = array<i32>} : memref<2x500x80xf32, #tpu.memory_space<vmem>>, vector<16xf32>,
        %parallel_loop3A_461 = vector.extract_strided_slice %parallel_loop3A_289 {offsets = [12], sizes = [1], strides = [1]} : vector<16xf32> to vector<1xf32>
        %parallel_loop3A_462 = vector.extract %parallel_loop3A_461[0] : f32 from vector<1xf32>
        %parallel_loop3A_463 = arith.constant 1 : i32
        %parallel_loop3A_464 = arith.index_cast %parallel_loop3A_463 : i32 to index
        %parallel_loop3A_465 = arith.index_cast %parallel_loop3A_455 : i32 to index
        %parallel_loop3A_466 = arith.constant 0 : index
        %parallel_loop3A_467 = tpu.vector_load %arg12[%parallel_loop3A_464, %parallel_loop3A_465, %parallel_loop3A_466] {strides = array<i32>} : memref<2x500x80xf32, #tpu.memory_space<vmem>>, vector<16xf32>,
        %parallel_loop3A_468 = vector.broadcast %parallel_loop3A_462 : f32 to vector<16xf32>
        %parallel_loop3A_469 = arith.mulf %parallel_loop3A_468, %parallel_loop3A_467 : vector<16xf32>
        %parallel_loop3A_470 = arith.addf %parallel_loop3A_460, %parallel_loop3A_469 : vector<16xf32>
        %parallel_loop3A_471 = vector.extract_strided_slice %parallel_loop3A_289 {offsets = [13], sizes = [1], strides = [1]} : vector<16xf32> to vector<1xf32>
        %parallel_loop3A_472 = vector.extract %parallel_loop3A_471[0] : f32 from vector<1xf32>
        %parallel_loop3A_473 = arith.constant 1 : i32
        %parallel_loop3A_474 = arith.index_cast %parallel_loop3A_473 : i32 to index
        %parallel_loop3A_475 = arith.index_cast %parallel_loop3A_455 : i32 to index
        %parallel_loop3A_476 = arith.constant 16 : index
        %parallel_loop3A_477 = tpu.vector_load %arg12[%parallel_loop3A_474, %parallel_loop3A_475, %parallel_loop3A_476] {strides = array<i32>} : memref<2x500x80xf32, #tpu.memory_space<vmem>>, vector<16xf32>,
        %parallel_loop3A_478 = vector.broadcast %parallel_loop3A_472 : f32 to vector<16xf32>
        %parallel_loop3A_479 = arith.mulf %parallel_loop3A_478, %parallel_loop3A_477 : vector<16xf32>
        %parallel_loop3A_480 = arith.addf %parallel_loop3A_470, %parallel_loop3A_479 : vector<16xf32>
        %parallel_loop3A_481 = vector.extract_strided_slice %parallel_loop3A_289 {offsets = [14], sizes = [1], strides = [1]} : vector<16xf32> to vector<1xf32>
        %parallel_loop3A_482 = vector.extract %parallel_loop3A_481[0] : f32 from vector<1xf32>
        %parallel_loop3A_483 = arith.constant 1 : i32
        %parallel_loop3A_484 = arith.index_cast %parallel_loop3A_483 : i32 to index
        %parallel_loop3A_485 = arith.index_cast %parallel_loop3A_455 : i32 to index
        %parallel_loop3A_486 = arith.constant 32 : index
        %parallel_loop3A_487 = tpu.vector_load %arg12[%parallel_loop3A_484, %parallel_loop3A_485, %parallel_loop3A_486] {strides = array<i32>} : memref<2x500x80xf32, #tpu.memory_space<vmem>>, vector<16xf32>,
        %parallel_loop3A_488 = vector.broadcast %parallel_loop3A_482 : f32 to vector<16xf32>
        %parallel_loop3A_489 = arith.mulf %parallel_loop3A_488, %parallel_loop3A_487 : vector<16xf32>
        %parallel_loop3A_490 = arith.addf %parallel_loop3A_480, %parallel_loop3A_489 : vector<16xf32>
        %parallel_loop3A_491 = vector.extract_strided_slice %parallel_loop3A_289 {offsets = [15], sizes = [1], strides = [1]} : vector<16xf32> to vector<1xf32>
        %parallel_loop3A_492 = vector.extract %parallel_loop3A_491[0] : f32 from vector<1xf32>
        %parallel_loop3A_493 = arith.constant 1 : i32
        %parallel_loop3A_494 = arith.index_cast %parallel_loop3A_493 : i32 to index
        %parallel_loop3A_495 = arith.index_cast %parallel_loop3A_455 : i32 to index
        %parallel_loop3A_496 = arith.constant 48 : index
        %parallel_loop3A_497 = tpu.vector_load %arg12[%parallel_loop3A_494, %parallel_loop3A_495, %parallel_loop3A_496] {strides = array<i32>} : memref<2x500x80xf32, #tpu.memory_space<vmem>>, vector<16xf32>,
        %parallel_loop3A_498 = vector.broadcast %parallel_loop3A_492 : f32 to vector<16xf32>
        %parallel_loop3A_499 = arith.mulf %parallel_loop3A_498, %parallel_loop3A_497 : vector<16xf32>
        %parallel_loop3A_500 = arith.addf %parallel_loop3A_490, %parallel_loop3A_499 : vector<16xf32>
        %parallel_loop3A_501 = arith.constant 1 : i32
        %parallel_loop3A_502 = arith.index_cast %parallel_loop3A_501 : i32 to index
        %parallel_loop3A_503 = arith.index_cast %parallel_loop3A_455 : i32 to index
        %parallel_loop3A_504 = arith.constant 0 : index
        %parallel_loop3A_505 = tpu.vector_load %arg13[%parallel_loop3A_502, %parallel_loop3A_503, %parallel_loop3A_504] {strides = array<i32>} : memref<2x500x16xf32, #tpu.memory_space<vmem>>, vector<16xf32>,
        tpu.vector_store %arg13[%parallel_loop3A_502, %parallel_loop3A_503, %parallel_loop3A_504], %parallel_loop3A_500 {strides = array<i32>} : memref<2x500x16xf32, #tpu.memory_space<vmem>>, vector<16xf32>,
      } {sc.loop_unroll_factor = 4 : i64, sc.parallel_access}
      %run_scoped3A_274 = arith.constant 1 : i32
      %run_scoped3A_275 = arith.constant 1 : i32
      "tpu.region"() ({
        %run_scoped3A_283 = tpu.sem_alloc : memref<!tpu.dma_semaphore, #tpu.memory_space<semaphore_mem>>
        %dma_start3A_284 = arith.constant 0 : i32
        %dma_start3A_285 = arith.constant 0 : i32
        %dma_start3A_286 = tpu.memref_slice %arg13[%run_scoped3A_274, %dma_start3A_284, %dma_start3A_285] : memref<2x500x16xf32, #tpu.memory_space<vmem>> -> memref<1x500x16xf32, #tpu.memory_space<vmem>>
        %dma_start3A_287 = tpu.memref_squeeze %dma_start3A_286 : memref<1x500x16xf32, #tpu.memory_space<vmem>> -> memref<500x16xf32, #tpu.memory_space<vmem>>
        %dma_start3A_288 = arith.constant 0 : i32
        %dma_start3A_289 = tpu.memref_slice %arg10[%run_scoped3A_275, %dma_start3A_288] : memref<2x500xi32, #tpu.memory_space<vmem>> -> memref<1x500xi32, #tpu.memory_space<vmem>>
        %dma_start3A_290 = tpu.memref_squeeze %dma_start3A_289 : memref<1x500xi32, #tpu.memory_space<vmem>> -> memref<500xi32, #tpu.memory_space<vmem>>
        %dma_start3A_291 = arith.constant 0 : i32
        %dma_start3A_292 = arith.constant 0 : i32
        %dma_start3A_293 = tpu.memref_slice %arg14[%dma_start3A_291, %dma_start3A_292] : memref<10112x16xf32, #tpu.memory_space<vmem_shared>> -> memref<10112x16xf32, #tpu.memory_space<vmem_shared>>
        tpu.enqueue_indirect_dma source(%dma_start3A_287 : memref<500x16xf32, #tpu.memory_space<vmem>>) target(%dma_start3A_293 : memref<10112x16xf32, #tpu.memory_space<vmem_shared>>) offsets(%dma_start3A_290 : memref<500xi32, #tpu.memory_space<vmem>>) semaphore(%run_scoped3A_283 : memref<!tpu.dma_semaphore, #tpu.memory_space<semaphore_mem>>) {add = true}
        %dma_wait3A_294 = arith.constant 0 : i32
        %dma_wait3A_295 = arith.constant 0 : i32
        %dma_wait3A_296 = tpu.memref_slice %arg13[%run_scoped3A_274, %dma_wait3A_294, %dma_wait3A_295] : memref<2x500x16xf32, #tpu.memory_space<vmem>> -> memref<1x500x16xf32, #tpu.memory_space<vmem>>
        %dma_wait3A_297 = tpu.memref_squeeze %dma_wait3A_296 : memref<1x500x16xf32, #tpu.memory_space<vmem>> -> memref<500x16xf32, #tpu.memory_space<vmem>>
        %dma_wait3A_298 = arith.constant 0 : i32
        %dma_wait3A_299 = tpu.memref_slice %arg10[%run_scoped3A_275, %dma_wait3A_298] : memref<2x500xi32, #tpu.memory_space<vmem>> -> memref<1x500xi32, #tpu.memory_space<vmem>>
        %dma_wait3A_300 = tpu.memref_squeeze %dma_wait3A_299 : memref<1x500xi32, #tpu.memory_space<vmem>> -> memref<500xi32, #tpu.memory_space<vmem>>
        %dma_wait3A_301 = arith.constant 0 : i32
        %dma_wait3A_302 = arith.constant 0 : i32
        %dma_wait3A_303 = tpu.memref_slice %arg14[%dma_wait3A_301, %dma_wait3A_302] : memref<10112x16xf32, #tpu.memory_space<vmem_shared>> -> memref<10112x16xf32, #tpu.memory_space<vmem_shared>>
        tpu.wait_indirect_dma semaphore(%run_scoped3A_283 : memref<!tpu.dma_semaphore, #tpu.memory_space<semaphore_mem>>) src(%dma_wait3A_297 : memref<500x16xf32, #tpu.memory_space<vmem>>) dst(%dma_wait3A_303 : memref<10112x16xf32, #tpu.memory_space<vmem_shared>>)
        tpu.yield
      }) : () -> ()
      %add3A_276 = arith.constant 2 : i32
      %add3A_277 = arith.addi %add3A_231, %add3A_276 : i32
      %lt3A_278 = arith.constant 10 : i32
      %lt3A_279 = arith.cmpi slt, %add3A_277, %lt3A_278 : i32
      %convert_element_type3A_280 = arith.extui %lt3A_279 : i1 to i32
      %cond3A_281 = arith.constant 0 : i32
      %cond3A_282 = arith.cmpi ne, %convert_element_type3A_280, %cond3A_281 : i32
      scf.if %cond3A_282 {
        %add3A_283 = arith.constant 2 : i32
        %add3A_284 = arith.addi %add3A_231, %add3A_283 : i32
        %add3A_285 = arith.addi %mul3A_2, %add3A_284 : i32
        %dma_start3A_286 = arith.constant 1 : i32
        %dma_start3A_287 = arith.constant 1 : i32
        %dma_start3A_288 = arith.constant 0 : i32
        %dma_start3A_289 = tpu.memref_slice %arg9[%dma_start3A_286, %dma_start3A_288] : memref<2x500xi32, #tpu.memory_space<vmem>> -> memref<1x500xi32, #tpu.memory_space<vmem>>
        %dma_start3A_290 = tpu.memref_squeeze %dma_start3A_289 : memref<1x500xi32, #tpu.memory_space<vmem>> -> memref<500xi32, #tpu.memory_space<vmem>>
        %dma_start3A_291 = arith.constant 0 : i32
        %dma_start3A_292 = tpu.memref_slice %arg3[%add3A_285, %dma_start3A_291] : memref<320x500xi32, #tpu.memory_space<hbm>> -> memref<1x500xi32, #tpu.memory_space<hbm>>
        %dma_start3A_293 = tpu.memref_squeeze %dma_start3A_292 : memref<1x500xi32, #tpu.memory_space<hbm>> -> memref<500xi32, #tpu.memory_space<hbm>>
        %dma_start3A_294 = tpu.memref_slice %arg15[%dma_start3A_287] : memref<2x!tpu.dma_semaphore, #tpu.memory_space<semaphore_mem>> -> memref<1x!tpu.dma_semaphore, #tpu.memory_space<semaphore_mem>>
        %dma_start3A_295 = tpu.memref_squeeze %dma_start3A_294 : memref<1x!tpu.dma_semaphore, #tpu.memory_space<semaphore_mem>> -> memref<!tpu.dma_semaphore, #tpu.memory_space<semaphore_mem>>
        %dma_start3A_296 = arith.constant 0 : i32
        %dma_start3A_297 = tpu.memref_slice %arg9[%dma_start3A_286, %dma_start3A_296] : memref<2x500xi32, #tpu.memory_space<vmem>> -> memref<1x500xi32, #tpu.memory_space<vmem>>
        %dma_start3A_298 = tpu.memref_squeeze %dma_start3A_297 : memref<1x500xi32, #tpu.memory_space<vmem>> -> memref<500xi32, #tpu.memory_space<vmem>>
        %dma_start3A_299 = arith.constant 0 : i32
        %dma_start3A_300 = tpu.memref_slice %arg3[%add3A_285, %dma_start3A_299] : memref<320x500xi32, #tpu.memory_space<hbm>> -> memref<1x500xi32, #tpu.memory_space<hbm>>
        %dma_start3A_301 = tpu.memref_squeeze %dma_start3A_300 : memref<1x500xi32, #tpu.memory_space<hbm>> -> memref<500xi32, #tpu.memory_space<hbm>>
        tpu.enqueue_dma source(%dma_start3A_301 : memref<500xi32, #tpu.memory_space<hbm>>) target(%dma_start3A_298 : memref<500xi32, #tpu.memory_space<vmem>>) target_semaphore(%dma_start3A_295 : memref<!tpu.dma_semaphore, #tpu.memory_space<semaphore_mem>>)
        %dma_start3A_302 = arith.constant 1 : i32
        %dma_start3A_303 = arith.constant 1 : i32
        %dma_start3A_304 = arith.constant 0 : i32
        %dma_start3A_305 = tpu.memref_slice %arg10[%dma_start3A_302, %dma_start3A_304] : memref<2x500xi32, #tpu.memory_space<vmem>> -> memref<1x500xi32, #tpu.memory_space<vmem>>
        %dma_start3A_306 = tpu.memref_squeeze %dma_start3A_305 : memref<1x500xi32, #tpu.memory_space<vmem>> -> memref<500xi32, #tpu.memory_space<vmem>>
        %dma_start3A_307 = arith.constant 0 : i32
        %dma_start3A_308 = tpu.memref_slice %arg4[%add3A_285, %dma_start3A_307] : memref<320x500xi32, #tpu.memory_space<hbm>> -> memref<1x500xi32, #tpu.memory_space<hbm>>
        %dma_start3A_309 = tpu.memref_squeeze %dma_start3A_308 : memref<1x500xi32, #tpu.memory_space<hbm>> -> memref<500xi32, #tpu.memory_space<hbm>>
        %dma_start3A_310 = tpu.memref_slice %arg15[%dma_start3A_303] : memref<2x!tpu.dma_semaphore, #tpu.memory_space<semaphore_mem>> -> memref<1x!tpu.dma_semaphore, #tpu.memory_space<semaphore_mem>>
        %dma_start3A_311 = tpu.memref_squeeze %dma_start3A_310 : memref<1x!tpu.dma_semaphore, #tpu.memory_space<semaphore_mem>> -> memref<!tpu.dma_semaphore, #tpu.memory_space<semaphore_mem>>
        %dma_start3A_312 = arith.constant 0 : i32
        %dma_start3A_313 = tpu.memref_slice %arg10[%dma_start3A_302, %dma_start3A_312] : memref<2x500xi32, #tpu.memory_space<vmem>> -> memref<1x500xi32, #tpu.memory_space<vmem>>
        %dma_start3A_314 = tpu.memref_squeeze %dma_start3A_313 : memref<1x500xi32, #tpu.memory_space<vmem>> -> memref<500xi32, #tpu.memory_space<vmem>>
        %dma_start3A_315 = arith.constant 0 : i32
        %dma_start3A_316 = tpu.memref_slice %arg4[%add3A_285, %dma_start3A_315] : memref<320x500xi32, #tpu.memory_space<hbm>> -> memref<1x500xi32, #tpu.memory_space<hbm>>
        %dma_start3A_317 = tpu.memref_squeeze %dma_start3A_316 : memref<1x500xi32, #tpu.memory_space<hbm>> -> memref<500xi32, #tpu.memory_space<hbm>>
        tpu.enqueue_dma source(%dma_start3A_317 : memref<500xi32, #tpu.memory_space<hbm>>) target(%dma_start3A_314 : memref<500xi32, #tpu.memory_space<vmem>>) target_semaphore(%dma_start3A_311 : memref<!tpu.dma_semaphore, #tpu.memory_space<semaphore_mem>>)
        %dma_start3A_318 = arith.constant 1 : i32
        %dma_start3A_319 = arith.constant 1 : i32
        %dma_start3A_320 = arith.constant 0 : i32
        %dma_start3A_321 = tpu.memref_slice %arg11[%dma_start3A_318, %dma_start3A_320] : memref<2x2000xf32, #tpu.memory_space<vmem>> -> memref<1x2000xf32, #tpu.memory_space<vmem>>
        %dma_start3A_322 = tpu.memref_squeeze %dma_start3A_321 : memref<1x2000xf32, #tpu.memory_space<vmem>> -> memref<2000xf32, #tpu.memory_space<vmem>>
        %dma_start3A_323 = arith.constant 0 : i32
        %dma_start3A_324 = tpu.memref_slice %arg5[%add3A_285, %dma_start3A_323] : memref<320x2000xf32, #tpu.memory_space<hbm>> -> memref<1x2000xf32, #tpu.memory_space<hbm>>
        %dma_start3A_325 = tpu.memref_squeeze %dma_start3A_324 : memref<1x2000xf32, #tpu.memory_space<hbm>> -> memref<2000xf32, #tpu.memory_space<hbm>>
        %dma_start3A_326 = tpu.memref_slice %arg15[%dma_start3A_319] : memref<2x!tpu.dma_semaphore, #tpu.memory_space<semaphore_mem>> -> memref<1x!tpu.dma_semaphore, #tpu.memory_space<semaphore_mem>>
        %dma_start3A_327 = tpu.memref_squeeze %dma_start3A_326 : memref<1x!tpu.dma_semaphore, #tpu.memory_space<semaphore_mem>> -> memref<!tpu.dma_semaphore, #tpu.memory_space<semaphore_mem>>
        %dma_start3A_328 = arith.constant 0 : i32
        %dma_start3A_329 = tpu.memref_slice %arg11[%dma_start3A_318, %dma_start3A_328] : memref<2x2000xf32, #tpu.memory_space<vmem>> -> memref<1x2000xf32, #tpu.memory_space<vmem>>
        %dma_start3A_330 = tpu.memref_squeeze %dma_start3A_329 : memref<1x2000xf32, #tpu.memory_space<vmem>> -> memref<2000xf32, #tpu.memory_space<vmem>>
        %dma_start3A_331 = arith.constant 0 : i32
        %dma_start3A_332 = tpu.memref_slice %arg5[%add3A_285, %dma_start3A_331] : memref<320x2000xf32, #tpu.memory_space<hbm>> -> memref<1x2000xf32, #tpu.memory_space<hbm>>
        %dma_start3A_333 = tpu.memref_squeeze %dma_start3A_332 : memref<1x2000xf32, #tpu.memory_space<hbm>> -> memref<2000xf32, #tpu.memory_space<hbm>>
        tpu.enqueue_dma source(%dma_start3A_333 : memref<2000xf32, #tpu.memory_space<hbm>>) target(%dma_start3A_330 : memref<2000xf32, #tpu.memory_space<vmem>>) target_semaphore(%dma_start3A_327 : memref<!tpu.dma_semaphore, #tpu.memory_space<semaphore_mem>>)
      } else {
      }
    }
    %scan3A_175 = arith.constant 5 : i32
    %barrier3A_176 = arith.constant 0 : index
    tpu.barrier barrier_id(%barrier3A_176)
    %mul3A_177 = arith.constant 632 : i32
    %mul3A_178 = arith.muli %arg1, %mul3A_177 : i32
    %mul3A_179 = arith.constant 632 : i32
    %mul3A_180 = arith.muli %arg1, %mul3A_179 : i32
    "tpu.region"() ({
      %run_scoped3A = tpu.sem_alloc : memref<!tpu.dma_semaphore, #tpu.memory_space<semaphore_mem>>
      %dma_start3A_181 = arith.constant 0 : i32
      %dma_start3A_182 = tpu.memref_slice %arg7[%arg0, %mul3A_180, %dma_start3A_181] : memref<2x10112x16xf32, #tpu.memory_space<hbm>> -> memref<1x632x16xf32, #tpu.memory_space<hbm>>
      %dma_start3A_183 = tpu.memref_squeeze %dma_start3A_182 : memref<1x632x16xf32, #tpu.memory_space<hbm>> -> memref<632x16xf32, #tpu.memory_space<hbm>>
      %dma_start3A_184 = arith.constant 0 : i32
      %dma_start3A_185 = tpu.memref_slice %arg14[%mul3A_178, %dma_start3A_184] : memref<10112x16xf32, #tpu.memory_space<vmem_shared>> -> memref<632x16xf32, #tpu.memory_space<vmem_shared>>
      tpu.enqueue_dma source(%dma_start3A_185 : memref<632x16xf32, #tpu.memory_space<vmem_shared>>) target(%dma_start3A_183 : memref<632x16xf32, #tpu.memory_space<hbm>>) target_semaphore(%run_scoped3A : memref<!tpu.dma_semaphore, #tpu.memory_space<semaphore_mem>>)
      %dma_wait3A_186 = arith.constant 0 : i32
      %dma_wait3A_187 = tpu.memref_slice %arg7[%arg0, %mul3A_180, %dma_wait3A_186] : memref<2x10112x16xf32, #tpu.memory_space<hbm>> -> memref<1x632x16xf32, #tpu.memory_space<hbm>>
      %dma_wait3A_188 = tpu.memref_squeeze %dma_wait3A_187 : memref<1x632x16xf32, #tpu.memory_space<hbm>> -> memref<632x16xf32, #tpu.memory_space<hbm>>
      %dma_wait3A_189 = arith.constant 0 : i32
      %dma_wait3A_190 = tpu.memref_slice %arg14[%mul3A_178, %dma_wait3A_189] : memref<10112x16xf32, #tpu.memory_space<vmem_shared>> -> memref<632x16xf32, #tpu.memory_space<vmem_shared>>
      tpu.wait_dma2 semaphore(%run_scoped3A : memref<!tpu.dma_semaphore, #tpu.memory_space<semaphore_mem>>) src(%dma_wait3A_190 : memref<632x16xf32, #tpu.memory_space<vmem_shared>>) dst(%dma_wait3A_188 : memref<632x16xf32, #tpu.memory_space<hbm>>)
      tpu.yield
    }) : () -> ()
    "tpu.region"() ({
      %run_scoped3A = tpu.sem_alloc : memref<!tpu.dma_semaphore, #tpu.memory_space<semaphore_mem>>
      %dma_start3A_181 = arith.constant 0 : i32
      %dma_start3A_182 = arith.constant 0 : i32
      %dma_start3A_183 = tpu.memref_slice %arg8[%arg0, %arg1, %dma_start3A_181, %dma_start3A_182] : memref<2x16x625x16xf32, #tpu.memory_space<hbm>> -> memref<1x1x625x16xf32, #tpu.memory_space<hbm>>
      %dma_start3A_184 = tpu.memref_squeeze %dma_start3A_183 : memref<1x1x625x16xf32, #tpu.memory_space<hbm>> -> memref<625x16xf32, #tpu.memory_space<hbm>>
      %dma_start3A_185 = arith.constant 0 : i32
      %dma_start3A_186 = arith.constant 0 : i32
      %dma_start3A_187 = tpu.memref_slice %arg8[%arg0, %arg1, %dma_start3A_185, %dma_start3A_186] : memref<2x16x625x16xf32, #tpu.memory_space<hbm>> -> memref<1x1x625x16xf32, #tpu.memory_space<hbm>>
      %dma_start3A_188 = tpu.memref_squeeze %dma_start3A_187 : memref<1x1x625x16xf32, #tpu.memory_space<hbm>> -> memref<625x16xf32, #tpu.memory_space<hbm>>
      tpu.enqueue_dma source(%arg17 : memref<625x16xf32, #tpu.memory_space<vmem>>) target(%dma_start3A_188 : memref<625x16xf32, #tpu.memory_space<hbm>>) target_semaphore(%run_scoped3A : memref<!tpu.dma_semaphore, #tpu.memory_space<semaphore_mem>>)
      %dma_wait3A_189 = arith.constant 0 : i32
      %dma_wait3A_190 = arith.constant 0 : i32
      %dma_wait3A_191 = tpu.memref_slice %arg8[%arg0, %arg1, %dma_wait3A_189, %dma_wait3A_190] : memref<2x16x625x16xf32, #tpu.memory_space<hbm>> -> memref<1x1x625x16xf32, #tpu.memory_space<hbm>>
      %dma_wait3A_192 = tpu.memref_squeeze %dma_wait3A_191 : memref<1x1x625x16xf32, #tpu.memory_space<hbm>> -> memref<625x16xf32, #tpu.memory_space<hbm>>
      %dma_wait3A_193 = arith.constant 0 : i32
      %dma_wait3A_194 = arith.constant 0 : i32
      %dma_wait3A_195 = tpu.memref_slice %arg8[%arg0, %arg1, %dma_wait3A_193, %dma_wait3A_194] : memref<2x16x625x16xf32, #tpu.memory_space<hbm>> -> memref<1x1x625x16xf32, #tpu.memory_space<hbm>>
      %dma_wait3A_196 = tpu.memref_squeeze %dma_wait3A_195 : memref<1x1x625x16xf32, #tpu.memory_space<hbm>> -> memref<625x16xf32, #tpu.memory_space<hbm>>
      tpu.wait_dma2 semaphore(%run_scoped3A : memref<!tpu.dma_semaphore, #tpu.memory_space<semaphore_mem>>) src(%arg17 : memref<625x16xf32, #tpu.memory_space<vmem>>) dst(%dma_wait3A_196 : memref<625x16xf32, #tpu.memory_space<hbm>>)
      tpu.yield
    }) : () -> ()
    return
  }
}

#map = affine_map<(d0, d1) -> (0, 0)>
#map1 = affine_map<(d0, d1) -> (0, 0, 0)>
module attributes {stable_mosaic.version = 14 : i64} {
  func.func @sc_pass(%arg0: i32, %arg1: i32, %arg2: memref<10000x80xf32, #tpu.memory_space<hbm>>, %arg3: memref<320x500xi32, #tpu.memory_space<hbm>>, %arg4: memref<320x500xi32, #tpu.memory_space<hbm>>, %arg5: memref<320x2000xf32, #tpu.memory_space<hbm>>, %arg6: memref<632x16xf32, #tpu.memory_space<hbm>>, %arg7: memref<2x10112x16xf32, #tpu.memory_space<hbm>>, %arg8: memref<2x500xi32, #tpu.memory_space<vmem>>, %arg9: memref<2x500xi32, #tpu.memory_space<vmem>>, %arg10: memref<2x2000xf32, #tpu.memory_space<vmem>>, %arg11: memref<2x500x80xf32, #tpu.memory_space<vmem>>, %arg12: memref<2x500x16xf32, #tpu.memory_space<vmem>>, %arg13: memref<10112x16xf32, #tpu.memory_space<vmem_shared>>, %arg14: memref<2x!tpu.dma_semaphore, #tpu.memory_space<semaphore_mem>>, %arg15: memref<2x!tpu.dma_semaphore, #tpu.memory_space<semaphore_mem>>) attributes {dimension_semantics = [#tpu.dimension_semantics<core_parallel>, #tpu.dimension_semantics<subcore_parallel>], iteration_bounds = array<i64: 2, 16>, scalar_prefetch = 0 : i64, scratch_operands = 8 : i64, tpu.core_type = #tpu.core_type<sc_vector_subcore>, window_params = [{transform_indices = #map}, {transform_indices = #map}, {transform_indices = #map}, {transform_indices = #map}, {transform_indices = #map}, {transform_indices = #map1}]} {
    %mul3A = arith.constant 16 : i32
    %mul3A_0 = arith.muli %arg0, %mul3A : i32
    %add3A = arith.addi %mul3A_0, %arg1 : i32
    %mul3A_1 = arith.constant 10 : i32
    %mul3A_2 = arith.muli %add3A, %mul3A_1 : i32
    %add3A_3 = arith.constant 0 : i32
    %add3A_4 = arith.addi %mul3A_2, %add3A_3 : i32
    %dma_start3A = arith.constant 0 : i32
    %dma_start3A_5 = arith.constant 0 : i32
    %dma_start3A_6 = arith.constant 0 : i32
    %dma_start3A_7 = tpu.memref_slice %arg8[%dma_start3A, %dma_start3A_6] : memref<2x500xi32, #tpu.memory_space<vmem>> -> memref<1x500xi32, #tpu.memory_space<vmem>>
    %dma_start3A_8 = tpu.memref_squeeze %dma_start3A_7 : memref<1x500xi32, #tpu.memory_space<vmem>> -> memref<500xi32, #tpu.memory_space<vmem>>
    %dma_start3A_9 = arith.constant 0 : i32
    %dma_start3A_10 = tpu.memref_slice %arg3[%add3A_4, %dma_start3A_9] : memref<320x500xi32, #tpu.memory_space<hbm>> -> memref<1x500xi32, #tpu.memory_space<hbm>>
    %dma_start3A_11 = tpu.memref_squeeze %dma_start3A_10 : memref<1x500xi32, #tpu.memory_space<hbm>> -> memref<500xi32, #tpu.memory_space<hbm>>
    %dma_start3A_12 = tpu.memref_slice %arg14[%dma_start3A_5] : memref<2x!tpu.dma_semaphore, #tpu.memory_space<semaphore_mem>> -> memref<1x!tpu.dma_semaphore, #tpu.memory_space<semaphore_mem>>
    %dma_start3A_13 = tpu.memref_squeeze %dma_start3A_12 : memref<1x!tpu.dma_semaphore, #tpu.memory_space<semaphore_mem>> -> memref<!tpu.dma_semaphore, #tpu.memory_space<semaphore_mem>>
    %dma_start3A_14 = arith.constant 0 : i32
    %dma_start3A_15 = tpu.memref_slice %arg8[%dma_start3A, %dma_start3A_14] : memref<2x500xi32, #tpu.memory_space<vmem>> -> memref<1x500xi32, #tpu.memory_space<vmem>>
    %dma_start3A_16 = tpu.memref_squeeze %dma_start3A_15 : memref<1x500xi32, #tpu.memory_space<vmem>> -> memref<500xi32, #tpu.memory_space<vmem>>
    %dma_start3A_17 = arith.constant 0 : i32
    %dma_start3A_18 = tpu.memref_slice %arg3[%add3A_4, %dma_start3A_17] : memref<320x500xi32, #tpu.memory_space<hbm>> -> memref<1x500xi32, #tpu.memory_space<hbm>>
    %dma_start3A_19 = tpu.memref_squeeze %dma_start3A_18 : memref<1x500xi32, #tpu.memory_space<hbm>> -> memref<500xi32, #tpu.memory_space<hbm>>
    tpu.enqueue_dma source(%dma_start3A_19 : memref<500xi32, #tpu.memory_space<hbm>>) target(%dma_start3A_16 : memref<500xi32, #tpu.memory_space<vmem>>) target_semaphore(%dma_start3A_13 : memref<!tpu.dma_semaphore, #tpu.memory_space<semaphore_mem>>)
    %dma_start3A_20 = arith.constant 0 : i32
    %dma_start3A_21 = arith.constant 0 : i32
    %dma_start3A_22 = arith.constant 0 : i32
    %dma_start3A_23 = tpu.memref_slice %arg9[%dma_start3A_20, %dma_start3A_22] : memref<2x500xi32, #tpu.memory_space<vmem>> -> memref<1x500xi32, #tpu.memory_space<vmem>>
    %dma_start3A_24 = tpu.memref_squeeze %dma_start3A_23 : memref<1x500xi32, #tpu.memory_space<vmem>> -> memref<500xi32, #tpu.memory_space<vmem>>
    %dma_start3A_25 = arith.constant 0 : i32
    %dma_start3A_26 = tpu.memref_slice %arg4[%add3A_4, %dma_start3A_25] : memref<320x500xi32, #tpu.memory_space<hbm>> -> memref<1x500xi32, #tpu.memory_space<hbm>>
    %dma_start3A_27 = tpu.memref_squeeze %dma_start3A_26 : memref<1x500xi32, #tpu.memory_space<hbm>> -> memref<500xi32, #tpu.memory_space<hbm>>
    %dma_start3A_28 = tpu.memref_slice %arg14[%dma_start3A_21] : memref<2x!tpu.dma_semaphore, #tpu.memory_space<semaphore_mem>> -> memref<1x!tpu.dma_semaphore, #tpu.memory_space<semaphore_mem>>
    %dma_start3A_29 = tpu.memref_squeeze %dma_start3A_28 : memref<1x!tpu.dma_semaphore, #tpu.memory_space<semaphore_mem>> -> memref<!tpu.dma_semaphore, #tpu.memory_space<semaphore_mem>>
    %dma_start3A_30 = arith.constant 0 : i32
    %dma_start3A_31 = tpu.memref_slice %arg9[%dma_start3A_20, %dma_start3A_30] : memref<2x500xi32, #tpu.memory_space<vmem>> -> memref<1x500xi32, #tpu.memory_space<vmem>>
    %dma_start3A_32 = tpu.memref_squeeze %dma_start3A_31 : memref<1x500xi32, #tpu.memory_space<vmem>> -> memref<500xi32, #tpu.memory_space<vmem>>
    %dma_start3A_33 = arith.constant 0 : i32
    %dma_start3A_34 = tpu.memref_slice %arg4[%add3A_4, %dma_start3A_33] : memref<320x500xi32, #tpu.memory_space<hbm>> -> memref<1x500xi32, #tpu.memory_space<hbm>>
    %dma_start3A_35 = tpu.memref_squeeze %dma_start3A_34 : memref<1x500xi32, #tpu.memory_space<hbm>> -> memref<500xi32, #tpu.memory_space<hbm>>
    tpu.enqueue_dma source(%dma_start3A_35 : memref<500xi32, #tpu.memory_space<hbm>>) target(%dma_start3A_32 : memref<500xi32, #tpu.memory_space<vmem>>) target_semaphore(%dma_start3A_29 : memref<!tpu.dma_semaphore, #tpu.memory_space<semaphore_mem>>)
    %dma_start3A_36 = arith.constant 0 : i32
    %dma_start3A_37 = arith.constant 0 : i32
    %dma_start3A_38 = arith.constant 0 : i32
    %dma_start3A_39 = tpu.memref_slice %arg10[%dma_start3A_36, %dma_start3A_38] : memref<2x2000xf32, #tpu.memory_space<vmem>> -> memref<1x2000xf32, #tpu.memory_space<vmem>>
    %dma_start3A_40 = tpu.memref_squeeze %dma_start3A_39 : memref<1x2000xf32, #tpu.memory_space<vmem>> -> memref<2000xf32, #tpu.memory_space<vmem>>
    %dma_start3A_41 = arith.constant 0 : i32
    %dma_start3A_42 = tpu.memref_slice %arg5[%add3A_4, %dma_start3A_41] : memref<320x2000xf32, #tpu.memory_space<hbm>> -> memref<1x2000xf32, #tpu.memory_space<hbm>>
    %dma_start3A_43 = tpu.memref_squeeze %dma_start3A_42 : memref<1x2000xf32, #tpu.memory_space<hbm>> -> memref<2000xf32, #tpu.memory_space<hbm>>
    %dma_start3A_44 = tpu.memref_slice %arg14[%dma_start3A_37] : memref<2x!tpu.dma_semaphore, #tpu.memory_space<semaphore_mem>> -> memref<1x!tpu.dma_semaphore, #tpu.memory_space<semaphore_mem>>
    %dma_start3A_45 = tpu.memref_squeeze %dma_start3A_44 : memref<1x!tpu.dma_semaphore, #tpu.memory_space<semaphore_mem>> -> memref<!tpu.dma_semaphore, #tpu.memory_space<semaphore_mem>>
    %dma_start3A_46 = arith.constant 0 : i32
    %dma_start3A_47 = tpu.memref_slice %arg10[%dma_start3A_36, %dma_start3A_46] : memref<2x2000xf32, #tpu.memory_space<vmem>> -> memref<1x2000xf32, #tpu.memory_space<vmem>>
    %dma_start3A_48 = tpu.memref_squeeze %dma_start3A_47 : memref<1x2000xf32, #tpu.memory_space<vmem>> -> memref<2000xf32, #tpu.memory_space<vmem>>
    %dma_start3A_49 = arith.constant 0 : i32
    %dma_start3A_50 = tpu.memref_slice %arg5[%add3A_4, %dma_start3A_49] : memref<320x2000xf32, #tpu.memory_space<hbm>> -> memref<1x2000xf32, #tpu.memory_space<hbm>>
    %dma_start3A_51 = tpu.memref_squeeze %dma_start3A_50 : memref<1x2000xf32, #tpu.memory_space<hbm>> -> memref<2000xf32, #tpu.memory_space<hbm>>
    tpu.enqueue_dma source(%dma_start3A_51 : memref<2000xf32, #tpu.memory_space<hbm>>) target(%dma_start3A_48 : memref<2000xf32, #tpu.memory_space<vmem>>) target_semaphore(%dma_start3A_45 : memref<!tpu.dma_semaphore, #tpu.memory_space<semaphore_mem>>)
    %add3A_52 = arith.constant 1 : i32
    %add3A_53 = arith.addi %mul3A_2, %add3A_52 : i32
    %dma_start3A_54 = arith.constant 1 : i32
    %dma_start3A_55 = arith.constant 1 : i32
    %dma_start3A_56 = arith.constant 0 : i32
    %dma_start3A_57 = tpu.memref_slice %arg8[%dma_start3A_54, %dma_start3A_56] : memref<2x500xi32, #tpu.memory_space<vmem>> -> memref<1x500xi32, #tpu.memory_space<vmem>>
    %dma_start3A_58 = tpu.memref_squeeze %dma_start3A_57 : memref<1x500xi32, #tpu.memory_space<vmem>> -> memref<500xi32, #tpu.memory_space<vmem>>
    %dma_start3A_59 = arith.constant 0 : i32
    %dma_start3A_60 = tpu.memref_slice %arg3[%add3A_53, %dma_start3A_59] : memref<320x500xi32, #tpu.memory_space<hbm>> -> memref<1x500xi32, #tpu.memory_space<hbm>>
    %dma_start3A_61 = tpu.memref_squeeze %dma_start3A_60 : memref<1x500xi32, #tpu.memory_space<hbm>> -> memref<500xi32, #tpu.memory_space<hbm>>
    %dma_start3A_62 = tpu.memref_slice %arg14[%dma_start3A_55] : memref<2x!tpu.dma_semaphore, #tpu.memory_space<semaphore_mem>> -> memref<1x!tpu.dma_semaphore, #tpu.memory_space<semaphore_mem>>
    %dma_start3A_63 = tpu.memref_squeeze %dma_start3A_62 : memref<1x!tpu.dma_semaphore, #tpu.memory_space<semaphore_mem>> -> memref<!tpu.dma_semaphore, #tpu.memory_space<semaphore_mem>>
    %dma_start3A_64 = arith.constant 0 : i32
    %dma_start3A_65 = tpu.memref_slice %arg8[%dma_start3A_54, %dma_start3A_64] : memref<2x500xi32, #tpu.memory_space<vmem>> -> memref<1x500xi32, #tpu.memory_space<vmem>>
    %dma_start3A_66 = tpu.memref_squeeze %dma_start3A_65 : memref<1x500xi32, #tpu.memory_space<vmem>> -> memref<500xi32, #tpu.memory_space<vmem>>
    %dma_start3A_67 = arith.constant 0 : i32
    %dma_start3A_68 = tpu.memref_slice %arg3[%add3A_53, %dma_start3A_67] : memref<320x500xi32, #tpu.memory_space<hbm>> -> memref<1x500xi32, #tpu.memory_space<hbm>>
    %dma_start3A_69 = tpu.memref_squeeze %dma_start3A_68 : memref<1x500xi32, #tpu.memory_space<hbm>> -> memref<500xi32, #tpu.memory_space<hbm>>
    tpu.enqueue_dma source(%dma_start3A_69 : memref<500xi32, #tpu.memory_space<hbm>>) target(%dma_start3A_66 : memref<500xi32, #tpu.memory_space<vmem>>) target_semaphore(%dma_start3A_63 : memref<!tpu.dma_semaphore, #tpu.memory_space<semaphore_mem>>)
    %dma_start3A_70 = arith.constant 1 : i32
    %dma_start3A_71 = arith.constant 1 : i32
    %dma_start3A_72 = arith.constant 0 : i32
    %dma_start3A_73 = tpu.memref_slice %arg9[%dma_start3A_70, %dma_start3A_72] : memref<2x500xi32, #tpu.memory_space<vmem>> -> memref<1x500xi32, #tpu.memory_space<vmem>>
    %dma_start3A_74 = tpu.memref_squeeze %dma_start3A_73 : memref<1x500xi32, #tpu.memory_space<vmem>> -> memref<500xi32, #tpu.memory_space<vmem>>
    %dma_start3A_75 = arith.constant 0 : i32
    %dma_start3A_76 = tpu.memref_slice %arg4[%add3A_53, %dma_start3A_75] : memref<320x500xi32, #tpu.memory_space<hbm>> -> memref<1x500xi32, #tpu.memory_space<hbm>>
    %dma_start3A_77 = tpu.memref_squeeze %dma_start3A_76 : memref<1x500xi32, #tpu.memory_space<hbm>> -> memref<500xi32, #tpu.memory_space<hbm>>
    %dma_start3A_78 = tpu.memref_slice %arg14[%dma_start3A_71] : memref<2x!tpu.dma_semaphore, #tpu.memory_space<semaphore_mem>> -> memref<1x!tpu.dma_semaphore, #tpu.memory_space<semaphore_mem>>
    %dma_start3A_79 = tpu.memref_squeeze %dma_start3A_78 : memref<1x!tpu.dma_semaphore, #tpu.memory_space<semaphore_mem>> -> memref<!tpu.dma_semaphore, #tpu.memory_space<semaphore_mem>>
    %dma_start3A_80 = arith.constant 0 : i32
    %dma_start3A_81 = tpu.memref_slice %arg9[%dma_start3A_70, %dma_start3A_80] : memref<2x500xi32, #tpu.memory_space<vmem>> -> memref<1x500xi32, #tpu.memory_space<vmem>>
    %dma_start3A_82 = tpu.memref_squeeze %dma_start3A_81 : memref<1x500xi32, #tpu.memory_space<vmem>> -> memref<500xi32, #tpu.memory_space<vmem>>
    %dma_start3A_83 = arith.constant 0 : i32
    %dma_start3A_84 = tpu.memref_slice %arg4[%add3A_53, %dma_start3A_83] : memref<320x500xi32, #tpu.memory_space<hbm>> -> memref<1x500xi32, #tpu.memory_space<hbm>>
    %dma_start3A_85 = tpu.memref_squeeze %dma_start3A_84 : memref<1x500xi32, #tpu.memory_space<hbm>> -> memref<500xi32, #tpu.memory_space<hbm>>
    tpu.enqueue_dma source(%dma_start3A_85 : memref<500xi32, #tpu.memory_space<hbm>>) target(%dma_start3A_82 : memref<500xi32, #tpu.memory_space<vmem>>) target_semaphore(%dma_start3A_79 : memref<!tpu.dma_semaphore, #tpu.memory_space<semaphore_mem>>)
    %dma_start3A_86 = arith.constant 1 : i32
    %dma_start3A_87 = arith.constant 1 : i32
    %dma_start3A_88 = arith.constant 0 : i32
    %dma_start3A_89 = tpu.memref_slice %arg10[%dma_start3A_86, %dma_start3A_88] : memref<2x2000xf32, #tpu.memory_space<vmem>> -> memref<1x2000xf32, #tpu.memory_space<vmem>>
    %dma_start3A_90 = tpu.memref_squeeze %dma_start3A_89 : memref<1x2000xf32, #tpu.memory_space<vmem>> -> memref<2000xf32, #tpu.memory_space<vmem>>
    %dma_start3A_91 = arith.constant 0 : i32
    %dma_start3A_92 = tpu.memref_slice %arg5[%add3A_53, %dma_start3A_91] : memref<320x2000xf32, #tpu.memory_space<hbm>> -> memref<1x2000xf32, #tpu.memory_space<hbm>>
    %dma_start3A_93 = tpu.memref_squeeze %dma_start3A_92 : memref<1x2000xf32, #tpu.memory_space<hbm>> -> memref<2000xf32, #tpu.memory_space<hbm>>
    %dma_start3A_94 = tpu.memref_slice %arg14[%dma_start3A_87] : memref<2x!tpu.dma_semaphore, #tpu.memory_space<semaphore_mem>> -> memref<1x!tpu.dma_semaphore, #tpu.memory_space<semaphore_mem>>
    %dma_start3A_95 = tpu.memref_squeeze %dma_start3A_94 : memref<1x!tpu.dma_semaphore, #tpu.memory_space<semaphore_mem>> -> memref<!tpu.dma_semaphore, #tpu.memory_space<semaphore_mem>>
    %dma_start3A_96 = arith.constant 0 : i32
    %dma_start3A_97 = tpu.memref_slice %arg10[%dma_start3A_86, %dma_start3A_96] : memref<2x2000xf32, #tpu.memory_space<vmem>> -> memref<1x2000xf32, #tpu.memory_space<vmem>>
    %dma_start3A_98 = tpu.memref_squeeze %dma_start3A_97 : memref<1x2000xf32, #tpu.memory_space<vmem>> -> memref<2000xf32, #tpu.memory_space<vmem>>
    %dma_start3A_99 = arith.constant 0 : i32
    %dma_start3A_100 = tpu.memref_slice %arg5[%add3A_53, %dma_start3A_99] : memref<320x2000xf32, #tpu.memory_space<hbm>> -> memref<1x2000xf32, #tpu.memory_space<hbm>>
    %dma_start3A_101 = tpu.memref_squeeze %dma_start3A_100 : memref<1x2000xf32, #tpu.memory_space<hbm>> -> memref<2000xf32, #tpu.memory_space<hbm>>
    tpu.enqueue_dma source(%dma_start3A_101 : memref<2000xf32, #tpu.memory_space<hbm>>) target(%dma_start3A_98 : memref<2000xf32, #tpu.memory_space<vmem>>) target_semaphore(%dma_start3A_95 : memref<!tpu.dma_semaphore, #tpu.memory_space<semaphore_mem>>)
    %mul3A_102 = arith.constant 632 : i32
    %mul3A_103 = arith.muli %arg1, %mul3A_102 : i32
    "tpu.region"() ({
      %run_scoped3A = tpu.sem_alloc : memref<!tpu.dma_semaphore, #tpu.memory_space<semaphore_mem>>
      %dma_start3A_176 = arith.constant 0 : i32
      %dma_start3A_177 = tpu.memref_slice %arg13[%mul3A_103, %dma_start3A_176] : memref<10112x16xf32, #tpu.memory_space<vmem_shared>> -> memref<632x16xf32, #tpu.memory_space<vmem_shared>>
      tpu.enqueue_dma source(%arg6 : memref<632x16xf32, #tpu.memory_space<hbm>>) target(%dma_start3A_177 : memref<632x16xf32, #tpu.memory_space<vmem_shared>>) target_semaphore(%run_scoped3A : memref<!tpu.dma_semaphore, #tpu.memory_space<semaphore_mem>>)
      %dma_wait3A_178 = arith.constant 0 : i32
      %dma_wait3A_179 = tpu.memref_slice %arg13[%mul3A_103, %dma_wait3A_178] : memref<10112x16xf32, #tpu.memory_space<vmem_shared>> -> memref<632x16xf32, #tpu.memory_space<vmem_shared>>
      tpu.wait_dma2 semaphore(%run_scoped3A : memref<!tpu.dma_semaphore, #tpu.memory_space<semaphore_mem>>) src(%arg6 : memref<632x16xf32, #tpu.memory_space<hbm>>) dst(%dma_wait3A_179 : memref<632x16xf32, #tpu.memory_space<vmem_shared>>)
      tpu.yield
    }) : () -> ()
    %barrier3A = arith.constant 0 : index
    tpu.barrier barrier_id(%barrier3A)
    %dma_wait3A = arith.constant 0 : i32
    %dma_wait3A_104 = arith.constant 0 : i32
    %dma_wait3A_105 = arith.constant 0 : i32
    %dma_wait3A_106 = tpu.memref_slice %arg8[%dma_wait3A, %dma_wait3A_105] : memref<2x500xi32, #tpu.memory_space<vmem>> -> memref<1x500xi32, #tpu.memory_space<vmem>>
    %dma_wait3A_107 = tpu.memref_squeeze %dma_wait3A_106 : memref<1x500xi32, #tpu.memory_space<vmem>> -> memref<500xi32, #tpu.memory_space<vmem>>
    %dma_wait3A_108 = arith.constant 0 : i32
    %dma_wait3A_109 = tpu.memref_slice %arg3[%add3A_4, %dma_wait3A_108] : memref<320x500xi32, #tpu.memory_space<hbm>> -> memref<1x500xi32, #tpu.memory_space<hbm>>
    %dma_wait3A_110 = tpu.memref_squeeze %dma_wait3A_109 : memref<1x500xi32, #tpu.memory_space<hbm>> -> memref<500xi32, #tpu.memory_space<hbm>>
    %dma_wait3A_111 = tpu.memref_slice %arg14[%dma_wait3A_104] : memref<2x!tpu.dma_semaphore, #tpu.memory_space<semaphore_mem>> -> memref<1x!tpu.dma_semaphore, #tpu.memory_space<semaphore_mem>>
    %dma_wait3A_112 = tpu.memref_squeeze %dma_wait3A_111 : memref<1x!tpu.dma_semaphore, #tpu.memory_space<semaphore_mem>> -> memref<!tpu.dma_semaphore, #tpu.memory_space<semaphore_mem>>
    %dma_wait3A_113 = arith.constant 0 : i32
    %dma_wait3A_114 = tpu.memref_slice %arg8[%dma_wait3A, %dma_wait3A_113] : memref<2x500xi32, #tpu.memory_space<vmem>> -> memref<1x500xi32, #tpu.memory_space<vmem>>
    %dma_wait3A_115 = tpu.memref_squeeze %dma_wait3A_114 : memref<1x500xi32, #tpu.memory_space<vmem>> -> memref<500xi32, #tpu.memory_space<vmem>>
    %dma_wait3A_116 = arith.constant 0 : i32
    %dma_wait3A_117 = tpu.memref_slice %arg3[%add3A_4, %dma_wait3A_116] : memref<320x500xi32, #tpu.memory_space<hbm>> -> memref<1x500xi32, #tpu.memory_space<hbm>>
    %dma_wait3A_118 = tpu.memref_squeeze %dma_wait3A_117 : memref<1x500xi32, #tpu.memory_space<hbm>> -> memref<500xi32, #tpu.memory_space<hbm>>
    tpu.wait_dma2 semaphore(%dma_wait3A_112 : memref<!tpu.dma_semaphore, #tpu.memory_space<semaphore_mem>>) src(%dma_wait3A_118 : memref<500xi32, #tpu.memory_space<hbm>>) dst(%dma_wait3A_115 : memref<500xi32, #tpu.memory_space<vmem>>)
    %dma_wait3A_119 = arith.constant 0 : i32
    %dma_wait3A_120 = arith.constant 0 : i32
    %dma_wait3A_121 = arith.constant 0 : i32
    %dma_wait3A_122 = tpu.memref_slice %arg9[%dma_wait3A_119, %dma_wait3A_121] : memref<2x500xi32, #tpu.memory_space<vmem>> -> memref<1x500xi32, #tpu.memory_space<vmem>>
    %dma_wait3A_123 = tpu.memref_squeeze %dma_wait3A_122 : memref<1x500xi32, #tpu.memory_space<vmem>> -> memref<500xi32, #tpu.memory_space<vmem>>
    %dma_wait3A_124 = arith.constant 0 : i32
    %dma_wait3A_125 = tpu.memref_slice %arg4[%add3A_4, %dma_wait3A_124] : memref<320x500xi32, #tpu.memory_space<hbm>> -> memref<1x500xi32, #tpu.memory_space<hbm>>
    %dma_wait3A_126 = tpu.memref_squeeze %dma_wait3A_125 : memref<1x500xi32, #tpu.memory_space<hbm>> -> memref<500xi32, #tpu.memory_space<hbm>>
    %dma_wait3A_127 = tpu.memref_slice %arg14[%dma_wait3A_120] : memref<2x!tpu.dma_semaphore, #tpu.memory_space<semaphore_mem>> -> memref<1x!tpu.dma_semaphore, #tpu.memory_space<semaphore_mem>>
    %dma_wait3A_128 = tpu.memref_squeeze %dma_wait3A_127 : memref<1x!tpu.dma_semaphore, #tpu.memory_space<semaphore_mem>> -> memref<!tpu.dma_semaphore, #tpu.memory_space<semaphore_mem>>
    %dma_wait3A_129 = arith.constant 0 : i32
    %dma_wait3A_130 = tpu.memref_slice %arg9[%dma_wait3A_119, %dma_wait3A_129] : memref<2x500xi32, #tpu.memory_space<vmem>> -> memref<1x500xi32, #tpu.memory_space<vmem>>
    %dma_wait3A_131 = tpu.memref_squeeze %dma_wait3A_130 : memref<1x500xi32, #tpu.memory_space<vmem>> -> memref<500xi32, #tpu.memory_space<vmem>>
    %dma_wait3A_132 = arith.constant 0 : i32
    %dma_wait3A_133 = tpu.memref_slice %arg4[%add3A_4, %dma_wait3A_132] : memref<320x500xi32, #tpu.memory_space<hbm>> -> memref<1x500xi32, #tpu.memory_space<hbm>>
    %dma_wait3A_134 = tpu.memref_squeeze %dma_wait3A_133 : memref<1x500xi32, #tpu.memory_space<hbm>> -> memref<500xi32, #tpu.memory_space<hbm>>
    tpu.wait_dma2 semaphore(%dma_wait3A_128 : memref<!tpu.dma_semaphore, #tpu.memory_space<semaphore_mem>>) src(%dma_wait3A_134 : memref<500xi32, #tpu.memory_space<hbm>>) dst(%dma_wait3A_131 : memref<500xi32, #tpu.memory_space<vmem>>)
    %dma_wait3A_135 = arith.constant 0 : i32
    %dma_wait3A_136 = arith.constant 0 : i32
    %dma_wait3A_137 = arith.constant 0 : i32
    %dma_wait3A_138 = tpu.memref_slice %arg10[%dma_wait3A_135, %dma_wait3A_137] : memref<2x2000xf32, #tpu.memory_space<vmem>> -> memref<1x2000xf32, #tpu.memory_space<vmem>>
    %dma_wait3A_139 = tpu.memref_squeeze %dma_wait3A_138 : memref<1x2000xf32, #tpu.memory_space<vmem>> -> memref<2000xf32, #tpu.memory_space<vmem>>
    %dma_wait3A_140 = arith.constant 0 : i32
    %dma_wait3A_141 = tpu.memref_slice %arg5[%add3A_4, %dma_wait3A_140] : memref<320x2000xf32, #tpu.memory_space<hbm>> -> memref<1x2000xf32, #tpu.memory_space<hbm>>
    %dma_wait3A_142 = tpu.memref_squeeze %dma_wait3A_141 : memref<1x2000xf32, #tpu.memory_space<hbm>> -> memref<2000xf32, #tpu.memory_space<hbm>>
    %dma_wait3A_143 = tpu.memref_slice %arg14[%dma_wait3A_136] : memref<2x!tpu.dma_semaphore, #tpu.memory_space<semaphore_mem>> -> memref<1x!tpu.dma_semaphore, #tpu.memory_space<semaphore_mem>>
    %dma_wait3A_144 = tpu.memref_squeeze %dma_wait3A_143 : memref<1x!tpu.dma_semaphore, #tpu.memory_space<semaphore_mem>> -> memref<!tpu.dma_semaphore, #tpu.memory_space<semaphore_mem>>
    %dma_wait3A_145 = arith.constant 0 : i32
    %dma_wait3A_146 = tpu.memref_slice %arg10[%dma_wait3A_135, %dma_wait3A_145] : memref<2x2000xf32, #tpu.memory_space<vmem>> -> memref<1x2000xf32, #tpu.memory_space<vmem>>
    %dma_wait3A_147 = tpu.memref_squeeze %dma_wait3A_146 : memref<1x2000xf32, #tpu.memory_space<vmem>> -> memref<2000xf32, #tpu.memory_space<vmem>>
    %dma_wait3A_148 = arith.constant 0 : i32
    %dma_wait3A_149 = tpu.memref_slice %arg5[%add3A_4, %dma_wait3A_148] : memref<320x2000xf32, #tpu.memory_space<hbm>> -> memref<1x2000xf32, #tpu.memory_space<hbm>>
    %dma_wait3A_150 = tpu.memref_squeeze %dma_wait3A_149 : memref<1x2000xf32, #tpu.memory_space<hbm>> -> memref<2000xf32, #tpu.memory_space<hbm>>
    tpu.wait_dma2 semaphore(%dma_wait3A_144 : memref<!tpu.dma_semaphore, #tpu.memory_space<semaphore_mem>>) src(%dma_wait3A_150 : memref<2000xf32, #tpu.memory_space<hbm>>) dst(%dma_wait3A_147 : memref<2000xf32, #tpu.memory_space<vmem>>)
    %dma_start3A_151 = arith.constant 0 : i32
    %dma_start3A_152 = arith.constant 0 : i32
    %dma_start3A_153 = arith.constant 0 : i32
    %dma_start3A_154 = arith.constant 0 : i32
    %dma_start3A_155 = arith.constant 0 : i32
    %dma_start3A_156 = tpu.memref_slice %arg11[%dma_start3A_152, %dma_start3A_154, %dma_start3A_155] : memref<2x500x80xf32, #tpu.memory_space<vmem>> -> memref<1x500x80xf32, #tpu.memory_space<vmem>>
    %dma_start3A_157 = tpu.memref_squeeze %dma_start3A_156 : memref<1x500x80xf32, #tpu.memory_space<vmem>> -> memref<500x80xf32, #tpu.memory_space<vmem>>
    %dma_start3A_158 = arith.constant 0 : i32
    %dma_start3A_159 = tpu.memref_slice %arg8[%dma_start3A_151, %dma_start3A_158] : memref<2x500xi32, #tpu.memory_space<vmem>> -> memref<1x500xi32, #tpu.memory_space<vmem>>
    %dma_start3A_160 = tpu.memref_squeeze %dma_start3A_159 : memref<1x500xi32, #tpu.memory_space<vmem>> -> memref<500xi32, #tpu.memory_space<vmem>>
    %dma_start3A_161 = arith.constant 0 : i32
    %dma_start3A_162 = arith.constant 0 : i32
    %dma_start3A_163 = tpu.memref_slice %arg2[%dma_start3A_161, %dma_start3A_162] : memref<10000x80xf32, #tpu.memory_space<hbm>> -> memref<10000x80xf32, #tpu.memory_space<hbm>>
    %dma_start3A_164 = tpu.memref_slice %arg15[%dma_start3A_153] : memref<2x!tpu.dma_semaphore, #tpu.memory_space<semaphore_mem>> -> memref<1x!tpu.dma_semaphore, #tpu.memory_space<semaphore_mem>>
    %dma_start3A_165 = tpu.memref_squeeze %dma_start3A_164 : memref<1x!tpu.dma_semaphore, #tpu.memory_space<semaphore_mem>> -> memref<!tpu.dma_semaphore, #tpu.memory_space<semaphore_mem>>
    tpu.enqueue_indirect_dma source(%dma_start3A_163 : memref<10000x80xf32, #tpu.memory_space<hbm>>) target(%dma_start3A_157 : memref<500x80xf32, #tpu.memory_space<vmem>>) offsets(%dma_start3A_160 : memref<500xi32, #tpu.memory_space<vmem>>) semaphore(%dma_start3A_165 : memref<!tpu.dma_semaphore, #tpu.memory_space<semaphore_mem>>)
    %scan3A = arith.constant 0 : i32
    %scan3A_166 = arith.constant 0 : i32
    %scan3A_167 = arith.constant 5 : i32
    %scan3A_168 = arith.addi %scan3A_166, %scan3A_167 : i32
    %scan3A_169 = arith.constant 1 : i32
    scf.for %scan3A_176 = %scan3A_166 to %scan3A_168 step %scan3A_169  : i32 {
      %mul3A_177 = arith.constant 2 : i32
      %mul3A_178 = arith.muli %scan3A_176, %mul3A_177 : i32
      %add3A_179 = arith.constant 0 : i32
      %add3A_180 = arith.addi %mul3A_178, %add3A_179 : i32
      %dma_wait3A_181 = arith.constant 0 : i32
      %dma_wait3A_182 = arith.constant 0 : i32
      %dma_wait3A_183 = arith.constant 0 : i32
      %dma_wait3A_184 = arith.constant 0 : i32
      %dma_wait3A_185 = arith.constant 0 : i32
      %dma_wait3A_186 = tpu.memref_slice %arg11[%dma_wait3A_182, %dma_wait3A_184, %dma_wait3A_185] : memref<2x500x80xf32, #tpu.memory_space<vmem>> -> memref<1x500x80xf32, #tpu.memory_space<vmem>>
      %dma_wait3A_187 = tpu.memref_squeeze %dma_wait3A_186 : memref<1x500x80xf32, #tpu.memory_space<vmem>> -> memref<500x80xf32, #tpu.memory_space<vmem>>
      %dma_wait3A_188 = arith.constant 0 : i32
      %dma_wait3A_189 = tpu.memref_slice %arg8[%dma_wait3A_181, %dma_wait3A_188] : memref<2x500xi32, #tpu.memory_space<vmem>> -> memref<1x500xi32, #tpu.memory_space<vmem>>
      %dma_wait3A_190 = tpu.memref_squeeze %dma_wait3A_189 : memref<1x500xi32, #tpu.memory_space<vmem>> -> memref<500xi32, #tpu.memory_space<vmem>>
      %dma_wait3A_191 = arith.constant 0 : i32
      %dma_wait3A_192 = arith.constant 0 : i32
      %dma_wait3A_193 = tpu.memref_slice %arg2[%dma_wait3A_191, %dma_wait3A_192] : memref<10000x80xf32, #tpu.memory_space<hbm>> -> memref<10000x80xf32, #tpu.memory_space<hbm>>
      %dma_wait3A_194 = tpu.memref_slice %arg15[%dma_wait3A_183] : memref<2x!tpu.dma_semaphore, #tpu.memory_space<semaphore_mem>> -> memref<1x!tpu.dma_semaphore, #tpu.memory_space<semaphore_mem>>
      %dma_wait3A_195 = tpu.memref_squeeze %dma_wait3A_194 : memref<1x!tpu.dma_semaphore, #tpu.memory_space<semaphore_mem>> -> memref<!tpu.dma_semaphore, #tpu.memory_space<semaphore_mem>>
      tpu.wait_indirect_dma semaphore(%dma_wait3A_195 : memref<!tpu.dma_semaphore, #tpu.memory_space<semaphore_mem>>) src(%dma_wait3A_193 : memref<10000x80xf32, #tpu.memory_space<hbm>>) dst(%dma_wait3A_187 : memref<500x80xf32, #tpu.memory_space<vmem>>)
      %add3A_196 = arith.constant 1 : i32
      %add3A_197 = arith.addi %add3A_180, %add3A_196 : i32
      %lt3A = arith.constant 10 : i32
      %lt3A_198 = arith.cmpi slt, %add3A_197, %lt3A : i32
      %convert_element_type3A = arith.extui %lt3A_198 : i1 to i32
      %cond3A = arith.constant 0 : i32
      %cond3A_199 = arith.cmpi ne, %convert_element_type3A, %cond3A : i32
      scf.if %cond3A_199 {
        %dma_wait3A_248 = arith.constant 1 : i32
        %dma_wait3A_249 = arith.constant 1 : i32
        %dma_wait3A_250 = arith.constant 0 : i32
        %dma_wait3A_251 = tpu.memref_slice %arg8[%dma_wait3A_248, %dma_wait3A_250] : memref<2x500xi32, #tpu.memory_space<vmem>> -> memref<1x500xi32, #tpu.memory_space<vmem>>
        %dma_wait3A_252 = tpu.memref_squeeze %dma_wait3A_251 : memref<1x500xi32, #tpu.memory_space<vmem>> -> memref<500xi32, #tpu.memory_space<vmem>>
        %dma_wait3A_253 = arith.constant 0 : i32
        %dma_wait3A_254 = tpu.memref_slice %arg3[%mul3A_2, %dma_wait3A_253] : memref<320x500xi32, #tpu.memory_space<hbm>> -> memref<1x500xi32, #tpu.memory_space<hbm>>
        %dma_wait3A_255 = tpu.memref_squeeze %dma_wait3A_254 : memref<1x500xi32, #tpu.memory_space<hbm>> -> memref<500xi32, #tpu.memory_space<hbm>>
        %dma_wait3A_256 = tpu.memref_slice %arg14[%dma_wait3A_249] : memref<2x!tpu.dma_semaphore, #tpu.memory_space<semaphore_mem>> -> memref<1x!tpu.dma_semaphore, #tpu.memory_space<semaphore_mem>>
        %dma_wait3A_257 = tpu.memref_squeeze %dma_wait3A_256 : memref<1x!tpu.dma_semaphore, #tpu.memory_space<semaphore_mem>> -> memref<!tpu.dma_semaphore, #tpu.memory_space<semaphore_mem>>
        %dma_wait3A_258 = arith.constant 0 : i32
        %dma_wait3A_259 = tpu.memref_slice %arg8[%dma_wait3A_248, %dma_wait3A_258] : memref<2x500xi32, #tpu.memory_space<vmem>> -> memref<1x500xi32, #tpu.memory_space<vmem>>
        %dma_wait3A_260 = tpu.memref_squeeze %dma_wait3A_259 : memref<1x500xi32, #tpu.memory_space<vmem>> -> memref<500xi32, #tpu.memory_space<vmem>>
        %dma_wait3A_261 = arith.constant 0 : i32
        %dma_wait3A_262 = tpu.memref_slice %arg3[%mul3A_2, %dma_wait3A_261] : memref<320x500xi32, #tpu.memory_space<hbm>> -> memref<1x500xi32, #tpu.memory_space<hbm>>
        %dma_wait3A_263 = tpu.memref_squeeze %dma_wait3A_262 : memref<1x500xi32, #tpu.memory_space<hbm>> -> memref<500xi32, #tpu.memory_space<hbm>>
        tpu.wait_dma2 semaphore(%dma_wait3A_257 : memref<!tpu.dma_semaphore, #tpu.memory_space<semaphore_mem>>) src(%dma_wait3A_263 : memref<500xi32, #tpu.memory_space<hbm>>) dst(%dma_wait3A_260 : memref<500xi32, #tpu.memory_space<vmem>>)
        %dma_wait3A_264 = arith.constant 1 : i32
        %dma_wait3A_265 = arith.constant 1 : i32
        %dma_wait3A_266 = arith.constant 0 : i32
        %dma_wait3A_267 = tpu.memref_slice %arg9[%dma_wait3A_264, %dma_wait3A_266] : memref<2x500xi32, #tpu.memory_space<vmem>> -> memref<1x500xi32, #tpu.memory_space<vmem>>
        %dma_wait3A_268 = tpu.memref_squeeze %dma_wait3A_267 : memref<1x500xi32, #tpu.memory_space<vmem>> -> memref<500xi32, #tpu.memory_space<vmem>>
        %dma_wait3A_269 = arith.constant 0 : i32
        %dma_wait3A_270 = tpu.memref_slice %arg4[%mul3A_2, %dma_wait3A_269] : memref<320x500xi32, #tpu.memory_space<hbm>> -> memref<1x500xi32, #tpu.memory_space<hbm>>
        %dma_wait3A_271 = tpu.memref_squeeze %dma_wait3A_270 : memref<1x500xi32, #tpu.memory_space<hbm>> -> memref<500xi32, #tpu.memory_space<hbm>>
        %dma_wait3A_272 = tpu.memref_slice %arg14[%dma_wait3A_265] : memref<2x!tpu.dma_semaphore, #tpu.memory_space<semaphore_mem>> -> memref<1x!tpu.dma_semaphore, #tpu.memory_space<semaphore_mem>>
        %dma_wait3A_273 = tpu.memref_squeeze %dma_wait3A_272 : memref<1x!tpu.dma_semaphore, #tpu.memory_space<semaphore_mem>> -> memref<!tpu.dma_semaphore, #tpu.memory_space<semaphore_mem>>
        %dma_wait3A_274 = arith.constant 0 : i32
        %dma_wait3A_275 = tpu.memref_slice %arg9[%dma_wait3A_264, %dma_wait3A_274] : memref<2x500xi32, #tpu.memory_space<vmem>> -> memref<1x500xi32, #tpu.memory_space<vmem>>
        %dma_wait3A_276 = tpu.memref_squeeze %dma_wait3A_275 : memref<1x500xi32, #tpu.memory_space<vmem>> -> memref<500xi32, #tpu.memory_space<vmem>>
        %dma_wait3A_277 = arith.constant 0 : i32
        %dma_wait3A_278 = tpu.memref_slice %arg4[%mul3A_2, %dma_wait3A_277] : memref<320x500xi32, #tpu.memory_space<hbm>> -> memref<1x500xi32, #tpu.memory_space<hbm>>
        %dma_wait3A_279 = tpu.memref_squeeze %dma_wait3A_278 : memref<1x500xi32, #tpu.memory_space<hbm>> -> memref<500xi32, #tpu.memory_space<hbm>>
        tpu.wait_dma2 semaphore(%dma_wait3A_273 : memref<!tpu.dma_semaphore, #tpu.memory_space<semaphore_mem>>) src(%dma_wait3A_279 : memref<500xi32, #tpu.memory_space<hbm>>) dst(%dma_wait3A_276 : memref<500xi32, #tpu.memory_space<vmem>>)
        %dma_wait3A_280 = arith.constant 1 : i32
        %dma_wait3A_281 = arith.constant 1 : i32
        %dma_wait3A_282 = arith.constant 0 : i32
        %dma_wait3A_283 = tpu.memref_slice %arg10[%dma_wait3A_280, %dma_wait3A_282] : memref<2x2000xf32, #tpu.memory_space<vmem>> -> memref<1x2000xf32, #tpu.memory_space<vmem>>
        %dma_wait3A_284 = tpu.memref_squeeze %dma_wait3A_283 : memref<1x2000xf32, #tpu.memory_space<vmem>> -> memref<2000xf32, #tpu.memory_space<vmem>>
        %dma_wait3A_285 = arith.constant 0 : i32
        %dma_wait3A_286 = tpu.memref_slice %arg5[%mul3A_2, %dma_wait3A_285] : memref<320x2000xf32, #tpu.memory_space<hbm>> -> memref<1x2000xf32, #tpu.memory_space<hbm>>
        %dma_wait3A_287 = tpu.memref_squeeze %dma_wait3A_286 : memref<1x2000xf32, #tpu.memory_space<hbm>> -> memref<2000xf32, #tpu.memory_space<hbm>>
        %dma_wait3A_288 = tpu.memref_slice %arg14[%dma_wait3A_281] : memref<2x!tpu.dma_semaphore, #tpu.memory_space<semaphore_mem>> -> memref<1x!tpu.dma_semaphore, #tpu.memory_space<semaphore_mem>>
        %dma_wait3A_289 = tpu.memref_squeeze %dma_wait3A_288 : memref<1x!tpu.dma_semaphore, #tpu.memory_space<semaphore_mem>> -> memref<!tpu.dma_semaphore, #tpu.memory_space<semaphore_mem>>
        %dma_wait3A_290 = arith.constant 0 : i32
        %dma_wait3A_291 = tpu.memref_slice %arg10[%dma_wait3A_280, %dma_wait3A_290] : memref<2x2000xf32, #tpu.memory_space<vmem>> -> memref<1x2000xf32, #tpu.memory_space<vmem>>
        %dma_wait3A_292 = tpu.memref_squeeze %dma_wait3A_291 : memref<1x2000xf32, #tpu.memory_space<vmem>> -> memref<2000xf32, #tpu.memory_space<vmem>>
        %dma_wait3A_293 = arith.constant 0 : i32
        %dma_wait3A_294 = tpu.memref_slice %arg5[%mul3A_2, %dma_wait3A_293] : memref<320x2000xf32, #tpu.memory_space<hbm>> -> memref<1x2000xf32, #tpu.memory_space<hbm>>
        %dma_wait3A_295 = tpu.memref_squeeze %dma_wait3A_294 : memref<1x2000xf32, #tpu.memory_space<hbm>> -> memref<2000xf32, #tpu.memory_space<hbm>>
        tpu.wait_dma2 semaphore(%dma_wait3A_289 : memref<!tpu.dma_semaphore, #tpu.memory_space<semaphore_mem>>) src(%dma_wait3A_295 : memref<2000xf32, #tpu.memory_space<hbm>>) dst(%dma_wait3A_292 : memref<2000xf32, #tpu.memory_space<vmem>>)
        %dma_start3A_296 = arith.constant 1 : i32
        %dma_start3A_297 = arith.constant 1 : i32
        %dma_start3A_298 = arith.constant 1 : i32
        %dma_start3A_299 = arith.constant 0 : i32
        %dma_start3A_300 = arith.constant 0 : i32
        %dma_start3A_301 = tpu.memref_slice %arg11[%dma_start3A_297, %dma_start3A_299, %dma_start3A_300] : memref<2x500x80xf32, #tpu.memory_space<vmem>> -> memref<1x500x80xf32, #tpu.memory_space<vmem>>
        %dma_start3A_302 = tpu.memref_squeeze %dma_start3A_301 : memref<1x500x80xf32, #tpu.memory_space<vmem>> -> memref<500x80xf32, #tpu.memory_space<vmem>>
        %dma_start3A_303 = arith.constant 0 : i32
        %dma_start3A_304 = tpu.memref_slice %arg8[%dma_start3A_296, %dma_start3A_303] : memref<2x500xi32, #tpu.memory_space<vmem>> -> memref<1x500xi32, #tpu.memory_space<vmem>>
        %dma_start3A_305 = tpu.memref_squeeze %dma_start3A_304 : memref<1x500xi32, #tpu.memory_space<vmem>> -> memref<500xi32, #tpu.memory_space<vmem>>
        %dma_start3A_306 = arith.constant 0 : i32
        %dma_start3A_307 = arith.constant 0 : i32
        %dma_start3A_308 = tpu.memref_slice %arg2[%dma_start3A_306, %dma_start3A_307] : memref<10000x80xf32, #tpu.memory_space<hbm>> -> memref<10000x80xf32, #tpu.memory_space<hbm>>
        %dma_start3A_309 = tpu.memref_slice %arg15[%dma_start3A_298] : memref<2x!tpu.dma_semaphore, #tpu.memory_space<semaphore_mem>> -> memref<1x!tpu.dma_semaphore, #tpu.memory_space<semaphore_mem>>
        %dma_start3A_310 = tpu.memref_squeeze %dma_start3A_309 : memref<1x!tpu.dma_semaphore, #tpu.memory_space<semaphore_mem>> -> memref<!tpu.dma_semaphore, #tpu.memory_space<semaphore_mem>>
        tpu.enqueue_indirect_dma source(%dma_start3A_308 : memref<10000x80xf32, #tpu.memory_space<hbm>>) target(%dma_start3A_302 : memref<500x80xf32, #tpu.memory_space<vmem>>) offsets(%dma_start3A_305 : memref<500xi32, #tpu.memory_space<vmem>>) semaphore(%dma_start3A_310 : memref<!tpu.dma_semaphore, #tpu.memory_space<semaphore_mem>>)
      } else {
      }
      %parallel_loop3A = arith.constant 0 : i32
      %parallel_loop3A_200 = arith.constant 125 : i32
      %parallel_loop3A_201 = arith.constant 1 : i32
      scf.for %parallel_loop3A_248 = %parallel_loop3A to %parallel_loop3A_200 step %parallel_loop3A_201  : i32 {
        %parallel_loop3A_249 = arith.constant 16 : i32
        %parallel_loop3A_250 = arith.muli %parallel_loop3A_248, %parallel_loop3A_249 : i32
        %parallel_loop3A_251 = arith.constant 0 : i32
        %parallel_loop3A_252 = arith.index_cast %parallel_loop3A_251 : i32 to index
        %parallel_loop3A_253 = arith.index_cast %parallel_loop3A_250 : i32 to index
        %parallel_loop3A_254 = tpu.vector_load %arg10[%parallel_loop3A_252, %parallel_loop3A_253] {strides = array<i32>} : memref<2x2000xf32, #tpu.memory_space<vmem>>, vector<16xf32>,
        %parallel_loop3A_255 = arith.constant 4 : i32
        %parallel_loop3A_256 = arith.muli %parallel_loop3A_248, %parallel_loop3A_255 : i32
        %parallel_loop3A_257 = arith.constant 0 : i32
        %parallel_loop3A_258 = arith.addi %parallel_loop3A_256, %parallel_loop3A_257 : i32
        %parallel_loop3A_259 = arith.constant 0 : i32
        %parallel_loop3A_260 = arith.index_cast %parallel_loop3A_259 : i32 to index
        %parallel_loop3A_261 = arith.index_cast %parallel_loop3A_258 : i32 to index
        %parallel_loop3A_262 = arith.constant 64 : index
        %parallel_loop3A_263 = tpu.vector_load %arg11[%parallel_loop3A_260, %parallel_loop3A_261, %parallel_loop3A_262] {strides = array<i32>} : memref<2x500x80xf32, #tpu.memory_space<vmem>>, vector<16xf32>,
        %parallel_loop3A_264 = vector.extract_strided_slice %parallel_loop3A_254 {offsets = [0], sizes = [1], strides = [1]} : vector<16xf32> to vector<1xf32>
        %parallel_loop3A_265 = vector.extract %parallel_loop3A_264[0] : f32 from vector<1xf32>
        %parallel_loop3A_266 = arith.constant 0 : i32
        %parallel_loop3A_267 = arith.index_cast %parallel_loop3A_266 : i32 to index
        %parallel_loop3A_268 = arith.index_cast %parallel_loop3A_258 : i32 to index
        %parallel_loop3A_269 = arith.constant 0 : index
        %parallel_loop3A_270 = tpu.vector_load %arg11[%parallel_loop3A_267, %parallel_loop3A_268, %parallel_loop3A_269] {strides = array<i32>} : memref<2x500x80xf32, #tpu.memory_space<vmem>>, vector<16xf32>,
        %parallel_loop3A_271 = vector.broadcast %parallel_loop3A_265 : f32 to vector<16xf32>
        %parallel_loop3A_272 = arith.mulf %parallel_loop3A_271, %parallel_loop3A_270 : vector<16xf32>
        %parallel_loop3A_273 = arith.addf %parallel_loop3A_263, %parallel_loop3A_272 : vector<16xf32>
        %parallel_loop3A_274 = vector.extract_strided_slice %parallel_loop3A_254 {offsets = [1], sizes = [1], strides = [1]} : vector<16xf32> to vector<1xf32>
        %parallel_loop3A_275 = vector.extract %parallel_loop3A_274[0] : f32 from vector<1xf32>
        %parallel_loop3A_276 = arith.constant 0 : i32
        %parallel_loop3A_277 = arith.index_cast %parallel_loop3A_276 : i32 to index
        %parallel_loop3A_278 = arith.index_cast %parallel_loop3A_258 : i32 to index
        %parallel_loop3A_279 = arith.constant 16 : index
        %parallel_loop3A_280 = tpu.vector_load %arg11[%parallel_loop3A_277, %parallel_loop3A_278, %parallel_loop3A_279] {strides = array<i32>} : memref<2x500x80xf32, #tpu.memory_space<vmem>>, vector<16xf32>,
        %parallel_loop3A_281 = vector.broadcast %parallel_loop3A_275 : f32 to vector<16xf32>
        %parallel_loop3A_282 = arith.mulf %parallel_loop3A_281, %parallel_loop3A_280 : vector<16xf32>
        %parallel_loop3A_283 = arith.addf %parallel_loop3A_273, %parallel_loop3A_282 : vector<16xf32>
        %parallel_loop3A_284 = vector.extract_strided_slice %parallel_loop3A_254 {offsets = [2], sizes = [1], strides = [1]} : vector<16xf32> to vector<1xf32>
        %parallel_loop3A_285 = vector.extract %parallel_loop3A_284[0] : f32 from vector<1xf32>
        %parallel_loop3A_286 = arith.constant 0 : i32
        %parallel_loop3A_287 = arith.index_cast %parallel_loop3A_286 : i32 to index
        %parallel_loop3A_288 = arith.index_cast %parallel_loop3A_258 : i32 to index
        %parallel_loop3A_289 = arith.constant 32 : index
        %parallel_loop3A_290 = tpu.vector_load %arg11[%parallel_loop3A_287, %parallel_loop3A_288, %parallel_loop3A_289] {strides = array<i32>} : memref<2x500x80xf32, #tpu.memory_space<vmem>>, vector<16xf32>,
        %parallel_loop3A_291 = vector.broadcast %parallel_loop3A_285 : f32 to vector<16xf32>
        %parallel_loop3A_292 = arith.mulf %parallel_loop3A_291, %parallel_loop3A_290 : vector<16xf32>
        %parallel_loop3A_293 = arith.addf %parallel_loop3A_283, %parallel_loop3A_292 : vector<16xf32>
        %parallel_loop3A_294 = vector.extract_strided_slice %parallel_loop3A_254 {offsets = [3], sizes = [1], strides = [1]} : vector<16xf32> to vector<1xf32>
        %parallel_loop3A_295 = vector.extract %parallel_loop3A_294[0] : f32 from vector<1xf32>
        %parallel_loop3A_296 = arith.constant 0 : i32
        %parallel_loop3A_297 = arith.index_cast %parallel_loop3A_296 : i32 to index
        %parallel_loop3A_298 = arith.index_cast %parallel_loop3A_258 : i32 to index
        %parallel_loop3A_299 = arith.constant 48 : index
        %parallel_loop3A_300 = tpu.vector_load %arg11[%parallel_loop3A_297, %parallel_loop3A_298, %parallel_loop3A_299] {strides = array<i32>} : memref<2x500x80xf32, #tpu.memory_space<vmem>>, vector<16xf32>,
        %parallel_loop3A_301 = vector.broadcast %parallel_loop3A_295 : f32 to vector<16xf32>
        %parallel_loop3A_302 = arith.mulf %parallel_loop3A_301, %parallel_loop3A_300 : vector<16xf32>
        %parallel_loop3A_303 = arith.addf %parallel_loop3A_293, %parallel_loop3A_302 : vector<16xf32>
        %parallel_loop3A_304 = arith.constant 0 : i32
        %parallel_loop3A_305 = arith.index_cast %parallel_loop3A_304 : i32 to index
        %parallel_loop3A_306 = arith.index_cast %parallel_loop3A_258 : i32 to index
        %parallel_loop3A_307 = arith.constant 0 : index
        %parallel_loop3A_308 = tpu.vector_load %arg12[%parallel_loop3A_305, %parallel_loop3A_306, %parallel_loop3A_307] {strides = array<i32>} : memref<2x500x16xf32, #tpu.memory_space<vmem>>, vector<16xf32>,
        tpu.vector_store %arg12[%parallel_loop3A_305, %parallel_loop3A_306, %parallel_loop3A_307], %parallel_loop3A_303 {strides = array<i32>} : memref<2x500x16xf32, #tpu.memory_space<vmem>>, vector<16xf32>,
        %parallel_loop3A_309 = arith.constant 4 : i32
        %parallel_loop3A_310 = arith.muli %parallel_loop3A_248, %parallel_loop3A_309 : i32
        %parallel_loop3A_311 = arith.constant 1 : i32
        %parallel_loop3A_312 = arith.addi %parallel_loop3A_310, %parallel_loop3A_311 : i32
        %parallel_loop3A_313 = arith.constant 0 : i32
        %parallel_loop3A_314 = arith.index_cast %parallel_loop3A_313 : i32 to index
        %parallel_loop3A_315 = arith.index_cast %parallel_loop3A_312 : i32 to index
        %parallel_loop3A_316 = arith.constant 64 : index
        %parallel_loop3A_317 = tpu.vector_load %arg11[%parallel_loop3A_314, %parallel_loop3A_315, %parallel_loop3A_316] {strides = array<i32>} : memref<2x500x80xf32, #tpu.memory_space<vmem>>, vector<16xf32>,
        %parallel_loop3A_318 = vector.extract_strided_slice %parallel_loop3A_254 {offsets = [4], sizes = [1], strides = [1]} : vector<16xf32> to vector<1xf32>
        %parallel_loop3A_319 = vector.extract %parallel_loop3A_318[0] : f32 from vector<1xf32>
        %parallel_loop3A_320 = arith.constant 0 : i32
        %parallel_loop3A_321 = arith.index_cast %parallel_loop3A_320 : i32 to index
        %parallel_loop3A_322 = arith.index_cast %parallel_loop3A_312 : i32 to index
        %parallel_loop3A_323 = arith.constant 0 : index
        %parallel_loop3A_324 = tpu.vector_load %arg11[%parallel_loop3A_321, %parallel_loop3A_322, %parallel_loop3A_323] {strides = array<i32>} : memref<2x500x80xf32, #tpu.memory_space<vmem>>, vector<16xf32>,
        %parallel_loop3A_325 = vector.broadcast %parallel_loop3A_319 : f32 to vector<16xf32>
        %parallel_loop3A_326 = arith.mulf %parallel_loop3A_325, %parallel_loop3A_324 : vector<16xf32>
        %parallel_loop3A_327 = arith.addf %parallel_loop3A_317, %parallel_loop3A_326 : vector<16xf32>
        %parallel_loop3A_328 = vector.extract_strided_slice %parallel_loop3A_254 {offsets = [5], sizes = [1], strides = [1]} : vector<16xf32> to vector<1xf32>
        %parallel_loop3A_329 = vector.extract %parallel_loop3A_328[0] : f32 from vector<1xf32>
        %parallel_loop3A_330 = arith.constant 0 : i32
        %parallel_loop3A_331 = arith.index_cast %parallel_loop3A_330 : i32 to index
        %parallel_loop3A_332 = arith.index_cast %parallel_loop3A_312 : i32 to index
        %parallel_loop3A_333 = arith.constant 16 : index
        %parallel_loop3A_334 = tpu.vector_load %arg11[%parallel_loop3A_331, %parallel_loop3A_332, %parallel_loop3A_333] {strides = array<i32>} : memref<2x500x80xf32, #tpu.memory_space<vmem>>, vector<16xf32>,
        %parallel_loop3A_335 = vector.broadcast %parallel_loop3A_329 : f32 to vector<16xf32>
        %parallel_loop3A_336 = arith.mulf %parallel_loop3A_335, %parallel_loop3A_334 : vector<16xf32>
        %parallel_loop3A_337 = arith.addf %parallel_loop3A_327, %parallel_loop3A_336 : vector<16xf32>
        %parallel_loop3A_338 = vector.extract_strided_slice %parallel_loop3A_254 {offsets = [6], sizes = [1], strides = [1]} : vector<16xf32> to vector<1xf32>
        %parallel_loop3A_339 = vector.extract %parallel_loop3A_338[0] : f32 from vector<1xf32>
        %parallel_loop3A_340 = arith.constant 0 : i32
        %parallel_loop3A_341 = arith.index_cast %parallel_loop3A_340 : i32 to index
        %parallel_loop3A_342 = arith.index_cast %parallel_loop3A_312 : i32 to index
        %parallel_loop3A_343 = arith.constant 32 : index
        %parallel_loop3A_344 = tpu.vector_load %arg11[%parallel_loop3A_341, %parallel_loop3A_342, %parallel_loop3A_343] {strides = array<i32>} : memref<2x500x80xf32, #tpu.memory_space<vmem>>, vector<16xf32>,
        %parallel_loop3A_345 = vector.broadcast %parallel_loop3A_339 : f32 to vector<16xf32>
        %parallel_loop3A_346 = arith.mulf %parallel_loop3A_345, %parallel_loop3A_344 : vector<16xf32>
        %parallel_loop3A_347 = arith.addf %parallel_loop3A_337, %parallel_loop3A_346 : vector<16xf32>
        %parallel_loop3A_348 = vector.extract_strided_slice %parallel_loop3A_254 {offsets = [7], sizes = [1], strides = [1]} : vector<16xf32> to vector<1xf32>
        %parallel_loop3A_349 = vector.extract %parallel_loop3A_348[0] : f32 from vector<1xf32>
        %parallel_loop3A_350 = arith.constant 0 : i32
        %parallel_loop3A_351 = arith.index_cast %parallel_loop3A_350 : i32 to index
        %parallel_loop3A_352 = arith.index_cast %parallel_loop3A_312 : i32 to index
        %parallel_loop3A_353 = arith.constant 48 : index
        %parallel_loop3A_354 = tpu.vector_load %arg11[%parallel_loop3A_351, %parallel_loop3A_352, %parallel_loop3A_353] {strides = array<i32>} : memref<2x500x80xf32, #tpu.memory_space<vmem>>, vector<16xf32>,
        %parallel_loop3A_355 = vector.broadcast %parallel_loop3A_349 : f32 to vector<16xf32>
        %parallel_loop3A_356 = arith.mulf %parallel_loop3A_355, %parallel_loop3A_354 : vector<16xf32>
        %parallel_loop3A_357 = arith.addf %parallel_loop3A_347, %parallel_loop3A_356 : vector<16xf32>
        %parallel_loop3A_358 = arith.constant 0 : i32
        %parallel_loop3A_359 = arith.index_cast %parallel_loop3A_358 : i32 to index
        %parallel_loop3A_360 = arith.index_cast %parallel_loop3A_312 : i32 to index
        %parallel_loop3A_361 = arith.constant 0 : index
        %parallel_loop3A_362 = tpu.vector_load %arg12[%parallel_loop3A_359, %parallel_loop3A_360, %parallel_loop3A_361] {strides = array<i32>} : memref<2x500x16xf32, #tpu.memory_space<vmem>>, vector<16xf32>,
        tpu.vector_store %arg12[%parallel_loop3A_359, %parallel_loop3A_360, %parallel_loop3A_361], %parallel_loop3A_357 {strides = array<i32>} : memref<2x500x16xf32, #tpu.memory_space<vmem>>, vector<16xf32>,
        %parallel_loop3A_363 = arith.constant 4 : i32
        %parallel_loop3A_364 = arith.muli %parallel_loop3A_248, %parallel_loop3A_363 : i32
        %parallel_loop3A_365 = arith.constant 2 : i32
        %parallel_loop3A_366 = arith.addi %parallel_loop3A_364, %parallel_loop3A_365 : i32
        %parallel_loop3A_367 = arith.constant 0 : i32
        %parallel_loop3A_368 = arith.index_cast %parallel_loop3A_367 : i32 to index
        %parallel_loop3A_369 = arith.index_cast %parallel_loop3A_366 : i32 to index
        %parallel_loop3A_370 = arith.constant 64 : index
        %parallel_loop3A_371 = tpu.vector_load %arg11[%parallel_loop3A_368, %parallel_loop3A_369, %parallel_loop3A_370] {strides = array<i32>} : memref<2x500x80xf32, #tpu.memory_space<vmem>>, vector<16xf32>,
        %parallel_loop3A_372 = vector.extract_strided_slice %parallel_loop3A_254 {offsets = [8], sizes = [1], strides = [1]} : vector<16xf32> to vector<1xf32>
        %parallel_loop3A_373 = vector.extract %parallel_loop3A_372[0] : f32 from vector<1xf32>
        %parallel_loop3A_374 = arith.constant 0 : i32
        %parallel_loop3A_375 = arith.index_cast %parallel_loop3A_374 : i32 to index
        %parallel_loop3A_376 = arith.index_cast %parallel_loop3A_366 : i32 to index
        %parallel_loop3A_377 = arith.constant 0 : index
        %parallel_loop3A_378 = tpu.vector_load %arg11[%parallel_loop3A_375, %parallel_loop3A_376, %parallel_loop3A_377] {strides = array<i32>} : memref<2x500x80xf32, #tpu.memory_space<vmem>>, vector<16xf32>,
        %parallel_loop3A_379 = vector.broadcast %parallel_loop3A_373 : f32 to vector<16xf32>
        %parallel_loop3A_380 = arith.mulf %parallel_loop3A_379, %parallel_loop3A_378 : vector<16xf32>
        %parallel_loop3A_381 = arith.addf %parallel_loop3A_371, %parallel_loop3A_380 : vector<16xf32>
        %parallel_loop3A_382 = vector.extract_strided_slice %parallel_loop3A_254 {offsets = [9], sizes = [1], strides = [1]} : vector<16xf32> to vector<1xf32>
        %parallel_loop3A_383 = vector.extract %parallel_loop3A_382[0] : f32 from vector<1xf32>
        %parallel_loop3A_384 = arith.constant 0 : i32
        %parallel_loop3A_385 = arith.index_cast %parallel_loop3A_384 : i32 to index
        %parallel_loop3A_386 = arith.index_cast %parallel_loop3A_366 : i32 to index
        %parallel_loop3A_387 = arith.constant 16 : index
        %parallel_loop3A_388 = tpu.vector_load %arg11[%parallel_loop3A_385, %parallel_loop3A_386, %parallel_loop3A_387] {strides = array<i32>} : memref<2x500x80xf32, #tpu.memory_space<vmem>>, vector<16xf32>,
        %parallel_loop3A_389 = vector.broadcast %parallel_loop3A_383 : f32 to vector<16xf32>
        %parallel_loop3A_390 = arith.mulf %parallel_loop3A_389, %parallel_loop3A_388 : vector<16xf32>
        %parallel_loop3A_391 = arith.addf %parallel_loop3A_381, %parallel_loop3A_390 : vector<16xf32>
        %parallel_loop3A_392 = vector.extract_strided_slice %parallel_loop3A_254 {offsets = [10], sizes = [1], strides = [1]} : vector<16xf32> to vector<1xf32>
        %parallel_loop3A_393 = vector.extract %parallel_loop3A_392[0] : f32 from vector<1xf32>
        %parallel_loop3A_394 = arith.constant 0 : i32
        %parallel_loop3A_395 = arith.index_cast %parallel_loop3A_394 : i32 to index
        %parallel_loop3A_396 = arith.index_cast %parallel_loop3A_366 : i32 to index
        %parallel_loop3A_397 = arith.constant 32 : index
        %parallel_loop3A_398 = tpu.vector_load %arg11[%parallel_loop3A_395, %parallel_loop3A_396, %parallel_loop3A_397] {strides = array<i32>} : memref<2x500x80xf32, #tpu.memory_space<vmem>>, vector<16xf32>,
        %parallel_loop3A_399 = vector.broadcast %parallel_loop3A_393 : f32 to vector<16xf32>
        %parallel_loop3A_400 = arith.mulf %parallel_loop3A_399, %parallel_loop3A_398 : vector<16xf32>
        %parallel_loop3A_401 = arith.addf %parallel_loop3A_391, %parallel_loop3A_400 : vector<16xf32>
        %parallel_loop3A_402 = vector.extract_strided_slice %parallel_loop3A_254 {offsets = [11], sizes = [1], strides = [1]} : vector<16xf32> to vector<1xf32>
        %parallel_loop3A_403 = vector.extract %parallel_loop3A_402[0] : f32 from vector<1xf32>
        %parallel_loop3A_404 = arith.constant 0 : i32
        %parallel_loop3A_405 = arith.index_cast %parallel_loop3A_404 : i32 to index
        %parallel_loop3A_406 = arith.index_cast %parallel_loop3A_366 : i32 to index
        %parallel_loop3A_407 = arith.constant 48 : index
        %parallel_loop3A_408 = tpu.vector_load %arg11[%parallel_loop3A_405, %parallel_loop3A_406, %parallel_loop3A_407] {strides = array<i32>} : memref<2x500x80xf32, #tpu.memory_space<vmem>>, vector<16xf32>,
        %parallel_loop3A_409 = vector.broadcast %parallel_loop3A_403 : f32 to vector<16xf32>
        %parallel_loop3A_410 = arith.mulf %parallel_loop3A_409, %parallel_loop3A_408 : vector<16xf32>
        %parallel_loop3A_411 = arith.addf %parallel_loop3A_401, %parallel_loop3A_410 : vector<16xf32>
        %parallel_loop3A_412 = arith.constant 0 : i32
        %parallel_loop3A_413 = arith.index_cast %parallel_loop3A_412 : i32 to index
        %parallel_loop3A_414 = arith.index_cast %parallel_loop3A_366 : i32 to index
        %parallel_loop3A_415 = arith.constant 0 : index
        %parallel_loop3A_416 = tpu.vector_load %arg12[%parallel_loop3A_413, %parallel_loop3A_414, %parallel_loop3A_415] {strides = array<i32>} : memref<2x500x16xf32, #tpu.memory_space<vmem>>, vector<16xf32>,
        tpu.vector_store %arg12[%parallel_loop3A_413, %parallel_loop3A_414, %parallel_loop3A_415], %parallel_loop3A_411 {strides = array<i32>} : memref<2x500x16xf32, #tpu.memory_space<vmem>>, vector<16xf32>,
        %parallel_loop3A_417 = arith.constant 4 : i32
        %parallel_loop3A_418 = arith.muli %parallel_loop3A_248, %parallel_loop3A_417 : i32
        %parallel_loop3A_419 = arith.constant 3 : i32
        %parallel_loop3A_420 = arith.addi %parallel_loop3A_418, %parallel_loop3A_419 : i32
        %parallel_loop3A_421 = arith.constant 0 : i32
        %parallel_loop3A_422 = arith.index_cast %parallel_loop3A_421 : i32 to index
        %parallel_loop3A_423 = arith.index_cast %parallel_loop3A_420 : i32 to index
        %parallel_loop3A_424 = arith.constant 64 : index
        %parallel_loop3A_425 = tpu.vector_load %arg11[%parallel_loop3A_422, %parallel_loop3A_423, %parallel_loop3A_424] {strides = array<i32>} : memref<2x500x80xf32, #tpu.memory_space<vmem>>, vector<16xf32>,
        %parallel_loop3A_426 = vector.extract_strided_slice %parallel_loop3A_254 {offsets = [12], sizes = [1], strides = [1]} : vector<16xf32> to vector<1xf32>
        %parallel_loop3A_427 = vector.extract %parallel_loop3A_426[0] : f32 from vector<1xf32>
        %parallel_loop3A_428 = arith.constant 0 : i32
        %parallel_loop3A_429 = arith.index_cast %parallel_loop3A_428 : i32 to index
        %parallel_loop3A_430 = arith.index_cast %parallel_loop3A_420 : i32 to index
        %parallel_loop3A_431 = arith.constant 0 : index
        %parallel_loop3A_432 = tpu.vector_load %arg11[%parallel_loop3A_429, %parallel_loop3A_430, %parallel_loop3A_431] {strides = array<i32>} : memref<2x500x80xf32, #tpu.memory_space<vmem>>, vector<16xf32>,
        %parallel_loop3A_433 = vector.broadcast %parallel_loop3A_427 : f32 to vector<16xf32>
        %parallel_loop3A_434 = arith.mulf %parallel_loop3A_433, %parallel_loop3A_432 : vector<16xf32>
        %parallel_loop3A_435 = arith.addf %parallel_loop3A_425, %parallel_loop3A_434 : vector<16xf32>
        %parallel_loop3A_436 = vector.extract_strided_slice %parallel_loop3A_254 {offsets = [13], sizes = [1], strides = [1]} : vector<16xf32> to vector<1xf32>
        %parallel_loop3A_437 = vector.extract %parallel_loop3A_436[0] : f32 from vector<1xf32>
        %parallel_loop3A_438 = arith.constant 0 : i32
        %parallel_loop3A_439 = arith.index_cast %parallel_loop3A_438 : i32 to index
        %parallel_loop3A_440 = arith.index_cast %parallel_loop3A_420 : i32 to index
        %parallel_loop3A_441 = arith.constant 16 : index
        %parallel_loop3A_442 = tpu.vector_load %arg11[%parallel_loop3A_439, %parallel_loop3A_440, %parallel_loop3A_441] {strides = array<i32>} : memref<2x500x80xf32, #tpu.memory_space<vmem>>, vector<16xf32>,
        %parallel_loop3A_443 = vector.broadcast %parallel_loop3A_437 : f32 to vector<16xf32>
        %parallel_loop3A_444 = arith.mulf %parallel_loop3A_443, %parallel_loop3A_442 : vector<16xf32>
        %parallel_loop3A_445 = arith.addf %parallel_loop3A_435, %parallel_loop3A_444 : vector<16xf32>
        %parallel_loop3A_446 = vector.extract_strided_slice %parallel_loop3A_254 {offsets = [14], sizes = [1], strides = [1]} : vector<16xf32> to vector<1xf32>
        %parallel_loop3A_447 = vector.extract %parallel_loop3A_446[0] : f32 from vector<1xf32>
        %parallel_loop3A_448 = arith.constant 0 : i32
        %parallel_loop3A_449 = arith.index_cast %parallel_loop3A_448 : i32 to index
        %parallel_loop3A_450 = arith.index_cast %parallel_loop3A_420 : i32 to index
        %parallel_loop3A_451 = arith.constant 32 : index
        %parallel_loop3A_452 = tpu.vector_load %arg11[%parallel_loop3A_449, %parallel_loop3A_450, %parallel_loop3A_451] {strides = array<i32>} : memref<2x500x80xf32, #tpu.memory_space<vmem>>, vector<16xf32>,
        %parallel_loop3A_453 = vector.broadcast %parallel_loop3A_447 : f32 to vector<16xf32>
        %parallel_loop3A_454 = arith.mulf %parallel_loop3A_453, %parallel_loop3A_452 : vector<16xf32>
        %parallel_loop3A_455 = arith.addf %parallel_loop3A_445, %parallel_loop3A_454 : vector<16xf32>
        %parallel_loop3A_456 = vector.extract_strided_slice %parallel_loop3A_254 {offsets = [15], sizes = [1], strides = [1]} : vector<16xf32> to vector<1xf32>
        %parallel_loop3A_457 = vector.extract %parallel_loop3A_456[0] : f32 from vector<1xf32>
        %parallel_loop3A_458 = arith.constant 0 : i32
        %parallel_loop3A_459 = arith.index_cast %parallel_loop3A_458 : i32 to index
        %parallel_loop3A_460 = arith.index_cast %parallel_loop3A_420 : i32 to index
        %parallel_loop3A_461 = arith.constant 48 : index
        %parallel_loop3A_462 = tpu.vector_load %arg11[%parallel_loop3A_459, %parallel_loop3A_460, %parallel_loop3A_461] {strides = array<i32>} : memref<2x500x80xf32, #tpu.memory_space<vmem>>, vector<16xf32>,
        %parallel_loop3A_463 = vector.broadcast %parallel_loop3A_457 : f32 to vector<16xf32>
        %parallel_loop3A_464 = arith.mulf %parallel_loop3A_463, %parallel_loop3A_462 : vector<16xf32>
        %parallel_loop3A_465 = arith.addf %parallel_loop3A_455, %parallel_loop3A_464 : vector<16xf32>
        %parallel_loop3A_466 = arith.constant 0 : i32
        %parallel_loop3A_467 = arith.index_cast %parallel_loop3A_466 : i32 to index
        %parallel_loop3A_468 = arith.index_cast %parallel_loop3A_420 : i32 to index
        %parallel_loop3A_469 = arith.constant 0 : index
        %parallel_loop3A_470 = tpu.vector_load %arg12[%parallel_loop3A_467, %parallel_loop3A_468, %parallel_loop3A_469] {strides = array<i32>} : memref<2x500x16xf32, #tpu.memory_space<vmem>>, vector<16xf32>,
        tpu.vector_store %arg12[%parallel_loop3A_467, %parallel_loop3A_468, %parallel_loop3A_469], %parallel_loop3A_465 {strides = array<i32>} : memref<2x500x16xf32, #tpu.memory_space<vmem>>, vector<16xf32>,
      } {sc.loop_unroll_factor = 4 : i64, sc.parallel_access}
      %run_scoped3A = arith.constant 0 : i32
      %run_scoped3A_202 = arith.constant 0 : i32
      "tpu.region"() ({
        %run_scoped3A_248 = tpu.sem_alloc : memref<!tpu.dma_semaphore, #tpu.memory_space<semaphore_mem>>
        %dma_start3A_249 = arith.constant 0 : i32
        %dma_start3A_250 = arith.constant 0 : i32
        %dma_start3A_251 = tpu.memref_slice %arg12[%run_scoped3A, %dma_start3A_249, %dma_start3A_250] : memref<2x500x16xf32, #tpu.memory_space<vmem>> -> memref<1x500x16xf32, #tpu.memory_space<vmem>>
        %dma_start3A_252 = tpu.memref_squeeze %dma_start3A_251 : memref<1x500x16xf32, #tpu.memory_space<vmem>> -> memref<500x16xf32, #tpu.memory_space<vmem>>
        %dma_start3A_253 = arith.constant 0 : i32
        %dma_start3A_254 = tpu.memref_slice %arg9[%run_scoped3A_202, %dma_start3A_253] : memref<2x500xi32, #tpu.memory_space<vmem>> -> memref<1x500xi32, #tpu.memory_space<vmem>>
        %dma_start3A_255 = tpu.memref_squeeze %dma_start3A_254 : memref<1x500xi32, #tpu.memory_space<vmem>> -> memref<500xi32, #tpu.memory_space<vmem>>
        %dma_start3A_256 = arith.constant 0 : i32
        %dma_start3A_257 = arith.constant 0 : i32
        %dma_start3A_258 = tpu.memref_slice %arg13[%dma_start3A_256, %dma_start3A_257] : memref<10112x16xf32, #tpu.memory_space<vmem_shared>> -> memref<10112x16xf32, #tpu.memory_space<vmem_shared>>
        tpu.enqueue_indirect_dma source(%dma_start3A_252 : memref<500x16xf32, #tpu.memory_space<vmem>>) target(%dma_start3A_258 : memref<10112x16xf32, #tpu.memory_space<vmem_shared>>) offsets(%dma_start3A_255 : memref<500xi32, #tpu.memory_space<vmem>>) semaphore(%run_scoped3A_248 : memref<!tpu.dma_semaphore, #tpu.memory_space<semaphore_mem>>) {add = true}
        %dma_wait3A_259 = arith.constant 0 : i32
        %dma_wait3A_260 = arith.constant 0 : i32
        %dma_wait3A_261 = tpu.memref_slice %arg12[%run_scoped3A, %dma_wait3A_259, %dma_wait3A_260] : memref<2x500x16xf32, #tpu.memory_space<vmem>> -> memref<1x500x16xf32, #tpu.memory_space<vmem>>
        %dma_wait3A_262 = tpu.memref_squeeze %dma_wait3A_261 : memref<1x500x16xf32, #tpu.memory_space<vmem>> -> memref<500x16xf32, #tpu.memory_space<vmem>>
        %dma_wait3A_263 = arith.constant 0 : i32
        %dma_wait3A_264 = tpu.memref_slice %arg9[%run_scoped3A_202, %dma_wait3A_263] : memref<2x500xi32, #tpu.memory_space<vmem>> -> memref<1x500xi32, #tpu.memory_space<vmem>>
        %dma_wait3A_265 = tpu.memref_squeeze %dma_wait3A_264 : memref<1x500xi32, #tpu.memory_space<vmem>> -> memref<500xi32, #tpu.memory_space<vmem>>
        %dma_wait3A_266 = arith.constant 0 : i32
        %dma_wait3A_267 = arith.constant 0 : i32
        %dma_wait3A_268 = tpu.memref_slice %arg13[%dma_wait3A_266, %dma_wait3A_267] : memref<10112x16xf32, #tpu.memory_space<vmem_shared>> -> memref<10112x16xf32, #tpu.memory_space<vmem_shared>>
        tpu.wait_indirect_dma semaphore(%run_scoped3A_248 : memref<!tpu.dma_semaphore, #tpu.memory_space<semaphore_mem>>) src(%dma_wait3A_262 : memref<500x16xf32, #tpu.memory_space<vmem>>) dst(%dma_wait3A_268 : memref<10112x16xf32, #tpu.memory_space<vmem_shared>>)
        tpu.yield
      }) : () -> ()
      %add3A_203 = arith.constant 2 : i32
      %add3A_204 = arith.addi %add3A_180, %add3A_203 : i32
      %lt3A_205 = arith.constant 10 : i32
      %lt3A_206 = arith.cmpi slt, %add3A_204, %lt3A_205 : i32
      %convert_element_type3A_207 = arith.extui %lt3A_206 : i1 to i32
      %cond3A_208 = arith.constant 0 : i32
      %cond3A_209 = arith.cmpi ne, %convert_element_type3A_207, %cond3A_208 : i32
      scf.if %cond3A_209 {
        %add3A_248 = arith.constant 2 : i32
        %add3A_249 = arith.addi %add3A_180, %add3A_248 : i32
        %add3A_250 = arith.addi %mul3A_2, %add3A_249 : i32
        %dma_start3A_251 = arith.constant 0 : i32
        %dma_start3A_252 = arith.constant 0 : i32
        %dma_start3A_253 = arith.constant 0 : i32
        %dma_start3A_254 = tpu.memref_slice %arg8[%dma_start3A_251, %dma_start3A_253] : memref<2x500xi32, #tpu.memory_space<vmem>> -> memref<1x500xi32, #tpu.memory_space<vmem>>
        %dma_start3A_255 = tpu.memref_squeeze %dma_start3A_254 : memref<1x500xi32, #tpu.memory_space<vmem>> -> memref<500xi32, #tpu.memory_space<vmem>>
        %dma_start3A_256 = arith.constant 0 : i32
        %dma_start3A_257 = tpu.memref_slice %arg3[%add3A_250, %dma_start3A_256] : memref<320x500xi32, #tpu.memory_space<hbm>> -> memref<1x500xi32, #tpu.memory_space<hbm>>
        %dma_start3A_258 = tpu.memref_squeeze %dma_start3A_257 : memref<1x500xi32, #tpu.memory_space<hbm>> -> memref<500xi32, #tpu.memory_space<hbm>>
        %dma_start3A_259 = tpu.memref_slice %arg14[%dma_start3A_252] : memref<2x!tpu.dma_semaphore, #tpu.memory_space<semaphore_mem>> -> memref<1x!tpu.dma_semaphore, #tpu.memory_space<semaphore_mem>>
        %dma_start3A_260 = tpu.memref_squeeze %dma_start3A_259 : memref<1x!tpu.dma_semaphore, #tpu.memory_space<semaphore_mem>> -> memref<!tpu.dma_semaphore, #tpu.memory_space<semaphore_mem>>
        %dma_start3A_261 = arith.constant 0 : i32
        %dma_start3A_262 = tpu.memref_slice %arg8[%dma_start3A_251, %dma_start3A_261] : memref<2x500xi32, #tpu.memory_space<vmem>> -> memref<1x500xi32, #tpu.memory_space<vmem>>
        %dma_start3A_263 = tpu.memref_squeeze %dma_start3A_262 : memref<1x500xi32, #tpu.memory_space<vmem>> -> memref<500xi32, #tpu.memory_space<vmem>>
        %dma_start3A_264 = arith.constant 0 : i32
        %dma_start3A_265 = tpu.memref_slice %arg3[%add3A_250, %dma_start3A_264] : memref<320x500xi32, #tpu.memory_space<hbm>> -> memref<1x500xi32, #tpu.memory_space<hbm>>
        %dma_start3A_266 = tpu.memref_squeeze %dma_start3A_265 : memref<1x500xi32, #tpu.memory_space<hbm>> -> memref<500xi32, #tpu.memory_space<hbm>>
        tpu.enqueue_dma source(%dma_start3A_266 : memref<500xi32, #tpu.memory_space<hbm>>) target(%dma_start3A_263 : memref<500xi32, #tpu.memory_space<vmem>>) target_semaphore(%dma_start3A_260 : memref<!tpu.dma_semaphore, #tpu.memory_space<semaphore_mem>>)
        %dma_start3A_267 = arith.constant 0 : i32
        %dma_start3A_268 = arith.constant 0 : i32
        %dma_start3A_269 = arith.constant 0 : i32
        %dma_start3A_270 = tpu.memref_slice %arg9[%dma_start3A_267, %dma_start3A_269] : memref<2x500xi32, #tpu.memory_space<vmem>> -> memref<1x500xi32, #tpu.memory_space<vmem>>
        %dma_start3A_271 = tpu.memref_squeeze %dma_start3A_270 : memref<1x500xi32, #tpu.memory_space<vmem>> -> memref<500xi32, #tpu.memory_space<vmem>>
        %dma_start3A_272 = arith.constant 0 : i32
        %dma_start3A_273 = tpu.memref_slice %arg4[%add3A_250, %dma_start3A_272] : memref<320x500xi32, #tpu.memory_space<hbm>> -> memref<1x500xi32, #tpu.memory_space<hbm>>
        %dma_start3A_274 = tpu.memref_squeeze %dma_start3A_273 : memref<1x500xi32, #tpu.memory_space<hbm>> -> memref<500xi32, #tpu.memory_space<hbm>>
        %dma_start3A_275 = tpu.memref_slice %arg14[%dma_start3A_268] : memref<2x!tpu.dma_semaphore, #tpu.memory_space<semaphore_mem>> -> memref<1x!tpu.dma_semaphore, #tpu.memory_space<semaphore_mem>>
        %dma_start3A_276 = tpu.memref_squeeze %dma_start3A_275 : memref<1x!tpu.dma_semaphore, #tpu.memory_space<semaphore_mem>> -> memref<!tpu.dma_semaphore, #tpu.memory_space<semaphore_mem>>
        %dma_start3A_277 = arith.constant 0 : i32
        %dma_start3A_278 = tpu.memref_slice %arg9[%dma_start3A_267, %dma_start3A_277] : memref<2x500xi32, #tpu.memory_space<vmem>> -> memref<1x500xi32, #tpu.memory_space<vmem>>
        %dma_start3A_279 = tpu.memref_squeeze %dma_start3A_278 : memref<1x500xi32, #tpu.memory_space<vmem>> -> memref<500xi32, #tpu.memory_space<vmem>>
        %dma_start3A_280 = arith.constant 0 : i32
        %dma_start3A_281 = tpu.memref_slice %arg4[%add3A_250, %dma_start3A_280] : memref<320x500xi32, #tpu.memory_space<hbm>> -> memref<1x500xi32, #tpu.memory_space<hbm>>
        %dma_start3A_282 = tpu.memref_squeeze %dma_start3A_281 : memref<1x500xi32, #tpu.memory_space<hbm>> -> memref<500xi32, #tpu.memory_space<hbm>>
        tpu.enqueue_dma source(%dma_start3A_282 : memref<500xi32, #tpu.memory_space<hbm>>) target(%dma_start3A_279 : memref<500xi32, #tpu.memory_space<vmem>>) target_semaphore(%dma_start3A_276 : memref<!tpu.dma_semaphore, #tpu.memory_space<semaphore_mem>>)
        %dma_start3A_283 = arith.constant 0 : i32
        %dma_start3A_284 = arith.constant 0 : i32
        %dma_start3A_285 = arith.constant 0 : i32
        %dma_start3A_286 = tpu.memref_slice %arg10[%dma_start3A_283, %dma_start3A_285] : memref<2x2000xf32, #tpu.memory_space<vmem>> -> memref<1x2000xf32, #tpu.memory_space<vmem>>
        %dma_start3A_287 = tpu.memref_squeeze %dma_start3A_286 : memref<1x2000xf32, #tpu.memory_space<vmem>> -> memref<2000xf32, #tpu.memory_space<vmem>>
        %dma_start3A_288 = arith.constant 0 : i32
        %dma_start3A_289 = tpu.memref_slice %arg5[%add3A_250, %dma_start3A_288] : memref<320x2000xf32, #tpu.memory_space<hbm>> -> memref<1x2000xf32, #tpu.memory_space<hbm>>
        %dma_start3A_290 = tpu.memref_squeeze %dma_start3A_289 : memref<1x2000xf32, #tpu.memory_space<hbm>> -> memref<2000xf32, #tpu.memory_space<hbm>>
        %dma_start3A_291 = tpu.memref_slice %arg14[%dma_start3A_284] : memref<2x!tpu.dma_semaphore, #tpu.memory_space<semaphore_mem>> -> memref<1x!tpu.dma_semaphore, #tpu.memory_space<semaphore_mem>>
        %dma_start3A_292 = tpu.memref_squeeze %dma_start3A_291 : memref<1x!tpu.dma_semaphore, #tpu.memory_space<semaphore_mem>> -> memref<!tpu.dma_semaphore, #tpu.memory_space<semaphore_mem>>
        %dma_start3A_293 = arith.constant 0 : i32
        %dma_start3A_294 = tpu.memref_slice %arg10[%dma_start3A_283, %dma_start3A_293] : memref<2x2000xf32, #tpu.memory_space<vmem>> -> memref<1x2000xf32, #tpu.memory_space<vmem>>
        %dma_start3A_295 = tpu.memref_squeeze %dma_start3A_294 : memref<1x2000xf32, #tpu.memory_space<vmem>> -> memref<2000xf32, #tpu.memory_space<vmem>>
        %dma_start3A_296 = arith.constant 0 : i32
        %dma_start3A_297 = tpu.memref_slice %arg5[%add3A_250, %dma_start3A_296] : memref<320x2000xf32, #tpu.memory_space<hbm>> -> memref<1x2000xf32, #tpu.memory_space<hbm>>
        %dma_start3A_298 = tpu.memref_squeeze %dma_start3A_297 : memref<1x2000xf32, #tpu.memory_space<hbm>> -> memref<2000xf32, #tpu.memory_space<hbm>>
        tpu.enqueue_dma source(%dma_start3A_298 : memref<2000xf32, #tpu.memory_space<hbm>>) target(%dma_start3A_295 : memref<2000xf32, #tpu.memory_space<vmem>>) target_semaphore(%dma_start3A_292 : memref<!tpu.dma_semaphore, #tpu.memory_space<semaphore_mem>>)
      } else {
      }
      %mul3A_210 = arith.constant 2 : i32
      %mul3A_211 = arith.muli %scan3A_176, %mul3A_210 : i32
      %add3A_212 = arith.constant 1 : i32
      %add3A_213 = arith.addi %mul3A_211, %add3A_212 : i32
      %dma_wait3A_214 = arith.constant 1 : i32
      %dma_wait3A_215 = arith.constant 1 : i32
      %dma_wait3A_216 = arith.constant 1 : i32
      %dma_wait3A_217 = arith.constant 0 : i32
      %dma_wait3A_218 = arith.constant 0 : i32
      %dma_wait3A_219 = tpu.memref_slice %arg11[%dma_wait3A_215, %dma_wait3A_217, %dma_wait3A_218] : memref<2x500x80xf32, #tpu.memory_space<vmem>> -> memref<1x500x80xf32, #tpu.memory_space<vmem>>
      %dma_wait3A_220 = tpu.memref_squeeze %dma_wait3A_219 : memref<1x500x80xf32, #tpu.memory_space<vmem>> -> memref<500x80xf32, #tpu.memory_space<vmem>>
      %dma_wait3A_221 = arith.constant 0 : i32
      %dma_wait3A_222 = tpu.memref_slice %arg8[%dma_wait3A_214, %dma_wait3A_221] : memref<2x500xi32, #tpu.memory_space<vmem>> -> memref<1x500xi32, #tpu.memory_space<vmem>>
      %dma_wait3A_223 = tpu.memref_squeeze %dma_wait3A_222 : memref<1x500xi32, #tpu.memory_space<vmem>> -> memref<500xi32, #tpu.memory_space<vmem>>
      %dma_wait3A_224 = arith.constant 0 : i32
      %dma_wait3A_225 = arith.constant 0 : i32
      %dma_wait3A_226 = tpu.memref_slice %arg2[%dma_wait3A_224, %dma_wait3A_225] : memref<10000x80xf32, #tpu.memory_space<hbm>> -> memref<10000x80xf32, #tpu.memory_space<hbm>>
      %dma_wait3A_227 = tpu.memref_slice %arg15[%dma_wait3A_216] : memref<2x!tpu.dma_semaphore, #tpu.memory_space<semaphore_mem>> -> memref<1x!tpu.dma_semaphore, #tpu.memory_space<semaphore_mem>>
      %dma_wait3A_228 = tpu.memref_squeeze %dma_wait3A_227 : memref<1x!tpu.dma_semaphore, #tpu.memory_space<semaphore_mem>> -> memref<!tpu.dma_semaphore, #tpu.memory_space<semaphore_mem>>
      tpu.wait_indirect_dma semaphore(%dma_wait3A_228 : memref<!tpu.dma_semaphore, #tpu.memory_space<semaphore_mem>>) src(%dma_wait3A_226 : memref<10000x80xf32, #tpu.memory_space<hbm>>) dst(%dma_wait3A_220 : memref<500x80xf32, #tpu.memory_space<vmem>>)
      %add3A_229 = arith.constant 1 : i32
      %add3A_230 = arith.addi %add3A_213, %add3A_229 : i32
      %lt3A_231 = arith.constant 10 : i32
      %lt3A_232 = arith.cmpi slt, %add3A_230, %lt3A_231 : i32
      %convert_element_type3A_233 = arith.extui %lt3A_232 : i1 to i32
      %cond3A_234 = arith.constant 0 : i32
      %cond3A_235 = arith.cmpi ne, %convert_element_type3A_233, %cond3A_234 : i32
      scf.if %cond3A_235 {
        %dma_wait3A_248 = arith.constant 0 : i32
        %dma_wait3A_249 = arith.constant 0 : i32
        %dma_wait3A_250 = arith.constant 0 : i32
        %dma_wait3A_251 = tpu.memref_slice %arg8[%dma_wait3A_248, %dma_wait3A_250] : memref<2x500xi32, #tpu.memory_space<vmem>> -> memref<1x500xi32, #tpu.memory_space<vmem>>
        %dma_wait3A_252 = tpu.memref_squeeze %dma_wait3A_251 : memref<1x500xi32, #tpu.memory_space<vmem>> -> memref<500xi32, #tpu.memory_space<vmem>>
        %dma_wait3A_253 = arith.constant 0 : i32
        %dma_wait3A_254 = tpu.memref_slice %arg3[%mul3A_2, %dma_wait3A_253] : memref<320x500xi32, #tpu.memory_space<hbm>> -> memref<1x500xi32, #tpu.memory_space<hbm>>
        %dma_wait3A_255 = tpu.memref_squeeze %dma_wait3A_254 : memref<1x500xi32, #tpu.memory_space<hbm>> -> memref<500xi32, #tpu.memory_space<hbm>>
        %dma_wait3A_256 = tpu.memref_slice %arg14[%dma_wait3A_249] : memref<2x!tpu.dma_semaphore, #tpu.memory_space<semaphore_mem>> -> memref<1x!tpu.dma_semaphore, #tpu.memory_space<semaphore_mem>>
        %dma_wait3A_257 = tpu.memref_squeeze %dma_wait3A_256 : memref<1x!tpu.dma_semaphore, #tpu.memory_space<semaphore_mem>> -> memref<!tpu.dma_semaphore, #tpu.memory_space<semaphore_mem>>
        %dma_wait3A_258 = arith.constant 0 : i32
        %dma_wait3A_259 = tpu.memref_slice %arg8[%dma_wait3A_248, %dma_wait3A_258] : memref<2x500xi32, #tpu.memory_space<vmem>> -> memref<1x500xi32, #tpu.memory_space<vmem>>
        %dma_wait3A_260 = tpu.memref_squeeze %dma_wait3A_259 : memref<1x500xi32, #tpu.memory_space<vmem>> -> memref<500xi32, #tpu.memory_space<vmem>>
        %dma_wait3A_261 = arith.constant 0 : i32
        %dma_wait3A_262 = tpu.memref_slice %arg3[%mul3A_2, %dma_wait3A_261] : memref<320x500xi32, #tpu.memory_space<hbm>> -> memref<1x500xi32, #tpu.memory_space<hbm>>
        %dma_wait3A_263 = tpu.memref_squeeze %dma_wait3A_262 : memref<1x500xi32, #tpu.memory_space<hbm>> -> memref<500xi32, #tpu.memory_space<hbm>>
        tpu.wait_dma2 semaphore(%dma_wait3A_257 : memref<!tpu.dma_semaphore, #tpu.memory_space<semaphore_mem>>) src(%dma_wait3A_263 : memref<500xi32, #tpu.memory_space<hbm>>) dst(%dma_wait3A_260 : memref<500xi32, #tpu.memory_space<vmem>>)
        %dma_wait3A_264 = arith.constant 0 : i32
        %dma_wait3A_265 = arith.constant 0 : i32
        %dma_wait3A_266 = arith.constant 0 : i32
        %dma_wait3A_267 = tpu.memref_slice %arg9[%dma_wait3A_264, %dma_wait3A_266] : memref<2x500xi32, #tpu.memory_space<vmem>> -> memref<1x500xi32, #tpu.memory_space<vmem>>
        %dma_wait3A_268 = tpu.memref_squeeze %dma_wait3A_267 : memref<1x500xi32, #tpu.memory_space<vmem>> -> memref<500xi32, #tpu.memory_space<vmem>>
        %dma_wait3A_269 = arith.constant 0 : i32
        %dma_wait3A_270 = tpu.memref_slice %arg4[%mul3A_2, %dma_wait3A_269] : memref<320x500xi32, #tpu.memory_space<hbm>> -> memref<1x500xi32, #tpu.memory_space<hbm>>
        %dma_wait3A_271 = tpu.memref_squeeze %dma_wait3A_270 : memref<1x500xi32, #tpu.memory_space<hbm>> -> memref<500xi32, #tpu.memory_space<hbm>>
        %dma_wait3A_272 = tpu.memref_slice %arg14[%dma_wait3A_265] : memref<2x!tpu.dma_semaphore, #tpu.memory_space<semaphore_mem>> -> memref<1x!tpu.dma_semaphore, #tpu.memory_space<semaphore_mem>>
        %dma_wait3A_273 = tpu.memref_squeeze %dma_wait3A_272 : memref<1x!tpu.dma_semaphore, #tpu.memory_space<semaphore_mem>> -> memref<!tpu.dma_semaphore, #tpu.memory_space<semaphore_mem>>
        %dma_wait3A_274 = arith.constant 0 : i32
        %dma_wait3A_275 = tpu.memref_slice %arg9[%dma_wait3A_264, %dma_wait3A_274] : memref<2x500xi32, #tpu.memory_space<vmem>> -> memref<1x500xi32, #tpu.memory_space<vmem>>
        %dma_wait3A_276 = tpu.memref_squeeze %dma_wait3A_275 : memref<1x500xi32, #tpu.memory_space<vmem>> -> memref<500xi32, #tpu.memory_space<vmem>>
        %dma_wait3A_277 = arith.constant 0 : i32
        %dma_wait3A_278 = tpu.memref_slice %arg4[%mul3A_2, %dma_wait3A_277] : memref<320x500xi32, #tpu.memory_space<hbm>> -> memref<1x500xi32, #tpu.memory_space<hbm>>
        %dma_wait3A_279 = tpu.memref_squeeze %dma_wait3A_278 : memref<1x500xi32, #tpu.memory_space<hbm>> -> memref<500xi32, #tpu.memory_space<hbm>>
        tpu.wait_dma2 semaphore(%dma_wait3A_273 : memref<!tpu.dma_semaphore, #tpu.memory_space<semaphore_mem>>) src(%dma_wait3A_279 : memref<500xi32, #tpu.memory_space<hbm>>) dst(%dma_wait3A_276 : memref<500xi32, #tpu.memory_space<vmem>>)
        %dma_wait3A_280 = arith.constant 0 : i32
        %dma_wait3A_281 = arith.constant 0 : i32
        %dma_wait3A_282 = arith.constant 0 : i32
        %dma_wait3A_283 = tpu.memref_slice %arg10[%dma_wait3A_280, %dma_wait3A_282] : memref<2x2000xf32, #tpu.memory_space<vmem>> -> memref<1x2000xf32, #tpu.memory_space<vmem>>
        %dma_wait3A_284 = tpu.memref_squeeze %dma_wait3A_283 : memref<1x2000xf32, #tpu.memory_space<vmem>> -> memref<2000xf32, #tpu.memory_space<vmem>>
        %dma_wait3A_285 = arith.constant 0 : i32
        %dma_wait3A_286 = tpu.memref_slice %arg5[%mul3A_2, %dma_wait3A_285] : memref<320x2000xf32, #tpu.memory_space<hbm>> -> memref<1x2000xf32, #tpu.memory_space<hbm>>
        %dma_wait3A_287 = tpu.memref_squeeze %dma_wait3A_286 : memref<1x2000xf32, #tpu.memory_space<hbm>> -> memref<2000xf32, #tpu.memory_space<hbm>>
        %dma_wait3A_288 = tpu.memref_slice %arg14[%dma_wait3A_281] : memref<2x!tpu.dma_semaphore, #tpu.memory_space<semaphore_mem>> -> memref<1x!tpu.dma_semaphore, #tpu.memory_space<semaphore_mem>>
        %dma_wait3A_289 = tpu.memref_squeeze %dma_wait3A_288 : memref<1x!tpu.dma_semaphore, #tpu.memory_space<semaphore_mem>> -> memref<!tpu.dma_semaphore, #tpu.memory_space<semaphore_mem>>
        %dma_wait3A_290 = arith.constant 0 : i32
        %dma_wait3A_291 = tpu.memref_slice %arg10[%dma_wait3A_280, %dma_wait3A_290] : memref<2x2000xf32, #tpu.memory_space<vmem>> -> memref<1x2000xf32, #tpu.memory_space<vmem>>
        %dma_wait3A_292 = tpu.memref_squeeze %dma_wait3A_291 : memref<1x2000xf32, #tpu.memory_space<vmem>> -> memref<2000xf32, #tpu.memory_space<vmem>>
        %dma_wait3A_293 = arith.constant 0 : i32
        %dma_wait3A_294 = tpu.memref_slice %arg5[%mul3A_2, %dma_wait3A_293] : memref<320x2000xf32, #tpu.memory_space<hbm>> -> memref<1x2000xf32, #tpu.memory_space<hbm>>
        %dma_wait3A_295 = tpu.memref_squeeze %dma_wait3A_294 : memref<1x2000xf32, #tpu.memory_space<hbm>> -> memref<2000xf32, #tpu.memory_space<hbm>>
        tpu.wait_dma2 semaphore(%dma_wait3A_289 : memref<!tpu.dma_semaphore, #tpu.memory_space<semaphore_mem>>) src(%dma_wait3A_295 : memref<2000xf32, #tpu.memory_space<hbm>>) dst(%dma_wait3A_292 : memref<2000xf32, #tpu.memory_space<vmem>>)
        %dma_start3A_296 = arith.constant 0 : i32
        %dma_start3A_297 = arith.constant 0 : i32
        %dma_start3A_298 = arith.constant 0 : i32
        %dma_start3A_299 = arith.constant 0 : i32
        %dma_start3A_300 = arith.constant 0 : i32
        %dma_start3A_301 = tpu.memref_slice %arg11[%dma_start3A_297, %dma_start3A_299, %dma_start3A_300] : memref<2x500x80xf32, #tpu.memory_space<vmem>> -> memref<1x500x80xf32, #tpu.memory_space<vmem>>
        %dma_start3A_302 = tpu.memref_squeeze %dma_start3A_301 : memref<1x500x80xf32, #tpu.memory_space<vmem>> -> memref<500x80xf32, #tpu.memory_space<vmem>>
        %dma_start3A_303 = arith.constant 0 : i32
        %dma_start3A_304 = tpu.memref_slice %arg8[%dma_start3A_296, %dma_start3A_303] : memref<2x500xi32, #tpu.memory_space<vmem>> -> memref<1x500xi32, #tpu.memory_space<vmem>>
        %dma_start3A_305 = tpu.memref_squeeze %dma_start3A_304 : memref<1x500xi32, #tpu.memory_space<vmem>> -> memref<500xi32, #tpu.memory_space<vmem>>
        %dma_start3A_306 = arith.constant 0 : i32
        %dma_start3A_307 = arith.constant 0 : i32
        %dma_start3A_308 = tpu.memref_slice %arg2[%dma_start3A_306, %dma_start3A_307] : memref<10000x80xf32, #tpu.memory_space<hbm>> -> memref<10000x80xf32, #tpu.memory_space<hbm>>
        %dma_start3A_309 = tpu.memref_slice %arg15[%dma_start3A_298] : memref<2x!tpu.dma_semaphore, #tpu.memory_space<semaphore_mem>> -> memref<1x!tpu.dma_semaphore, #tpu.memory_space<semaphore_mem>>
        %dma_start3A_310 = tpu.memref_squeeze %dma_start3A_309 : memref<1x!tpu.dma_semaphore, #tpu.memory_space<semaphore_mem>> -> memref<!tpu.dma_semaphore, #tpu.memory_space<semaphore_mem>>
        tpu.enqueue_indirect_dma source(%dma_start3A_308 : memref<10000x80xf32, #tpu.memory_space<hbm>>) target(%dma_start3A_302 : memref<500x80xf32, #tpu.memory_space<vmem>>) offsets(%dma_start3A_305 : memref<500xi32, #tpu.memory_space<vmem>>) semaphore(%dma_start3A_310 : memref<!tpu.dma_semaphore, #tpu.memory_space<semaphore_mem>>)
      } else {
      }
      %parallel_loop3A_236 = arith.constant 0 : i32
      %parallel_loop3A_237 = arith.constant 125 : i32
      %parallel_loop3A_238 = arith.constant 1 : i32
      scf.for %parallel_loop3A_248 = %parallel_loop3A_236 to %parallel_loop3A_237 step %parallel_loop3A_238  : i32 {
        %parallel_loop3A_249 = arith.constant 16 : i32
        %parallel_loop3A_250 = arith.muli %parallel_loop3A_248, %parallel_loop3A_249 : i32
        %parallel_loop3A_251 = arith.constant 1 : i32
        %parallel_loop3A_252 = arith.index_cast %parallel_loop3A_251 : i32 to index
        %parallel_loop3A_253 = arith.index_cast %parallel_loop3A_250 : i32 to index
        %parallel_loop3A_254 = tpu.vector_load %arg10[%parallel_loop3A_252, %parallel_loop3A_253] {strides = array<i32>} : memref<2x2000xf32, #tpu.memory_space<vmem>>, vector<16xf32>,
        %parallel_loop3A_255 = arith.constant 4 : i32
        %parallel_loop3A_256 = arith.muli %parallel_loop3A_248, %parallel_loop3A_255 : i32
        %parallel_loop3A_257 = arith.constant 0 : i32
        %parallel_loop3A_258 = arith.addi %parallel_loop3A_256, %parallel_loop3A_257 : i32
        %parallel_loop3A_259 = arith.constant 1 : i32
        %parallel_loop3A_260 = arith.index_cast %parallel_loop3A_259 : i32 to index
        %parallel_loop3A_261 = arith.index_cast %parallel_loop3A_258 : i32 to index
        %parallel_loop3A_262 = arith.constant 64 : index
        %parallel_loop3A_263 = tpu.vector_load %arg11[%parallel_loop3A_260, %parallel_loop3A_261, %parallel_loop3A_262] {strides = array<i32>} : memref<2x500x80xf32, #tpu.memory_space<vmem>>, vector<16xf32>,
        %parallel_loop3A_264 = vector.extract_strided_slice %parallel_loop3A_254 {offsets = [0], sizes = [1], strides = [1]} : vector<16xf32> to vector<1xf32>
        %parallel_loop3A_265 = vector.extract %parallel_loop3A_264[0] : f32 from vector<1xf32>
        %parallel_loop3A_266 = arith.constant 1 : i32
        %parallel_loop3A_267 = arith.index_cast %parallel_loop3A_266 : i32 to index
        %parallel_loop3A_268 = arith.index_cast %parallel_loop3A_258 : i32 to index
        %parallel_loop3A_269 = arith.constant 0 : index
        %parallel_loop3A_270 = tpu.vector_load %arg11[%parallel_loop3A_267, %parallel_loop3A_268, %parallel_loop3A_269] {strides = array<i32>} : memref<2x500x80xf32, #tpu.memory_space<vmem>>, vector<16xf32>,
        %parallel_loop3A_271 = vector.broadcast %parallel_loop3A_265 : f32 to vector<16xf32>
        %parallel_loop3A_272 = arith.mulf %parallel_loop3A_271, %parallel_loop3A_270 : vector<16xf32>
        %parallel_loop3A_273 = arith.addf %parallel_loop3A_263, %parallel_loop3A_272 : vector<16xf32>
        %parallel_loop3A_274 = vector.extract_strided_slice %parallel_loop3A_254 {offsets = [1], sizes = [1], strides = [1]} : vector<16xf32> to vector<1xf32>
        %parallel_loop3A_275 = vector.extract %parallel_loop3A_274[0] : f32 from vector<1xf32>
        %parallel_loop3A_276 = arith.constant 1 : i32
        %parallel_loop3A_277 = arith.index_cast %parallel_loop3A_276 : i32 to index
        %parallel_loop3A_278 = arith.index_cast %parallel_loop3A_258 : i32 to index
        %parallel_loop3A_279 = arith.constant 16 : index
        %parallel_loop3A_280 = tpu.vector_load %arg11[%parallel_loop3A_277, %parallel_loop3A_278, %parallel_loop3A_279] {strides = array<i32>} : memref<2x500x80xf32, #tpu.memory_space<vmem>>, vector<16xf32>,
        %parallel_loop3A_281 = vector.broadcast %parallel_loop3A_275 : f32 to vector<16xf32>
        %parallel_loop3A_282 = arith.mulf %parallel_loop3A_281, %parallel_loop3A_280 : vector<16xf32>
        %parallel_loop3A_283 = arith.addf %parallel_loop3A_273, %parallel_loop3A_282 : vector<16xf32>
        %parallel_loop3A_284 = vector.extract_strided_slice %parallel_loop3A_254 {offsets = [2], sizes = [1], strides = [1]} : vector<16xf32> to vector<1xf32>
        %parallel_loop3A_285 = vector.extract %parallel_loop3A_284[0] : f32 from vector<1xf32>
        %parallel_loop3A_286 = arith.constant 1 : i32
        %parallel_loop3A_287 = arith.index_cast %parallel_loop3A_286 : i32 to index
        %parallel_loop3A_288 = arith.index_cast %parallel_loop3A_258 : i32 to index
        %parallel_loop3A_289 = arith.constant 32 : index
        %parallel_loop3A_290 = tpu.vector_load %arg11[%parallel_loop3A_287, %parallel_loop3A_288, %parallel_loop3A_289] {strides = array<i32>} : memref<2x500x80xf32, #tpu.memory_space<vmem>>, vector<16xf32>,
        %parallel_loop3A_291 = vector.broadcast %parallel_loop3A_285 : f32 to vector<16xf32>
        %parallel_loop3A_292 = arith.mulf %parallel_loop3A_291, %parallel_loop3A_290 : vector<16xf32>
        %parallel_loop3A_293 = arith.addf %parallel_loop3A_283, %parallel_loop3A_292 : vector<16xf32>
        %parallel_loop3A_294 = vector.extract_strided_slice %parallel_loop3A_254 {offsets = [3], sizes = [1], strides = [1]} : vector<16xf32> to vector<1xf32>
        %parallel_loop3A_295 = vector.extract %parallel_loop3A_294[0] : f32 from vector<1xf32>
        %parallel_loop3A_296 = arith.constant 1 : i32
        %parallel_loop3A_297 = arith.index_cast %parallel_loop3A_296 : i32 to index
        %parallel_loop3A_298 = arith.index_cast %parallel_loop3A_258 : i32 to index
        %parallel_loop3A_299 = arith.constant 48 : index
        %parallel_loop3A_300 = tpu.vector_load %arg11[%parallel_loop3A_297, %parallel_loop3A_298, %parallel_loop3A_299] {strides = array<i32>} : memref<2x500x80xf32, #tpu.memory_space<vmem>>, vector<16xf32>,
        %parallel_loop3A_301 = vector.broadcast %parallel_loop3A_295 : f32 to vector<16xf32>
        %parallel_loop3A_302 = arith.mulf %parallel_loop3A_301, %parallel_loop3A_300 : vector<16xf32>
        %parallel_loop3A_303 = arith.addf %parallel_loop3A_293, %parallel_loop3A_302 : vector<16xf32>
        %parallel_loop3A_304 = arith.constant 1 : i32
        %parallel_loop3A_305 = arith.index_cast %parallel_loop3A_304 : i32 to index
        %parallel_loop3A_306 = arith.index_cast %parallel_loop3A_258 : i32 to index
        %parallel_loop3A_307 = arith.constant 0 : index
        %parallel_loop3A_308 = tpu.vector_load %arg12[%parallel_loop3A_305, %parallel_loop3A_306, %parallel_loop3A_307] {strides = array<i32>} : memref<2x500x16xf32, #tpu.memory_space<vmem>>, vector<16xf32>,
        tpu.vector_store %arg12[%parallel_loop3A_305, %parallel_loop3A_306, %parallel_loop3A_307], %parallel_loop3A_303 {strides = array<i32>} : memref<2x500x16xf32, #tpu.memory_space<vmem>>, vector<16xf32>,
        %parallel_loop3A_309 = arith.constant 4 : i32
        %parallel_loop3A_310 = arith.muli %parallel_loop3A_248, %parallel_loop3A_309 : i32
        %parallel_loop3A_311 = arith.constant 1 : i32
        %parallel_loop3A_312 = arith.addi %parallel_loop3A_310, %parallel_loop3A_311 : i32
        %parallel_loop3A_313 = arith.constant 1 : i32
        %parallel_loop3A_314 = arith.index_cast %parallel_loop3A_313 : i32 to index
        %parallel_loop3A_315 = arith.index_cast %parallel_loop3A_312 : i32 to index
        %parallel_loop3A_316 = arith.constant 64 : index
        %parallel_loop3A_317 = tpu.vector_load %arg11[%parallel_loop3A_314, %parallel_loop3A_315, %parallel_loop3A_316] {strides = array<i32>} : memref<2x500x80xf32, #tpu.memory_space<vmem>>, vector<16xf32>,
        %parallel_loop3A_318 = vector.extract_strided_slice %parallel_loop3A_254 {offsets = [4], sizes = [1], strides = [1]} : vector<16xf32> to vector<1xf32>
        %parallel_loop3A_319 = vector.extract %parallel_loop3A_318[0] : f32 from vector<1xf32>
        %parallel_loop3A_320 = arith.constant 1 : i32
        %parallel_loop3A_321 = arith.index_cast %parallel_loop3A_320 : i32 to index
        %parallel_loop3A_322 = arith.index_cast %parallel_loop3A_312 : i32 to index
        %parallel_loop3A_323 = arith.constant 0 : index
        %parallel_loop3A_324 = tpu.vector_load %arg11[%parallel_loop3A_321, %parallel_loop3A_322, %parallel_loop3A_323] {strides = array<i32>} : memref<2x500x80xf32, #tpu.memory_space<vmem>>, vector<16xf32>,
        %parallel_loop3A_325 = vector.broadcast %parallel_loop3A_319 : f32 to vector<16xf32>
        %parallel_loop3A_326 = arith.mulf %parallel_loop3A_325, %parallel_loop3A_324 : vector<16xf32>
        %parallel_loop3A_327 = arith.addf %parallel_loop3A_317, %parallel_loop3A_326 : vector<16xf32>
        %parallel_loop3A_328 = vector.extract_strided_slice %parallel_loop3A_254 {offsets = [5], sizes = [1], strides = [1]} : vector<16xf32> to vector<1xf32>
        %parallel_loop3A_329 = vector.extract %parallel_loop3A_328[0] : f32 from vector<1xf32>
        %parallel_loop3A_330 = arith.constant 1 : i32
        %parallel_loop3A_331 = arith.index_cast %parallel_loop3A_330 : i32 to index
        %parallel_loop3A_332 = arith.index_cast %parallel_loop3A_312 : i32 to index
        %parallel_loop3A_333 = arith.constant 16 : index
        %parallel_loop3A_334 = tpu.vector_load %arg11[%parallel_loop3A_331, %parallel_loop3A_332, %parallel_loop3A_333] {strides = array<i32>} : memref<2x500x80xf32, #tpu.memory_space<vmem>>, vector<16xf32>,
        %parallel_loop3A_335 = vector.broadcast %parallel_loop3A_329 : f32 to vector<16xf32>
        %parallel_loop3A_336 = arith.mulf %parallel_loop3A_335, %parallel_loop3A_334 : vector<16xf32>
        %parallel_loop3A_337 = arith.addf %parallel_loop3A_327, %parallel_loop3A_336 : vector<16xf32>
        %parallel_loop3A_338 = vector.extract_strided_slice %parallel_loop3A_254 {offsets = [6], sizes = [1], strides = [1]} : vector<16xf32> to vector<1xf32>
        %parallel_loop3A_339 = vector.extract %parallel_loop3A_338[0] : f32 from vector<1xf32>
        %parallel_loop3A_340 = arith.constant 1 : i32
        %parallel_loop3A_341 = arith.index_cast %parallel_loop3A_340 : i32 to index
        %parallel_loop3A_342 = arith.index_cast %parallel_loop3A_312 : i32 to index
        %parallel_loop3A_343 = arith.constant 32 : index
        %parallel_loop3A_344 = tpu.vector_load %arg11[%parallel_loop3A_341, %parallel_loop3A_342, %parallel_loop3A_343] {strides = array<i32>} : memref<2x500x80xf32, #tpu.memory_space<vmem>>, vector<16xf32>,
        %parallel_loop3A_345 = vector.broadcast %parallel_loop3A_339 : f32 to vector<16xf32>
        %parallel_loop3A_346 = arith.mulf %parallel_loop3A_345, %parallel_loop3A_344 : vector<16xf32>
        %parallel_loop3A_347 = arith.addf %parallel_loop3A_337, %parallel_loop3A_346 : vector<16xf32>
        %parallel_loop3A_348 = vector.extract_strided_slice %parallel_loop3A_254 {offsets = [7], sizes = [1], strides = [1]} : vector<16xf32> to vector<1xf32>
        %parallel_loop3A_349 = vector.extract %parallel_loop3A_348[0] : f32 from vector<1xf32>
        %parallel_loop3A_350 = arith.constant 1 : i32
        %parallel_loop3A_351 = arith.index_cast %parallel_loop3A_350 : i32 to index
        %parallel_loop3A_352 = arith.index_cast %parallel_loop3A_312 : i32 to index
        %parallel_loop3A_353 = arith.constant 48 : index
        %parallel_loop3A_354 = tpu.vector_load %arg11[%parallel_loop3A_351, %parallel_loop3A_352, %parallel_loop3A_353] {strides = array<i32>} : memref<2x500x80xf32, #tpu.memory_space<vmem>>, vector<16xf32>,
        %parallel_loop3A_355 = vector.broadcast %parallel_loop3A_349 : f32 to vector<16xf32>
        %parallel_loop3A_356 = arith.mulf %parallel_loop3A_355, %parallel_loop3A_354 : vector<16xf32>
        %parallel_loop3A_357 = arith.addf %parallel_loop3A_347, %parallel_loop3A_356 : vector<16xf32>
        %parallel_loop3A_358 = arith.constant 1 : i32
        %parallel_loop3A_359 = arith.index_cast %parallel_loop3A_358 : i32 to index
        %parallel_loop3A_360 = arith.index_cast %parallel_loop3A_312 : i32 to index
        %parallel_loop3A_361 = arith.constant 0 : index
        %parallel_loop3A_362 = tpu.vector_load %arg12[%parallel_loop3A_359, %parallel_loop3A_360, %parallel_loop3A_361] {strides = array<i32>} : memref<2x500x16xf32, #tpu.memory_space<vmem>>, vector<16xf32>,
        tpu.vector_store %arg12[%parallel_loop3A_359, %parallel_loop3A_360, %parallel_loop3A_361], %parallel_loop3A_357 {strides = array<i32>} : memref<2x500x16xf32, #tpu.memory_space<vmem>>, vector<16xf32>,
        %parallel_loop3A_363 = arith.constant 4 : i32
        %parallel_loop3A_364 = arith.muli %parallel_loop3A_248, %parallel_loop3A_363 : i32
        %parallel_loop3A_365 = arith.constant 2 : i32
        %parallel_loop3A_366 = arith.addi %parallel_loop3A_364, %parallel_loop3A_365 : i32
        %parallel_loop3A_367 = arith.constant 1 : i32
        %parallel_loop3A_368 = arith.index_cast %parallel_loop3A_367 : i32 to index
        %parallel_loop3A_369 = arith.index_cast %parallel_loop3A_366 : i32 to index
        %parallel_loop3A_370 = arith.constant 64 : index
        %parallel_loop3A_371 = tpu.vector_load %arg11[%parallel_loop3A_368, %parallel_loop3A_369, %parallel_loop3A_370] {strides = array<i32>} : memref<2x500x80xf32, #tpu.memory_space<vmem>>, vector<16xf32>,
        %parallel_loop3A_372 = vector.extract_strided_slice %parallel_loop3A_254 {offsets = [8], sizes = [1], strides = [1]} : vector<16xf32> to vector<1xf32>
        %parallel_loop3A_373 = vector.extract %parallel_loop3A_372[0] : f32 from vector<1xf32>
        %parallel_loop3A_374 = arith.constant 1 : i32
        %parallel_loop3A_375 = arith.index_cast %parallel_loop3A_374 : i32 to index
        %parallel_loop3A_376 = arith.index_cast %parallel_loop3A_366 : i32 to index
        %parallel_loop3A_377 = arith.constant 0 : index
        %parallel_loop3A_378 = tpu.vector_load %arg11[%parallel_loop3A_375, %parallel_loop3A_376, %parallel_loop3A_377] {strides = array<i32>} : memref<2x500x80xf32, #tpu.memory_space<vmem>>, vector<16xf32>,
        %parallel_loop3A_379 = vector.broadcast %parallel_loop3A_373 : f32 to vector<16xf32>
        %parallel_loop3A_380 = arith.mulf %parallel_loop3A_379, %parallel_loop3A_378 : vector<16xf32>
        %parallel_loop3A_381 = arith.addf %parallel_loop3A_371, %parallel_loop3A_380 : vector<16xf32>
        %parallel_loop3A_382 = vector.extract_strided_slice %parallel_loop3A_254 {offsets = [9], sizes = [1], strides = [1]} : vector<16xf32> to vector<1xf32>
        %parallel_loop3A_383 = vector.extract %parallel_loop3A_382[0] : f32 from vector<1xf32>
        %parallel_loop3A_384 = arith.constant 1 : i32
        %parallel_loop3A_385 = arith.index_cast %parallel_loop3A_384 : i32 to index
        %parallel_loop3A_386 = arith.index_cast %parallel_loop3A_366 : i32 to index
        %parallel_loop3A_387 = arith.constant 16 : index
        %parallel_loop3A_388 = tpu.vector_load %arg11[%parallel_loop3A_385, %parallel_loop3A_386, %parallel_loop3A_387] {strides = array<i32>} : memref<2x500x80xf32, #tpu.memory_space<vmem>>, vector<16xf32>,
        %parallel_loop3A_389 = vector.broadcast %parallel_loop3A_383 : f32 to vector<16xf32>
        %parallel_loop3A_390 = arith.mulf %parallel_loop3A_389, %parallel_loop3A_388 : vector<16xf32>
        %parallel_loop3A_391 = arith.addf %parallel_loop3A_381, %parallel_loop3A_390 : vector<16xf32>
        %parallel_loop3A_392 = vector.extract_strided_slice %parallel_loop3A_254 {offsets = [10], sizes = [1], strides = [1]} : vector<16xf32> to vector<1xf32>
        %parallel_loop3A_393 = vector.extract %parallel_loop3A_392[0] : f32 from vector<1xf32>
        %parallel_loop3A_394 = arith.constant 1 : i32
        %parallel_loop3A_395 = arith.index_cast %parallel_loop3A_394 : i32 to index
        %parallel_loop3A_396 = arith.index_cast %parallel_loop3A_366 : i32 to index
        %parallel_loop3A_397 = arith.constant 32 : index
        %parallel_loop3A_398 = tpu.vector_load %arg11[%parallel_loop3A_395, %parallel_loop3A_396, %parallel_loop3A_397] {strides = array<i32>} : memref<2x500x80xf32, #tpu.memory_space<vmem>>, vector<16xf32>,
        %parallel_loop3A_399 = vector.broadcast %parallel_loop3A_393 : f32 to vector<16xf32>
        %parallel_loop3A_400 = arith.mulf %parallel_loop3A_399, %parallel_loop3A_398 : vector<16xf32>
        %parallel_loop3A_401 = arith.addf %parallel_loop3A_391, %parallel_loop3A_400 : vector<16xf32>
        %parallel_loop3A_402 = vector.extract_strided_slice %parallel_loop3A_254 {offsets = [11], sizes = [1], strides = [1]} : vector<16xf32> to vector<1xf32>
        %parallel_loop3A_403 = vector.extract %parallel_loop3A_402[0] : f32 from vector<1xf32>
        %parallel_loop3A_404 = arith.constant 1 : i32
        %parallel_loop3A_405 = arith.index_cast %parallel_loop3A_404 : i32 to index
        %parallel_loop3A_406 = arith.index_cast %parallel_loop3A_366 : i32 to index
        %parallel_loop3A_407 = arith.constant 48 : index
        %parallel_loop3A_408 = tpu.vector_load %arg11[%parallel_loop3A_405, %parallel_loop3A_406, %parallel_loop3A_407] {strides = array<i32>} : memref<2x500x80xf32, #tpu.memory_space<vmem>>, vector<16xf32>,
        %parallel_loop3A_409 = vector.broadcast %parallel_loop3A_403 : f32 to vector<16xf32>
        %parallel_loop3A_410 = arith.mulf %parallel_loop3A_409, %parallel_loop3A_408 : vector<16xf32>
        %parallel_loop3A_411 = arith.addf %parallel_loop3A_401, %parallel_loop3A_410 : vector<16xf32>
        %parallel_loop3A_412 = arith.constant 1 : i32
        %parallel_loop3A_413 = arith.index_cast %parallel_loop3A_412 : i32 to index
        %parallel_loop3A_414 = arith.index_cast %parallel_loop3A_366 : i32 to index
        %parallel_loop3A_415 = arith.constant 0 : index
        %parallel_loop3A_416 = tpu.vector_load %arg12[%parallel_loop3A_413, %parallel_loop3A_414, %parallel_loop3A_415] {strides = array<i32>} : memref<2x500x16xf32, #tpu.memory_space<vmem>>, vector<16xf32>,
        tpu.vector_store %arg12[%parallel_loop3A_413, %parallel_loop3A_414, %parallel_loop3A_415], %parallel_loop3A_411 {strides = array<i32>} : memref<2x500x16xf32, #tpu.memory_space<vmem>>, vector<16xf32>,
        %parallel_loop3A_417 = arith.constant 4 : i32
        %parallel_loop3A_418 = arith.muli %parallel_loop3A_248, %parallel_loop3A_417 : i32
        %parallel_loop3A_419 = arith.constant 3 : i32
        %parallel_loop3A_420 = arith.addi %parallel_loop3A_418, %parallel_loop3A_419 : i32
        %parallel_loop3A_421 = arith.constant 1 : i32
        %parallel_loop3A_422 = arith.index_cast %parallel_loop3A_421 : i32 to index
        %parallel_loop3A_423 = arith.index_cast %parallel_loop3A_420 : i32 to index
        %parallel_loop3A_424 = arith.constant 64 : index
        %parallel_loop3A_425 = tpu.vector_load %arg11[%parallel_loop3A_422, %parallel_loop3A_423, %parallel_loop3A_424] {strides = array<i32>} : memref<2x500x80xf32, #tpu.memory_space<vmem>>, vector<16xf32>,
        %parallel_loop3A_426 = vector.extract_strided_slice %parallel_loop3A_254 {offsets = [12], sizes = [1], strides = [1]} : vector<16xf32> to vector<1xf32>
        %parallel_loop3A_427 = vector.extract %parallel_loop3A_426[0] : f32 from vector<1xf32>
        %parallel_loop3A_428 = arith.constant 1 : i32
        %parallel_loop3A_429 = arith.index_cast %parallel_loop3A_428 : i32 to index
        %parallel_loop3A_430 = arith.index_cast %parallel_loop3A_420 : i32 to index
        %parallel_loop3A_431 = arith.constant 0 : index
        %parallel_loop3A_432 = tpu.vector_load %arg11[%parallel_loop3A_429, %parallel_loop3A_430, %parallel_loop3A_431] {strides = array<i32>} : memref<2x500x80xf32, #tpu.memory_space<vmem>>, vector<16xf32>,
        %parallel_loop3A_433 = vector.broadcast %parallel_loop3A_427 : f32 to vector<16xf32>
        %parallel_loop3A_434 = arith.mulf %parallel_loop3A_433, %parallel_loop3A_432 : vector<16xf32>
        %parallel_loop3A_435 = arith.addf %parallel_loop3A_425, %parallel_loop3A_434 : vector<16xf32>
        %parallel_loop3A_436 = vector.extract_strided_slice %parallel_loop3A_254 {offsets = [13], sizes = [1], strides = [1]} : vector<16xf32> to vector<1xf32>
        %parallel_loop3A_437 = vector.extract %parallel_loop3A_436[0] : f32 from vector<1xf32>
        %parallel_loop3A_438 = arith.constant 1 : i32
        %parallel_loop3A_439 = arith.index_cast %parallel_loop3A_438 : i32 to index
        %parallel_loop3A_440 = arith.index_cast %parallel_loop3A_420 : i32 to index
        %parallel_loop3A_441 = arith.constant 16 : index
        %parallel_loop3A_442 = tpu.vector_load %arg11[%parallel_loop3A_439, %parallel_loop3A_440, %parallel_loop3A_441] {strides = array<i32>} : memref<2x500x80xf32, #tpu.memory_space<vmem>>, vector<16xf32>,
        %parallel_loop3A_443 = vector.broadcast %parallel_loop3A_437 : f32 to vector<16xf32>
        %parallel_loop3A_444 = arith.mulf %parallel_loop3A_443, %parallel_loop3A_442 : vector<16xf32>
        %parallel_loop3A_445 = arith.addf %parallel_loop3A_435, %parallel_loop3A_444 : vector<16xf32>
        %parallel_loop3A_446 = vector.extract_strided_slice %parallel_loop3A_254 {offsets = [14], sizes = [1], strides = [1]} : vector<16xf32> to vector<1xf32>
        %parallel_loop3A_447 = vector.extract %parallel_loop3A_446[0] : f32 from vector<1xf32>
        %parallel_loop3A_448 = arith.constant 1 : i32
        %parallel_loop3A_449 = arith.index_cast %parallel_loop3A_448 : i32 to index
        %parallel_loop3A_450 = arith.index_cast %parallel_loop3A_420 : i32 to index
        %parallel_loop3A_451 = arith.constant 32 : index
        %parallel_loop3A_452 = tpu.vector_load %arg11[%parallel_loop3A_449, %parallel_loop3A_450, %parallel_loop3A_451] {strides = array<i32>} : memref<2x500x80xf32, #tpu.memory_space<vmem>>, vector<16xf32>,
        %parallel_loop3A_453 = vector.broadcast %parallel_loop3A_447 : f32 to vector<16xf32>
        %parallel_loop3A_454 = arith.mulf %parallel_loop3A_453, %parallel_loop3A_452 : vector<16xf32>
        %parallel_loop3A_455 = arith.addf %parallel_loop3A_445, %parallel_loop3A_454 : vector<16xf32>
        %parallel_loop3A_456 = vector.extract_strided_slice %parallel_loop3A_254 {offsets = [15], sizes = [1], strides = [1]} : vector<16xf32> to vector<1xf32>
        %parallel_loop3A_457 = vector.extract %parallel_loop3A_456[0] : f32 from vector<1xf32>
        %parallel_loop3A_458 = arith.constant 1 : i32
        %parallel_loop3A_459 = arith.index_cast %parallel_loop3A_458 : i32 to index
        %parallel_loop3A_460 = arith.index_cast %parallel_loop3A_420 : i32 to index
        %parallel_loop3A_461 = arith.constant 48 : index
        %parallel_loop3A_462 = tpu.vector_load %arg11[%parallel_loop3A_459, %parallel_loop3A_460, %parallel_loop3A_461] {strides = array<i32>} : memref<2x500x80xf32, #tpu.memory_space<vmem>>, vector<16xf32>,
        %parallel_loop3A_463 = vector.broadcast %parallel_loop3A_457 : f32 to vector<16xf32>
        %parallel_loop3A_464 = arith.mulf %parallel_loop3A_463, %parallel_loop3A_462 : vector<16xf32>
        %parallel_loop3A_465 = arith.addf %parallel_loop3A_455, %parallel_loop3A_464 : vector<16xf32>
        %parallel_loop3A_466 = arith.constant 1 : i32
        %parallel_loop3A_467 = arith.index_cast %parallel_loop3A_466 : i32 to index
        %parallel_loop3A_468 = arith.index_cast %parallel_loop3A_420 : i32 to index
        %parallel_loop3A_469 = arith.constant 0 : index
        %parallel_loop3A_470 = tpu.vector_load %arg12[%parallel_loop3A_467, %parallel_loop3A_468, %parallel_loop3A_469] {strides = array<i32>} : memref<2x500x16xf32, #tpu.memory_space<vmem>>, vector<16xf32>,
        tpu.vector_store %arg12[%parallel_loop3A_467, %parallel_loop3A_468, %parallel_loop3A_469], %parallel_loop3A_465 {strides = array<i32>} : memref<2x500x16xf32, #tpu.memory_space<vmem>>, vector<16xf32>,
      } {sc.loop_unroll_factor = 4 : i64, sc.parallel_access}
      %run_scoped3A_239 = arith.constant 1 : i32
      %run_scoped3A_240 = arith.constant 1 : i32
      "tpu.region"() ({
        %run_scoped3A_248 = tpu.sem_alloc : memref<!tpu.dma_semaphore, #tpu.memory_space<semaphore_mem>>
        %dma_start3A_249 = arith.constant 0 : i32
        %dma_start3A_250 = arith.constant 0 : i32
        %dma_start3A_251 = tpu.memref_slice %arg12[%run_scoped3A_239, %dma_start3A_249, %dma_start3A_250] : memref<2x500x16xf32, #tpu.memory_space<vmem>> -> memref<1x500x16xf32, #tpu.memory_space<vmem>>
        %dma_start3A_252 = tpu.memref_squeeze %dma_start3A_251 : memref<1x500x16xf32, #tpu.memory_space<vmem>> -> memref<500x16xf32, #tpu.memory_space<vmem>>
        %dma_start3A_253 = arith.constant 0 : i32
        %dma_start3A_254 = tpu.memref_slice %arg9[%run_scoped3A_240, %dma_start3A_253] : memref<2x500xi32, #tpu.memory_space<vmem>> -> memref<1x500xi32, #tpu.memory_space<vmem>>
        %dma_start3A_255 = tpu.memref_squeeze %dma_start3A_254 : memref<1x500xi32, #tpu.memory_space<vmem>> -> memref<500xi32, #tpu.memory_space<vmem>>
        %dma_start3A_256 = arith.constant 0 : i32
        %dma_start3A_257 = arith.constant 0 : i32
        %dma_start3A_258 = tpu.memref_slice %arg13[%dma_start3A_256, %dma_start3A_257] : memref<10112x16xf32, #tpu.memory_space<vmem_shared>> -> memref<10112x16xf32, #tpu.memory_space<vmem_shared>>
        tpu.enqueue_indirect_dma source(%dma_start3A_252 : memref<500x16xf32, #tpu.memory_space<vmem>>) target(%dma_start3A_258 : memref<10112x16xf32, #tpu.memory_space<vmem_shared>>) offsets(%dma_start3A_255 : memref<500xi32, #tpu.memory_space<vmem>>) semaphore(%run_scoped3A_248 : memref<!tpu.dma_semaphore, #tpu.memory_space<semaphore_mem>>) {add = true}
        %dma_wait3A_259 = arith.constant 0 : i32
        %dma_wait3A_260 = arith.constant 0 : i32
        %dma_wait3A_261 = tpu.memref_slice %arg12[%run_scoped3A_239, %dma_wait3A_259, %dma_wait3A_260] : memref<2x500x16xf32, #tpu.memory_space<vmem>> -> memref<1x500x16xf32, #tpu.memory_space<vmem>>
        %dma_wait3A_262 = tpu.memref_squeeze %dma_wait3A_261 : memref<1x500x16xf32, #tpu.memory_space<vmem>> -> memref<500x16xf32, #tpu.memory_space<vmem>>
        %dma_wait3A_263 = arith.constant 0 : i32
        %dma_wait3A_264 = tpu.memref_slice %arg9[%run_scoped3A_240, %dma_wait3A_263] : memref<2x500xi32, #tpu.memory_space<vmem>> -> memref<1x500xi32, #tpu.memory_space<vmem>>
        %dma_wait3A_265 = tpu.memref_squeeze %dma_wait3A_264 : memref<1x500xi32, #tpu.memory_space<vmem>> -> memref<500xi32, #tpu.memory_space<vmem>>
        %dma_wait3A_266 = arith.constant 0 : i32
        %dma_wait3A_267 = arith.constant 0 : i32
        %dma_wait3A_268 = tpu.memref_slice %arg13[%dma_wait3A_266, %dma_wait3A_267] : memref<10112x16xf32, #tpu.memory_space<vmem_shared>> -> memref<10112x16xf32, #tpu.memory_space<vmem_shared>>
        tpu.wait_indirect_dma semaphore(%run_scoped3A_248 : memref<!tpu.dma_semaphore, #tpu.memory_space<semaphore_mem>>) src(%dma_wait3A_262 : memref<500x16xf32, #tpu.memory_space<vmem>>) dst(%dma_wait3A_268 : memref<10112x16xf32, #tpu.memory_space<vmem_shared>>)
        tpu.yield
      }) : () -> ()
      %add3A_241 = arith.constant 2 : i32
      %add3A_242 = arith.addi %add3A_213, %add3A_241 : i32
      %lt3A_243 = arith.constant 10 : i32
      %lt3A_244 = arith.cmpi slt, %add3A_242, %lt3A_243 : i32
      %convert_element_type3A_245 = arith.extui %lt3A_244 : i1 to i32
      %cond3A_246 = arith.constant 0 : i32
      %cond3A_247 = arith.cmpi ne, %convert_element_type3A_245, %cond3A_246 : i32
      scf.if %cond3A_247 {
        %add3A_248 = arith.constant 2 : i32
        %add3A_249 = arith.addi %add3A_213, %add3A_248 : i32
        %add3A_250 = arith.addi %mul3A_2, %add3A_249 : i32
        %dma_start3A_251 = arith.constant 1 : i32
        %dma_start3A_252 = arith.constant 1 : i32
        %dma_start3A_253 = arith.constant 0 : i32
        %dma_start3A_254 = tpu.memref_slice %arg8[%dma_start3A_251, %dma_start3A_253] : memref<2x500xi32, #tpu.memory_space<vmem>> -> memref<1x500xi32, #tpu.memory_space<vmem>>
        %dma_start3A_255 = tpu.memref_squeeze %dma_start3A_254 : memref<1x500xi32, #tpu.memory_space<vmem>> -> memref<500xi32, #tpu.memory_space<vmem>>
        %dma_start3A_256 = arith.constant 0 : i32
        %dma_start3A_257 = tpu.memref_slice %arg3[%add3A_250, %dma_start3A_256] : memref<320x500xi32, #tpu.memory_space<hbm>> -> memref<1x500xi32, #tpu.memory_space<hbm>>
        %dma_start3A_258 = tpu.memref_squeeze %dma_start3A_257 : memref<1x500xi32, #tpu.memory_space<hbm>> -> memref<500xi32, #tpu.memory_space<hbm>>
        %dma_start3A_259 = tpu.memref_slice %arg14[%dma_start3A_252] : memref<2x!tpu.dma_semaphore, #tpu.memory_space<semaphore_mem>> -> memref<1x!tpu.dma_semaphore, #tpu.memory_space<semaphore_mem>>
        %dma_start3A_260 = tpu.memref_squeeze %dma_start3A_259 : memref<1x!tpu.dma_semaphore, #tpu.memory_space<semaphore_mem>> -> memref<!tpu.dma_semaphore, #tpu.memory_space<semaphore_mem>>
        %dma_start3A_261 = arith.constant 0 : i32
        %dma_start3A_262 = tpu.memref_slice %arg8[%dma_start3A_251, %dma_start3A_261] : memref<2x500xi32, #tpu.memory_space<vmem>> -> memref<1x500xi32, #tpu.memory_space<vmem>>
        %dma_start3A_263 = tpu.memref_squeeze %dma_start3A_262 : memref<1x500xi32, #tpu.memory_space<vmem>> -> memref<500xi32, #tpu.memory_space<vmem>>
        %dma_start3A_264 = arith.constant 0 : i32
        %dma_start3A_265 = tpu.memref_slice %arg3[%add3A_250, %dma_start3A_264] : memref<320x500xi32, #tpu.memory_space<hbm>> -> memref<1x500xi32, #tpu.memory_space<hbm>>
        %dma_start3A_266 = tpu.memref_squeeze %dma_start3A_265 : memref<1x500xi32, #tpu.memory_space<hbm>> -> memref<500xi32, #tpu.memory_space<hbm>>
        tpu.enqueue_dma source(%dma_start3A_266 : memref<500xi32, #tpu.memory_space<hbm>>) target(%dma_start3A_263 : memref<500xi32, #tpu.memory_space<vmem>>) target_semaphore(%dma_start3A_260 : memref<!tpu.dma_semaphore, #tpu.memory_space<semaphore_mem>>)
        %dma_start3A_267 = arith.constant 1 : i32
        %dma_start3A_268 = arith.constant 1 : i32
        %dma_start3A_269 = arith.constant 0 : i32
        %dma_start3A_270 = tpu.memref_slice %arg9[%dma_start3A_267, %dma_start3A_269] : memref<2x500xi32, #tpu.memory_space<vmem>> -> memref<1x500xi32, #tpu.memory_space<vmem>>
        %dma_start3A_271 = tpu.memref_squeeze %dma_start3A_270 : memref<1x500xi32, #tpu.memory_space<vmem>> -> memref<500xi32, #tpu.memory_space<vmem>>
        %dma_start3A_272 = arith.constant 0 : i32
        %dma_start3A_273 = tpu.memref_slice %arg4[%add3A_250, %dma_start3A_272] : memref<320x500xi32, #tpu.memory_space<hbm>> -> memref<1x500xi32, #tpu.memory_space<hbm>>
        %dma_start3A_274 = tpu.memref_squeeze %dma_start3A_273 : memref<1x500xi32, #tpu.memory_space<hbm>> -> memref<500xi32, #tpu.memory_space<hbm>>
        %dma_start3A_275 = tpu.memref_slice %arg14[%dma_start3A_268] : memref<2x!tpu.dma_semaphore, #tpu.memory_space<semaphore_mem>> -> memref<1x!tpu.dma_semaphore, #tpu.memory_space<semaphore_mem>>
        %dma_start3A_276 = tpu.memref_squeeze %dma_start3A_275 : memref<1x!tpu.dma_semaphore, #tpu.memory_space<semaphore_mem>> -> memref<!tpu.dma_semaphore, #tpu.memory_space<semaphore_mem>>
        %dma_start3A_277 = arith.constant 0 : i32
        %dma_start3A_278 = tpu.memref_slice %arg9[%dma_start3A_267, %dma_start3A_277] : memref<2x500xi32, #tpu.memory_space<vmem>> -> memref<1x500xi32, #tpu.memory_space<vmem>>
        %dma_start3A_279 = tpu.memref_squeeze %dma_start3A_278 : memref<1x500xi32, #tpu.memory_space<vmem>> -> memref<500xi32, #tpu.memory_space<vmem>>
        %dma_start3A_280 = arith.constant 0 : i32
        %dma_start3A_281 = tpu.memref_slice %arg4[%add3A_250, %dma_start3A_280] : memref<320x500xi32, #tpu.memory_space<hbm>> -> memref<1x500xi32, #tpu.memory_space<hbm>>
        %dma_start3A_282 = tpu.memref_squeeze %dma_start3A_281 : memref<1x500xi32, #tpu.memory_space<hbm>> -> memref<500xi32, #tpu.memory_space<hbm>>
        tpu.enqueue_dma source(%dma_start3A_282 : memref<500xi32, #tpu.memory_space<hbm>>) target(%dma_start3A_279 : memref<500xi32, #tpu.memory_space<vmem>>) target_semaphore(%dma_start3A_276 : memref<!tpu.dma_semaphore, #tpu.memory_space<semaphore_mem>>)
        %dma_start3A_283 = arith.constant 1 : i32
        %dma_start3A_284 = arith.constant 1 : i32
        %dma_start3A_285 = arith.constant 0 : i32
        %dma_start3A_286 = tpu.memref_slice %arg10[%dma_start3A_283, %dma_start3A_285] : memref<2x2000xf32, #tpu.memory_space<vmem>> -> memref<1x2000xf32, #tpu.memory_space<vmem>>
        %dma_start3A_287 = tpu.memref_squeeze %dma_start3A_286 : memref<1x2000xf32, #tpu.memory_space<vmem>> -> memref<2000xf32, #tpu.memory_space<vmem>>
        %dma_start3A_288 = arith.constant 0 : i32
        %dma_start3A_289 = tpu.memref_slice %arg5[%add3A_250, %dma_start3A_288] : memref<320x2000xf32, #tpu.memory_space<hbm>> -> memref<1x2000xf32, #tpu.memory_space<hbm>>
        %dma_start3A_290 = tpu.memref_squeeze %dma_start3A_289 : memref<1x2000xf32, #tpu.memory_space<hbm>> -> memref<2000xf32, #tpu.memory_space<hbm>>
        %dma_start3A_291 = tpu.memref_slice %arg14[%dma_start3A_284] : memref<2x!tpu.dma_semaphore, #tpu.memory_space<semaphore_mem>> -> memref<1x!tpu.dma_semaphore, #tpu.memory_space<semaphore_mem>>
        %dma_start3A_292 = tpu.memref_squeeze %dma_start3A_291 : memref<1x!tpu.dma_semaphore, #tpu.memory_space<semaphore_mem>> -> memref<!tpu.dma_semaphore, #tpu.memory_space<semaphore_mem>>
        %dma_start3A_293 = arith.constant 0 : i32
        %dma_start3A_294 = tpu.memref_slice %arg10[%dma_start3A_283, %dma_start3A_293] : memref<2x2000xf32, #tpu.memory_space<vmem>> -> memref<1x2000xf32, #tpu.memory_space<vmem>>
        %dma_start3A_295 = tpu.memref_squeeze %dma_start3A_294 : memref<1x2000xf32, #tpu.memory_space<vmem>> -> memref<2000xf32, #tpu.memory_space<vmem>>
        %dma_start3A_296 = arith.constant 0 : i32
        %dma_start3A_297 = tpu.memref_slice %arg5[%add3A_250, %dma_start3A_296] : memref<320x2000xf32, #tpu.memory_space<hbm>> -> memref<1x2000xf32, #tpu.memory_space<hbm>>
        %dma_start3A_298 = tpu.memref_squeeze %dma_start3A_297 : memref<1x2000xf32, #tpu.memory_space<hbm>> -> memref<2000xf32, #tpu.memory_space<hbm>>
        tpu.enqueue_dma source(%dma_start3A_298 : memref<2000xf32, #tpu.memory_space<hbm>>) target(%dma_start3A_295 : memref<2000xf32, #tpu.memory_space<vmem>>) target_semaphore(%dma_start3A_292 : memref<!tpu.dma_semaphore, #tpu.memory_space<semaphore_mem>>)
      } else {
      }
    }
    %scan3A_170 = arith.constant 5 : i32
    %barrier3A_171 = arith.constant 0 : index
    tpu.barrier barrier_id(%barrier3A_171)
    %mul3A_172 = arith.constant 632 : i32
    %mul3A_173 = arith.muli %arg1, %mul3A_172 : i32
    %mul3A_174 = arith.constant 632 : i32
    %mul3A_175 = arith.muli %arg1, %mul3A_174 : i32
    "tpu.region"() ({
      %run_scoped3A = tpu.sem_alloc : memref<!tpu.dma_semaphore, #tpu.memory_space<semaphore_mem>>
      %dma_start3A_176 = arith.constant 0 : i32
      %dma_start3A_177 = tpu.memref_slice %arg7[%arg0, %mul3A_175, %dma_start3A_176] : memref<2x10112x16xf32, #tpu.memory_space<hbm>> -> memref<1x632x16xf32, #tpu.memory_space<hbm>>
      %dma_start3A_178 = tpu.memref_squeeze %dma_start3A_177 : memref<1x632x16xf32, #tpu.memory_space<hbm>> -> memref<632x16xf32, #tpu.memory_space<hbm>>
      %dma_start3A_179 = arith.constant 0 : i32
      %dma_start3A_180 = tpu.memref_slice %arg13[%mul3A_173, %dma_start3A_179] : memref<10112x16xf32, #tpu.memory_space<vmem_shared>> -> memref<632x16xf32, #tpu.memory_space<vmem_shared>>
      tpu.enqueue_dma source(%dma_start3A_180 : memref<632x16xf32, #tpu.memory_space<vmem_shared>>) target(%dma_start3A_178 : memref<632x16xf32, #tpu.memory_space<hbm>>) target_semaphore(%run_scoped3A : memref<!tpu.dma_semaphore, #tpu.memory_space<semaphore_mem>>)
      %dma_wait3A_181 = arith.constant 0 : i32
      %dma_wait3A_182 = tpu.memref_slice %arg7[%arg0, %mul3A_175, %dma_wait3A_181] : memref<2x10112x16xf32, #tpu.memory_space<hbm>> -> memref<1x632x16xf32, #tpu.memory_space<hbm>>
      %dma_wait3A_183 = tpu.memref_squeeze %dma_wait3A_182 : memref<1x632x16xf32, #tpu.memory_space<hbm>> -> memref<632x16xf32, #tpu.memory_space<hbm>>
      %dma_wait3A_184 = arith.constant 0 : i32
      %dma_wait3A_185 = tpu.memref_slice %arg13[%mul3A_173, %dma_wait3A_184] : memref<10112x16xf32, #tpu.memory_space<vmem_shared>> -> memref<632x16xf32, #tpu.memory_space<vmem_shared>>
      tpu.wait_dma2 semaphore(%run_scoped3A : memref<!tpu.dma_semaphore, #tpu.memory_space<semaphore_mem>>) src(%dma_wait3A_185 : memref<632x16xf32, #tpu.memory_space<vmem_shared>>) dst(%dma_wait3A_183 : memref<632x16xf32, #tpu.memory_space<hbm>>)
      tpu.yield
    }) : () -> ()
    return
  }
}

module attributes {stable_mosaic.version = 14 : i64} {
  func.func @_tc_in(%arg0: memref<10000x16xf32, #tpu.memory_space<vmem>>, %arg1: memref<16x80xf32, #tpu.memory_space<vmem>>, %arg2: memref<16x16xf32, #tpu.memory_space<vmem>>, %arg3: memref<1x16xf32, #tpu.memory_space<vmem>>, %arg4: memref<10000x80xf32, #tpu.memory_space<vmem>>, %arg5: memref<10000x16xf32, #tpu.memory_space<vmem>>) attributes {dimension_semantics = [], scalar_prefetch = 0 : i64, scratch_operands = 0 : i64, tpu.core_type = #tpu.core_type<tc>} {
    %get3A = arith.constant 0 : index
    %get3A_0 = arith.constant 0 : index
    %get3A_1 = vector.load %arg0[%get3A, %get3A_0] : memref<10000x16xf32, #tpu.memory_space<vmem>>, vector<10000x16xf32>
    %get3A_2 = arith.constant 0 : index
    %get3A_3 = arith.constant 0 : index
    %get3A_4 = vector.load %arg1[%get3A_2, %get3A_3] : memref<16x80xf32, #tpu.memory_space<vmem>>, vector<16x80xf32>
    %dot_general3A = arith.constant dense<0.000000e+00> : vector<10000x80xf32>
    %dot_general3A_5 = tpu.matmul %get3A_1, %get3A_4, %dot_general3A {dimension_numbers = #tpu.dot_dimension_numbers<[1], [0], [0], [1], [0, 0, 1, 1], [], []>, precision = #tpu.contract_precision<fp32>, transpose_lhs_hint = false} : vector<10000x16xf32>, vector<16x80xf32>, vector<10000x80xf32> -> vector<10000x80xf32>
    %swap3A = arith.constant 0 : index
    %swap3A_6 = arith.constant 0 : index
    %swap3A_7 = vector.load %arg4[%swap3A, %swap3A_6] : memref<10000x80xf32, #tpu.memory_space<vmem>>, vector<10000x80xf32>
    tpu.vector_store %arg4[%swap3A, %swap3A_6], %dot_general3A_5 {strides = array<i32>} : memref<10000x80xf32, #tpu.memory_space<vmem>>, vector<10000x80xf32>,
    %get3A_8 = arith.constant 0 : index
    %get3A_9 = arith.constant 0 : index
    %get3A_10 = vector.load %arg2[%get3A_8, %get3A_9] : memref<16x16xf32, #tpu.memory_space<vmem>>, vector<16x16xf32>
    %dot_general3A_11 = arith.constant dense<0.000000e+00> : vector<10000x16xf32>
    %dot_general3A_12 = tpu.matmul %get3A_1, %get3A_10, %dot_general3A_11 {dimension_numbers = #tpu.dot_dimension_numbers<[1], [0], [0], [1], [0, 0, 1, 1], [], []>, precision = #tpu.contract_precision<fp32>, transpose_lhs_hint = false} : vector<10000x16xf32>, vector<16x16xf32>, vector<10000x16xf32> -> vector<10000x16xf32>
    %get3A_13 = arith.constant 0 : index
    %get3A_14 = arith.constant 0 : index
    %get3A_15 = vector.load %arg3[%get3A_13, %get3A_14] : memref<1x16xf32, #tpu.memory_space<vmem>>, vector<1x16xf32>
    %add3A = vector.broadcast %get3A_15 : vector<1x16xf32> to vector<10000x16xf32>
    %add3A_16 = arith.addf %dot_general3A_12, %add3A : vector<10000x16xf32>
    %swap3A_17 = arith.constant 0 : index
    %swap3A_18 = arith.constant 0 : index
    %swap3A_19 = vector.load %arg5[%swap3A_17, %swap3A_18] : memref<10000x16xf32, #tpu.memory_space<vmem>>, vector<10000x16xf32>
    tpu.vector_store %arg5[%swap3A_17, %swap3A_18], %add3A_16 {strides = array<i32>} : memref<10000x16xf32, #tpu.memory_space<vmem>>, vector<10000x16xf32>,
    return
  }
}

module attributes {stable_mosaic.version = 14 : i64} {
  func.func @_tc_mid(%arg0: memref<2x10112x16xf32, #tpu.memory_space<vmem>>, %arg1: memref<2x16x625x16xf32, #tpu.memory_space<vmem>>, %arg2: memref<10000x16xf32, #tpu.memory_space<vmem>>, %arg3: memref<16x80xf32, #tpu.memory_space<vmem>>, %arg4: memref<16x16xf32, #tpu.memory_space<vmem>>, %arg5: memref<1x16xf32, #tpu.memory_space<vmem>>, %arg6: memref<10000x80xf32, #tpu.memory_space<vmem>>, %arg7: memref<10000x16xf32, #tpu.memory_space<vmem>>, %arg8: memref<625x16xf32, #tpu.memory_space<vmem>>) attributes {dimension_semantics = [], scalar_prefetch = 0 : i64, scratch_operands = 0 : i64, tpu.core_type = #tpu.core_type<tc>} {
    %get3A = arith.constant 0 : index
    %get3A_0 = arith.constant 0 : index
    %get3A_1 = arith.constant 0 : index
    %get3A_2 = arith.constant 0 : index
    %get3A_3 = vector.load %arg1[%get3A, %get3A_0, %get3A_1, %get3A_2] : memref<2x16x625x16xf32, #tpu.memory_space<vmem>>, vector<2x16x625x16xf32>
    %reduce_sum3A = arith.constant dense<0.000000e+00> : vector<625x16xf32>
    %reduce_sum3A_4 = vector.multi_reduction <add>, %get3A_3, %reduce_sum3A [0, 1] : vector<2x16x625x16xf32> to vector<625x16xf32>
    %max3A = arith.constant 1.000000e+00 : f32
    %max3A_5 = vector.broadcast %max3A : f32 to vector<625x16xf32>
    %max3A_6 = arith.maximumf %reduce_sum3A_4, %max3A_5 : vector<625x16xf32>
    %div3A = arith.constant 1.000000e+00 : f32
    %div3A_7 = vector.broadcast %div3A : f32 to vector<625x16xf32>
    %div3A_8 = arith.divf %div3A_7, %max3A_6 : vector<625x16xf32>
    %get3A_9 = arith.constant 0 : index
    %get3A_10 = arith.constant 0 : index
    %get3A_11 = arith.constant 0 : index
    %get3A_12 = vector.load %arg0[%get3A_9, %get3A_10, %get3A_11] : memref<2x10112x16xf32, #tpu.memory_space<vmem>>, vector<1x10112x16xf32>
    %get3A_13 = vector.shape_cast %get3A_12 : vector<1x10112x16xf32> to vector<10112x16xf32>
    %get3A_14 = arith.constant 1 : index
    %get3A_15 = arith.constant 0 : index
    %get3A_16 = arith.constant 0 : index
    %get3A_17 = vector.load %arg0[%get3A_14, %get3A_15, %get3A_16] : memref<2x10112x16xf32, #tpu.memory_space<vmem>>, vector<1x10112x16xf32>
    %get3A_18 = vector.shape_cast %get3A_17 : vector<1x10112x16xf32> to vector<10112x16xf32>
    %add3A = arith.addf %get3A_13, %get3A_18 : vector<10112x16xf32>
    %slice3A = vector.extract_strided_slice %add3A {offsets = [0, 0], sizes = [10000, 16], strides = [1, 1]} : vector<10112x16xf32> to vector<10000x16xf32>
    %get3A_19 = arith.constant 0 : index
    %get3A_20 = arith.constant 0 : index
    %get3A_21 = vector.load %arg2[%get3A_19, %get3A_20] : memref<10000x16xf32, #tpu.memory_space<vmem>>, vector<10000x16xf32>
    %reshape3A = vector.shape_cast %slice3A : vector<10000x16xf32> to vector<625x16x16xf32>
    %broadcast_in_dim3A = vector.shape_cast %div3A_8 : vector<625x16xf32> to vector<625x16x1xf32>
    %mul3A = vector.broadcast %broadcast_in_dim3A : vector<625x16x1xf32> to vector<625x16x16xf32>
    %mul3A_22 = arith.mulf %reshape3A, %mul3A : vector<625x16x16xf32>
    %reshape3A_23 = vector.shape_cast %mul3A_22 : vector<625x16x16xf32> to vector<10000x16xf32>
    %add3A_24 = arith.addf %get3A_21, %reshape3A_23 : vector<10000x16xf32>
    %max3A_25 = arith.constant 0.000000e+00 : f32
    %max3A_26 = vector.broadcast %max3A_25 : f32 to vector<10000x16xf32>
    %max3A_27 = arith.maximumf %add3A_24, %max3A_26 : vector<10000x16xf32>
    %get3A_28 = arith.constant 0 : index
    %get3A_29 = arith.constant 0 : index
    %get3A_30 = vector.load %arg3[%get3A_28, %get3A_29] : memref<16x80xf32, #tpu.memory_space<vmem>>, vector<16x80xf32>
    %dot_general3A = arith.constant dense<0.000000e+00> : vector<10000x80xf32>
    %dot_general3A_31 = tpu.matmul %max3A_27, %get3A_30, %dot_general3A {dimension_numbers = #tpu.dot_dimension_numbers<[1], [0], [0], [1], [0, 0, 1, 1], [], []>, precision = #tpu.contract_precision<fp32>, transpose_lhs_hint = false} : vector<10000x16xf32>, vector<16x80xf32>, vector<10000x80xf32> -> vector<10000x80xf32>
    %swap3A = arith.constant 0 : index
    %swap3A_32 = arith.constant 0 : index
    %swap3A_33 = vector.load %arg6[%swap3A, %swap3A_32] : memref<10000x80xf32, #tpu.memory_space<vmem>>, vector<10000x80xf32>
    tpu.vector_store %arg6[%swap3A, %swap3A_32], %dot_general3A_31 {strides = array<i32>} : memref<10000x80xf32, #tpu.memory_space<vmem>>, vector<10000x80xf32>,
    %get3A_34 = arith.constant 0 : index
    %get3A_35 = arith.constant 0 : index
    %get3A_36 = vector.load %arg4[%get3A_34, %get3A_35] : memref<16x16xf32, #tpu.memory_space<vmem>>, vector<16x16xf32>
    %dot_general3A_37 = arith.constant dense<0.000000e+00> : vector<10000x16xf32>
    %dot_general3A_38 = tpu.matmul %max3A_27, %get3A_36, %dot_general3A_37 {dimension_numbers = #tpu.dot_dimension_numbers<[1], [0], [0], [1], [0, 0, 1, 1], [], []>, precision = #tpu.contract_precision<fp32>, transpose_lhs_hint = false} : vector<10000x16xf32>, vector<16x16xf32>, vector<10000x16xf32> -> vector<10000x16xf32>
    %get3A_39 = arith.constant 0 : index
    %get3A_40 = arith.constant 0 : index
    %get3A_41 = vector.load %arg5[%get3A_39, %get3A_40] : memref<1x16xf32, #tpu.memory_space<vmem>>, vector<1x16xf32>
    %add3A_42 = vector.broadcast %get3A_41 : vector<1x16xf32> to vector<10000x16xf32>
    %add3A_43 = arith.addf %dot_general3A_38, %add3A_42 : vector<10000x16xf32>
    %swap3A_44 = arith.constant 0 : index
    %swap3A_45 = arith.constant 0 : index
    %swap3A_46 = vector.load %arg7[%swap3A_44, %swap3A_45] : memref<10000x16xf32, #tpu.memory_space<vmem>>, vector<10000x16xf32>
    tpu.vector_store %arg7[%swap3A_44, %swap3A_45], %add3A_43 {strides = array<i32>} : memref<10000x16xf32, #tpu.memory_space<vmem>>, vector<10000x16xf32>,
    %swap3A_47 = arith.constant 0 : index
    %swap3A_48 = arith.constant 0 : index
    %swap3A_49 = vector.load %arg8[%swap3A_47, %swap3A_48] : memref<625x16xf32, #tpu.memory_space<vmem>>, vector<625x16xf32>
    tpu.vector_store %arg8[%swap3A_47, %swap3A_48], %div3A_8 {strides = array<i32>} : memref<625x16xf32, #tpu.memory_space<vmem>>, vector<625x16xf32>,
    return
  }
}

module attributes {stable_mosaic.version = 14 : i64} {
  func.func @_tc_out(%arg0: memref<2x10112x16xf32, #tpu.memory_space<vmem>>, %arg1: memref<10000x16xf32, #tpu.memory_space<vmem>>, %arg2: memref<625x16xf32, #tpu.memory_space<vmem>>, %arg3: memref<16x1xf32, #tpu.memory_space<vmem>>, %arg4: memref<1x1xf32, #tpu.memory_space<vmem>>, %arg5: memref<10000x1xf32, #tpu.memory_space<vmem>>) attributes {dimension_semantics = [], scalar_prefetch = 0 : i64, scratch_operands = 0 : i64, tpu.core_type = #tpu.core_type<tc>} {
    %get3A = arith.constant 0 : index
    %get3A_0 = arith.constant 0 : index
    %get3A_1 = arith.constant 0 : index
    %get3A_2 = vector.load %arg0[%get3A, %get3A_0, %get3A_1] : memref<2x10112x16xf32, #tpu.memory_space<vmem>>, vector<1x10112x16xf32>
    %get3A_3 = vector.shape_cast %get3A_2 : vector<1x10112x16xf32> to vector<10112x16xf32>
    %get3A_4 = arith.constant 1 : index
    %get3A_5 = arith.constant 0 : index
    %get3A_6 = arith.constant 0 : index
    %get3A_7 = vector.load %arg0[%get3A_4, %get3A_5, %get3A_6] : memref<2x10112x16xf32, #tpu.memory_space<vmem>>, vector<1x10112x16xf32>
    %get3A_8 = vector.shape_cast %get3A_7 : vector<1x10112x16xf32> to vector<10112x16xf32>
    %add3A = arith.addf %get3A_3, %get3A_8 : vector<10112x16xf32>
    %slice3A = vector.extract_strided_slice %add3A {offsets = [0, 0], sizes = [10000, 16], strides = [1, 1]} : vector<10112x16xf32> to vector<10000x16xf32>
    %get3A_9 = arith.constant 0 : index
    %get3A_10 = arith.constant 0 : index
    %get3A_11 = vector.load %arg1[%get3A_9, %get3A_10] : memref<10000x16xf32, #tpu.memory_space<vmem>>, vector<10000x16xf32>
    %get3A_12 = arith.constant 0 : index
    %get3A_13 = arith.constant 0 : index
    %get3A_14 = vector.load %arg2[%get3A_12, %get3A_13] : memref<625x16xf32, #tpu.memory_space<vmem>>, vector<625x16xf32>
    %reshape3A = vector.shape_cast %slice3A : vector<10000x16xf32> to vector<625x16x16xf32>
    %broadcast_in_dim3A = vector.shape_cast %get3A_14 : vector<625x16xf32> to vector<625x16x1xf32>
    %mul3A = vector.broadcast %broadcast_in_dim3A : vector<625x16x1xf32> to vector<625x16x16xf32>
    %mul3A_15 = arith.mulf %reshape3A, %mul3A : vector<625x16x16xf32>
    %reshape3A_16 = vector.shape_cast %mul3A_15 : vector<625x16x16xf32> to vector<10000x16xf32>
    %add3A_17 = arith.addf %get3A_11, %reshape3A_16 : vector<10000x16xf32>
    %max3A = arith.constant 0.000000e+00 : f32
    %max3A_18 = vector.broadcast %max3A : f32 to vector<10000x16xf32>
    %max3A_19 = arith.maximumf %add3A_17, %max3A_18 : vector<10000x16xf32>
    %get3A_20 = arith.constant 0 : index
    %get3A_21 = arith.constant 0 : index
    %get3A_22 = vector.load %arg3[%get3A_20, %get3A_21] : memref<16x1xf32, #tpu.memory_space<vmem>>, vector<16x1xf32>
    %dot_general3A = arith.constant dense<0.000000e+00> : vector<10000x1xf32>
    %dot_general3A_23 = tpu.matmul %max3A_19, %get3A_22, %dot_general3A {dimension_numbers = #tpu.dot_dimension_numbers<[1], [0], [0], [1], [0, 0, 1, 1], [], []>, precision = #tpu.contract_precision<fp32>, transpose_lhs_hint = false} : vector<10000x16xf32>, vector<16x1xf32>, vector<10000x1xf32> -> vector<10000x1xf32>
    %get3A_24 = arith.constant 0 : index
    %get3A_25 = arith.constant 0 : index
    %get3A_26 = vector.load %arg4[%get3A_24, %get3A_25] : memref<1x1xf32, #tpu.memory_space<vmem>>, vector<1x1xf32>
    %add3A_27 = vector.broadcast %get3A_26 : vector<1x1xf32> to vector<10000x1xf32>
    %add3A_28 = arith.addf %dot_general3A_23, %add3A_27 : vector<10000x1xf32>
    %swap3A = arith.constant 0 : index
    %swap3A_29 = arith.constant 0 : index
    %swap3A_30 = vector.load %arg5[%swap3A, %swap3A_29] : memref<10000x1xf32, #tpu.memory_space<vmem>>, vector<10000x1xf32>
    tpu.vector_store %arg5[%swap3A, %swap3A_29], %add3A_28 {strides = array<i32>} : memref<10000x1xf32, #tpu.memory_space<vmem>>, vector<10000x1xf32>,
    return
  }
}

</mosaic_0001>

<sc_bundles>
// kernel: kernel.10.cloned.1.call-start
scs
__scs_entry_jumppad:
0x0: {  	(pc) =	sbr.rel $0x88, $3  }
0x1: {  	(tag) =	ssettag $0x0;
	lr =	simm.s32 $0x1  }
0x2: {  	[smem:$0x3F94] =	sst lr;
	_ =	strace $0xD0000000  }
0x3: {  	_ = 	snop  }
0x4: {  	_ = 	snop  }
0x5: {  	_ = 	snop  }
0x6: {  	_ = 	snop  }
0x7: {  	_ = 	snop  }
__scs_overlays_trampoline_lowered:
0x8: {  	[smem:$0x3FA3] =	sst s0  }
0x9: {  	[smem:$0x3FA4] =	sst s1  }
0xa: {  	[smem:$0x3FA5] =	sst s2  }
0xb: {  	[smem:$0x3FA6] =	sst s3  }
0xc: {  	[smem:$0x3FA7] =	sst s4  }
0xd: {  	[smem:$0x3FA8] =	sst s5  }
0xe: {  	[smem:$0x3FA9] =	sst s6  }
0xf: {  	[smem:$0x3FAA] =	sst s7  }
0x10: {  	[smem:$0x3FAB] =	sst s8  }
0x11: {  	[smem:$0x3FAC] =	sst s9;
	s0 =	simm.s32 @!p0 $0x0  }
0x12: {  	s1 =	sld [smem:$0x3F92];
	s0 =	simm.s32 @p0 $0x1  }
0x13: {  	[smem:$0x3FAD] =	sst s0;
	s0 =	simm.s32 @!p1 $0x0  }
0x14: {  	s2 =	sld [smem:$0x3F91];
	s0 =	simm.s32 @p1 $0x1  }
0x15: {  	[smem:$0x3FAE] =	sst s0;
	s0 =	simm.s32 @!p2 $0x0  }
0x16: {  	s3 =	sld [smem:$0x3FDB];
	s0 =	simm.s32 @p2 $0x1  }
0x17: {  	s4 =	simm.s32 $0x1BF5;
	[smem:$0x3FB0] =	sst s0  }
0x18: {  	s0 =	sld [smem:$0x3F93];
	_ =	swait.ge [sflag:s4], $0x0  }
0x19: {  	s7 =	sld [smem:$0x3F94]  }
0x1a: {  	s8 =	sadd.s32 $0xFFFFE003, lr  }
0x1b: {  	s9 =	sadd.s32 $0xFFFFFEF7, lr;
	s5 =	simm.s32 $0xFFFFFFFF;
	p2 =	slt.u32 s8, $0xFFFFF086  }
0x1c: {  	p1 =	slt.u32 s9, $0xF7A;
	s5 =	simm.s32 @!p2 $0x0  }
0x1d: {  	s5 =	simm.s32 @p1 $0x1;
	p0 =	seq.s32 s7, s2  }
0x1e: {  	s7 =	smul.u32 @!p0 $0xF7A, s2;
	p2 =	seq.s32 @!p0 s5, $0x0  }
0x1f: {  	s9 =	smul.u32 $0xF7A, s1;
	s8 =	simm.s32 @!p0 $0x1BF5;
	p2 =	por !p2, p0  }
0x20: {  	[sflag:s8] =	ssyncset.s32 @!p0 $0xFFFFF086;
	s6 =	sadd.s32 @!p0 s3, s7;
	s7 =	simm.s32 @!p0 $0x108  }
0x21: {  	s3 =	sadd.s32 s3, s9;
	s6 =	sadd.s32 @!p0 $0x88, s6;
	s7 =	simm.s32 @p2 $0x1082  }
0x22: {  	[simem:s7], [sflag:s8] =	dma.local @!p0 [hbm:s6], $0xF7A  }
0x23: {  	s9 =	sor.u32 $0xD0000000, s2;
	s6 =	simm.s32 $0x108;
	_ =	swait.ge @!p0 [sflag:s8], $0x0  }
0x24: {  	s3 =	sadd.s32 $0x88, s3;
	s6 =	simm.s32 @!p1 $0x1082;
	[sflag:s4] =	ssyncset.s32 $0xFFFFF086  }
0x25: {  	[simem:s6], [sflag:s4] =	dma.local [hbm:s3], $0xF7A  }
0x26: {  	[smem:$0x3F94] =	sst s1;
	(tag) =	ssettag s2;
	_ =	strace s9  }
0x27: {  	s1 =	sld [smem:$0x3FA4]  }
0x28: {  	s2 =	sld [smem:$0x3FA5]  }
0x29: {  	s4 =	sld [smem:$0x3FA7]  }
0x2a: {  	p0 =	seq.s32 s5, $0x0;
	s5 =	sld [smem:$0x3FA8]  }
0x2b: {  	s6 =	sld [smem:$0x3FA9]  }
0x2c: {  	s7 =	sld [smem:$0x3FAA]  }
0x2d: {  	s3 =	simm.s32 $0x108;
	s8 =	sld [smem:$0x3FAB]  }
0x2e: {  	s3 =	simm.s32 @!p0 $0x1082;
	s9 =	sld [smem:$0x3FAC]  }
0x2f: {  	lr =	sadd.s32 s0, s3;
	s0 =	sld [smem:$0x3FA3]  }
0x30: {  	s3 =	sld [smem:$0x3FA6]  }
0x31: {  	[smem:$0x3FAF] =	sst s10  }
0x32: {  	s10 =	sld [smem:$0x3FAD];
	_ =	sdelay $0x3  }
0x33: {  	p0 =	seq.s32 s10, $0x1;
	s10 =	sld [smem:$0x3FAF];
	_ =	sdelay $0x3  }
0x34: {  	[smem:$0x3FAF] =	sst s10  }
0x35: {  	s10 =	sld [smem:$0x3FAE];
	_ =	sdelay $0x3  }
0x36: {  	p1 =	seq.s32 s10, $0x1;
	s10 =	sld [smem:$0x3FAF];
	_ =	sdelay $0x3  }
0x37: {  	[smem:$0x3FAF] =	sst s10  }
0x38: {  	s10 =	sld [smem:$0x3FB0]  }
0x39: {  	_ = 	snop;
	(pc) =	sbr.ind lr, $3  }
0x3a: {  	_ = 	snop  }
0x3b: {  	_ = 	snop  }
0x3c: {  	p2 =	seq.s32 s10, $0x1;
	s10 =	sld [smem:$0x3FAF]  }
0x3d: {  	_ =	shalt  }
0x3e: {  	_ =	shalt  }
0x3f: {  	_ =	shalt  }
0x40: {  	_ =	shalt  }
0x41: {  	_ =	shalt  }
0x42: {  	_ =	shalt  }
0x43: {  	_ =	shalt  }
0x44: {  	_ =	shalt  }
0x45: {  	_ =	shalt  }
0x46: {  	_ =	shalt  }
0x47: {  	_ =	shalt  }
0x48: {  	_ =	shalt  }
0x49: {  	_ =	shalt  }
0x4a: {  	_ =	shalt  }
0x4b: {  	_ =	shalt  }
0x4c: {  	_ =	shalt  }
0x4d: {  	_ =	shalt  }
0x4e: {  	_ =	shalt  }
0x4f: {  	_ =	shalt  }
0x50: {  	_ =	shalt  }
0x51: {  	_ =	shalt  }
0x52: {  	_ =	shalt  }
0x53: {  	_ =	shalt  }
0x54: {  	_ =	shalt  }
0x55: {  	_ =	shalt  }
0x56: {  	_ =	shalt  }
0x57: {  	_ =	shalt  }
0x58: {  	_ =	shalt  }
0x59: {  	_ =	shalt  }
0x5a: {  	_ =	shalt  }
0x5b: {  	_ =	shalt  }
0x5c: {  	_ =	shalt  }
0x5d: {  	_ =	shalt  }
0x5e: {  	_ =	shalt  }
0x5f: {  	_ =	shalt  }
0x60: {  	_ =	shalt  }
0x61: {  	_ =	shalt  }
0x62: {  	_ =	shalt  }
0x63: {  	_ =	shalt  }
0x64: {  	_ =	shalt  }
0x65: {  	_ =	shalt  }
0x66: {  	_ =	shalt  }
0x67: {  	_ =	shalt  }
0x68: {  	_ =	shalt  }
0x69: {  	_ =	shalt  }
0x6a: {  	_ =	shalt  }
0x6b: {  	_ =	shalt  }
0x6c: {  	_ =	shalt  }
0x6d: {  	_ =	shalt  }
0x6e: {  	_ =	shalt  }
0x6f: {  	_ =	shalt  }
0x70: {  	_ =	shalt  }
0x71: {  	_ =	shalt  }
0x72: {  	_ =	shalt  }
0x73: {  	_ =	shalt  }
0x74: {  	_ =	shalt  }
0x75: {  	_ =	shalt  }
0x76: {  	_ =	shalt  }
0x77: {  	_ =	shalt  }
0x78: {  	_ =	shalt  }
0x79: {  	_ =	shalt  }
0x7a: {  	_ =	shalt  }
0x7b: {  	_ =	shalt  }
0x7c: {  	_ =	shalt  }
0x7d: {  	_ =	shalt  }
0x7e: {  	_ =	shalt  }
0x7f: {  	_ =	shalt  }
0x80: {  	_ =	shalt  }
0x81: {  	_ =	shalt  }
0x82: {  	_ =	shalt  }
0x83: {  	_ =	shalt  }
0x84: {  	_ =	shalt  }
0x85: {  	_ =	shalt  }
0x86: {  	_ =	shalt  }
0x87: {  	_ =	shalt  }
.Lfunc_end0:
.L_simem_size_0:
called_computation.1_lowered:
.L_overlay_start_0:
0x88: {  	s2 =	sld [smem:$0x3FD9]  }
0x89: {  	s3 =	sld [smem:$0x3FFE];
	_ =	sdelay $0x1  }
0x8a: {  	s1 =	srdreg.scid  }
0x8b: {  	s0 =	sand.u32 $0x1, s1  }
0x8c: {  	s16 =	sshll.u32 s0, $0xA;
	s2 =	sadd.s32 s3, s2  }
0x8d: {  	s2 =	sadd.s32 s2, s16  }
0x8e: {  	[smem:$0x3FBB] =	sst s2  }
0x8f: {  	_ = 	snop  }
0x90: {  	(tm) =	ssettm $0x1  }
0x91: {  	s17 =	sld [smem:$0x3FFB];
	_ =	sdelay $0x3  }
0x92: {  	_ =	strace s17  }
0x93: {  	s2 =	sld [smem:$0x3FFC];
	_ =	sdelay $0x3  }
0x94: {  	_ =	strace s2  }
0x95: {  	s2 =	sld [smem:$0x3FFD];
	_ =	sdelay $0x3  }
0x96: {  	_ =	strace s2  }
0x97: {  	_ =	strace $0x8FFFFFFF  }
0x98: {  	s18 =	sld [smem:$0x3FDB];
	_ =	sdelay $0x1  }
0x99: {  	s19 =	simm.s32 $_scs_section_size  }
0x9a: {  	s4 =	simm.s32 $_size__tile_overlayer_lowered;
	s5 =	simm.s32 $_tile_overlayer_lowered  }
0x9b: {  	s22 =	simm.s32 $0x1BFF;
	s21 =	sshll.u32 s5, $0x1;
	s2 =	sadd.s32 s19, s18  }
0x9c: {  	s6 =	simm.s32 $0x0;
	s20 =	sshll.u32 s4, $0x1;
	s4 =	sadd.s32 s21, s2  }
0x9d: {  	[timem:s6], [sflag:s22] =	dma.local [hbm:s4], s20  }
0x9e: {  	_ =	swait.ge [sflag:s22], s20  }
0x9f: {  	s3 =	ssub.s32 $0x0, s20;
	[sflag:s22] =	ssyncset.done $0x0  }
0xa0: {  	[sflag:s22] =	ssyncadd.s32 s3;
	_ =	sdelay $0x1  }
0xa1: {  	s23 =	simm.s32 $0x1B8B  }
0xa2: {  	_ =	swait.ge [sflag:s23], $0x1  }
0xa3: {  	[sflag:s23] =	ssyncset.done $0x0  }
0xa4: {  	s25 =	simm.s32 $0x1B8E;
	s24 =	sld [smem:$0x3FFE];
	[sflag:s23] =	ssyncadd.s32 $0xFFFFFFFF  }
0xa5: {  	s26 =	simm.s32 $execute0_lowered;
	[smem:$0x3FD2] =	sst s25  }
0xa6: {  	s4 =	sshll.u32 s26, $0x1;
	_ =	strace $0x80000049;
	[dreg:$0x1] =	wrdreg $0xFFFFFFFF  }
0xa7: {  	s28 =	simm.s32 $_size_execute0_lowered;
	s2 =	sadd.s32 s2, s4;
	[dreg:$0x0] =	wrdreg $0x0  }
0xa8: {  	s4 =	sshll.u32 s28, $0x1;
	[dreg:$0x2] =	wrdreg s2  }
0xa9: {  	[dreg:$0x3] =	wrdreg s4  }
0xaa: {  	[dreg:$0x4] =	wrdreg $0xC0  }
0xab: {  	_ =	task [dreg:s6], $0x5FFFF  }
0xac: {  	[dreg:$0x1] =	wrdreg $0xFFFFFFFF  }
0xad: {  	[dreg:$0x0] =	wrdreg $0x60  }
0xae: {  	[dreg:$0x2] =	wrdreg s24  }
0xaf: {  	[dreg:$0x3] =	wrdreg $0x18E800  }
0xb0: {  	[dreg:$0x4] =	wrdreg $0x9  }
0xb1: {  	_ =	task.clear_ibuf [dreg:s6], $0x5FFFF;
	_ =	strace $0x90000049  }
0xb2: {  	s29 =	simm.s32 $0x9;
	_ =	strace $0x8000004B  }
0xb3: {  	_ =	swait.ge [sflag:s29], $0x1  }
0xb4: {  	[sflag:s29] =	ssyncadd.s32 $0xFFFFFFFF  }
0xb5: {  	_ =	strace $0x9000004B  }
0xb6: {  	_ =	sfence  }
0xb7: {  	s30 =	sld [smem:$0x0];
	_ =	sdelay $0x2  }
0xb8: {  	s31 =	sshll.u32 s1, $0xD;
	s1 =	sshrl.u32 s1, $0x2  }
0xb9: {  	s3 =	sand.u32 $0x4000, s31;
	s1 =	sadd.s32 s1, s30  }
0xba: {  	s0 =	sor.u32 s3, s0;
	s1 =	sshll.u32 s1, $0x11  }
0xbb: {  	s0 =	sor.u32 s1, s0  }
0xbc: {  	s0 =	sadd.s32 $0x8F2B, s0  }
0xbd: {  	[sflag:s0] =	ssyncadd.remote.s32 $0x1  }
0xbe: {  	_ =	sfence.sel $0xFFFF  }
0xbf: {  	[dreg:$0x0] =	wrdreg $0xFFFFFFFF;
	(pc) =	sbr.abs _section_cstart, $3  }
0xc0: {  	[dreg:$0x1] =	wrdreg $0xFFFFFFFF  }
0xc1: {  	_ =	task.clear_ibuf [dreg:s6], $0x2FFFF;
	_ =	strace $0x9FFFFFFF  }
0xc2: {  	(tm) =	ssettm $0x7FFFFFFF  }
0xc3: {  	_ =	shalt  }
tec
execute0_lowered:
.L_overlay_start_1:
0x0: {  	(tag) =	ssettag $0x1  }
0x1: {  	s0 =	rddreg [dreg:$0x0]  }
0x2: {  	s1 =	rddreg [dreg:$0x1];
	s3 =	simm.s32 $0x0  }
0x3: {  	s2 =	srdreg.scid;
	s15 =	stileid.u32;
	s28 =	simm.s32 $0x1  }
0x4: {  	s29 =	simm.s32 $0x1F4;
	s31 =	simm.s32 $0x3;
	s30 =	simm.s32 $0x16F40  }
0x5: {  	[smem:$0x7FF] =	sst s3;
	s2 =	sand.u32 $0x1, s2;
	s8 =	smul.u32 $0x2780, s15  }
0x6: {  	s4 =	sadd.s32 $0xB800, s0;
	s5 =	sadd.s32 $0x6800, s0;
	s6 =	sadd.s32 $0x1800, s0  }
0x7: {  	s12 =	sadd.s32 $0x24000, s0;
	s25 =	sshll.u32 s15, $0x6;
	_ =	strace $0x8000004A  }
0x8: {  	s9 =	smul.u32 $0x27800, s2;
	s7 =	sshll.u32 s2, $0x4;
	[dreg:$0x3] =	wrdreg s12  }
0x9: {  	s2 =	ssub.s32 $0x2, s2;
	s16 =	sor.u32 $0x1C05, s25;
	s10 =	sor.u32 s15, s7  }
0xa: {  	s25 =	simm.s32 $0xFB0;
	s7 =	sadd.s32 $0x27C800, s0;
	s11 =	smul.u32 $0xA, s10  }
0xb: {  	s20 =	sshrl.u32 s2, $0x1;
	s9 =	sadd.s32 s8, s9;
	s19 =	smul.u32 $0x276, s10  }
0xc: {  	s10 =	smul.u32 $0x9C4, s10;
	s2 =	ssub.s32 s2, s20;
	s8 =	sadd.s32 s8, s1  }
0xd: {  	s9 =	sshrl.u32 s9, $0x3;
	[dreg:$0xa] =	wrdreg s8;
	s26 =	smax.u32 s2, $0x1  }
0xe: {  	s2 =	simm.s32 $0xB3C0;
	s8 =	simm.s32 $0x0;
	s13 =	sor.u32 $0x1, s11  }
0xf: {  	s0 =	sadd.s32 s9, s0;
	s21 =	sadd.s32 s5, s19;
	s12 =	sadd.s32 s6, s19  }
0x10: {  	s10 =	sadd.s32 s7, s10;
	s17 =	sadd.s32 $0x2, s11;
	[dreg:$0xc] =	wrdreg s26  }
0x11: {  	s18 =	sadd.s32 $0x3, s11;
	s14 =	smul.u32 $0x3F, s13;
	[dreg:$0x4] =	wrdreg s21  }
0x12: {  	s26 =	simm.s32 $0x5;
	s22 =	smul.u32 $0xFA, s13;
	[dreg:$0x5] =	wrdreg s12  }
.Ltmp0:
0x13: {  	[dreg:$0x6] =	wrdreg s10;
	s0 =	sadd.s32 $0x24600, s0;
	(pc) =	sbr.rel .LBB2_1-.Ltmp0, $4  }
0x14: {  	s21 =	simm.s32 $0x3F0;
	[dreg:$0xb] =	wrdreg s0;
	s23 =	sadd.s32 s5, s14  }
0x15: {  	s0 =	simm.s32 $0x2;
	s24 =	sadd.s32 s6, s14;
	[dreg:$0x7] =	wrdreg s23  }
0x16: {  	s9 =	sadd.s32 s7, s22;
	s22 =	simm.s32 $0x15000;
	[dreg:$0x8] =	wrdreg s24  }
0x17: {  	[dreg:$0x9] =	wrdreg s9;
	s23 =	simm.s32 $0x1F8;
	s24 =	simm.s32 $0x5E8  }
.LBB2_8:
0x18: {  	[bflag:$0x0] =	sbarrier.arrive $0xFFFF  }
0x19: {  	s10 =	rddreg [dreg:$0xb]  }
0x1a: {  	[hbm:s10], [sflag:s16] =	dma.local [spmem:s9], $0x4F0  }
0x1b: {  	_ =	swait.ge [sflag:s26], $0x4F0  }
0x1c: {  	s8 =	sadd.s32 $0x1, s8;
	s20 =	rddreg [dreg:$0xc]  }
0x1d: {  	p0 =	sne.s32 s8, s20  }
.Ltmp1:
0x1e: {  	_ = 	snop;
	(pc) =	sbr.rel @!p0 .LBB2_9-.Ltmp1, $3  }
0x1f: {  	_ =	sdelay $0x1  }
0x20: {  	[sflag:s26] =	ssyncset.done $0x0  }
0x21: {  	[sflag:s26] =	ssyncadd.s32 $0xFFFFFB10  }
.LBB2_1:
0x22: {  	s9 =	rddreg [dreg:$0x4]  }
0x23: {  	s10 =	rddreg [dreg:$0x5]  }
0x24: {  	s11 =	rddreg [dreg:$0x6]  }
0x25: {  	[tilespmem:s3], [sflag:$0x1] =	stream.linear.gather [hbm4b:s9+s3], $0x1F8, $0x38;
	[tilespmem:$0x1B600] =	vst v63  }
0x26: {  	s12 =	rddreg [dreg:$0x7]  }
0x27: {  	[tilespmem:s21], [sflag:$0x1] =	stream.linear.gather [hbm4b:s10+s3], $0x1F8, $0x38;
	[tilespmem:$0x1B600] =	vst v63  }
0x28: {  	s13 =	rddreg [dreg:$0x8];
	s10 =	simm.s32 $0x7E0  }
0x29: {  	[tilespmem:s10], [sflag:$0x1] =	stream.linear.gather [hbm4b:s11+s3], $0x7D0, $0x38;
	[tilespmem:$0x1B600] =	vst v63  }
0x2a: {  	s14 =	rddreg [dreg:$0x9]  }
0x2b: {  	[tilespmem:s23], [sflag:$0x2] =	stream.linear.gather [hbm4b:s12+s3], $0x1F8, $0x38;
	[tilespmem:$0x1B600] =	vst v63  }
0x2c: {  	s15 =	rddreg [dreg:$0xa]  }
0x2d: {  	[tilespmem:s24], [sflag:$0x2] =	stream.linear.gather [hbm4b:s13+s3], $0x1F8, $0x38;
	[tilespmem:$0x1B600] =	vst v63  }
0x2e: {  	s19 =	rddreg [dreg:$0x3];
	s9 =	sshrl.u32 s15, $0x3  }
0x2f: {  	[tilespmem:s25], [sflag:$0x2] =	stream.linear.gather [hbm4b:s14+s3], $0x7D0, $0x38;
	[tilespmem:$0x1B600] =	vst v63  }
0x30: {  	[spmem:s9], [sflag:s16] =	dma.local [hbm:s19], $0x4F0  }
0x31: {  	_ =	swait.ge [sflag:s26], $0x4F0  }
0x32: {  	[sflag:s26] =	ssyncset.done $0x0  }
0x33: {  	[sflag:s26] =	ssyncadd.s32 $0xFFFFFB10  }
0x34: {  	[bflag:$0x0] =	sbarrier.arrive $0xFFFF  }
0x35: {  	_ =	swait.ge [sflag:s28], $0x1F8  }
0x36: {  	[sflag:s28] =	ssyncset.done $0x0  }
0x37: {  	[sflag:s28] =	ssyncadd.s32 $0xFFFFFE08  }
0x38: {  	_ =	swait.ge [sflag:s28], $0x1F8  }
0x39: {  	[sflag:s28] =	ssyncset.done $0x0  }
0x3a: {  	[sflag:s28] =	ssyncadd.s32 $0xFFFFFE08  }
0x3b: {  	_ =	swait.ge [sflag:s28], $0x7D0  }
0x3c: {  	[sflag:s28] =	ssyncset.done $0x0  }
0x3d: {  	s20 =	simm.s32 $0x1780;
	s10 =	simm.s32 $0x0;
	[sflag:s28] =	ssyncadd.s32 $0xFFFFF830  }
0x3e: {  	[tilespmem:s20], [sflag:$0x3] =	stream.indirect.gather [hbm4b:s4+s29], $0x50, s3, s29, $0xb8;
	[tilespmem:$0x1B600] =	vst v63  }
.LBB2_2:
0x3f: {  	_ =	swait.ge [sflag:s31], $0x9C40  }
0x40: {  	[sflag:s31] =	ssyncset.done $0x0  }
0x41: {  	[sflag:s31] =	ssyncadd.s32 $0xFFFF63C0  }
0x42: {  	_ =	swait.ge [sflag:s0], $0x1F8  }
0x43: {  	[sflag:s0] =	ssyncset.done $0x0  }
0x44: {  	[sflag:s0] =	ssyncadd.s32 $0xFFFFFE08  }
0x45: {  	_ =	swait.ge [sflag:s0], $0x1F8  }
0x46: {  	[sflag:s0] =	ssyncset.done $0x0  }
0x47: {  	[sflag:s0] =	ssyncadd.s32 $0xFFFFFE08  }
0x48: {  	_ =	swait.ge [sflag:s0], $0x7D0  }
0x49: {  	[sflag:s0] =	ssyncset.done $0x0  }
0x4a: {  	s11 =	simm.s32 $0x800;
	[sflag:s0] =	ssyncadd.s32 $0xFFFFF830  }
0x4b: {  	[tilespmem:s2], [sflag:$0x4] =	stream.indirect.gather [hbm4b:s4+s29], $0x50, s23, s29, $0xb8;
	[tilespmem:$0x1B600] =	vst v63  }
0x4c: {  	s14 =	simm.s32 $0x1A00;
	v4 =	vld [tilespmem:s11+$0x10]  }
0x4d: {  	v0 =	vld [tilespmem:s14+$0x140]  }
0x4e: {  	v1 =	vld [tilespmem:s14+$0x180]  }
0x4f: {  	v5 =	vld [tilespmem:s14+$0x150]  }
0x50: {  	v6 =	vld [tilespmem:s14+$0x160]  }
0x51: {  	v2 =	vld [tilespmem:s11+$0xFFFFFFF0]  }
0x52: {  	v8 =	vld [tilespmem:s14+$0x170]  }
0x53: {  	v9 =	vld [tilespmem:s14+$0xFFFFFD80]  }
0x54: {  	v10 =	vld [tilespmem:s14+$0x0];
	v3 =	vbroadcast v4, $0x0  }
0x55: {  	v11 =	vld [tilespmem:s14+$0xFFFFFED0]  }
0x56: {  	v21 =	vld [tilespmem:s14+$0x40];
	v7 =	vbroadcast v4, $0x1;
	v0 =	vmul.f32 v0, v3  }
0x57: {  	v26 =	vld [tilespmem:s14+$0x10]  }
0x58: {  	s13 =	simm.s32 $0x1F00;
	v28 =	vld [tilespmem:s14+$0xFFFFFDA0];
	v5 =	vmul.f32 v5, v7;
	v7 =	vbroadcast v4, $0x2;
	v1 =	vadd.f32 v0, v1  }
0x59: {  	v49 =	vld [tilespmem:s13+$0x140]  }
0x5a: {  	v0 =	vld [tilespmem:s11+$0xFFFFFFE0];
	v1 =	vadd.f32 v5, v1;
	v5 =	vmul.f32 v6, v7;
	v6 =	vbroadcast v4, $0x3  }
0x5b: {  	v50 =	vld [tilespmem:s13+$0x180]  }
0x5c: {  	v3 =	vld [tilespmem:s11+$0x0];
	v1 =	vadd.f32 v5, v1;
	v5 =	vmul.f32 v8, v6  }
0x5d: {  	v7 =	vld [tilespmem:s14+$0xFFFFFEC0]  }
0x5e: {  	v6 =	vld [tilespmem:s14+$0xFFFFFDC0];
	v1 =	vadd.f32 v5, v1  }
0x5f: {  	s11 =	simm.s32 $0x15080;
	v8 =	vld [tilespmem:s14+$0xFFFFFD90];
	v20 =	vbroadcast v0, $0x0  }
0x60: {  	v12 =	vbroadcast v2, $0x1;
	v14 =	vbroadcast v2, $0x2;
	v5 =	vld [tilespmem:s14+$0xFFFFFF00];
	[tilespmem:s11+$0x40] =	vst v1  }
0x61: {  	v9 =	vmul.f32 v9, v20;
	v1 =	vbroadcast v2, $0x0;
	v13 =	vld [tilespmem:s14+$0x190]  }
0x62: {  	v15 =	vbroadcast v2, $0x3;
	v23 =	vbroadcast v0, $0x1;
	v16 =	vld [tilespmem:s14+$0x1D0]  }
0x63: {  	v22 =	vbroadcast v4, $0x4;
	v6 =	vadd.f32 v9, v6;
	v9 =	vld [tilespmem:s14+$0xFFFFFDB0];
	v1 =	vmul.f32 v7, v1  }
0x64: {  	v17 =	vbroadcast v3, $0x0;
	v7 =	vmul.f32 v8, v23;
	v8 =	vld [tilespmem:s14+$0xFFFFFEE0]  }
0x65: {  	v24 =	vbroadcast v0, $0x2;
	v19 =	vld [tilespmem:s14+$0x1A0];
	v1 =	vadd.f32 v1, v5;
	v5 =	vmul.f32 v11, v12  }
0x66: {  	v18 =	vbroadcast v3, $0x1;
	v10 =	vmul.f32 v10, v17;
	v6 =	vadd.f32 v7, v6;
	v7 =	vld [tilespmem:s14+$0xFFFFFEF0]  }
0x67: {  	v20 =	vbroadcast v0, $0x3;
	v25 =	vld [tilespmem:s14+$0x1B0];
	v1 =	vadd.f32 v5, v1;
	v5 =	vmul.f32 v28, v24  }
0x68: {  	v51 =	vld [tilespmem:s13+$0x150];
	v13 =	vmul.f32 v13, v22;
	v22 =	vbroadcast v4, $0x5  }
0x69: {  	v27 =	vld [tilespmem:s14+$0x1C0];
	v8 =	vmul.f32 v8, v14;
	v5 =	vadd.f32 v5, v6;
	v6 =	vmul.f32 v9, v20  }
0x6a: {  	v53 =	vld [tilespmem:s13+$0x160];
	v13 =	vadd.f32 v13, v16;
	v16 =	vmul.f32 v19, v22;
	v19 =	vbroadcast v4, $0x6  }
0x6b: {  	v55 =	vld [tilespmem:s13+$0x170];
	v1 =	vadd.f32 v8, v1;
	v7 =	vmul.f32 v7, v15;
	v5 =	vadd.f32 v6, v5  }
0x6c: {  	v11 =	vld [tilespmem:s14+$0x20];
	v13 =	vadd.f32 v16, v13;
	v16 =	vmul.f32 v25, v19;
	v19 =	vbroadcast v4, $0x7  }
0x6d: {  	v10 =	vadd.f32 v10, v21;
	v14 =	vld [tilespmem:s14+$0x30];
	v1 =	vadd.f32 v7, v1;
	[tilespmem:s11+$0xFFFFFF80] =	vst v5  }
0x6e: {  	v12 =	vadd.f32 v16, v13;
	v13 =	vmul.f32 v27, v19;
	v16 =	vmul.f32 v26, v18;
	v7 =	vld [tilespmem:s14+$0xFFFFFDD0]  }
0x6f: {  	v19 =	vld [tilespmem:s14+$0xFFFFFDE0]  }
0x70: {  	[tilespmem:s11+$0xFFFFFFC0] =	vst v1;
	v12 =	vadd.f32 v13, v12;
	v10 =	vadd.f32 v16, v10;
	v16 =	vld [tilespmem:s14+$0xFFFFFE10]  }
0x71: {  	v13 =	vbroadcast v3, $0x2;
	v20 =	vld [tilespmem:s14+$0xFFFFFF50]  }
0x72: {  	v23 =	vld [tilespmem:s14+$0xFFFFFF20];
	[tilespmem:s11+$0x50] =	vst v12  }
0x73: {  	v9 =	vbroadcast v3, $0x3;
	v8 =	vmul.f32 v11, v13;
	v6 =	vld [tilespmem:s14+$0x1E0]  }
0x74: {  	v11 =	vld [tilespmem:s14+$0x220]  }
0x75: {  	v9 =	vmul.f32 v14, v9;
	v5 =	vld [tilespmem:s14+$0x1F0];
	v8 =	vadd.f32 v8, v10  }
0x76: {  	v1 =	vld [tilespmem:s14+$0x200];
	v10 =	vbroadcast v0, $0x4  }
0x77: {  	v8 =	vadd.f32 v9, v8;
	v9 =	vld [tilespmem:s14+$0xFFFFFF10]  }
0x78: {  	v15 =	vbroadcast v4, $0x8;
	v7 =	vmul.f32 v7, v10;
	v10 =	vld [tilespmem:s14+$0xFFFFFF30]  }
0x79: {  	[tilespmem:s11+$0x0] =	vst v8;
	v8 =	vld [tilespmem:s14+$0x210]  }
0x7a: {  	v6 =	vmul.f32 v6, v15;
	v15 =	vbroadcast v4, $0x9;
	v13 =	vld [tilespmem:s14+$0x50]  }
0x7b: {  	v17 =	vbroadcast v0, $0x5;
	v12 =	vbroadcast v2, $0x4;
	v26 =	vld [tilespmem:s14+$0x60]  }
0x7c: {  	v6 =	vadd.f32 v6, v11;
	v5 =	vmul.f32 v5, v15;
	v11 =	vbroadcast v4, $0xA;
	v15 =	vld [tilespmem:s14+$0x90]  }
0x7d: {  	s12 =	simm.s32 $0x840;
	v9 =	vmul.f32 v9, v12;
	v12 =	vmul.f32 v19, v17;
	v17 =	vld [tilespmem:s14+$0x80]  }
0x7e: {  	v19 =	vld [tilespmem:s12+$0xFFFFFFE0];
	v5 =	vadd.f32 v5, v6;
	v1 =	vmul.f32 v1, v11;
	v6 =	vbroadcast v4, $0xB  }
0x7f: {  	v21 =	vbroadcast v3, $0x5;
	v14 =	vbroadcast v3, $0x4;
	v11 =	vld [tilespmem:s14+$0xFFFFFDF0]  }
0x80: {  	v24 =	vbroadcast v2, $0x6;
	v1 =	vadd.f32 v1, v5;
	v5 =	vmul.f32 v8, v6;
	v6 =	vld [tilespmem:s14+$0xFFFFFE00]  }
0x81: {  	v18 =	vbroadcast v2, $0x5;
	v8 =	vmul.f32 v13, v14;
	v13 =	vld [tilespmem:s14+$0x70]  }
0x82: {  	v22 =	vbroadcast v0, $0x6;
	v7 =	vadd.f32 v7, v16;
	v14 =	vld [tilespmem:s14+$0xFFFFFF40];
	v1 =	vadd.f32 v5, v1  }
0x83: {  	v25 =	vbroadcast v0, $0x7;
	v5 =	vadd.f32 v9, v20;
	v9 =	vmul.f32 v23, v18;
	v18 =	vld [tilespmem:s12+$0x0]  }
0x84: {  	v7 =	vadd.f32 v12, v7;
	v11 =	vmul.f32 v11, v22;
	[tilespmem:s11+$0x60] =	vst v1;
	v1 =	vadd.f32 v8, v15;
	v15 =	vld [tilespmem:s12+$0xFFFFFFF0]  }
0x85: {  	v16 =	vbroadcast v2, $0x7;
	v10 =	vmul.f32 v10, v24;
	v12 =	vld [tilespmem:s14+$0x230]  }
0x86: {  	v8 =	vadd.f32 v9, v5;
	v7 =	vadd.f32 v11, v7;
	v6 =	vmul.f32 v6, v25;
	v5 =	vld [tilespmem:s14+$0x270]  }
0x87: {  	v34 =	vbroadcast v2, $0x8;
	v9 =	vmul.f32 v26, v21;
	v21 =	vld [tilespmem:s14+$0x240]  }
0x88: {  	v20 =	vld [tilespmem:s14+$0x250];
	v8 =	vadd.f32 v10, v8;
	v10 =	vmul.f32 v14, v16;
	v7 =	vadd.f32 v6, v7  }
0x89: {  	v38 =	vbroadcast v2, $0x9;
	v43 =	vbroadcast v2, $0xA;
	v6 =	vld [tilespmem:s14+$0x260]  }
0x8a: {  	v47 =	vbroadcast v2, $0xB;
	v54 =	vbroadcast v4, $0xC;
	[tilespmem:s11+$0xFFFFFF90] =	vst v7;
	v7 =	vadd.f32 v10, v8;
	v10 =	vld [tilespmem:s12+$0x10]  }
0x8b: {  	v35 =	vbroadcast v3, $0x8;
	v41 =	vbroadcast v3, $0x9;
	v22 =	vld [tilespmem:s14+$0xFFFFFE20]  }
0x8c: {  	v44 =	vbroadcast v3, $0xA;
	v27 =	vbroadcast v3, $0x6;
	v23 =	vld [tilespmem:s14+$0xFFFFFE60]  }
0x8d: {  	v48 =	vbroadcast v3, $0xB;
	v32 =	vbroadcast v0, $0x8;
	v26 =	vld [tilespmem:s14+$0xFFFFFE30]  }
0x8e: {  	v11 =	vbroadcast v3, $0x7;
	v1 =	vadd.f32 v9, v1;
	v9 =	vmul.f32 v13, v27;
	v31 =	vld [tilespmem:s14+$0xFFFFFE40]  }
0x8f: {  	v37 =	vbroadcast v0, $0x9;
	v40 =	vbroadcast v0, $0xA;
	v39 =	vld [tilespmem:s14+$0xFFFFFE50];
	[tilespmem:s11+$0xFFFFFFD0] =	vst v7  }
0x90: {  	v46 =	vbroadcast v0, $0xB;
	v1 =	vadd.f32 v9, v1;
	v9 =	vmul.f32 v17, v11;
	v24 =	vld [tilespmem:s14+$0xFFFFFF60]  }
0x91: {  	v16 =	vbroadcast v2, $0xD;
	v14 =	vbroadcast v0, $0xE;
	v27 =	vld [tilespmem:s14+$0xFFFFFFA0]  }
0x92: {  	v13 =	vbroadcast v2, $0xE;
	v11 =	vbroadcast v0, $0xD;
	v1 =	vadd.f32 v9, v1;
	v28 =	vld [tilespmem:s14+$0xFFFFFF70]  }
0x93: {  	v17 =	vbroadcast v3, $0xD;
	v8 =	vbroadcast v0, $0xC;
	v33 =	vld [tilespmem:s14+$0xFFFFFF80]  }
0x94: {  	v0 =	vbroadcast v0, $0xF;
	v9 =	vbroadcast v2, $0xC;
	[tilespmem:s11+$0x10] =	vst v1;
	v42 =	vld [tilespmem:s14+$0xFFFFFF90]  }
0x95: {  	v2 =	vbroadcast v2, $0xF;
	v25 =	vld [tilespmem:s14+$0xA0];
	v52 =	vbroadcast v10, $0x0  }
0x96: {  	v29 =	vld [tilespmem:s14+$0xE0];
	v60 =	vbroadcast v10, $0x1;
	v61 =	vbroadcast v10, $0x2  }
0x97: {  	v30 =	vld [tilespmem:s14+$0xB0];
	v63 =	vbroadcast v10, $0x3;
	v22 =	vmul.f32 v22, v32  }
0x98: {  	v45 =	vld [tilespmem:s14+$0xD0];
	v31 =	vmul.f32 v31, v40;
	v57 =	vmul.f32 v39, v46  }
0x99: {  	v36 =	vld [tilespmem:s14+$0xC0];
	v49 =	vmul.f32 v49, v52;
	v51 =	vmul.f32 v51, v60  }
0x9a: {  	v32 =	vld [tilespmem:s13+$0xFFFFFEC0];
	v62 =	vmul.f32 v53, v61;
	v56 =	vmul.f32 v55, v63  }
0x9b: {  	v40 =	vld [tilespmem:s13+$0x10];
	v61 =	vbroadcast v10, $0x4;
	v24 =	vmul.f32 v24, v34;
	v22 =	vadd.f32 v22, v23  }
0x9c: {  	v46 =	vld [tilespmem:s13+$0xFFFFFDA0];
	v33 =	vmul.f32 v33, v43;
	v49 =	vadd.f32 v49, v50;
	v23 =	vmul.f32 v25, v35  }
0x9d: {  	v55 =	vld [tilespmem:s13+$0xFFFFFEE0];
	v25 =	vmul.f32 v26, v37;
	v58 =	vmul.f32 v45, v48  }
0x9e: {  	v34 =	vld [tilespmem:s13+$0x0];
	v48 =	vbroadcast v19, $0x2;
	v24 =	vadd.f32 v24, v27;
	v49 =	vadd.f32 v51, v49  }
0x9f: {  	v50 =	vld [tilespmem:s13+$0xFFFFFD80];
	v22 =	vadd.f32 v25, v22;
	v25 =	vmul.f32 v28, v38;
	v28 =	vmul.f32 v30, v41  }
0xa0: {  	v26 =	vld [tilespmem:s13+$0xFFFFFDC0];
	v23 =	vadd.f32 v23, v29;
	v29 =	vmul.f32 v36, v44;
	v53 =	vadd.f32 v62, v49  }
0xa1: {  	v37 =	vld [tilespmem:s13+$0x40];
	v44 =	vbroadcast v18, $0x1;
	v24 =	vadd.f32 v25, v24;
	v25 =	vmul.f32 v42, v47  }
0xa2: {  	v27 =	vld [tilespmem:s13+$0xFFFFFD90];
	v23 =	vadd.f32 v28, v23;
	v28 =	vbroadcast v15, $0x0;
	v35 =	vadd.f32 v56, v53  }
0xa3: {  	s12 =	simm.s32 $0x15180;
	v30 =	vld [tilespmem:s13+$0xFFFFFF00];
	v22 =	vadd.f32 v31, v22;
	v31 =	vbroadcast v15, $0x2;
	v42 =	vbroadcast v15, $0x3  }
0xa4: {  	v38 =	vld [tilespmem:s13+$0xFFFFFED0];
	v62 =	vbroadcast v19, $0x1;
	v23 =	vadd.f32 v29, v23;
	v29 =	vbroadcast v19, $0x0;
	[tilespmem:s12+$0x40] =	vst v35  }
0xa5: {  	v49 =	vmul.f32 v40, v44;
	v24 =	vadd.f32 v33, v24;
	v33 =	vbroadcast v18, $0x0;
	v59 =	vld [tilespmem:s13+$0x190]  }
0xa6: {  	v22 =	vadd.f32 v57, v22;
	v56 =	vbroadcast v10, $0x5;
	v29 =	vmul.f32 v50, v29;
	v43 =	vld [tilespmem:s13+$0x1D0]  }
0xa7: {  	v28 =	vmul.f32 v32, v28;
	v35 =	vbroadcast v15, $0x1;
	v60 =	vld [tilespmem:s13+$0x1A0]  }
0xa8: {  	v23 =	vadd.f32 v58, v23;
	[tilespmem:s11+$0xFFFFFFA0] =	vst v22;
	v22 =	vmul.f32 v34, v33;
	v26 =	vadd.f32 v29, v26;
	v29 =	vld [tilespmem:s13+$0xFFFFFDB0]  }
0xa9: {  	v45 =	vld [tilespmem:s13+$0x30];
	v57 =	vbroadcast v19, $0x3;
	v27 =	vmul.f32 v27, v62;
	v24 =	vadd.f32 v25, v24  }
0xaa: {  	v28 =	vadd.f32 v28, v30;
	v63 =	vld [tilespmem:s13+$0x1B0];
	v30 =	vmul.f32 v38, v35;
	[tilespmem:s11+$0x20] =	vst v23;
	v23 =	vadd.f32 v22, v37  }
0xab: {  	v58 =	vld [tilespmem:s13+$0x1C0];
	[tilespmem:s11+$0xFFFFFFE0] =	vst v24;
	v22 =	vmul.f32 v46, v48;
	v26 =	vadd.f32 v27, v26;
	v25 =	vmul.f32 v59, v61  }
0xac: {  	v28 =	vadd.f32 v30, v28;
	v30 =	vld [tilespmem:s14+$0xFFFFFFB0];
	v41 =	vmul.f32 v60, v56;
	v60 =	vbroadcast v10, $0x6  }
0xad: {  	v61 =	vld [tilespmem:s13+$0xFFFFFEF0];
	v26 =	vadd.f32 v22, v26;
	v29 =	vmul.f32 v29, v57;
	v25 =	vadd.f32 v25, v43  }
0xae: {  	v31 =	vmul.f32 v55, v31;
	v53 =	vbroadcast v4, $0xD;
	v34 =	vadd.f32 v49, v23;
	v23 =	vld [tilespmem:s14+$0xFFFFFE80]  }
0xaf: {  	v59 =	vld [tilespmem:s13+$0x20];
	v62 =	vmul.f32 v63, v60;
	v26 =	vadd.f32 v29, v26;
	v25 =	vadd.f32 v41, v25  }
0xb0: {  	v22 =	vld [tilespmem:s14+$0xFFFFFEB0];
	v57 =	vbroadcast v4, $0xE;
	v4 =	vbroadcast v4, $0xF  }
0xb1: {  	v12 =	vmul.f32 v12, v54;
	v63 =	vbroadcast v10, $0x7;
	[tilespmem:s12+$0xFFFFFF80] =	vst v26;
	v24 =	vadd.f32 v62, v25;
	v25 =	vld [tilespmem:s14+$0xFFFFFE70]  }
0xb2: {  	v28 =	vadd.f32 v31, v28;
	v35 =	vmul.f32 v6, v4;
	v31 =	vmul.f32 v61, v42;
	v6 =	vld [tilespmem:s13+$0xFFFFFE10]  }
0xb3: {  	v7 =	vbroadcast v3, $0xC;
	v1 =	vbroadcast v3, $0xE;
	v36 =	vld [tilespmem:s13+$0xFFFFFDE0]  }
0xb4: {  	v3 =	vbroadcast v3, $0xF;
	v27 =	vmul.f32 v58, v63;
	v63 =	vld [tilespmem:s13+$0xFFFFFDF0];
	v28 =	vadd.f32 v31, v28  }
0xb5: {  	v39 =	vbroadcast v15, $0xA;
	v52 =	vbroadcast v18, $0x3;
	v31 =	vld [tilespmem:s13+$0xFFFFFDD0]  }
0xb6: {  	v51 =	vbroadcast v18, $0x2;
	v47 =	vbroadcast v15, $0x7;
	v27 =	vadd.f32 v27, v24;
	v24 =	vld [tilespmem:s14+$0xF0];
	[tilespmem:s12+$0xFFFFFFC0] =	vst v28  }
0xb7: {  	v44 =	vbroadcast v15, $0xB;
	v33 =	vmul.f32 v45, v52;
	v38 =	vld [tilespmem:s13+$0xFFFFFF50]  }
0xb8: {  	v21 =	vmul.f32 v21, v53;
	v45 =	vbroadcast v18, $0x6;
	[tilespmem:s12+$0x50] =	vst v27;
	v40 =	vld [tilespmem:s13+$0xFFFFFF20]  }
0xb9: {  	v50 =	vbroadcast v15, $0x8;
	v27 =	vmul.f32 v59, v51;
	v29 =	vld [tilespmem:s13+$0x1E0]  }
0xba: {  	v52 =	vbroadcast v18, $0x8;
	v53 =	vbroadcast v19, $0x9;
	v55 =	vld [tilespmem:s13+$0x220]  }
0xbb: {  	v37 =	vbroadcast v18, $0x4;
	v48 =	vbroadcast v18, $0x7;
	v26 =	vld [tilespmem:s13+$0x1F0];
	v27 =	vadd.f32 v27, v34  }
0xbc: {  	v56 =	vbroadcast v10, $0x8;
	v60 =	vbroadcast v19, $0x5;
	v49 =	vld [tilespmem:s13+$0xFFFFFF30]  }
0xbd: {  	v43 =	vbroadcast v15, $0x6;
	v4 =	vbroadcast v19, $0x4;
	v28 =	vld [tilespmem:s13+$0x200];
	v27 =	vadd.f32 v33, v27  }
0xbe: {  	v58 =	vbroadcast v10, $0x9;
	v33 =	vld [tilespmem:s13+$0xFFFFFF10];
	v29 =	vmul.f32 v29, v56  }
0xbf: {  	v5 =	vadd.f32 v12, v5;
	v20 =	vmul.f32 v20, v57;
	v4 =	vmul.f32 v31, v4;
	[tilespmem:s12+$0x0] =	vst v27;
	v27 =	vld [tilespmem:s13+$0x210]  }
0xc0: {  	v30 =	vmul.f32 v30, v9;
	v26 =	vmul.f32 v26, v58;
	v32 =	vld [tilespmem:s13+$0x50];
	v29 =	vadd.f32 v29, v55  }
0xc1: {  	v59 =	vbroadcast v10, $0xA;
	v34 =	vbroadcast v15, $0x4;
	v4 =	vadd.f32 v4, v6;
	v62 =	vld [tilespmem:s13+$0x60]  }
0xc2: {  	v6 =	vmul.f32 v36, v60;
	v60 =	vld [tilespmem:s13+$0xFFFFFE00];
	v26 =	vadd.f32 v26, v29;
	v29 =	vbroadcast v10, $0xB  }
0xc3: {  	v21 =	vadd.f32 v21, v5;
	v28 =	vmul.f32 v28, v59;
	v5 =	vmul.f32 v33, v34;
	v33 =	vld [tilespmem:s13+$0x70]  }
0xc4: {  	v61 =	vld [tilespmem:s13+$0x90];
	v27 =	vmul.f32 v27, v29;
	v29 =	vbroadcast v18, $0x5  }
0xc5: {  	v26 =	vadd.f32 v28, v26;
	v28 =	vbroadcast v15, $0x5;
	v12 =	vmul.f32 v32, v37;
	v32 =	vld [tilespmem:s14+$0xFFFFFFC0]  }
0xc6: {  	v42 =	vbroadcast v19, $0x6;
	v29 =	vmul.f32 v62, v29;
	v62 =	vld [tilespmem:s13+$0xFFFFFF40]  }
0xc7: {  	v6 =	vadd.f32 v6, v4;
	v5 =	vadd.f32 v5, v38;
	v4 =	vmul.f32 v40, v28;
	v40 =	vld [tilespmem:s14+$0xFFFFFFF0]  }
0xc8: {  	v23 =	vmul.f32 v23, v11;
	v26 =	vadd.f32 v27, v26;
	v33 =	vmul.f32 v33, v45;
	v45 =	vld [tilespmem:s14+$0x130]  }
0xc9: {  	v11 =	vbroadcast v15, $0xE;
	v57 =	vadd.f32 v4, v5;
	v5 =	vmul.f32 v63, v42;
	v63 =	vld [tilespmem:s13+$0x80]  }
0xca: {  	v20 =	vadd.f32 v20, v21;
	v25 =	vmul.f32 v25, v8;
	v21 =	vmul.f32 v24, v7;
	[tilespmem:s12+$0x60] =	vst v26;
	v42 =	vld [tilespmem:s14+$0xFFFFFE90]  }
0xcb: {  	v7 =	vbroadcast v19, $0xD;
	v27 =	vbroadcast v19, $0x7;
	v51 =	vld [tilespmem:s13+$0x230]  }
0xcc: {  	v43 =	vmul.f32 v49, v43;
	v49 =	vbroadcast v10, $0xF;
	v54 =	vld [tilespmem:s13+$0x270]  }
0xcd: {  	v56 =	vbroadcast v19, $0xA;
	v27 =	vmul.f32 v60, v27;
	v31 =	vld [tilespmem:s13+$0x240];
	v46 =	vadd.f32 v5, v6  }
0xce: {  	v59 =	vbroadcast v10, $0xD;
	v55 =	vbroadcast v15, $0x9;
	v61 =	vadd.f32 v12, v61;
	v36 =	vld [tilespmem:s13+$0x250]  }
0xcf: {  	v34 =	vbroadcast v18, $0x9;
	v38 =	vbroadcast v19, $0xB;
	v28 =	vld [tilespmem:s13+$0x260];
	v27 =	vadd.f32 v27, v46  }
0xd0: {  	v37 =	vbroadcast v18, $0xA;
	v12 =	vbroadcast v18, $0xB;
	v29 =	vadd.f32 v29, v61;
	v46 =	vld [tilespmem:s14+$0x100]  }
0xd1: {  	v43 =	vadd.f32 v43, v57;
	v57 =	vbroadcast v10, $0xC;
	v41 =	vmul.f32 v62, v47;
	[tilespmem:s12+$0xFFFFFF90] =	vst v27;
	v27 =	vld [tilespmem:s14+$0xFFFFFFD0]  }
0xd2: {  	v26 =	vbroadcast v19, $0x8;
	v4 =	vbroadcast v19, $0xC;
	v29 =	vadd.f32 v33, v29;
	v60 =	vld [tilespmem:s13+$0xFFFFFE20]  }
0xd3: {  	v58 =	vmul.f32 v63, v48;
	v8 =	vadd.f32 v41, v43;
	v9 =	vmul.f32 v51, v57;
	v24 =	vld [tilespmem:s13+$0xFFFFFE60]  }
0xd4: {  	v22 =	vadd.f32 v25, v22;
	v16 =	vmul.f32 v32, v16;
	v62 =	vbroadcast v10, $0xE;
	v51 =	vld [tilespmem:s13+$0xFFFFFE30]  }
0xd5: {  	v31 =	vmul.f32 v31, v59;
	v29 =	vadd.f32 v58, v29;
	[tilespmem:s12+$0xFFFFFFD0] =	vst v8;
	v58 =	vld [tilespmem:s13+$0xFFFFFE40];
	v61 =	vadd.f32 v9, v54  }
0xd6: {  	v22 =	vadd.f32 v23, v22;
	v5 =	vbroadcast v15, $0xC;
	v6 =	vbroadcast v18, $0xC;
	v63 =	vld [tilespmem:s13+$0xFFFFFF60]  }
0xd7: {  	v25 =	vld [tilespmem:s13+$0xFFFFFFA0];
	[tilespmem:s12+$0x10] =	vst v29;
	v29 =	vadd.f32 v35, v20;
	v20 =	vadd.f32 v31, v61;
	v31 =	vmul.f32 v36, v62  }
0xd8: {  	v10 =	vbroadcast v19, $0xE;
	v19 =	vbroadcast v19, $0xF;
	v30 =	vadd.f32 v30, v40;
	v54 =	vld [tilespmem:s13+$0xFFFFFF70]  }
0xd9: {  	v14 =	vmul.f32 v42, v14;
	v28 =	vmul.f32 v28, v49;
	v48 =	vld [tilespmem:s13+$0xA0];
	v31 =	vadd.f32 v31, v20  }
0xda: {  	v21 =	vadd.f32 v21, v45;
	v8 =	vbroadcast v18, $0xD;
	v9 =	vbroadcast v15, $0xD;
	v23 =	vld [tilespmem:s13+$0xE0]  }
0xdb: {  	v15 =	vbroadcast v15, $0xF;
	v17 =	vmul.f32 v46, v17;
	v57 =	vadd.f32 v28, v31;
	v28 =	vld [tilespmem:s13+$0xB0]  }
0xdc: {  	v30 =	vadd.f32 v16, v30;
	v59 =	vld [tilespmem:s13+$0xFFFFFF80];
	v13 =	vmul.f32 v27, v13;
	v26 =	vmul.f32 v60, v26  }
0xdd: {  	v16 =	vadd.f32 v17, v21;
	v20 =	vbroadcast v18, $0xE;
	v60 =	vld [tilespmem:s13+$0xC0];
	v27 =	vmul.f32 v63, v50  }
0xde: {  	v18 =	vbroadcast v18, $0xF;
	v17 =	vadd.f32 v26, v24;
	v26 =	vld [tilespmem:s13+$0xFFFFFE50];
	v21 =	vmul.f32 v48, v52  }
0xdf: {  	v61 =	vld [tilespmem:s13+$0xFFFFFF90];
	v24 =	vmul.f32 v51, v53;
	v31 =	vadd.f32 v14, v22;
	v25 =	vadd.f32 v27, v25  }
0xe0: {  	v14 =	vld [tilespmem:s13+$0xD0];
	v27 =	vmul.f32 v54, v55;
	v22 =	vadd.f32 v21, v23;
	v23 =	vmul.f32 v28, v34  }
0xe1: {  	v62 =	vmul.f32 v59, v39;
	v17 =	vadd.f32 v24, v17;
	v24 =	vmul.f32 v58, v56;
	v21 =	vld [tilespmem:s14+$0x110]  }
0xe2: {  	v25 =	vadd.f32 v27, v25;
	v63 =	vmul.f32 v60, v37;
	v34 =	vadd.f32 v23, v22;
	v23 =	vld [tilespmem:s14+$0xFFFFFEA0]  }
0xe3: {  	[tilespmem:s11+$0x70] =	vst v29;
	v27 =	vadd.f32 v13, v30;
	v24 =	vadd.f32 v24, v17;
	v28 =	vmul.f32 v26, v38;
	v22 =	vld [tilespmem:s14+$0xFFFFFFE0]  }
0xe4: {  	s15 =	simm.s32 $0x4;
	s19 =	simm.s32 $0x880;
	v29 =	vmul.f32 v61, v44;
	[tilespmem:s12+$0x70] =	vst v57;
	v17 =	vld [tilespmem:s14+$0x120];
	v26 =	vadd.f32 v62, v25;
	s14 =	simm.s32 $0x1F00;
	v25 =	vadd.f32 v63, v34  }
.LBB2_3:
0xe5: {  	v13 =	vld [tilespmem:s19+$0x10];
	s15 =	sadd.s32 $0x4, s15;
	v24 =	vadd.f32 v28, v24;
	v12 =	vmul.f32 v14, v12  }
0xe6: {  	s13 =	sadd.s32 $0x500, s13;
	v14 =	vld [tilespmem:s19+$0xFFFFFFF0];
	p0 =	slt.u32 s15, $0x78;
	v26 =	vadd.f32 v29, v26;
	v21 =	vmul.f32 v21, v1;
	v1 =	vmov v20  }
0xe7: {  	v20 =	vld [tilespmem:s13+$0x140];
	[tilespmem:s12+$0xFFFFFFA0] =	vst v24;
	v12 =	vadd.f32 v12, v25;
	v23 =	vmul.f32 v23, v0;
	v0 =	vmov v19  }
0xe8: {  	v19 =	vld [tilespmem:s13+$0x180];
	[tilespmem:s12+$0xFFFFFFE0] =	vst v26;
	v22 =	vmul.f32 v22, v2;
	v21 =	vadd.f32 v21, v16;
	v2 =	vmov v15  }
0xe9: {  	v24 =	vld [tilespmem:s13+$0x150];
	[tilespmem:s12+$0x20] =	vst v12;
	v12 =	vadd.f32 v23, v31;
	v15 =	vmul.f32 v17, v3;
	v3 =	vmov v18  }
0xea: {  	v16 =	vld [tilespmem:s19+$0x0];
	v17 =	vbroadcast v13, $0x0;
	v18 =	vadd.f32 v22, v27  }
0xeb: {  	v22 =	vbroadcast v14, $0x0;
	v23 =	vbroadcast v14, $0x1;
	v25 =	vld [tilespmem:s13+$0x160];
	[tilespmem:s11+$0xFFFFFFB0] =	vst v12;
	v12 =	vadd.f32 v15, v21  }
0xec: {  	v15 =	vld [tilespmem:s19+$0xFFFFFFE0];
	v17 =	vmul.f32 v20, v17;
	v20 =	vbroadcast v13, $0x1;
	[tilespmem:s11+$0xFFFFFFF0] =	vst v18  }
0xed: {  	v21 =	vbroadcast v14, $0x2;
	v26 =	vbroadcast v14, $0x3;
	v18 =	vld [tilespmem:s13+$0x170];
	[tilespmem:s11+$0x30] =	vst v12;
	s11 =	smov.u32 s12  }
0xee: {  	v12 =	vld [tilespmem:s13+$0xFFFFFD80];
	v17 =	vadd.f32 v17, v19;
	v19 =	vmul.f32 v24, v20;
	v20 =	vbroadcast v13, $0x2  }
0xef: {  	v24 =	vld [tilespmem:s13+$0xFFFFFEC0];
	v27 =	vbroadcast v16, $0x0;
	v28 =	vbroadcast v16, $0x1  }
0xf0: {  	v29 =	vld [tilespmem:s13+$0x0];
	v17 =	vadd.f32 v19, v17;
	v19 =	vmul.f32 v25, v20;
	v20 =	vbroadcast v13, $0x3  }
0xf1: {  	v25 =	vld [tilespmem:s13+$0xFFFFFDC0];
	v30 =	vbroadcast v15, $0x0;
	v31 =	vbroadcast v15, $0x1  }
0xf2: {  	v34 =	vbroadcast v15, $0x2;
	v32 =	vld [tilespmem:s13+$0xFFFFFD90];
	v17 =	vadd.f32 v19, v17;
	v18 =	vmul.f32 v18, v20  }
0xf3: {  	v12 =	vmul.f32 v12, v30;
	v19 =	vld [tilespmem:s13+$0xFFFFFF00];
	v30 =	vbroadcast v16, $0x2  }
0xf4: {  	v39 =	vbroadcast v15, $0x3;
	v22 =	vmul.f32 v24, v22;
	v24 =	vld [tilespmem:s13+$0xFFFFFED0];
	v17 =	vadd.f32 v18, v17  }
0xf5: {  	s12 =	sadd.s32 $0x100, s12;
	v40 =	vbroadcast v16, $0x3;
	v33 =	vld [tilespmem:s13+$0x40];
	v27 =	vmul.f32 v29, v27  }
0xf6: {  	v38 =	vbroadcast v14, $0x4;
	v41 =	vbroadcast v15, $0x4;
	v12 =	vadd.f32 v12, v25;
	v25 =	vld [tilespmem:s13+$0x10];
	[tilespmem:s12+$0x40] =	vst v17  }
0xf7: {  	v37 =	vbroadcast v16, $0x4;
	v17 =	vmul.f32 v32, v31;
	v29 =	vld [tilespmem:s13+$0x190]  }
0xf8: {  	v20 =	vbroadcast v15, $0x5;
	v22 =	vadd.f32 v22, v19;
	v19 =	vbroadcast v14, $0x5;
	v32 =	vld [tilespmem:s13+$0x1D0]  }
0xf9: {  	v18 =	vbroadcast v16, $0x5;
	v12 =	vadd.f32 v17, v12;
	v17 =	vmul.f32 v24, v23;
	v23 =	vld [tilespmem:s13+$0x1A0]  }
0xfa: {  	v35 =	vbroadcast v15, $0x6;
	v31 =	vbroadcast v13, $0x4;
	v24 =	vld [tilespmem:s13+$0xFFFFFDA0];
	v27 =	vadd.f32 v27, v33  }
0xfb: {  	v36 =	vbroadcast v14, $0x6;
	v17 =	vadd.f32 v17, v22;
	v22 =	vmul.f32 v25, v28;
	v25 =	vld [tilespmem:s13+$0x1B0]  }
0xfc: {  	v42 =	vbroadcast v13, $0x5;
	v28 =	vld [tilespmem:s13+$0xFFFFFEE0];
	v29 =	vmul.f32 v29, v31  }
0xfd: {  	v33 =	vbroadcast v16, $0x6;
	v31 =	vbroadcast v15, $0x7;
	v22 =	vadd.f32 v22, v27;
	v43 =	vld [tilespmem:s13+$0x1C0]  }
0xfe: {  	v44 =	vld [tilespmem:s13+$0x20];
	v27 =	vadd.f32 v29, v32;
	v23 =	vmul.f32 v23, v42;
	v29 =	vbroadcast v13, $0x6  }
0xff: {  	v32 =	vbroadcast v14, $0x7;
	v24 =	vmul.f32 v24, v34;
	v42 =	vld [tilespmem:s13+$0xFFFFFDB0]  }
0x100: {  	v45 =	vld [tilespmem:s13+$0xFFFFFEF0];
	v23 =	vadd.f32 v23, v27;
	v25 =	vmul.f32 v25, v29;
	v29 =	vbroadcast v13, $0x7  }
0x101: {  	v34 =	vbroadcast v16, $0x7;
	v12 =	vadd.f32 v24, v12;
	v21 =	vmul.f32 v28, v21;
	v46 =	vld [tilespmem:s13+$0x30]  }
0x102: {  	v27 =	vbroadcast v15, $0x8;
	v23 =	vadd.f32 v25, v23;
	v25 =	vmul.f32 v43, v29;
	v43 =	vld [tilespmem:s14+$0xFFFFFE70]  }
0x103: {  	v24 =	vbroadcast v14, $0x8;
	v17 =	vadd.f32 v21, v17;
	v21 =	vmul.f32 v44, v30;
	v44 =	vld [tilespmem:s14+$0xFFFFFFB0]  }
0x104: {  	v29 =	vbroadcast v16, $0x8;
	v28 =	vmul.f32 v42, v39;
	v23 =	vadd.f32 v25, v23;
	v39 =	vld [tilespmem:s14+$0xF0]  }
0x105: {  	v30 =	vbroadcast v15, $0x9;
	v25 =	vmul.f32 v45, v26;
	v22 =	vadd.f32 v21, v22;
	v42 =	vld [tilespmem:s14+$0xFFFFFEB0]  }
0x106: {  	v12 =	vadd.f32 v28, v12;
	v28 =	vbroadcast v14, $0x9;
	v40 =	vmul.f32 v46, v40;
	[tilespmem:s12+$0x50] =	vst v23;
	v45 =	vld [tilespmem:s14+$0xFFFFFE80]  }
0x107: {  	v21 =	vbroadcast v15, $0xA;
	v26 =	vbroadcast v16, $0x9;
	v17 =	vadd.f32 v25, v17;
	v46 =	vld [tilespmem:s13+$0x1E0]  }
0x108: {  	v23 =	vbroadcast v16, $0xA;
	v25 =	vbroadcast v14, $0xA;
	[tilespmem:s12+$0xFFFFFF80] =	vst v12;
	v12 =	vadd.f32 v40, v22;
	v40 =	vld [tilespmem:s13+$0x220]  }
0x109: {  	v22 =	vbroadcast v15, $0xB;
	[tilespmem:s12+$0xFFFFFFC0] =	vst v17;
	v17 =	vbroadcast v14, $0xB;
	v47 =	vld [tilespmem:s13+$0x1F0]  }
0x10a: {  	v49 =	vbroadcast v13, $0x8;
	v48 =	vld [tilespmem:s13+$0xFFFFFDD0];
	[tilespmem:s12+$0x0] =	vst v12;
	v12 =	vbroadcast v16, $0xB  }
0x10b: {  	v51 =	vbroadcast v14, $0xC;
	v50 =	vbroadcast v15, $0xC;
	v52 =	vld [tilespmem:s13+$0x200]  }
0x10c: {  	v53 =	vld [tilespmem:s13+$0xFFFFFF10];
	v46 =	vmul.f32 v46, v49;
	v49 =	vbroadcast v13, $0x9  }
0x10d: {  	v54 =	vbroadcast v16, $0xC;
	v43 =	vmul.f32 v43, v4;
	v4 =	vmov v50;
	v55 =	vld [tilespmem:s13+$0x210]  }
0x10e: {  	v50 =	vld [tilespmem:s13+$0x50];
	v40 =	vadd.f32 v46, v40;
	v46 =	vmul.f32 v47, v49;
	v47 =	vbroadcast v13, $0xA  }
0x10f: {  	v42 =	vadd.f32 v43, v42;
	v43 =	vmul.f32 v44, v5;
	v5 =	vmovc v51;
	v49 =	vld [tilespmem:s13+$0xFFFFFE10];
	v41 =	vmul.f32 v48, v41  }
0x110: {  	v44 =	vld [tilespmem:s13+$0xFFFFFDE0];
	v40 =	vadd.f32 v46, v40;
	v46 =	vmul.f32 v52, v47;
	v47 =	vbroadcast v13, $0xB  }
0x111: {  	v39 =	vmul.f32 v39, v6;
	v6 =	vmov v54;
	v48 =	vld [tilespmem:s13+$0xFFFFFF50];
	v38 =	vmul.f32 v53, v38  }
0x112: {  	v51 =	vbroadcast v15, $0xD;
	v52 =	vld [tilespmem:s13+$0xFFFFFF20];
	v40 =	vadd.f32 v46, v40;
	v46 =	vmul.f32 v55, v47  }
0x113: {  	v47 =	vbroadcast v14, $0xD;
	v53 =	vld [tilespmem:s13+$0x90];
	v37 =	vmul.f32 v50, v37  }
0x114: {  	v50 =	vbroadcast v16, $0xD;
	v41 =	vadd.f32 v41, v49;
	v49 =	vld [tilespmem:s13+$0x60];
	v40 =	vadd.f32 v46, v40  }
0x115: {  	v45 =	vmul.f32 v45, v7;
	v7 =	vmov v51;
	v20 =	vmul.f32 v44, v20;
	v44 =	vld [tilespmem:s13+$0xFFFFFDF0]  }
0x116: {  	v51 =	vbroadcast v14, $0xE;
	v46 =	vbroadcast v15, $0xE;
	v38 =	vadd.f32 v38, v48;
	v48 =	vld [tilespmem:s13+$0xFFFFFF30];
	[tilespmem:s12+$0x60] =	vst v40  }
0x117: {  	v40 =	vadd.f32 v20, v41;
	v41 =	vmul.f32 v52, v19;
	v20 =	vbroadcast v16, $0xE;
	v52 =	vld [tilespmem:s13+$0x230]  }
0x118: {  	v42 =	vadd.f32 v45, v42;
	v19 =	vbroadcast v15, $0xF;
	v37 =	vadd.f32 v37, v53;
	v53 =	vld [tilespmem:s13+$0x270]  }
0x119: {  	v15 =	vbroadcast v14, $0xF;
	v38 =	vadd.f32 v41, v38;
	v14 =	vmul.f32 v49, v18;
	v41 =	vld [tilespmem:s13+$0x240]  }
0x11a: {  	v45 =	vbroadcast v13, $0xC;
	v35 =	vmul.f32 v44, v35;
	v44 =	vld [tilespmem:s13+$0x70]  }
0x11b: {  	v18 =	vbroadcast v16, $0xF;
	v36 =	vmul.f32 v48, v36;
	v14 =	vadd.f32 v14, v37;
	v16 =	vld [tilespmem:s13+$0x250]  }
0x11c: {  	v35 =	vadd.f32 v35, v40;
	v37 =	vld [tilespmem:s13+$0xFFFFFE00];
	v40 =	vmul.f32 v52, v45;
	v45 =	vbroadcast v13, $0xD  }
0x11d: {  	v36 =	vadd.f32 v36, v38;
	v38 =	vld [tilespmem:s13+$0x260]  }
0x11e: {  	v48 =	vld [tilespmem:s13+$0xFFFFFF40];
	v40 =	vadd.f32 v40, v53;
	v41 =	vmul.f32 v41, v45;
	v45 =	vbroadcast v13, $0xE  }
0x11f: {  	v33 =	vmul.f32 v44, v33;
	v44 =	vld [tilespmem:s13+$0x80]  }
0x120: {  	v13 =	vbroadcast v13, $0xF;
	v40 =	vadd.f32 v41, v40;
	v16 =	vmul.f32 v16, v45;
	v41 =	vld [tilespmem:s14+$0xFFFFFFF0]  }
0x121: {  	v31 =	vmul.f32 v37, v31;
	v14 =	vadd.f32 v33, v14;
	v33 =	vld [tilespmem:s14+$0xFFFFFFC0]  }
0x122: {  	v16 =	vadd.f32 v16, v40;
	v13 =	vmul.f32 v38, v13;
	v37 =	vld [tilespmem:s14+$0x130]  }
0x123: {  	v31 =	vadd.f32 v31, v35;
	v32 =	vmul.f32 v48, v32;
	v35 =	vld [tilespmem:s14+$0x100]  }
0x124: {  	v34 =	vmul.f32 v44, v34;
	v13 =	vadd.f32 v13, v16;
	v16 =	vld [tilespmem:s14+$0xFFFFFE90]  }
0x125: {  	[tilespmem:s12+$0xFFFFFF90] =	vst v31;
	v31 =	vadd.f32 v32, v36;
	v32 =	vadd.f32 v43, v41;
	v36 =	vld [tilespmem:s14+$0xFFFFFFD0]  }
0x126: {  	v38 =	vld [tilespmem:s13+$0xFFFFFE20];
	v14 =	vadd.f32 v34, v14;
	[tilespmem:s12+$0x70] =	vst v13;
	v13 =	vmul.f32 v33, v9;
	v9 =	vmov v47  }
0x127: {  	v33 =	vld [tilespmem:s13+$0xFFFFFE60];
	[tilespmem:s12+$0xFFFFFFD0] =	vst v31;
	v31 =	vadd.f32 v39, v37  }
0x128: {  	v34 =	vld [tilespmem:s13+$0xFFFFFF60];
	[tilespmem:s12+$0x10] =	vst v14;
	v13 =	vadd.f32 v13, v32;
	v14 =	vmul.f32 v35, v8;
	v8 =	vmov v50  }
0x129: {  	v32 =	vld [tilespmem:s13+$0xA0];
	v35 =	vmul.f32 v16, v10;
	v10 =	vmov v46  }
0x12a: {  	v37 =	vld [tilespmem:s13+$0xFFFFFE30];
	v36 =	vmul.f32 v36, v11;
	v16 =	vadd.f32 v14, v31;
	v11 =	vmov v51  }
0x12b: {  	v14 =	vmul.f32 v38, v27;
	v38 =	vld [tilespmem:s13+$0xFFFFFFA0];
	v31 =	vadd.f32 v35, v42  }
0x12c: {  	v35 =	vld [tilespmem:s13+$0xFFFFFF70];
	v27 =	vadd.f32 v36, v13  }
0x12d: {  	v13 =	vadd.f32 v14, v33;
	v14 =	vmul.f32 v34, v24;
	v24 =	vld [tilespmem:s13+$0xE0]  }
0x12e: {  	v29 =	vmul.f32 v32, v29;
	v32 =	vld [tilespmem:s13+$0xB0]  }
0x12f: {  	v30 =	vmul.f32 v37, v30;
	v33 =	vld [tilespmem:s13+$0xFFFFFE40]  }
0x130: {  	v14 =	vadd.f32 v14, v38;
	v34 =	vld [tilespmem:s13+$0xFFFFFF80]  }
0x131: {  	v13 =	vadd.f32 v30, v13;
	v28 =	vmul.f32 v35, v28;
	v30 =	vld [tilespmem:s13+$0xC0]  }
0x132: {  	v35 =	vld [tilespmem:s13+$0xFFFFFE50];
	v24 =	vadd.f32 v29, v24  }
0x133: {  	v29 =	vadd.f32 v28, v14;
	v36 =	vld [tilespmem:s13+$0xFFFFFF90];
	v26 =	vmul.f32 v32, v26  }
.Ltmp2:
0x134: {  	v28 =	vmul.f32 v33, v21;
	v14 =	vld [tilespmem:s13+$0xD0];
	(pc) =	sbr.rel @p0 .LBB2_3-.Ltmp2, $4  }
0x135: {  	v25 =	vmul.f32 v34, v25;
	v32 =	vadd.f32 v26, v24;
	v21 =	vld [tilespmem:s14+$0x110]  }
0x136: {  	v24 =	vadd.f32 v28, v13;
	v13 =	vmul.f32 v30, v23;
	v23 =	vld [tilespmem:s14+$0xFFFFFEA0]  }
0x137: {  	v28 =	vmul.f32 v35, v22;
	v26 =	vadd.f32 v25, v29;
	v22 =	vld [tilespmem:s14+$0xFFFFFFE0]  }
0x138: {  	s19 =	sadd.s32 $0x40, s19;
	v29 =	vmul.f32 v36, v17;
	v25 =	vadd.f32 v13, v32;
	v17 =	vld [tilespmem:s14+$0x120];
	s14 =	smov.u32 s13  }
0x139: {  	v13 =	vadd.f32 v28, v24;
	_ =	sdelay $0x1  }
0x13a: {  	[tilespmem:s12+$0xFFFFFFA0] =	vst v13  }
0x13b: {  	v12 =	vmul.f32 v14, v12;
	v13 =	vld [tilespmem:s14+$0xFFFFFE70]  }
0x13c: {  	v14 =	vadd.f32 v29, v26;
	v24 =	vld [tilespmem:s14+$0xFFFFFEB0]  }
0x13d: {  	v12 =	vadd.f32 v12, v25;
	v25 =	vld [tilespmem:s14+$0xFFFFFE80]  }
0x13e: {  	v1 =	vmul.f32 v21, v1;
	[tilespmem:s12+$0xFFFFFFE0] =	vst v14;
	v21 =	vld [tilespmem:s14+$0xFFFFFE90]  }
0x13f: {  	[tilespmem:s12+$0x20] =	vst v12;
	v12 =	vld [tilespmem:s14+$0xFFFFFFB0]  }
0x140: {  	v26 =	vld [tilespmem:s14+$0xFFFFFFF0]  }
0x141: {  	v28 =	vld [tilespmem:s14+$0xFFFFFFC0]  }
0x142: {  	v14 =	vld [tilespmem:s14+$0xF0]  }
0x143: {  	v29 =	vld [tilespmem:s14+$0x130]  }
0x144: {  	v30 =	vld [tilespmem:s14+$0x100]  }
0x145: {  	v0 =	vmul.f32 v23, v0;
	v2 =	vmul.f32 v22, v2;
	v22 =	vld [tilespmem:s14+$0xFFFFFFD0]  }
0x146: {  	v1 =	vadd.f32 v1, v16;
	v3 =	vmul.f32 v17, v3;
	v4 =	vmul.f32 v13, v4;
	v13 =	vld [tilespmem:s14+$0xFFFFFEA0]  }
0x147: {  	v0 =	vadd.f32 v0, v31;
	v5 =	vmul.f32 v12, v5;
	v12 =	vld [tilespmem:s14+$0x110];
	v6 =	vmul.f32 v14, v6  }
0x148: {  	v7 =	vmul.f32 v25, v7;
	v9 =	vmul.f32 v28, v9;
	v4 =	vadd.f32 v4, v24;
	v14 =	vld [tilespmem:s14+$0xFFFFFFE0]  }
0x149: {  	v16 =	vld [tilespmem:s14+$0x120];
	v8 =	vmul.f32 v30, v8;
	v5 =	vadd.f32 v5, v26;
	v6 =	vadd.f32 v6, v29  }
0x14a: {  	v2 =	vadd.f32 v2, v27;
	v4 =	vadd.f32 v7, v4;
	v7 =	vmul.f32 v21, v10  }
0x14b: {  	v5 =	vadd.f32 v9, v5;
	v9 =	vmul.f32 v22, v11;
	v6 =	vadd.f32 v8, v6  }
0x14c: {  	v4 =	vadd.f32 v7, v4;
	v7 =	vmul.f32 v12, v20;
	v8 =	vmul.f32 v13, v19  }
0x14d: {  	[tilespmem:s11+$0xFFFFFFB0] =	vst v0;
	v0 =	vadd.f32 v3, v1;
	v1 =	vadd.f32 v9, v5;
	v3 =	vmul.f32 v14, v15  }
0x14e: {  	[tilespmem:s11+$0xFFFFFFF0] =	vst v2;
	v5 =	vmul.f32 v16, v18;
	v2 =	vadd.f32 v7, v6;
	v4 =	vadd.f32 v8, v4  }
0x14f: {  	[tilespmem:s11+$0x30] =	vst v0;
	v0 =	vadd.f32 v3, v1  }
0x150: {  	[tilespmem:s12+$0xFFFFFFB0] =	vst v4;
	v1 =	vadd.f32 v5, v2  }
0x151: {  	[tilespmem:s12+$0xFFFFFFF0] =	vst v0  }
0x152: {  	[tilespmem:s12+$0x30] =	vst v1  }
0x153: {  	v0 =	vld [tilespmem:$0xFA0]  }
0x154: {  	v1 =	vld [tilespmem:$0xB2C0]  }
0x155: {  	v2 =	vld [tilespmem:$0xB280]  }
0x156: {  	v3 =	vld [tilespmem:$0xB290]  }
0x157: {  	v4 =	vld [tilespmem:$0xB2A0]  }
0x158: {  	v5 =	vld [tilespmem:$0xB2B0]  }
0x159: {  	v6 =	vld [tilespmem:$0xB310]  }
0x15a: {  	v7 =	vld [tilespmem:$0xB2D0]  }
0x15b: {  	v9 =	vld [tilespmem:$0xB2E0];
	v8 =	vbroadcast v0, $0x0  }
0x15c: {  	v11 =	vld [tilespmem:$0xB2F0];
	v10 =	vbroadcast v0, $0x1  }
0x15d: {  	v12 =	vld [tilespmem:$0xB300];
	v2 =	vmul.f32 v2, v8;
	v8 =	vbroadcast v0, $0x2  }
0x15e: {  	v13 =	vld [tilespmem:$0xB360];
	v3 =	vmul.f32 v3, v10;
	v10 =	vbroadcast v0, $0x4  }
0x15f: {  	v14 =	vld [tilespmem:$0xB320];
	v4 =	vmul.f32 v4, v8;
	v8 =	vbroadcast v0, $0x3  }
0x160: {  	v15 =	vld [tilespmem:$0xB330];
	v7 =	vmul.f32 v7, v10;
	v10 =	vbroadcast v0, $0x5  }
0x161: {  	v1 =	vadd.f32 v2, v1;
	v2 =	vmul.f32 v5, v8;
	v5 =	vbroadcast v0, $0x6;
	v8 =	vld [tilespmem:$0xB370]  }
0x162: {  	v6 =	vadd.f32 v7, v6;
	v7 =	vmul.f32 v9, v10;
	v9 =	vbroadcast v0, $0x7;
	v10 =	vld [tilespmem:$0xB3B0]  }
0x163: {  	v1 =	vadd.f32 v3, v1;
	v3 =	vmul.f32 v11, v5;
	v5 =	vbroadcast v0, $0x8;
	v11 =	vld [tilespmem:$0xB380]  }
0x164: {  	v6 =	vadd.f32 v7, v6;
	v7 =	vmul.f32 v12, v9;
	v9 =	vld [tilespmem:$0xB340];
	v12 =	vbroadcast v0, $0xC  }
0x165: {  	v1 =	vadd.f32 v4, v1;
	v4 =	vmul.f32 v14, v5;
	v5 =	vbroadcast v0, $0x9;
	v14 =	vld [tilespmem:$0xB390]  }
0x166: {  	v3 =	vadd.f32 v3, v6;
	v6 =	vld [tilespmem:$0xB350];
	v8 =	vmul.f32 v8, v12;
	v12 =	vbroadcast v0, $0xD  }
0x167: {  	v4 =	vadd.f32 v4, v13;
	v5 =	vmul.f32 v15, v5;
	v13 =	vbroadcast v0, $0xA;
	v15 =	vld [tilespmem:$0xB3A0]  }
0x168: {  	v8 =	vadd.f32 v8, v10;
	v10 =	vmul.f32 v11, v12;
	v11 =	vbroadcast v0, $0xE  }
0x169: {  	v4 =	vadd.f32 v5, v4;
	v5 =	vmul.f32 v9, v13;
	v9 =	vbroadcast v0, $0xB  }
0x16a: {  	v0 =	vbroadcast v0, $0xF;
	v8 =	vadd.f32 v10, v8;
	v10 =	vmul.f32 v14, v11  }
0x16b: {  	v1 =	vadd.f32 v2, v1;
	v2 =	vadd.f32 v5, v4;
	v4 =	vmul.f32 v6, v9  }
0x16c: {  	v3 =	vadd.f32 v7, v3;
	v5 =	vadd.f32 v10, v8;
	v0 =	vmul.f32 v15, v0  }
0x16d: {  	[tilespmem:$0x16F00] =	vst v1;
	v1 =	vadd.f32 v4, v2  }
0x16e: {  	[tilespmem:$0x16F10] =	vst v3;
	v0 =	vadd.f32 v0, v5  }
0x16f: {  	[tilespmem:$0x16F20] =	vst v1  }
0x170: {  	[tilespmem:$0x16F30] =	vst v0  }
0x171: {  	[spmem:s1] =	stream.indirect.scatter.add.f32 [tilespmem:s22], [sflag:$0x5], $0x10, s21, s29, $0xb8;
	[tilespmem:$0x1B600] =	vst v63  }
0x172: {  	_ =	swait.ge [sflag:s26], $0x1F40  }
0x173: {  	p0 =	seq.s32 s10, $0x4;
	s11 =	sshll.u32 s10, $0x1;
	[sflag:s26] =	ssyncset.done $0x0  }
0x174: {  	s13 =	sadd.s32 @!p0 s11, s17;
	s12 =	simm.s32 @p0 $0x4;
	[sflag:s26] =	ssyncadd.s32 $0xFFFFE0C0  }
0x175: {  	s14 =	smul.u32 @!p0 $0x3F, s13;
	_ =	swait.ge @p0 [sflag:s12], $0x9C40  }
0x176: {  	[sflag:s12] =	ssyncset.done @p0 $0x0  }
0x177: {  	s15 =	simm.s32 @!p0 $0x0;
	[sflag:s12] =	ssyncadd.s32 @p0 $0xFFFF63C0;
	s12 =	sadd.s32 @!p0 s5, s14  }
0x178: {  	[tilespmem:s15], [sflag:$0x1] =	stream.linear.gather @!p0 [hbm4b:s12+s15], $0x1F8, $0x38;
	[tilespmem:$0x1B600] =	vst v63  }
0x179: {  	s13 =	smul.u32 @!p0 $0xFA, s13;
	s12 =	sadd.s32 @!p0 s6, s14;
	s14 =	simm.s32 @!p0 $0x3F0  }
0x17a: {  	[tilespmem:s14], [sflag:$0x1] =	stream.linear.gather @!p0 [hbm4b:s12+s15], $0x1F8, $0x38;
	[tilespmem:$0x1B600] =	vst v63  }
0x17b: {  	s12 =	sadd.s32 @!p0 s7, s13;
	s13 =	simm.s32 @!p0 $0x7E0  }
0x17c: {  	[tilespmem:s13], [sflag:$0x1] =	stream.linear.gather @!p0 [hbm4b:s12+s15], $0x7D0, $0x38;
	[tilespmem:$0x1B600] =	vst v63  }
0x17d: {  	s12 =	simm.s32 @!p0 $0x4  }
0x17e: {  	_ =	swait.ge @!p0 [sflag:s12], $0x9C40  }
0x17f: {  	[sflag:s12] =	ssyncset.done @!p0 $0x0  }
0x180: {  	[sflag:s12] =	ssyncadd.s32 @!p0 $0xFFFF63C0;
	s12 =	simm.s32 @!p0 $0x1  }
0x181: {  	_ =	swait.ge @!p0 [sflag:s12], $0x1F8  }
0x182: {  	[sflag:s12] =	ssyncset.done @!p0 $0x0  }
0x183: {  	[sflag:s12] =	ssyncadd.s32 @!p0 $0xFFFFFE08  }
0x184: {  	_ =	swait.ge @!p0 [sflag:s12], $0x1F8  }
0x185: {  	[sflag:s12] =	ssyncset.done @!p0 $0x0  }
0x186: {  	[sflag:s12] =	ssyncadd.s32 @!p0 $0xFFFFFE08  }
0x187: {  	_ =	swait.ge @!p0 [sflag:s12], $0x7D0  }
0x188: {  	s19 =	simm.s32 $0xFE0;
	[sflag:s12] =	ssyncset.done @!p0 $0x0  }
0x189: {  	s13 =	simm.s32 @!p0 $0x1780;
	[sflag:s12] =	ssyncadd.s32 @!p0 $0xFFFFF830;
	s12 =	simm.s32 @!p0 $0x1F4  }
0x18a: {  	[tilespmem:s13], [sflag:$0x3] =	stream.indirect.gather @!p0 [hbm4b:s4+s12], $0x50, s15, s12, $0xb8;
	[tilespmem:$0x1B600] =	vst v63  }
0x18b: {  	s15 =	simm.s32 $0xB8B0;
	v4 =	vld [tilespmem:s19+$0x0]  }
0x18c: {  	v0 =	vld [tilespmem:s15+$0xFFFFFED0]  }
0x18d: {  	v1 =	vld [tilespmem:s15+$0xFFFFFF10]  }
0x18e: {  	v5 =	vld [tilespmem:s15+$0xFFFFFEE0]  }
0x18f: {  	v6 =	vld [tilespmem:s15+$0xFFFFFEF0]  }
0x190: {  	v2 =	vld [tilespmem:s19+$0xFFFFFFE0]  }
0x191: {  	v8 =	vld [tilespmem:s15+$0xFFFFFF00]  }
0x192: {  	v9 =	vld [tilespmem:s15+$0xFFFFFB10]  }
0x193: {  	v10 =	vld [tilespmem:s15+$0xFFFFFD90];
	v3 =	vbroadcast v4, $0x0  }
0x194: {  	v11 =	vld [tilespmem:s15+$0xFFFFFC60]  }
0x195: {  	v21 =	vld [tilespmem:s15+$0xFFFFFDD0];
	v7 =	vbroadcast v4, $0x1;
	v0 =	vmul.f32 v0, v3  }
0x196: {  	v26 =	vld [tilespmem:s15+$0xFFFFFDA0]  }
0x197: {  	s14 =	simm.s32 $0xBDB0;
	v28 =	vld [tilespmem:s15+$0xFFFFFB30];
	v5 =	vmul.f32 v5, v7;
	v7 =	vbroadcast v4, $0x2;
	v1 =	vadd.f32 v0, v1  }
0x198: {  	v49 =	vld [tilespmem:s14+$0xFFFFFED0]  }
0x199: {  	v0 =	vld [tilespmem:s19+$0xFFFFFFD0];
	v1 =	vadd.f32 v5, v1;
	v5 =	vmul.f32 v6, v7;
	v6 =	vbroadcast v4, $0x3  }
0x19a: {  	v50 =	vld [tilespmem:s14+$0xFFFFFF10]  }
0x19b: {  	v3 =	vld [tilespmem:s19+$0xFFFFFFF0];
	v1 =	vadd.f32 v5, v1;
	v5 =	vmul.f32 v8, v6  }
0x19c: {  	v7 =	vld [tilespmem:s15+$0xFFFFFC50]  }
0x19d: {  	v6 =	vld [tilespmem:s15+$0xFFFFFB50];
	v1 =	vadd.f32 v5, v1  }
0x19e: {  	s12 =	simm.s32 $0x17030;
	v8 =	vld [tilespmem:s15+$0xFFFFFB20];
	v20 =	vbroadcast v0, $0x0  }
0x19f: {  	v12 =	vbroadcast v2, $0x1;
	v14 =	vbroadcast v2, $0x2;
	v5 =	vld [tilespmem:s15+$0xFFFFFC90];
	[tilespmem:s12+$0xFFFFFFD0] =	vst v1  }
0x1a0: {  	v9 =	vmul.f32 v9, v20;
	v1 =	vbroadcast v2, $0x0;
	v13 =	vld [tilespmem:s15+$0xFFFFFF20]  }
0x1a1: {  	v15 =	vbroadcast v2, $0x3;
	v23 =	vbroadcast v0, $0x1;
	v16 =	vld [tilespmem:s15+$0xFFFFFF60]  }
0x1a2: {  	v22 =	vbroadcast v4, $0x4;
	v6 =	vadd.f32 v9, v6;
	v9 =	vld [tilespmem:s15+$0xFFFFFB40];
	v1 =	vmul.f32 v7, v1  }
0x1a3: {  	v17 =	vbroadcast v3, $0x0;
	v7 =	vmul.f32 v8, v23;
	v8 =	vld [tilespmem:s15+$0xFFFFFC70]  }
0x1a4: {  	v24 =	vbroadcast v0, $0x2;
	v19 =	vld [tilespmem:s15+$0xFFFFFF30];
	v1 =	vadd.f32 v1, v5;
	v5 =	vmul.f32 v11, v12  }
0x1a5: {  	v18 =	vbroadcast v3, $0x1;
	v10 =	vmul.f32 v10, v17;
	v6 =	vadd.f32 v7, v6;
	v7 =	vld [tilespmem:s15+$0xFFFFFC80]  }
0x1a6: {  	v20 =	vbroadcast v0, $0x3;
	v25 =	vld [tilespmem:s15+$0xFFFFFF40];
	v1 =	vadd.f32 v5, v1;
	v5 =	vmul.f32 v28, v24  }
0x1a7: {  	v51 =	vld [tilespmem:s14+$0xFFFFFEE0];
	v13 =	vmul.f32 v13, v22;
	v22 =	vbroadcast v4, $0x5  }
0x1a8: {  	v27 =	vld [tilespmem:s15+$0xFFFFFF50];
	v8 =	vmul.f32 v8, v14;
	v5 =	vadd.f32 v5, v6;
	v6 =	vmul.f32 v9, v20  }
0x1a9: {  	v53 =	vld [tilespmem:s14+$0xFFFFFEF0];
	v13 =	vadd.f32 v13, v16;
	v16 =	vmul.f32 v19, v22;
	v19 =	vbroadcast v4, $0x6  }
0x1aa: {  	v55 =	vld [tilespmem:s14+$0xFFFFFF00];
	v1 =	vadd.f32 v8, v1;
	v7 =	vmul.f32 v7, v15;
	v5 =	vadd.f32 v6, v5  }
0x1ab: {  	v11 =	vld [tilespmem:s15+$0xFFFFFDB0];
	v13 =	vadd.f32 v16, v13;
	v16 =	vmul.f32 v25, v19;
	v19 =	vbroadcast v4, $0x7  }
0x1ac: {  	v10 =	vadd.f32 v10, v21;
	v14 =	vld [tilespmem:s15+$0xFFFFFDC0];
	v1 =	vadd.f32 v7, v1;
	[tilespmem:s12+$0xFFFFFF10] =	vst v5  }
0x1ad: {  	v12 =	vadd.f32 v16, v13;
	v13 =	vmul.f32 v27, v19;
	v16 =	vmul.f32 v26, v18;
	v7 =	vld [tilespmem:s15+$0xFFFFFB60]  }
0x1ae: {  	v19 =	vld [tilespmem:s15+$0xFFFFFB70]  }
0x1af: {  	[tilespmem:s12+$0xFFFFFF50] =	vst v1;
	v12 =	vadd.f32 v13, v12;
	v10 =	vadd.f32 v16, v10;
	v16 =	vld [tilespmem:s15+$0xFFFFFBA0]  }
0x1b0: {  	v13 =	vbroadcast v3, $0x2;
	v20 =	vld [tilespmem:s15+$0xFFFFFCE0]  }
0x1b1: {  	v23 =	vld [tilespmem:s15+$0xFFFFFCB0];
	[tilespmem:s12+$0xFFFFFFE0] =	vst v12  }
0x1b2: {  	v9 =	vbroadcast v3, $0x3;
	v8 =	vmul.f32 v11, v13;
	v6 =	vld [tilespmem:s15+$0xFFFFFF70]  }
0x1b3: {  	v11 =	vld [tilespmem:s15+$0xFFFFFFB0]  }
0x1b4: {  	v9 =	vmul.f32 v14, v9;
	v5 =	vld [tilespmem:s15+$0xFFFFFF80];
	v8 =	vadd.f32 v8, v10  }
0x1b5: {  	v1 =	vld [tilespmem:s15+$0xFFFFFF90];
	v10 =	vbroadcast v0, $0x4  }
0x1b6: {  	v8 =	vadd.f32 v9, v8;
	v9 =	vld [tilespmem:s15+$0xFFFFFCA0]  }
0x1b7: {  	v15 =	vbroadcast v4, $0x8;
	v7 =	vmul.f32 v7, v10;
	v10 =	vld [tilespmem:s15+$0xFFFFFCC0]  }
0x1b8: {  	[tilespmem:s12+$0xFFFFFF90] =	vst v8;
	v8 =	vld [tilespmem:s15+$0xFFFFFFA0]  }
0x1b9: {  	v6 =	vmul.f32 v6, v15;
	v15 =	vbroadcast v4, $0x9;
	v13 =	vld [tilespmem:s15+$0xFFFFFDE0]  }
0x1ba: {  	v17 =	vbroadcast v0, $0x5;
	v12 =	vbroadcast v2, $0x4;
	v26 =	vld [tilespmem:s15+$0xFFFFFDF0]  }
0x1bb: {  	v6 =	vadd.f32 v6, v11;
	v5 =	vmul.f32 v5, v15;
	v11 =	vbroadcast v4, $0xA;
	v15 =	vld [tilespmem:s15+$0xFFFFFE20]  }
0x1bc: {  	s20 =	simm.s32 $0x1020;
	v9 =	vmul.f32 v9, v12;
	v12 =	vmul.f32 v19, v17;
	v17 =	vld [tilespmem:s15+$0xFFFFFE10]  }
0x1bd: {  	v19 =	vld [tilespmem:s20+$0xFFFFFFD0];
	v5 =	vadd.f32 v5, v6;
	v1 =	vmul.f32 v1, v11;
	v6 =	vbroadcast v4, $0xB  }
0x1be: {  	v21 =	vbroadcast v3, $0x5;
	v14 =	vbroadcast v3, $0x4;
	v11 =	vld [tilespmem:s15+$0xFFFFFB80]  }
0x1bf: {  	v24 =	vbroadcast v2, $0x6;
	v1 =	vadd.f32 v1, v5;
	v5 =	vmul.f32 v8, v6;
	v6 =	vld [tilespmem:s15+$0xFFFFFB90]  }
0x1c0: {  	v18 =	vbroadcast v2, $0x5;
	v8 =	vmul.f32 v13, v14;
	v13 =	vld [tilespmem:s15+$0xFFFFFE00]  }
0x1c1: {  	v22 =	vbroadcast v0, $0x6;
	v7 =	vadd.f32 v7, v16;
	v14 =	vld [tilespmem:s15+$0xFFFFFCD0];
	v1 =	vadd.f32 v5, v1  }
0x1c2: {  	v25 =	vbroadcast v0, $0x7;
	v5 =	vadd.f32 v9, v20;
	v9 =	vmul.f32 v23, v18;
	v18 =	vld [tilespmem:s20+$0xFFFFFFF0]  }
0x1c3: {  	v7 =	vadd.f32 v12, v7;
	v11 =	vmul.f32 v11, v22;
	[tilespmem:s12+$0xFFFFFFF0] =	vst v1;
	v1 =	vadd.f32 v8, v15;
	v15 =	vld [tilespmem:s20+$0xFFFFFFE0]  }
0x1c4: {  	v16 =	vbroadcast v2, $0x7;
	v10 =	vmul.f32 v10, v24;
	v12 =	vld [tilespmem:s15+$0xFFFFFFC0]  }
0x1c5: {  	v8 =	vadd.f32 v9, v5;
	v7 =	vadd.f32 v11, v7;
	v6 =	vmul.f32 v6, v25;
	v5 =	vld [tilespmem:s15+$0x0]  }
0x1c6: {  	v34 =	vbroadcast v2, $0x8;
	v9 =	vmul.f32 v26, v21;
	v21 =	vld [tilespmem:s15+$0xFFFFFFD0]  }
0x1c7: {  	v20 =	vld [tilespmem:s15+$0xFFFFFFE0];
	v8 =	vadd.f32 v10, v8;
	v10 =	vmul.f32 v14, v16;
	v7 =	vadd.f32 v6, v7  }
0x1c8: {  	v38 =	vbroadcast v2, $0x9;
	v43 =	vbroadcast v2, $0xA;
	v6 =	vld [tilespmem:s15+$0xFFFFFFF0]  }
0x1c9: {  	v47 =	vbroadcast v2, $0xB;
	v54 =	vbroadcast v4, $0xC;
	[tilespmem:s12+$0xFFFFFF20] =	vst v7;
	v7 =	vadd.f32 v10, v8;
	v10 =	vld [tilespmem:s20+$0x0]  }
0x1ca: {  	v35 =	vbroadcast v3, $0x8;
	v41 =	vbroadcast v3, $0x9;
	v22 =	vld [tilespmem:s15+$0xFFFFFBB0]  }
0x1cb: {  	v44 =	vbroadcast v3, $0xA;
	v27 =	vbroadcast v3, $0x6;
	v23 =	vld [tilespmem:s15+$0xFFFFFBF0]  }
0x1cc: {  	v48 =	vbroadcast v3, $0xB;
	v32 =	vbroadcast v0, $0x8;
	v26 =	vld [tilespmem:s15+$0xFFFFFBC0]  }
0x1cd: {  	v11 =	vbroadcast v3, $0x7;
	v1 =	vadd.f32 v9, v1;
	v9 =	vmul.f32 v13, v27;
	v31 =	vld [tilespmem:s15+$0xFFFFFBD0]  }
0x1ce: {  	v37 =	vbroadcast v0, $0x9;
	v40 =	vbroadcast v0, $0xA;
	v39 =	vld [tilespmem:s15+$0xFFFFFBE0];
	[tilespmem:s12+$0xFFFFFF60] =	vst v7  }
0x1cf: {  	v46 =	vbroadcast v0, $0xB;
	v1 =	vadd.f32 v9, v1;
	v9 =	vmul.f32 v17, v11;
	v24 =	vld [tilespmem:s15+$0xFFFFFCF0]  }
0x1d0: {  	v16 =	vbroadcast v2, $0xD;
	v14 =	vbroadcast v0, $0xE;
	v27 =	vld [tilespmem:s15+$0xFFFFFD30]  }
0x1d1: {  	v13 =	vbroadcast v2, $0xE;
	v11 =	vbroadcast v0, $0xD;
	v1 =	vadd.f32 v9, v1;
	v28 =	vld [tilespmem:s15+$0xFFFFFD00]  }
0x1d2: {  	v17 =	vbroadcast v3, $0xD;
	v8 =	vbroadcast v0, $0xC;
	v33 =	vld [tilespmem:s15+$0xFFFFFD10]  }
0x1d3: {  	v0 =	vbroadcast v0, $0xF;
	v9 =	vbroadcast v2, $0xC;
	[tilespmem:s12+$0xFFFFFFA0] =	vst v1;
	v42 =	vld [tilespmem:s15+$0xFFFFFD20]  }
0x1d4: {  	v2 =	vbroadcast v2, $0xF;
	v25 =	vld [tilespmem:s15+$0xFFFFFE30];
	v52 =	vbroadcast v10, $0x0  }
0x1d5: {  	v29 =	vld [tilespmem:s15+$0xFFFFFE70];
	v60 =	vbroadcast v10, $0x1;
	v61 =	vbroadcast v10, $0x2  }
0x1d6: {  	v30 =	vld [tilespmem:s15+$0xFFFFFE40];
	v63 =	vbroadcast v10, $0x3;
	v22 =	vmul.f32 v22, v32  }
0x1d7: {  	v45 =	vld [tilespmem:s15+$0xFFFFFE60];
	v31 =	vmul.f32 v31, v40;
	v57 =	vmul.f32 v39, v46  }
0x1d8: {  	v36 =	vld [tilespmem:s15+$0xFFFFFE50];
	v49 =	vmul.f32 v49, v52;
	v51 =	vmul.f32 v51, v60  }
0x1d9: {  	v32 =	vld [tilespmem:s14+$0xFFFFFC50];
	v62 =	vmul.f32 v53, v61;
	v56 =	vmul.f32 v55, v63  }
0x1da: {  	v40 =	vld [tilespmem:s14+$0xFFFFFDA0];
	v61 =	vbroadcast v10, $0x4;
	v24 =	vmul.f32 v24, v34;
	v22 =	vadd.f32 v22, v23  }
0x1db: {  	v46 =	vld [tilespmem:s14+$0xFFFFFB30];
	v33 =	vmul.f32 v33, v43;
	v49 =	vadd.f32 v49, v50;
	v23 =	vmul.f32 v25, v35  }
0x1dc: {  	v55 =	vld [tilespmem:s14+$0xFFFFFC70];
	v25 =	vmul.f32 v26, v37;
	v58 =	vmul.f32 v45, v48  }
0x1dd: {  	v34 =	vld [tilespmem:s14+$0xFFFFFD90];
	v48 =	vbroadcast v19, $0x2;
	v24 =	vadd.f32 v24, v27;
	v49 =	vadd.f32 v51, v49  }
0x1de: {  	v50 =	vld [tilespmem:s14+$0xFFFFFB10];
	v22 =	vadd.f32 v25, v22;
	v25 =	vmul.f32 v28, v38;
	v28 =	vmul.f32 v30, v41  }
0x1df: {  	v26 =	vld [tilespmem:s14+$0xFFFFFB50];
	v23 =	vadd.f32 v23, v29;
	v29 =	vmul.f32 v36, v44;
	v53 =	vadd.f32 v62, v49  }
0x1e0: {  	v37 =	vld [tilespmem:s14+$0xFFFFFDD0];
	v44 =	vbroadcast v18, $0x1;
	v24 =	vadd.f32 v25, v24;
	v25 =	vmul.f32 v42, v47  }
0x1e1: {  	v27 =	vld [tilespmem:s14+$0xFFFFFB20];
	v23 =	vadd.f32 v28, v23;
	v28 =	vbroadcast v15, $0x0;
	v35 =	vadd.f32 v56, v53  }
0x1e2: {  	s13 =	simm.s32 $0x17130;
	v30 =	vld [tilespmem:s14+$0xFFFFFC90];
	v22 =	vadd.f32 v31, v22;
	v31 =	vbroadcast v15, $0x2;
	v42 =	vbroadcast v15, $0x3  }
0x1e3: {  	v38 =	vld [tilespmem:s14+$0xFFFFFC60];
	v62 =	vbroadcast v19, $0x1;
	v23 =	vadd.f32 v29, v23;
	v29 =	vbroadcast v19, $0x0;
	[tilespmem:s13+$0xFFFFFFD0] =	vst v35  }
0x1e4: {  	v49 =	vmul.f32 v40, v44;
	v24 =	vadd.f32 v33, v24;
	v33 =	vbroadcast v18, $0x0;
	v59 =	vld [tilespmem:s14+$0xFFFFFF20]  }
0x1e5: {  	v22 =	vadd.f32 v57, v22;
	v56 =	vbroadcast v10, $0x5;
	v29 =	vmul.f32 v50, v29;
	v43 =	vld [tilespmem:s14+$0xFFFFFF60]  }
0x1e6: {  	v28 =	vmul.f32 v32, v28;
	v35 =	vbroadcast v15, $0x1;
	v60 =	vld [tilespmem:s14+$0xFFFFFF30]  }
0x1e7: {  	v23 =	vadd.f32 v58, v23;
	[tilespmem:s12+$0xFFFFFF30] =	vst v22;
	v22 =	vmul.f32 v34, v33;
	v26 =	vadd.f32 v29, v26;
	v29 =	vld [tilespmem:s14+$0xFFFFFB40]  }
0x1e8: {  	v45 =	vld [tilespmem:s14+$0xFFFFFDC0];
	v57 =	vbroadcast v19, $0x3;
	v27 =	vmul.f32 v27, v62;
	v24 =	vadd.f32 v25, v24  }
0x1e9: {  	v28 =	vadd.f32 v28, v30;
	v63 =	vld [tilespmem:s14+$0xFFFFFF40];
	v30 =	vmul.f32 v38, v35;
	[tilespmem:s12+$0xFFFFFFB0] =	vst v23;
	v23 =	vadd.f32 v22, v37  }
0x1ea: {  	v58 =	vld [tilespmem:s14+$0xFFFFFF50];
	[tilespmem:s12+$0xFFFFFF70] =	vst v24;
	v22 =	vmul.f32 v46, v48;
	v26 =	vadd.f32 v27, v26;
	v25 =	vmul.f32 v59, v61  }
0x1eb: {  	v28 =	vadd.f32 v30, v28;
	v30 =	vld [tilespmem:s15+$0xFFFFFD40];
	v41 =	vmul.f32 v60, v56;
	v60 =	vbroadcast v10, $0x6  }
0x1ec: {  	v61 =	vld [tilespmem:s14+$0xFFFFFC80];
	v26 =	vadd.f32 v22, v26;
	v29 =	vmul.f32 v29, v57;
	v25 =	vadd.f32 v25, v43  }
0x1ed: {  	v31 =	vmul.f32 v55, v31;
	v53 =	vbroadcast v4, $0xD;
	v34 =	vadd.f32 v49, v23;
	v23 =	vld [tilespmem:s15+$0xFFFFFC10]  }
0x1ee: {  	v59 =	vld [tilespmem:s14+$0xFFFFFDB0];
	v62 =	vmul.f32 v63, v60;
	v26 =	vadd.f32 v29, v26;
	v25 =	vadd.f32 v41, v25  }
0x1ef: {  	v22 =	vld [tilespmem:s15+$0xFFFFFC40];
	v57 =	vbroadcast v4, $0xE;
	v4 =	vbroadcast v4, $0xF  }
0x1f0: {  	v12 =	vmul.f32 v12, v54;
	v63 =	vbroadcast v10, $0x7;
	[tilespmem:s13+$0xFFFFFF10] =	vst v26;
	v24 =	vadd.f32 v62, v25;
	v25 =	vld [tilespmem:s15+$0xFFFFFC00]  }
0x1f1: {  	v28 =	vadd.f32 v31, v28;
	v35 =	vmul.f32 v6, v4;
	v31 =	vmul.f32 v61, v42;
	v6 =	vld [tilespmem:s14+$0xFFFFFBA0]  }
0x1f2: {  	v7 =	vbroadcast v3, $0xC;
	v1 =	vbroadcast v3, $0xE;
	v36 =	vld [tilespmem:s14+$0xFFFFFB70]  }
0x1f3: {  	v3 =	vbroadcast v3, $0xF;
	v27 =	vmul.f32 v58, v63;
	v63 =	vld [tilespmem:s14+$0xFFFFFB80];
	v28 =	vadd.f32 v31, v28  }
0x1f4: {  	v39 =	vbroadcast v15, $0xA;
	v52 =	vbroadcast v18, $0x3;
	v31 =	vld [tilespmem:s14+$0xFFFFFB60]  }
0x1f5: {  	v51 =	vbroadcast v18, $0x2;
	v47 =	vbroadcast v15, $0x7;
	v27 =	vadd.f32 v27, v24;
	v24 =	vld [tilespmem:s15+$0xFFFFFE80];
	[tilespmem:s13+$0xFFFFFF50] =	vst v28  }
0x1f6: {  	v44 =	vbroadcast v15, $0xB;
	v33 =	vmul.f32 v45, v52;
	v38 =	vld [tilespmem:s14+$0xFFFFFCE0]  }
0x1f7: {  	v21 =	vmul.f32 v21, v53;
	v45 =	vbroadcast v18, $0x6;
	[tilespmem:s13+$0xFFFFFFE0] =	vst v27;
	v40 =	vld [tilespmem:s14+$0xFFFFFCB0]  }
0x1f8: {  	v50 =	vbroadcast v15, $0x8;
	v27 =	vmul.f32 v59, v51;
	v29 =	vld [tilespmem:s14+$0xFFFFFF70]  }
0x1f9: {  	v52 =	vbroadcast v18, $0x8;
	v53 =	vbroadcast v19, $0x9;
	v55 =	vld [tilespmem:s14+$0xFFFFFFB0]  }
0x1fa: {  	v37 =	vbroadcast v18, $0x4;
	v48 =	vbroadcast v18, $0x7;
	v26 =	vld [tilespmem:s14+$0xFFFFFF80];
	v27 =	vadd.f32 v27, v34  }
0x1fb: {  	v56 =	vbroadcast v10, $0x8;
	v60 =	vbroadcast v19, $0x5;
	v49 =	vld [tilespmem:s14+$0xFFFFFCC0]  }
0x1fc: {  	v43 =	vbroadcast v15, $0x6;
	v4 =	vbroadcast v19, $0x4;
	v28 =	vld [tilespmem:s14+$0xFFFFFF90];
	v27 =	vadd.f32 v33, v27  }
0x1fd: {  	v58 =	vbroadcast v10, $0x9;
	v33 =	vld [tilespmem:s14+$0xFFFFFCA0];
	v29 =	vmul.f32 v29, v56  }
0x1fe: {  	v5 =	vadd.f32 v12, v5;
	v20 =	vmul.f32 v20, v57;
	v4 =	vmul.f32 v31, v4;
	[tilespmem:s13+$0xFFFFFF90] =	vst v27;
	v27 =	vld [tilespmem:s14+$0xFFFFFFA0]  }
0x1ff: {  	v30 =	vmul.f32 v30, v9;
	v26 =	vmul.f32 v26, v58;
	v32 =	vld [tilespmem:s14+$0xFFFFFDE0];
	v29 =	vadd.f32 v29, v55  }
0x200: {  	v59 =	vbroadcast v10, $0xA;
	v34 =	vbroadcast v15, $0x4;
	v4 =	vadd.f32 v4, v6;
	v62 =	vld [tilespmem:s14+$0xFFFFFDF0]  }
0x201: {  	v6 =	vmul.f32 v36, v60;
	v60 =	vld [tilespmem:s14+$0xFFFFFB90];
	v26 =	vadd.f32 v26, v29;
	v29 =	vbroadcast v10, $0xB  }
0x202: {  	v21 =	vadd.f32 v21, v5;
	v28 =	vmul.f32 v28, v59;
	v5 =	vmul.f32 v33, v34;
	v33 =	vld [tilespmem:s14+$0xFFFFFE00]  }
0x203: {  	v61 =	vld [tilespmem:s14+$0xFFFFFE20];
	v27 =	vmul.f32 v27, v29;
	v29 =	vbroadcast v18, $0x5  }
0x204: {  	v26 =	vadd.f32 v28, v26;
	v28 =	vbroadcast v15, $0x5;
	v12 =	vmul.f32 v32, v37;
	v32 =	vld [tilespmem:s15+$0xFFFFFD50]  }
0x205: {  	v42 =	vbroadcast v19, $0x6;
	v29 =	vmul.f32 v62, v29;
	v62 =	vld [tilespmem:s14+$0xFFFFFCD0]  }
0x206: {  	v6 =	vadd.f32 v6, v4;
	v5 =	vadd.f32 v5, v38;
	v4 =	vmul.f32 v40, v28;
	v40 =	vld [tilespmem:s15+$0xFFFFFD80]  }
0x207: {  	v23 =	vmul.f32 v23, v11;
	v26 =	vadd.f32 v27, v26;
	v33 =	vmul.f32 v33, v45;
	v45 =	vld [tilespmem:s15+$0xFFFFFEC0]  }
0x208: {  	v11 =	vbroadcast v15, $0xE;
	v57 =	vadd.f32 v4, v5;
	v5 =	vmul.f32 v63, v42;
	v63 =	vld [tilespmem:s14+$0xFFFFFE10]  }
0x209: {  	v20 =	vadd.f32 v20, v21;
	v25 =	vmul.f32 v25, v8;
	v21 =	vmul.f32 v24, v7;
	[tilespmem:s13+$0xFFFFFFF0] =	vst v26;
	v42 =	vld [tilespmem:s15+$0xFFFFFC20]  }
0x20a: {  	v7 =	vbroadcast v19, $0xD;
	v27 =	vbroadcast v19, $0x7;
	v51 =	vld [tilespmem:s14+$0xFFFFFFC0]  }
0x20b: {  	v43 =	vmul.f32 v49, v43;
	v49 =	vbroadcast v10, $0xF;
	v54 =	vld [tilespmem:s14+$0x0]  }
0x20c: {  	v56 =	vbroadcast v19, $0xA;
	v27 =	vmul.f32 v60, v27;
	v31 =	vld [tilespmem:s14+$0xFFFFFFD0];
	v46 =	vadd.f32 v5, v6  }
0x20d: {  	v59 =	vbroadcast v10, $0xD;
	v55 =	vbroadcast v15, $0x9;
	v61 =	vadd.f32 v12, v61;
	v36 =	vld [tilespmem:s14+$0xFFFFFFE0]  }
0x20e: {  	v34 =	vbroadcast v18, $0x9;
	v38 =	vbroadcast v19, $0xB;
	v28 =	vld [tilespmem:s14+$0xFFFFFFF0];
	v27 =	vadd.f32 v27, v46  }
0x20f: {  	v37 =	vbroadcast v18, $0xA;
	v12 =	vbroadcast v18, $0xB;
	v29 =	vadd.f32 v29, v61;
	v46 =	vld [tilespmem:s15+$0xFFFFFE90]  }
0x210: {  	v43 =	vadd.f32 v43, v57;
	v57 =	vbroadcast v10, $0xC;
	v41 =	vmul.f32 v62, v47;
	[tilespmem:s13+$0xFFFFFF20] =	vst v27;
	v27 =	vld [tilespmem:s15+$0xFFFFFD60]  }
0x211: {  	v26 =	vbroadcast v19, $0x8;
	v4 =	vbroadcast v19, $0xC;
	v29 =	vadd.f32 v33, v29;
	v60 =	vld [tilespmem:s14+$0xFFFFFBB0]  }
0x212: {  	v58 =	vmul.f32 v63, v48;
	v8 =	vadd.f32 v41, v43;
	v9 =	vmul.f32 v51, v57;
	v24 =	vld [tilespmem:s14+$0xFFFFFBF0]  }
0x213: {  	v22 =	vadd.f32 v25, v22;
	v16 =	vmul.f32 v32, v16;
	v62 =	vbroadcast v10, $0xE;
	v51 =	vld [tilespmem:s14+$0xFFFFFBC0]  }
0x214: {  	v31 =	vmul.f32 v31, v59;
	v29 =	vadd.f32 v58, v29;
	[tilespmem:s13+$0xFFFFFF60] =	vst v8;
	v58 =	vld [tilespmem:s14+$0xFFFFFBD0];
	v61 =	vadd.f32 v9, v54  }
0x215: {  	v22 =	vadd.f32 v23, v22;
	v5 =	vbroadcast v15, $0xC;
	v6 =	vbroadcast v18, $0xC;
	v63 =	vld [tilespmem:s14+$0xFFFFFCF0]  }
0x216: {  	v25 =	vld [tilespmem:s14+$0xFFFFFD30];
	[tilespmem:s13+$0xFFFFFFA0] =	vst v29;
	v29 =	vadd.f32 v35, v20;
	v20 =	vadd.f32 v31, v61;
	v31 =	vmul.f32 v36, v62  }
0x217: {  	v10 =	vbroadcast v19, $0xE;
	v19 =	vbroadcast v19, $0xF;
	v30 =	vadd.f32 v30, v40;
	v54 =	vld [tilespmem:s14+$0xFFFFFD00]  }
0x218: {  	v14 =	vmul.f32 v42, v14;
	v28 =	vmul.f32 v28, v49;
	v48 =	vld [tilespmem:s14+$0xFFFFFE30];
	v31 =	vadd.f32 v31, v20  }
0x219: {  	v21 =	vadd.f32 v21, v45;
	v8 =	vbroadcast v18, $0xD;
	v9 =	vbroadcast v15, $0xD;
	v23 =	vld [tilespmem:s14+$0xFFFFFE70]  }
0x21a: {  	v15 =	vbroadcast v15, $0xF;
	v17 =	vmul.f32 v46, v17;
	v57 =	vadd.f32 v28, v31;
	v28 =	vld [tilespmem:s14+$0xFFFFFE40]  }
0x21b: {  	v30 =	vadd.f32 v16, v30;
	v59 =	vld [tilespmem:s14+$0xFFFFFD10];
	v13 =	vmul.f32 v27, v13;
	v26 =	vmul.f32 v60, v26  }
0x21c: {  	v16 =	vadd.f32 v17, v21;
	v20 =	vbroadcast v18, $0xE;
	v60 =	vld [tilespmem:s14+$0xFFFFFE50];
	v27 =	vmul.f32 v63, v50  }
0x21d: {  	v18 =	vbroadcast v18, $0xF;
	v17 =	vadd.f32 v26, v24;
	v26 =	vld [tilespmem:s14+$0xFFFFFBE0];
	v21 =	vmul.f32 v48, v52  }
0x21e: {  	v61 =	vld [tilespmem:s14+$0xFFFFFD20];
	v24 =	vmul.f32 v51, v53;
	v31 =	vadd.f32 v14, v22;
	v25 =	vadd.f32 v27, v25  }
0x21f: {  	v14 =	vld [tilespmem:s14+$0xFFFFFE60];
	v27 =	vmul.f32 v54, v55;
	v22 =	vadd.f32 v21, v23;
	v23 =	vmul.f32 v28, v34  }
0x220: {  	v62 =	vmul.f32 v59, v39;
	v17 =	vadd.f32 v24, v17;
	v24 =	vmul.f32 v58, v56;
	v21 =	vld [tilespmem:s15+$0xFFFFFEA0]  }
0x221: {  	v25 =	vadd.f32 v27, v25;
	v63 =	vmul.f32 v60, v37;
	v34 =	vadd.f32 v23, v22;
	v23 =	vld [tilespmem:s15+$0xFFFFFC30]  }
0x222: {  	[tilespmem:s12+$0x0] =	vst v29;
	v27 =	vadd.f32 v13, v30;
	v24 =	vadd.f32 v24, v17;
	v28 =	vmul.f32 v26, v38;
	v22 =	vld [tilespmem:s15+$0xFFFFFD70]  }
0x223: {  	s19 =	simm.s32 $0x4;
	s20 =	simm.s32 $0x1060;
	v29 =	vmul.f32 v61, v44;
	[tilespmem:s13+$0x0] =	vst v57;
	v17 =	vld [tilespmem:s15+$0xFFFFFEB0];
	v26 =	vadd.f32 v62, v25;
	s15 =	simm.s32 $0xBDB0;
	v25 =	vadd.f32 v63, v34  }
.LBB2_5:
0x224: {  	v13 =	vld [tilespmem:s20+$0x0];
	s19 =	sadd.s32 $0x4, s19;
	v24 =	vadd.f32 v28, v24;
	v12 =	vmul.f32 v14, v12  }
0x225: {  	s14 =	sadd.s32 $0x500, s14;
	v14 =	vld [tilespmem:s20+$0xFFFFFFE0];
	p1 =	slt.u32 s19, $0x78;
	v26 =	vadd.f32 v29, v26;
	v21 =	vmul.f32 v21, v1;
	v1 =	vmov v20  }
0x226: {  	v20 =	vld [tilespmem:s14+$0xFFFFFED0];
	[tilespmem:s13+$0xFFFFFF30] =	vst v24;
	v12 =	vadd.f32 v12, v25;
	v23 =	vmul.f32 v23, v0;
	v0 =	vmov v19  }
0x227: {  	v19 =	vld [tilespmem:s14+$0xFFFFFF10];
	[tilespmem:s13+$0xFFFFFF70] =	vst v26;
	v22 =	vmul.f32 v22, v2;
	v21 =	vadd.f32 v21, v16;
	v2 =	vmov v15  }
0x228: {  	v24 =	vld [tilespmem:s14+$0xFFFFFEE0];
	[tilespmem:s13+$0xFFFFFFB0] =	vst v12;
	v12 =	vadd.f32 v23, v31;
	v15 =	vmul.f32 v17, v3;
	v3 =	vmov v18  }
0x229: {  	v16 =	vld [tilespmem:s20+$0xFFFFFFF0];
	v17 =	vbroadcast v13, $0x0;
	v18 =	vadd.f32 v22, v27  }
0x22a: {  	v22 =	vbroadcast v14, $0x0;
	v23 =	vbroadcast v14, $0x1;
	v25 =	vld [tilespmem:s14+$0xFFFFFEF0];
	[tilespmem:s12+$0xFFFFFF40] =	vst v12;
	v12 =	vadd.f32 v15, v21  }
0x22b: {  	v15 =	vld [tilespmem:s20+$0xFFFFFFD0];
	v17 =	vmul.f32 v20, v17;
	v20 =	vbroadcast v13, $0x1;
	[tilespmem:s12+$0xFFFFFF80] =	vst v18  }
0x22c: {  	v21 =	vbroadcast v14, $0x2;
	v26 =	vbroadcast v14, $0x3;
	v18 =	vld [tilespmem:s14+$0xFFFFFF00];
	[tilespmem:s12+$0xFFFFFFC0] =	vst v12;
	s12 =	smov.u32 s13  }
0x22d: {  	v12 =	vld [tilespmem:s14+$0xFFFFFB10];
	v17 =	vadd.f32 v17, v19;
	v19 =	vmul.f32 v24, v20;
	v20 =	vbroadcast v13, $0x2  }
0x22e: {  	v24 =	vld [tilespmem:s14+$0xFFFFFC50];
	v27 =	vbroadcast v16, $0x0;
	v28 =	vbroadcast v16, $0x1  }
0x22f: {  	v29 =	vld [tilespmem:s14+$0xFFFFFD90];
	v17 =	vadd.f32 v19, v17;
	v19 =	vmul.f32 v25, v20;
	v20 =	vbroadcast v13, $0x3  }
0x230: {  	v25 =	vld [tilespmem:s14+$0xFFFFFB50];
	v30 =	vbroadcast v15, $0x0;
	v31 =	vbroadcast v15, $0x1  }
0x231: {  	v34 =	vbroadcast v15, $0x2;
	v32 =	vld [tilespmem:s14+$0xFFFFFB20];
	v17 =	vadd.f32 v19, v17;
	v18 =	vmul.f32 v18, v20  }
0x232: {  	v12 =	vmul.f32 v12, v30;
	v19 =	vld [tilespmem:s14+$0xFFFFFC90];
	v30 =	vbroadcast v16, $0x2  }
0x233: {  	v39 =	vbroadcast v15, $0x3;
	v22 =	vmul.f32 v24, v22;
	v24 =	vld [tilespmem:s14+$0xFFFFFC60];
	v17 =	vadd.f32 v18, v17  }
0x234: {  	s13 =	sadd.s32 $0x100, s13;
	v40 =	vbroadcast v16, $0x3;
	v33 =	vld [tilespmem:s14+$0xFFFFFDD0];
	v27 =	vmul.f32 v29, v27  }
0x235: {  	v38 =	vbroadcast v14, $0x4;
	v41 =	vbroadcast v15, $0x4;
	v12 =	vadd.f32 v12, v25;
	v25 =	vld [tilespmem:s14+$0xFFFFFDA0];
	[tilespmem:s13+$0xFFFFFFD0] =	vst v17  }
0x236: {  	v37 =	vbroadcast v16, $0x4;
	v17 =	vmul.f32 v32, v31;
	v29 =	vld [tilespmem:s14+$0xFFFFFF20]  }
0x237: {  	v20 =	vbroadcast v15, $0x5;
	v22 =	vadd.f32 v22, v19;
	v19 =	vbroadcast v14, $0x5;
	v32 =	vld [tilespmem:s14+$0xFFFFFF60]  }
0x238: {  	v18 =	vbroadcast v16, $0x5;
	v12 =	vadd.f32 v17, v12;
	v17 =	vmul.f32 v24, v23;
	v23 =	vld [tilespmem:s14+$0xFFFFFF30]  }
0x239: {  	v35 =	vbroadcast v15, $0x6;
	v31 =	vbroadcast v13, $0x4;
	v24 =	vld [tilespmem:s14+$0xFFFFFB30];
	v27 =	vadd.f32 v27, v33  }
0x23a: {  	v36 =	vbroadcast v14, $0x6;
	v17 =	vadd.f32 v17, v22;
	v22 =	vmul.f32 v25, v28;
	v25 =	vld [tilespmem:s14+$0xFFFFFF40]  }
0x23b: {  	v42 =	vbroadcast v13, $0x5;
	v28 =	vld [tilespmem:s14+$0xFFFFFC70];
	v29 =	vmul.f32 v29, v31  }
0x23c: {  	v33 =	vbroadcast v16, $0x6;
	v31 =	vbroadcast v15, $0x7;
	v22 =	vadd.f32 v22, v27;
	v43 =	vld [tilespmem:s14+$0xFFFFFF50]  }
0x23d: {  	v44 =	vld [tilespmem:s14+$0xFFFFFDB0];
	v27 =	vadd.f32 v29, v32;
	v23 =	vmul.f32 v23, v42;
	v29 =	vbroadcast v13, $0x6  }
0x23e: {  	v32 =	vbroadcast v14, $0x7;
	v24 =	vmul.f32 v24, v34;
	v42 =	vld [tilespmem:s14+$0xFFFFFB40]  }
0x23f: {  	v45 =	vld [tilespmem:s14+$0xFFFFFC80];
	v23 =	vadd.f32 v23, v27;
	v25 =	vmul.f32 v25, v29;
	v29 =	vbroadcast v13, $0x7  }
0x240: {  	v34 =	vbroadcast v16, $0x7;
	v12 =	vadd.f32 v24, v12;
	v21 =	vmul.f32 v28, v21;
	v46 =	vld [tilespmem:s14+$0xFFFFFDC0]  }
0x241: {  	v27 =	vbroadcast v15, $0x8;
	v23 =	vadd.f32 v25, v23;
	v25 =	vmul.f32 v43, v29;
	v43 =	vld [tilespmem:s15+$0xFFFFFC00]  }
0x242: {  	v24 =	vbroadcast v14, $0x8;
	v17 =	vadd.f32 v21, v17;
	v21 =	vmul.f32 v44, v30;
	v44 =	vld [tilespmem:s15+$0xFFFFFD40]  }
0x243: {  	v29 =	vbroadcast v16, $0x8;
	v28 =	vmul.f32 v42, v39;
	v23 =	vadd.f32 v25, v23;
	v39 =	vld [tilespmem:s15+$0xFFFFFE80]  }
0x244: {  	v30 =	vbroadcast v15, $0x9;
	v25 =	vmul.f32 v45, v26;
	v22 =	vadd.f32 v21, v22;
	v42 =	vld [tilespmem:s15+$0xFFFFFC40]  }
0x245: {  	v12 =	vadd.f32 v28, v12;
	v28 =	vbroadcast v14, $0x9;
	v40 =	vmul.f32 v46, v40;
	[tilespmem:s13+$0xFFFFFFE0] =	vst v23;
	v45 =	vld [tilespmem:s15+$0xFFFFFC10]  }
0x246: {  	v21 =	vbroadcast v15, $0xA;
	v26 =	vbroadcast v16, $0x9;
	v17 =	vadd.f32 v25, v17;
	v46 =	vld [tilespmem:s14+$0xFFFFFF70]  }
0x247: {  	v23 =	vbroadcast v16, $0xA;
	v25 =	vbroadcast v14, $0xA;
	[tilespmem:s13+$0xFFFFFF10] =	vst v12;
	v12 =	vadd.f32 v40, v22;
	v40 =	vld [tilespmem:s14+$0xFFFFFFB0]  }
0x248: {  	v22 =	vbroadcast v15, $0xB;
	[tilespmem:s13+$0xFFFFFF50] =	vst v17;
	v17 =	vbroadcast v14, $0xB;
	v47 =	vld [tilespmem:s14+$0xFFFFFF80]  }
0x249: {  	v49 =	vbroadcast v13, $0x8;
	v48 =	vld [tilespmem:s14+$0xFFFFFB60];
	[tilespmem:s13+$0xFFFFFF90] =	vst v12;
	v12 =	vbroadcast v16, $0xB  }
0x24a: {  	v51 =	vbroadcast v14, $0xC;
	v50 =	vbroadcast v15, $0xC;
	v52 =	vld [tilespmem:s14+$0xFFFFFF90]  }
0x24b: {  	v53 =	vld [tilespmem:s14+$0xFFFFFCA0];
	v46 =	vmul.f32 v46, v49;
	v49 =	vbroadcast v13, $0x9  }
0x24c: {  	v54 =	vbroadcast v16, $0xC;
	v43 =	vmul.f32 v43, v4;
	v4 =	vmov v50;
	v55 =	vld [tilespmem:s14+$0xFFFFFFA0]  }
0x24d: {  	v50 =	vld [tilespmem:s14+$0xFFFFFDE0];
	v40 =	vadd.f32 v46, v40;
	v46 =	vmul.f32 v47, v49;
	v47 =	vbroadcast v13, $0xA  }
0x24e: {  	v42 =	vadd.f32 v43, v42;
	v43 =	vmul.f32 v44, v5;
	v5 =	vmovc v51;
	v49 =	vld [tilespmem:s14+$0xFFFFFBA0];
	v41 =	vmul.f32 v48, v41  }
0x24f: {  	v44 =	vld [tilespmem:s14+$0xFFFFFB70];
	v40 =	vadd.f32 v46, v40;
	v46 =	vmul.f32 v52, v47;
	v47 =	vbroadcast v13, $0xB  }
0x250: {  	v39 =	vmul.f32 v39, v6;
	v6 =	vmov v54;
	v48 =	vld [tilespmem:s14+$0xFFFFFCE0];
	v38 =	vmul.f32 v53, v38  }
0x251: {  	v51 =	vbroadcast v15, $0xD;
	v52 =	vld [tilespmem:s14+$0xFFFFFCB0];
	v40 =	vadd.f32 v46, v40;
	v46 =	vmul.f32 v55, v47  }
0x252: {  	v47 =	vbroadcast v14, $0xD;
	v53 =	vld [tilespmem:s14+$0xFFFFFE20];
	v37 =	vmul.f32 v50, v37  }
0x253: {  	v50 =	vbroadcast v16, $0xD;
	v41 =	vadd.f32 v41, v49;
	v49 =	vld [tilespmem:s14+$0xFFFFFDF0];
	v40 =	vadd.f32 v46, v40  }
0x254: {  	v45 =	vmul.f32 v45, v7;
	v7 =	vmov v51;
	v20 =	vmul.f32 v44, v20;
	v44 =	vld [tilespmem:s14+$0xFFFFFB80]  }
0x255: {  	v51 =	vbroadcast v14, $0xE;
	v46 =	vbroadcast v15, $0xE;
	v38 =	vadd.f32 v38, v48;
	v48 =	vld [tilespmem:s14+$0xFFFFFCC0];
	[tilespmem:s13+$0xFFFFFFF0] =	vst v40  }
0x256: {  	v40 =	vadd.f32 v20, v41;
	v41 =	vmul.f32 v52, v19;
	v20 =	vbroadcast v16, $0xE;
	v52 =	vld [tilespmem:s14+$0xFFFFFFC0]  }
0x257: {  	v42 =	vadd.f32 v45, v42;
	v19 =	vbroadcast v15, $0xF;
	v37 =	vadd.f32 v37, v53;
	v53 =	vld [tilespmem:s14+$0x0]  }
0x258: {  	v15 =	vbroadcast v14, $0xF;
	v38 =	vadd.f32 v41, v38;
	v14 =	vmul.f32 v49, v18;
	v41 =	vld [tilespmem:s14+$0xFFFFFFD0]  }
0x259: {  	v45 =	vbroadcast v13, $0xC;
	v35 =	vmul.f32 v44, v35;
	v44 =	vld [tilespmem:s14+$0xFFFFFE00]  }
0x25a: {  	v18 =	vbroadcast v16, $0xF;
	v36 =	vmul.f32 v48, v36;
	v14 =	vadd.f32 v14, v37;
	v16 =	vld [tilespmem:s14+$0xFFFFFFE0]  }
0x25b: {  	v35 =	vadd.f32 v35, v40;
	v37 =	vld [tilespmem:s14+$0xFFFFFB90];
	v40 =	vmul.f32 v52, v45;
	v45 =	vbroadcast v13, $0xD  }
0x25c: {  	v36 =	vadd.f32 v36, v38;
	v38 =	vld [tilespmem:s14+$0xFFFFFFF0]  }
0x25d: {  	v48 =	vld [tilespmem:s14+$0xFFFFFCD0];
	v40 =	vadd.f32 v40, v53;
	v41 =	vmul.f32 v41, v45;
	v45 =	vbroadcast v13, $0xE  }
0x25e: {  	v33 =	vmul.f32 v44, v33;
	v44 =	vld [tilespmem:s14+$0xFFFFFE10]  }
0x25f: {  	v13 =	vbroadcast v13, $0xF;
	v40 =	vadd.f32 v41, v40;
	v16 =	vmul.f32 v16, v45;
	v41 =	vld [tilespmem:s15+$0xFFFFFD80]  }
0x260: {  	v31 =	vmul.f32 v37, v31;
	v14 =	vadd.f32 v33, v14;
	v33 =	vld [tilespmem:s15+$0xFFFFFD50]  }
0x261: {  	v16 =	vadd.f32 v16, v40;
	v13 =	vmul.f32 v38, v13;
	v37 =	vld [tilespmem:s15+$0xFFFFFEC0]  }
0x262: {  	v31 =	vadd.f32 v31, v35;
	v32 =	vmul.f32 v48, v32;
	v35 =	vld [tilespmem:s15+$0xFFFFFE90]  }
0x263: {  	v34 =	vmul.f32 v44, v34;
	v13 =	vadd.f32 v13, v16;
	v16 =	vld [tilespmem:s15+$0xFFFFFC20]  }
0x264: {  	[tilespmem:s13+$0xFFFFFF20] =	vst v31;
	v31 =	vadd.f32 v32, v36;
	v32 =	vadd.f32 v43, v41;
	v36 =	vld [tilespmem:s15+$0xFFFFFD60]  }
0x265: {  	v38 =	vld [tilespmem:s14+$0xFFFFFBB0];
	v14 =	vadd.f32 v34, v14;
	[tilespmem:s13+$0x0] =	vst v13;
	v13 =	vmul.f32 v33, v9;
	v9 =	vmov v47  }
0x266: {  	v33 =	vld [tilespmem:s14+$0xFFFFFBF0];
	[tilespmem:s13+$0xFFFFFF60] =	vst v31;
	v31 =	vadd.f32 v39, v37  }
0x267: {  	v34 =	vld [tilespmem:s14+$0xFFFFFCF0];
	[tilespmem:s13+$0xFFFFFFA0] =	vst v14;
	v13 =	vadd.f32 v13, v32;
	v14 =	vmul.f32 v35, v8;
	v8 =	vmov v50  }
0x268: {  	v32 =	vld [tilespmem:s14+$0xFFFFFE30];
	v35 =	vmul.f32 v16, v10;
	v10 =	vmov v46  }
0x269: {  	v37 =	vld [tilespmem:s14+$0xFFFFFBC0];
	v36 =	vmul.f32 v36, v11;
	v16 =	vadd.f32 v14, v31;
	v11 =	vmov v51  }
0x26a: {  	v14 =	vmul.f32 v38, v27;
	v38 =	vld [tilespmem:s14+$0xFFFFFD30];
	v31 =	vadd.f32 v35, v42  }
0x26b: {  	v35 =	vld [tilespmem:s14+$0xFFFFFD00];
	v27 =	vadd.f32 v36, v13  }
0x26c: {  	v13 =	vadd.f32 v14, v33;
	v14 =	vmul.f32 v34, v24;
	v24 =	vld [tilespmem:s14+$0xFFFFFE70]  }
0x26d: {  	v29 =	vmul.f32 v32, v29;
	v32 =	vld [tilespmem:s14+$0xFFFFFE40]  }
0x26e: {  	v30 =	vmul.f32 v37, v30;
	v33 =	vld [tilespmem:s14+$0xFFFFFBD0]  }
0x26f: {  	v14 =	vadd.f32 v14, v38;
	v34 =	vld [tilespmem:s14+$0xFFFFFD10]  }
0x270: {  	v13 =	vadd.f32 v30, v13;
	v28 =	vmul.f32 v35, v28;
	v30 =	vld [tilespmem:s14+$0xFFFFFE50]  }
0x271: {  	v35 =	vld [tilespmem:s14+$0xFFFFFBE0];
	v24 =	vadd.f32 v29, v24  }
0x272: {  	v29 =	vadd.f32 v28, v14;
	v36 =	vld [tilespmem:s14+$0xFFFFFD20];
	v26 =	vmul.f32 v32, v26  }
.Ltmp3:
0x273: {  	v28 =	vmul.f32 v33, v21;
	v14 =	vld [tilespmem:s14+$0xFFFFFE60];
	(pc) =	sbr.rel @p1 .LBB2_5-.Ltmp3, $4  }
0x274: {  	v25 =	vmul.f32 v34, v25;
	v32 =	vadd.f32 v26, v24;
	v21 =	vld [tilespmem:s15+$0xFFFFFEA0]  }
0x275: {  	v24 =	vadd.f32 v28, v13;
	v13 =	vmul.f32 v30, v23;
	v23 =	vld [tilespmem:s15+$0xFFFFFC30]  }
0x276: {  	v28 =	vmul.f32 v35, v22;
	v26 =	vadd.f32 v25, v29;
	v22 =	vld [tilespmem:s15+$0xFFFFFD70]  }
0x277: {  	s20 =	sadd.s32 $0x40, s20;
	v29 =	vmul.f32 v36, v17;
	v25 =	vadd.f32 v13, v32;
	v17 =	vld [tilespmem:s15+$0xFFFFFEB0];
	s15 =	smov.u32 s14  }
0x278: {  	v13 =	vadd.f32 v28, v24;
	_ =	sdelay $0x1  }
0x279: {  	[tilespmem:s13+$0xFFFFFF30] =	vst v13  }
0x27a: {  	v13 =	vld [tilespmem:s15+$0xFFFFFC00]  }
0x27b: {  	v49 =	vld [tilespmem:s15+$0xFFFFFC40]  }
0x27c: {  	v46 =	vadd.f32 v29, v26;
	v50 =	vld [tilespmem:s15+$0xFFFFFC10]  }
0x27d: {  	v12 =	vmul.f32 v14, v12;
	v54 =	vld [tilespmem:s15+$0xFFFFFC20]  }
0x27e: {  	[tilespmem:s13+$0xFFFFFF70] =	vst v46;
	v57 =	vld [tilespmem:s15+$0xFFFFFC30]  }
0x27f: {  	v12 =	vadd.f32 v12, v25;
	v47 =	vld [tilespmem:s15+$0xFFFFFD40]  }
0x280: {  	v51 =	vld [tilespmem:s15+$0xFFFFFD80]  }
0x281: {  	[tilespmem:s13+$0xFFFFFFB0] =	vst v12;
	v52 =	vld [tilespmem:s15+$0xFFFFFD50]  }
0x282: {  	v48 =	vld [tilespmem:s15+$0xFFFFFE80]  }
0x283: {  	v1 =	vmul.f32 v21, v1;
	v0 =	vmul.f32 v23, v0;
	v53 =	vld [tilespmem:s15+$0xFFFFFEC0]  }
0x284: {  	v2 =	vmul.f32 v22, v2;
	v30 =	vld [tilespmem:s15+$0xFFFFFE90]  }
0x285: {  	v1 =	vadd.f32 v1, v16;
	v55 =	vld [tilespmem:s15+$0xFFFFFD60];
	v0 =	vadd.f32 v0, v31;
	v4 =	vmul.f32 v13, v4  }
0x286: {  	v3 =	vmul.f32 v17, v3;
	v56 =	vld [tilespmem:s15+$0xFFFFFEA0];
	v2 =	vadd.f32 v2, v27;
	v5 =	vmul.f32 v47, v5  }
0x287: {  	v58 =	vld [tilespmem:s15+$0xFFFFFD70];
	v7 =	vmul.f32 v50, v7;
	v6 =	vmul.f32 v48, v6;
	v4 =	vadd.f32 v4, v49  }
0x288: {  	v59 =	vld [tilespmem:s15+$0xFFFFFEB0];
	v60 =	vmul.f32 v54, v10;
	v9 =	vmul.f32 v52, v9;
	v5 =	vadd.f32 v5, v51  }
0x289: {  	v8 =	vmul.f32 v30, v8;
	v6 =	vadd.f32 v6, v53;
	v4 =	vadd.f32 v7, v4  }
0x28a: {  	v63 =	vmul.f32 v57, v19;
	v61 =	vmul.f32 v55, v11;
	v5 =	vadd.f32 v9, v5  }
0x28b: {  	v62 =	vmul.f32 v56, v20;
	v6 =	vadd.f32 v8, v6;
	v4 =	vadd.f32 v60, v4  }
0x28c: {  	[tilespmem:s12+$0xFFFFFF40] =	vst v0;
	v12 =	vadd.f32 v3, v1;
	v14 =	vmul.f32 v58, v15;
	v13 =	vadd.f32 v61, v5  }
0x28d: {  	[tilespmem:s12+$0xFFFFFF80] =	vst v2;
	v16 =	vmul.f32 v59, v18;
	v15 =	vadd.f32 v62, v6;
	v4 =	vadd.f32 v63, v4  }
0x28e: {  	[tilespmem:s12+$0xFFFFFFC0] =	vst v12;
	v17 =	vadd.f32 v14, v13  }
0x28f: {  	[tilespmem:s13+$0xFFFFFF40] =	vst v4;
	v18 =	vadd.f32 v16, v15  }
0x290: {  	[tilespmem:s13+$0xFFFFFF80] =	vst v17  }
0x291: {  	[tilespmem:s13+$0xFFFFFFC0] =	vst v18  }
0x292: {  	v0 =	vld [tilespmem:$0x1770]  }
0x293: {  	v1 =	vld [tilespmem:$0x14F00]  }
0x294: {  	v19 =	vld [tilespmem:$0x14EC0]  }
0x295: {  	v20 =	vld [tilespmem:$0x14ED0]  }
0x296: {  	v4 =	vld [tilespmem:$0x14EE0]  }
0x297: {  	v21 =	vld [tilespmem:$0x14EF0]  }
0x298: {  	v22 =	vld [tilespmem:$0x14F50]  }
0x299: {  	v23 =	vld [tilespmem:$0x14F10];
	v24 =	vbroadcast v0, $0x0  }
0x29a: {  	v25 =	vld [tilespmem:$0x14F20];
	v26 =	vbroadcast v0, $0x1;
	v28 =	vbroadcast v0, $0x2  }
0x29b: {  	v27 =	vld [tilespmem:$0x14F30];
	v30 =	vbroadcast v0, $0x4;
	v32 =	vbroadcast v0, $0x3  }
0x29c: {  	v29 =	vld [tilespmem:$0x14F40];
	v34 =	vbroadcast v0, $0x5;
	v37 =	vbroadcast v0, $0x6  }
0x29d: {  	v31 =	vld [tilespmem:$0x14FA0];
	v40 =	vbroadcast v0, $0x7;
	v43 =	vbroadcast v0, $0x8  }
0x29e: {  	v33 =	vld [tilespmem:$0x14F60];
	v47 =	vbroadcast v0, $0xC;
	v49 =	vbroadcast v0, $0x9  }
0x29f: {  	v38 =	vld [tilespmem:$0x14FB0];
	v52 =	vbroadcast v0, $0xD;
	v53 =	vbroadcast v0, $0xA  }
0x2a0: {  	v41 =	vld [tilespmem:$0x14FF0];
	v56 =	vbroadcast v0, $0xE;
	v58 =	vbroadcast v0, $0xB  }
0x2a1: {  	v44 =	vld [tilespmem:$0x14FC0];
	v0 =	vbroadcast v0, $0xF;
	v2 =	vmul.f32 v19, v24  }
0x2a2: {  	v35 =	vld [tilespmem:$0x14F70];
	v3 =	vmul.f32 v20, v26;
	v7 =	vmul.f32 v23, v30  }
0x2a3: {  	v50 =	vld [tilespmem:$0x14FD0];
	v4 =	vmul.f32 v4, v28;
	v36 =	vmul.f32 v21, v32;
	v1 =	vadd.f32 v2, v1  }
0x2a4: {  	v46 =	vld [tilespmem:$0x14F80];
	v39 =	vmul.f32 v25, v34;
	v8 =	vmul.f32 v38, v47;
	v6 =	vadd.f32 v7, v22  }
0x2a5: {  	v54 =	vld [tilespmem:$0x14FE0];
	v42 =	vmul.f32 v27, v37;
	v48 =	vmul.f32 v33, v43;
	v1 =	vadd.f32 v3, v1  }
0x2a6: {  	v51 =	vld [tilespmem:$0x14F90];
	v55 =	vmul.f32 v44, v52;
	v8 =	vadd.f32 v8, v41;
	v6 =	vadd.f32 v39, v6  }
0x2a7: {  	v5 =	vmul.f32 v35, v49;
	v1 =	vadd.f32 v4, v1;
	v4 =	vadd.f32 v48, v31  }
0x2a8: {  	v45 =	vmul.f32 v29, v40;
	v59 =	vmul.f32 v50, v56;
	v8 =	vadd.f32 v55, v8  }
0x2a9: {  	v57 =	vmul.f32 v46, v53;
	v3 =	vadd.f32 v42, v6;
	v4 =	vadd.f32 v5, v4  }
0x2aa: {  	v0 =	vmul.f32 v54, v0;
	v62 =	vadd.f32 v59, v8;
	v1 =	vadd.f32 v36, v1  }
0x2ab: {  	v61 =	vmul.f32 v51, v58;
	v3 =	vadd.f32 v45, v3;
	v60 =	vadd.f32 v57, v4  }
0x2ac: {  	v0 =	vadd.f32 v0, v62;
	[tilespmem:$0x18E40] =	vst v1  }
0x2ad: {  	[tilespmem:$0x18E50] =	vst v3;
	v63 =	vadd.f32 v61, v60  }
0x2ae: {  	[tilespmem:$0x18E70] =	vst v0  }
.Ltmp4:
0x2af: {  	[tilespmem:$0x18E60] =	vst v63;
	(pc) =	sbr.rel @p0 .LBB2_8-.Ltmp4, $4  }
0x2b0: {  	[spmem:s1] =	stream.indirect.scatter.add.f32 [tilespmem:s30], [sflag:$0x5], $0x10, s24, s29, $0xb8;
	[tilespmem:$0x1B600] =	vst v63  }
0x2b1: {  	_ =	swait.ge [sflag:s26], $0x1F40  }
0x2b2: {  	[sflag:s26] =	ssyncset.done $0x0  }
0x2b3: {  	[sflag:s26] =	ssyncadd.s32 $0xFFFFE0C0  }
0x2b4: {  	s11 =	sadd.s32 s11, s18  }
0x2b5: {  	s12 =	smul.u32 $0x3F, s11;
	_ =	sdelay $0x1  }
0x2b6: {  	s13 =	sadd.s32 s5, s12  }
0x2b7: {  	[tilespmem:s23], [sflag:$0x2] =	stream.linear.gather [hbm4b:s13+s3], $0x1F8, $0x38;
	[tilespmem:$0x1B600] =	vst v63  }
.Ltmp5:
0x2b8: {  	_ = 	snop;
	(pc) =	sbr.rel .LBB2_2-.Ltmp5, $4  }
0x2b9: {  	s11 =	smul.u32 $0xFA, s11;
	s12 =	sadd.s32 s6, s12  }
0x2ba: {  	[tilespmem:s24], [sflag:$0x2] =	stream.linear.gather [hbm4b:s12+s3], $0x1F8, $0x38;
	[tilespmem:$0x1B600] =	vst v63  }
0x2bb: {  	s10 =	sadd.s32 $0x1, s10;
	s11 =	sadd.s32 s7, s11  }
0x2bc: {  	[tilespmem:s25], [sflag:$0x2] =	stream.linear.gather [hbm4b:s11+s3], $0x7D0, $0x38;
	[tilespmem:$0x1B600] =	vst v63  }
.LBB2_9:
0x2bd: {  	_ =	sfence.sel $0x180000  }
0x2be: {  	[bflag:$0x0] =	sbarrier.arrive $0xFFFF  }
0x2bf: {  	_ =	strace $0x9000004A  }
0x2c0: {  	s0 =	stileid.u32;
	[bflag:$0x2] =	sbarrier.arrive $0xFFFF  }
0x2c1: {  	p0 =	sne.s32 s0, $0x0;
	s0 =	rddreg [dreg:$0x2]  }
0x2c2: {  	s0 =	sadd.s32 @!p0 $0x100000, s0  }
0x2c3: {  	[sflag:s0] =	ssyncadd.tile.s32 @!p0 $0x1;
	_ =	shalt  }
.Lfunc_end2:
_tile_overlayer_lowered:
.L_overlay_start_2:
0x2c4: {  	(tag) =	ssettag $0x2  }
0x2c5: {  	s0 =	rddreg [dreg:$0x0];
	s2 =	stileid.u32  }
0x2c6: {  	s1 =	rddreg [dreg:$0x1];
	p0 =	sne.s32 s2, $0x0  }
0x2c7: {  	s3 =	rddreg [dreg:$0x2];
	[bflag:$0x3] =	sbarrier.arrive $0xFFFF;
	s2 =	simm.s32 @!p0 $0x1C05  }
0x2c8: {  	[timem:s3], [sflag:s2] =	dma.local @!p0 [hbm:s0], s1  }
0x2c9: {  	s0 =	simm.s32 @!p0 $0x5  }
0x2ca: {  	_ =	swait.ge @!p0 [sflag:s0], s1  }
0x2cb: {  	s1 =	ssub.s32 @!p0 $0x0, s1;
	[sflag:s0] =	ssyncset.done @!p0 $0x0  }
0x2cc: {  	[sflag:s0] =	ssyncadd.s32 @!p0 s1  }
0x2cd: {  	[bflag:$0x3] =	sbarrier.arrive $0xFFFF  }
0x2ce: {  	_ =	shalt  }

// kernel: kernel.7.cloned.1.call-start
scs
__scs_entry_jumppad:
0x0: {  	(pc) =	sbr.rel $0x88, $3  }
0x1: {  	(tag) =	ssettag $0x0;
	lr =	simm.s32 $0x1  }
0x2: {  	[smem:$0x3F94] =	sst lr;
	_ =	strace $0xD0000000  }
0x3: {  	_ = 	snop  }
0x4: {  	_ = 	snop  }
0x5: {  	_ = 	snop  }
0x6: {  	_ = 	snop  }
0x7: {  	_ = 	snop  }
__scs_overlays_trampoline_lowered:
0x8: {  	[smem:$0x3FA3] =	sst s0  }
0x9: {  	[smem:$0x3FA4] =	sst s1  }
0xa: {  	[smem:$0x3FA5] =	sst s2  }
0xb: {  	[smem:$0x3FA6] =	sst s3  }
0xc: {  	[smem:$0x3FA7] =	sst s4  }
0xd: {  	[smem:$0x3FA8] =	sst s5  }
0xe: {  	[smem:$0x3FA9] =	sst s6  }
0xf: {  	[smem:$0x3FAA] =	sst s7  }
0x10: {  	[smem:$0x3FAB] =	sst s8  }
0x11: {  	[smem:$0x3FAC] =	sst s9;
	s0 =	simm.s32 @!p0 $0x0  }
0x12: {  	s1 =	sld [smem:$0x3F92];
	s0 =	simm.s32 @p0 $0x1  }
0x13: {  	[smem:$0x3FAD] =	sst s0;
	s0 =	simm.s32 @!p1 $0x0  }
0x14: {  	s2 =	sld [smem:$0x3F91];
	s0 =	simm.s32 @p1 $0x1  }
0x15: {  	[smem:$0x3FAE] =	sst s0;
	s0 =	simm.s32 @!p2 $0x0  }
0x16: {  	s3 =	sld [smem:$0x3FDB];
	s0 =	simm.s32 @p2 $0x1  }
0x17: {  	s4 =	simm.s32 $0x1BF5;
	[smem:$0x3FB0] =	sst s0  }
0x18: {  	s0 =	sld [smem:$0x3F93];
	_ =	swait.ge [sflag:s4], $0x0  }
0x19: {  	s7 =	sld [smem:$0x3F94]  }
0x1a: {  	s8 =	sadd.s32 $0xFFFFE003, lr  }
0x1b: {  	s9 =	sadd.s32 $0xFFFFFEF7, lr;
	s5 =	simm.s32 $0xFFFFFFFF;
	p2 =	slt.u32 s8, $0xFFFFF086  }
0x1c: {  	p1 =	slt.u32 s9, $0xF7A;
	s5 =	simm.s32 @!p2 $0x0  }
0x1d: {  	s5 =	simm.s32 @p1 $0x1;
	p0 =	seq.s32 s7, s2  }
0x1e: {  	s7 =	smul.u32 @!p0 $0xF7A, s2;
	p2 =	seq.s32 @!p0 s5, $0x0  }
0x1f: {  	s9 =	smul.u32 $0xF7A, s1;
	s8 =	simm.s32 @!p0 $0x1BF5;
	p2 =	por !p2, p0  }
0x20: {  	[sflag:s8] =	ssyncset.s32 @!p0 $0xFFFFF086;
	s6 =	sadd.s32 @!p0 s3, s7;
	s7 =	simm.s32 @!p0 $0x108  }
0x21: {  	s3 =	sadd.s32 s3, s9;
	s6 =	sadd.s32 @!p0 $0x88, s6;
	s7 =	simm.s32 @p2 $0x1082  }
0x22: {  	[simem:s7], [sflag:s8] =	dma.local @!p0 [hbm:s6], $0xF7A  }
0x23: {  	s9 =	sor.u32 $0xD0000000, s2;
	s6 =	simm.s32 $0x108;
	_ =	swait.ge @!p0 [sflag:s8], $0x0  }
0x24: {  	s3 =	sadd.s32 $0x88, s3;
	s6 =	simm.s32 @!p1 $0x1082;
	[sflag:s4] =	ssyncset.s32 $0xFFFFF086  }
0x25: {  	[simem:s6], [sflag:s4] =	dma.local [hbm:s3], $0xF7A  }
0x26: {  	[smem:$0x3F94] =	sst s1;
	(tag) =	ssettag s2;
	_ =	strace s9  }
0x27: {  	s1 =	sld [smem:$0x3FA4]  }
0x28: {  	s2 =	sld [smem:$0x3FA5]  }
0x29: {  	s4 =	sld [smem:$0x3FA7]  }
0x2a: {  	p0 =	seq.s32 s5, $0x0;
	s5 =	sld [smem:$0x3FA8]  }
0x2b: {  	s6 =	sld [smem:$0x3FA9]  }
0x2c: {  	s7 =	sld [smem:$0x3FAA]  }
0x2d: {  	s3 =	simm.s32 $0x108;
	s8 =	sld [smem:$0x3FAB]  }
0x2e: {  	s3 =	simm.s32 @!p0 $0x1082;
	s9 =	sld [smem:$0x3FAC]  }
0x2f: {  	lr =	sadd.s32 s0, s3;
	s0 =	sld [smem:$0x3FA3]  }
0x30: {  	s3 =	sld [smem:$0x3FA6]  }
0x31: {  	[smem:$0x3FAF] =	sst s10  }
0x32: {  	s10 =	sld [smem:$0x3FAD];
	_ =	sdelay $0x3  }
0x33: {  	p0 =	seq.s32 s10, $0x1;
	s10 =	sld [smem:$0x3FAF];
	_ =	sdelay $0x3  }
0x34: {  	[smem:$0x3FAF] =	sst s10  }
0x35: {  	s10 =	sld [smem:$0x3FAE];
	_ =	sdelay $0x3  }
0x36: {  	p1 =	seq.s32 s10, $0x1;
	s10 =	sld [smem:$0x3FAF];
	_ =	sdelay $0x3  }
0x37: {  	[smem:$0x3FAF] =	sst s10  }
0x38: {  	s10 =	sld [smem:$0x3FB0]  }
0x39: {  	_ = 	snop;
	(pc) =	sbr.ind lr, $3  }
0x3a: {  	_ = 	snop  }
0x3b: {  	_ = 	snop  }
0x3c: {  	p2 =	seq.s32 s10, $0x1;
	s10 =	sld [smem:$0x3FAF]  }
0x3d: {  	_ =	shalt  }
0x3e: {  	_ =	shalt  }
0x3f: {  	_ =	shalt  }
0x40: {  	_ =	shalt  }
0x41: {  	_ =	shalt  }
0x42: {  	_ =	shalt  }
0x43: {  	_ =	shalt  }
0x44: {  	_ =	shalt  }
0x45: {  	_ =	shalt  }
0x46: {  	_ =	shalt  }
0x47: {  	_ =	shalt  }
0x48: {  	_ =	shalt  }
0x49: {  	_ =	shalt  }
0x4a: {  	_ =	shalt  }
0x4b: {  	_ =	shalt  }
0x4c: {  	_ =	shalt  }
0x4d: {  	_ =	shalt  }
0x4e: {  	_ =	shalt  }
0x4f: {  	_ =	shalt  }
0x50: {  	_ =	shalt  }
0x51: {  	_ =	shalt  }
0x52: {  	_ =	shalt  }
0x53: {  	_ =	shalt  }
0x54: {  	_ =	shalt  }
0x55: {  	_ =	shalt  }
0x56: {  	_ =	shalt  }
0x57: {  	_ =	shalt  }
0x58: {  	_ =	shalt  }
0x59: {  	_ =	shalt  }
0x5a: {  	_ =	shalt  }
0x5b: {  	_ =	shalt  }
0x5c: {  	_ =	shalt  }
0x5d: {  	_ =	shalt  }
0x5e: {  	_ =	shalt  }
0x5f: {  	_ =	shalt  }
0x60: {  	_ =	shalt  }
0x61: {  	_ =	shalt  }
0x62: {  	_ =	shalt  }
0x63: {  	_ =	shalt  }
0x64: {  	_ =	shalt  }
0x65: {  	_ =	shalt  }
0x66: {  	_ =	shalt  }
0x67: {  	_ =	shalt  }
0x68: {  	_ =	shalt  }
0x69: {  	_ =	shalt  }
0x6a: {  	_ =	shalt  }
0x6b: {  	_ =	shalt  }
0x6c: {  	_ =	shalt  }
0x6d: {  	_ =	shalt  }
0x6e: {  	_ =	shalt  }
0x6f: {  	_ =	shalt  }
0x70: {  	_ =	shalt  }
0x71: {  	_ =	shalt  }
0x72: {  	_ =	shalt  }
0x73: {  	_ =	shalt  }
0x74: {  	_ =	shalt  }
0x75: {  	_ =	shalt  }
0x76: {  	_ =	shalt  }
0x77: {  	_ =	shalt  }
0x78: {  	_ =	shalt  }
0x79: {  	_ =	shalt  }
0x7a: {  	_ =	shalt  }
0x7b: {  	_ =	shalt  }
0x7c: {  	_ =	shalt  }
0x7d: {  	_ =	shalt  }
0x7e: {  	_ =	shalt  }
0x7f: {  	_ =	shalt  }
0x80: {  	_ =	shalt  }
0x81: {  	_ =	shalt  }
0x82: {  	_ =	shalt  }
0x83: {  	_ =	shalt  }
0x84: {  	_ =	shalt  }
0x85: {  	_ =	shalt  }
0x86: {  	_ =	shalt  }
0x87: {  	_ =	shalt  }
.Lfunc_end0:
.L_simem_size_0:
called_computation_lowered:
.L_overlay_start_0:
0x88: {  	s2 =	sld [smem:$0x3FD9]  }
0x89: {  	s3 =	sld [smem:$0x3FFE];
	_ =	sdelay $0x1  }
0x8a: {  	s1 =	srdreg.scid  }
0x8b: {  	s0 =	sand.u32 $0x1, s1  }
0x8c: {  	s16 =	sshll.u32 s0, $0xA;
	s2 =	sadd.s32 s3, s2  }
0x8d: {  	s2 =	sadd.s32 s2, s16  }
0x8e: {  	[smem:$0x3FBB] =	sst s2  }
0x8f: {  	_ = 	snop  }
0x90: {  	(tm) =	ssettm $0x1  }
0x91: {  	s17 =	sld [smem:$0x3FFB];
	_ =	sdelay $0x3  }
0x92: {  	_ =	strace s17  }
0x93: {  	s2 =	sld [smem:$0x3FFC];
	_ =	sdelay $0x3  }
0x94: {  	_ =	strace s2  }
0x95: {  	s2 =	sld [smem:$0x3FFD];
	_ =	sdelay $0x3  }
0x96: {  	_ =	strace s2  }
0x97: {  	_ =	strace $0x8FFFFFFF  }
0x98: {  	s18 =	sld [smem:$0x3FDB];
	_ =	sdelay $0x1  }
0x99: {  	s19 =	simm.s32 $_scs_section_size  }
0x9a: {  	s4 =	simm.s32 $_size__tile_overlayer_lowered;
	s5 =	simm.s32 $_tile_overlayer_lowered  }
0x9b: {  	s22 =	simm.s32 $0x1BFF;
	s21 =	sshll.u32 s5, $0x1;
	s2 =	sadd.s32 s19, s18  }
0x9c: {  	s6 =	simm.s32 $0x0;
	s20 =	sshll.u32 s4, $0x1;
	s4 =	sadd.s32 s21, s2  }
0x9d: {  	[timem:s6], [sflag:s22] =	dma.local [hbm:s4], s20  }
0x9e: {  	_ =	swait.ge [sflag:s22], s20  }
0x9f: {  	s3 =	ssub.s32 $0x0, s20;
	[sflag:s22] =	ssyncset.done $0x0  }
0xa0: {  	[sflag:s22] =	ssyncadd.s32 s3;
	_ =	sdelay $0x1  }
0xa1: {  	s23 =	simm.s32 $0x1B8B  }
0xa2: {  	_ =	swait.ge [sflag:s23], $0x1  }
0xa3: {  	[sflag:s23] =	ssyncset.done $0x0  }
0xa4: {  	s25 =	simm.s32 $0x1B8E;
	s24 =	sld [smem:$0x3FFE];
	[sflag:s23] =	ssyncadd.s32 $0xFFFFFFFF  }
0xa5: {  	s26 =	simm.s32 $execute0_lowered;
	[smem:$0x3FD2] =	sst s25  }
0xa6: {  	s4 =	sshll.u32 s26, $0x1;
	_ =	strace $0x80000046;
	[dreg:$0x1] =	wrdreg $0xFFFFFFFF  }
0xa7: {  	s28 =	simm.s32 $_size_execute0_lowered;
	s2 =	sadd.s32 s2, s4;
	[dreg:$0x0] =	wrdreg $0x0  }
0xa8: {  	s4 =	sshll.u32 s28, $0x1;
	[dreg:$0x2] =	wrdreg s2  }
0xa9: {  	[dreg:$0x3] =	wrdreg s4  }
0xaa: {  	[dreg:$0x4] =	wrdreg $0xC0  }
0xab: {  	_ =	task [dreg:s6], $0x5FFFF  }
0xac: {  	[dreg:$0x1] =	wrdreg $0xFFFFFFFF  }
0xad: {  	[dreg:$0x0] =	wrdreg $0x60  }
0xae: {  	[dreg:$0x2] =	wrdreg s24  }
0xaf: {  	[dreg:$0x3] =	wrdreg $0x18E800  }
0xb0: {  	[dreg:$0x4] =	wrdreg $0x9  }
0xb1: {  	_ =	task.clear_ibuf [dreg:s6], $0x5FFFF;
	_ =	strace $0x90000046  }
0xb2: {  	s29 =	simm.s32 $0x9;
	_ =	strace $0x80000048  }
0xb3: {  	_ =	swait.ge [sflag:s29], $0x1  }
0xb4: {  	[sflag:s29] =	ssyncadd.s32 $0xFFFFFFFF  }
0xb5: {  	_ =	strace $0x90000048  }
0xb6: {  	_ =	sfence  }
0xb7: {  	s30 =	sld [smem:$0x0];
	_ =	sdelay $0x2  }
0xb8: {  	s31 =	sshll.u32 s1, $0xD;
	s1 =	sshrl.u32 s1, $0x2  }
0xb9: {  	s3 =	sand.u32 $0x4000, s31;
	s1 =	sadd.s32 s1, s30  }
0xba: {  	s0 =	sor.u32 s3, s0;
	s1 =	sshll.u32 s1, $0x11  }
0xbb: {  	s0 =	sor.u32 s1, s0  }
0xbc: {  	s0 =	sadd.s32 $0x8F2B, s0  }
0xbd: {  	[sflag:s0] =	ssyncadd.remote.s32 $0x1  }
0xbe: {  	_ =	sfence.sel $0xFFFF  }
0xbf: {  	[dreg:$0x0] =	wrdreg $0xFFFFFFFF;
	(pc) =	sbr.abs _section_cstart, $3  }
0xc0: {  	[dreg:$0x1] =	wrdreg $0xFFFFFFFF  }
0xc1: {  	_ =	task.clear_ibuf [dreg:s6], $0x2FFFF;
	_ =	strace $0x9FFFFFFF  }
0xc2: {  	(tm) =	ssettm $0x7FFFFFFF  }
0xc3: {  	_ =	shalt  }
tec
execute0_lowered:
.L_overlay_start_1:
0x0: {  	(tag) =	ssettag $0x1  }
0x1: {  	s0 =	rddreg [dreg:$0x0]  }
0x2: {  	s2 =	rddreg [dreg:$0x1];
	s3 =	simm.s32 $0x0  }
0x3: {  	s1 =	srdreg.scid;
	s15 =	stileid.u32;
	s28 =	simm.s32 $0x5  }
0x4: {  	s29 =	simm.s32 $0x1;
	s30 =	simm.s32 $0x1F4;
	s31 =	simm.s32 $0x1B600  }
0x5: {  	[smem:$0x7FF] =	sst s3;
	s1 =	sand.u32 $0x1, s1;
	s8 =	smul.u32 $0x2780, s15  }
0x6: {  	s4 =	sadd.s32 $0xB800, s0;
	s5 =	sadd.s32 $0x6800, s0;
	s6 =	sadd.s32 $0x1800, s0  }
0x7: {  	s7 =	sadd.s32 $0x27C800, s0;
	s11 =	smul.u32 $0x2710, s15;
	s12 =	sadd.s32 $0x24000, s0  }
0x8: {  	s24 =	sshll.u32 s15, $0x6;
	s9 =	smul.u32 $0x27800, s1;
	s14 =	sshll.u32 s1, $0x4  }
0x9: {  	_ =	strace $0x80000047;
	s10 =	smul.u32 $0x27100, s1;
	s16 =	sor.u32 s15, s14  }
0xa: {  	[dreg:$0x3] =	wrdreg s12;
	s1 =	ssub.s32 $0x2, s1;
	s12 =	smul.u32 $0xA, s16  }
0xb: {  	s13 =	sshrl.u32 s1, $0x1;
	s9 =	sadd.s32 s8, s9;
	s17 =	smul.u32 $0x276, s16  }
0xc: {  	s10 =	sadd.s32 s11, s10;
	s11 =	smul.u32 $0x9C4, s16;
	s1 =	ssub.s32 s1, s13  }
0xd: {  	s8 =	sadd.s32 s8, s2;
	s13 =	sor.u32 $0x1C05, s24;
	s24 =	simm.s32 $0x1F8  }
0xe: {  	s9 =	sshrl.u32 s9, $0x3;
	s10 =	sshrl.u32 s10, $0x3;
	[dreg:$0xa] =	wrdreg s8  }
0xf: {  	s26 =	smax.u32 s1, $0x1;
	s1 =	simm.s32 $0x2;
	s8 =	simm.s32 $0x15000  }
0x10: {  	[dreg:$0xb] =	wrdreg s13;
	s9 =	sadd.s32 s9, s0;
	s0 =	sadd.s32 s10, s0  }
0x11: {  	s14 =	sor.u32 $0x1, s12;
	s18 =	sadd.s32 s5, s17;
	[dreg:$0xe] =	wrdreg s26  }
0x12: {  	s10 =	sadd.s32 s6, s17;
	s20 =	sadd.s32 s7, s11;
	[dreg:$0x4] =	wrdreg s18  }
0x13: {  	s17 =	sadd.s32 $0x2, s12;
	s26 =	simm.s32 $0xFB0;
	[dreg:$0x5] =	wrdreg s10  }
0x14: {  	s19 =	smul.u32 $0x3F, s14;
	[dreg:$0x6] =	wrdreg s20;
	s25 =	sadd.s32 $0x2E400, s9  }
0x15: {  	s21 =	smul.u32 $0xFA, s14;
	s0 =	sadd.s32 $0x24600, s0;
	[dreg:$0xc] =	wrdreg s25  }
.Ltmp0:
0x16: {  	[dreg:$0xd] =	wrdreg s0;
	s22 =	sadd.s32 s5, s19;
	(pc) =	sbr.rel .LBB2_1-.Ltmp0, $4  }
0x17: {  	s18 =	sadd.s32 $0x3, s12;
	s23 =	sadd.s32 s6, s19;
	[dreg:$0x7] =	wrdreg s22  }
0x18: {  	s9 =	simm.s32 $0x16F40;
	s10 =	sadd.s32 s7, s21;
	[dreg:$0x8] =	wrdreg s23  }
0x19: {  	s25 =	simm.s32 $0x5E8;
	s0 =	simm.s32 $0x3;
	[dreg:$0x9] =	wrdreg s10  }
0x1a: {  	v0 =	vimm.f32 $0.0e+00;
	v1 =	vimm.f32 $1.000000000e+00;
	vm0 =	vcmask $0x3F30;
	s22 =	simm.s32 $0x3F0;
	s23 =	simm.s32 $0xB3C0;
	s10 =	simm.s32 $0x0  }
.LBB2_18:
0x1b: {  	[bflag:$0x0] =	sbarrier.arrive $0xFFFF  }
0x1c: {  	s13 =	rddreg [dreg:$0xb]  }
0x1d: {  	s12 =	rddreg [dreg:$0xc]  }
0x1e: {  	[hbm:s12], [sflag:s13] =	dma.local [spmem:s11], $0x4F0  }
0x1f: {  	_ =	swait.ge [sflag:s28], $0x4F0  }
0x20: {  	[sflag:s28] =	ssyncset.done $0x0  }
0x21: {  	s20 =	rddreg [dreg:$0xd];
	[sflag:s28] =	ssyncadd.s32 $0xFFFFFB10  }
0x22: {  	[hbm4b:s20+s3] =	stream.linear.scatter [tilespmem:s31], [sflag:$0x5], $0x2710, $0x38;
	[tilespmem:$0x1DD10] =	vst v63  }
0x23: {  	_ =	swait.ge [sflag:s28], $0x2710  }
0x24: {  	s10 =	sadd.s32 $0x1, s10;
	s21 =	rddreg [dreg:$0xe]  }
0x25: {  	p0 =	sne.s32 s10, s21  }
.Ltmp1:
0x26: {  	_ = 	snop;
	(pc) =	sbr.rel @!p0 .LBB2_19-.Ltmp1, $3  }
0x27: {  	_ =	sdelay $0x1  }
0x28: {  	[sflag:s28] =	ssyncset.done $0x0  }
0x29: {  	[sflag:s28] =	ssyncadd.s32 $0xFFFFD8F0  }
.LBB2_1:
0x2a: {  	s11 =	rddreg [dreg:$0x4]  }
0x2b: {  	s12 =	rddreg [dreg:$0x5]  }
0x2c: {  	s14 =	rddreg [dreg:$0x6]  }
0x2d: {  	[tilespmem:s3], [sflag:$0x1] =	stream.linear.gather [hbm4b:s11+s3], $0x1F8, $0x38;
	[tilespmem:$0x1DD10] =	vst v63  }
0x2e: {  	s15 =	rddreg [dreg:$0x7]  }
0x2f: {  	[tilespmem:s22], [sflag:$0x1] =	stream.linear.gather [hbm4b:s12+s3], $0x1F8, $0x38;
	[tilespmem:$0x1DD10] =	vst v63  }
0x30: {  	s16 =	rddreg [dreg:$0x8];
	s12 =	simm.s32 $0x7E0  }
0x31: {  	[tilespmem:s12], [sflag:$0x1] =	stream.linear.gather [hbm4b:s14+s3], $0x7D0, $0x38;
	[tilespmem:$0x1DD10] =	vst v63  }
0x32: {  	s19 =	rddreg [dreg:$0x9]  }
0x33: {  	[tilespmem:s24], [sflag:$0x2] =	stream.linear.gather [hbm4b:s15+s3], $0x1F8, $0x38;
	[tilespmem:$0x1DD10] =	vst v63  }
0x34: {  	s20 =	rddreg [dreg:$0xa]  }
0x35: {  	[tilespmem:s25], [sflag:$0x2] =	stream.linear.gather [hbm4b:s16+s3], $0x1F8, $0x38;
	[tilespmem:$0x1DD10] =	vst v63  }
0x36: {  	s21 =	rddreg [dreg:$0x3];
	s11 =	sshrl.u32 s20, $0x3  }
0x37: {  	[tilespmem:s26], [sflag:$0x2] =	stream.linear.gather [hbm4b:s19+s3], $0x7D0, $0x38;
	[tilespmem:$0x1DD10] =	vst v63  }
0x38: {  	[spmem:s11], [sflag:s13] =	dma.local [hbm:s21], $0x4F0  }
0x39: {  	_ =	swait.ge [sflag:s28], $0x4F0  }
0x3a: {  	[sflag:s28] =	ssyncset.done $0x0  }
0x3b: {  	s12 =	simm.s32 $0x1B640;
	[sflag:s28] =	ssyncadd.s32 $0xFFFFFB10  }
0x3c: {  	[tilespmem:s12+$0xFFFFFFC0] =	vst v0  }
0x3d: {  	[tilespmem:s12+$0x30] =	vst v0  }
0x3e: {  	[tilespmem:s12+$0x20] =	vst v0  }
0x3f: {  	[tilespmem:s12+$0x10] =	vst v0  }
0x40: {  	[tilespmem:s12+$0x0] =	vst v0  }
0x41: {  	[tilespmem:s12+$0xFFFFFFF0] =	vst v0  }
0x42: {  	s13 =	simm.s32 $0x0;
	[tilespmem:s12+$0xFFFFFFE0] =	vst v0  }
.LBB2_2:
0x43: {  	s13 =	sadd.s32 $0x8, s13;
	[tilespmem:s12+$0xFFFFFFD0] =	vst v0;
	s12 =	sadd.s32 $0x80, s12  }
0x44: {  	[tilespmem:s12+$0xFFFFFFC0] =	vst v0;
	p0 =	slt.u32 s13, $0x268  }
0x45: {  	[tilespmem:s12+$0x30] =	vst v0  }
.Ltmp2:
0x46: {  	[tilespmem:s12+$0x20] =	vst v0;
	(pc) =	sbr.rel @p0 .LBB2_2-.Ltmp2, $4  }
0x47: {  	[tilespmem:s12+$0x10] =	vst v0  }
0x48: {  	[tilespmem:s12+$0x0] =	vst v0  }
0x49: {  	[tilespmem:s12+$0xFFFFFFF0] =	vst v0  }
0x4a: {  	[tilespmem:s12+$0xFFFFFFE0] =	vst v0  }
0x4b: {  	[tilespmem:s12+$0xFFFFFFD0] =	vst v0  }
0x4c: {  	[tilespmem:$0x1DD00] =	vst v0  }
0x4d: {  	[bflag:$0x0] =	sbarrier.arrive $0xFFFF  }
0x4e: {  	_ =	swait.ge [sflag:s29], $0x1F8  }
0x4f: {  	[sflag:s29] =	ssyncset.done $0x0  }
0x50: {  	[sflag:s29] =	ssyncadd.s32 $0xFFFFFE08  }
0x51: {  	_ =	swait.ge [sflag:s29], $0x1F8  }
0x52: {  	[sflag:s29] =	ssyncset.done $0x0  }
0x53: {  	[sflag:s29] =	ssyncadd.s32 $0xFFFFFE08  }
0x54: {  	_ =	swait.ge [sflag:s29], $0x7D0  }
0x55: {  	[sflag:s29] =	ssyncset.done $0x0  }
0x56: {  	s12 =	simm.s32 $0x0;
	s13 =	simm.s32 $0x1780;
	[sflag:s29] =	ssyncadd.s32 $0xFFFFF830  }
0x57: {  	[tilespmem:s13], [sflag:$0x3] =	stream.indirect.gather [hbm4b:s4+s30], $0x50, s12, s30, $0xb8;
	[tilespmem:$0x1DD10] =	vst v63  }
.LBB2_4:
0x58: {  	_ =	swait.ge [sflag:s0], $0x9C40  }
0x59: {  	[sflag:s0] =	ssyncset.done $0x0  }
0x5a: {  	[sflag:s0] =	ssyncadd.s32 $0xFFFF63C0  }
0x5b: {  	_ =	swait.ge [sflag:s1], $0x1F8  }
0x5c: {  	[sflag:s1] =	ssyncset.done $0x0  }
0x5d: {  	[sflag:s1] =	ssyncadd.s32 $0xFFFFFE08  }
0x5e: {  	_ =	swait.ge [sflag:s1], $0x1F8  }
0x5f: {  	[sflag:s1] =	ssyncset.done $0x0  }
0x60: {  	[sflag:s1] =	ssyncadd.s32 $0xFFFFFE08  }
0x61: {  	_ =	swait.ge [sflag:s1], $0x7D0  }
0x62: {  	[sflag:s1] =	ssyncset.done $0x0  }
0x63: {  	s13 =	simm.s32 $0x410;
	[sflag:s1] =	ssyncadd.s32 $0xFFFFF830  }
0x64: {  	[tilespmem:s23], [sflag:$0x4] =	stream.indirect.gather [hbm4b:s4+s30], $0x50, s24, s30, $0xb8;
	[tilespmem:$0x1DD10] =	vst v63  }
0x65: {  	v5 =	vld [tilespmem:s13+$0x10];
	_ =	sdelay $0x4  }
0x66: {  	v4 =	vld [tilespmem:s13+$0xFFFFFFE0]  }
0x67: {  	v2 =	vld [tilespmem:s13+$0xFFFFFFF0]  }
0x68: {  	v3 =	vld [tilespmem:s13+$0x0]  }
0x69: {  	s14 =	simm.s32 $0x450;
	s13 =	simm.s32 $0x0;
	[tilespmem:v5+s31+$0x0] =	vst.idx.add.f32.msk $0xffff, v1  }
.LBB2_5:
0x6a: {  	v5 =	vld [tilespmem:s14+$0x10];
	s13 =	sadd.s32 $0x4, s13  }
0x6b: {  	v6 =	vld [tilespmem:s14+$0xFFFFFFF0];
	p0 =	slt.u32 s13, $0x18  }
0x6c: {  	v7 =	vld [tilespmem:s14+$0x0]  }
0x6d: {  	v8 =	vld [tilespmem:s14+$0xFFFFFFE0]  }
.Ltmp3:
0x6e: {  	[tilespmem:v4+s31+$0x0] =	vst.idx.add.f32.msk $0xffff, v1;
	(pc) =	sbr.rel @p0 .LBB2_5-.Ltmp3, $4  }
0x6f: {  	[tilespmem:v2+s31+$0x0] =	vst.idx.add.f32.msk $0xffff, v1  }
0x70: {  	[tilespmem:v3+s31+$0x0] =	vst.idx.add.f32.msk $0xffff, v1;
	v2 =	vmov v6  }
0x71: {  	v3 =	vmov v7  }
0x72: {  	s15 =	simm.s32 $0x0;
	s14 =	sadd.s32 $0x40, s14;
	[tilespmem:v5+s31+$0x0] =	vst.idx.add.f32.msk $0xffff, v1;
	v4 =	vmov v8  }
0x73: {  	_ =	sdelay $0x3  }
0x74: {  	[tilespmem:v4+s31+$0x0] =	vst.idx.add.f32.msk $0xffff, v1  }
0x75: {  	[tilespmem:v2+s31+$0x0] =	vst.idx.add.f32.msk $0xffff, v1  }
0x76: {  	[tilespmem:v3+s31+$0x0] =	vst.idx.add.f32.msk $0xffff, v1  }
.LBB2_7:
0x77: {  	s13 =	sshra.s32 s15, $0x2  }
0x78: {  	v2 =	vld [tilespmem:s13+$0x5B0];
	_ =	sdelay $0x2  }
0x79: {  	p0 =	sne.s32 s15, $0x80  }
.Ltmp4:
0x7a: {  	_ = 	snop;
	(pc) =	sbr.rel @p0 .LBB2_7-.Ltmp4, $2  }
0x7b: {  	_ =	sdelay $0x2  }
0x7c: {  	s15 =	sadd.s32 $0x40, s15;
	[tilespmem:v2+s31+$0x0] =	vst.idx.add.f32.msk $0xffff, v1  }
0x7d: {  	v2 =	vld [tilespmem:$0x5D4];
	_ =	sdelay $0x7  }
0x7e: {  	s13 =	simm.s32 $0x800;
	[tilespmem:v2+s31+$0x0] =	vst.idx.add.f32.msk vm0, v1  }
0x7f: {  	s19 =	simm.s32 $0x1A00;
	v6 =	vld [tilespmem:s13+$0x10]  }
0x80: {  	v2 =	vld [tilespmem:s19+$0x140]  }
0x81: {  	v3 =	vld [tilespmem:s19+$0x180]  }
0x82: {  	v7 =	vld [tilespmem:s19+$0x150]  }
0x83: {  	v8 =	vld [tilespmem:s19+$0x160]  }
0x84: {  	v4 =	vld [tilespmem:s13+$0xFFFFFFF0]  }
0x85: {  	v10 =	vld [tilespmem:s19+$0x170]  }
0x86: {  	v11 =	vld [tilespmem:s19+$0xFFFFFD80]  }
0x87: {  	v12 =	vld [tilespmem:s19+$0x0];
	v5 =	vbroadcast v6, $0x0  }
0x88: {  	v13 =	vld [tilespmem:s19+$0xFFFFFED0]  }
0x89: {  	v23 =	vld [tilespmem:s19+$0x40];
	v9 =	vbroadcast v6, $0x1;
	v2 =	vmul.f32 v2, v5  }
0x8a: {  	v28 =	vld [tilespmem:s19+$0x10]  }
0x8b: {  	s15 =	simm.s32 $0x1F00;
	v30 =	vld [tilespmem:s19+$0xFFFFFDA0];
	v7 =	vmul.f32 v7, v9;
	v9 =	vbroadcast v6, $0x2;
	v3 =	vadd.f32 v2, v3  }
0x8c: {  	v51 =	vld [tilespmem:s15+$0x140]  }
0x8d: {  	v2 =	vld [tilespmem:s13+$0xFFFFFFE0];
	v3 =	vadd.f32 v7, v3;
	v7 =	vmul.f32 v8, v9;
	v8 =	vbroadcast v6, $0x3  }
0x8e: {  	v52 =	vld [tilespmem:s15+$0x180]  }
0x8f: {  	v5 =	vld [tilespmem:s13+$0x0];
	v3 =	vadd.f32 v7, v3;
	v7 =	vmul.f32 v10, v8  }
0x90: {  	v9 =	vld [tilespmem:s19+$0xFFFFFEC0]  }
0x91: {  	v8 =	vld [tilespmem:s19+$0xFFFFFDC0];
	v3 =	vadd.f32 v7, v3  }
0x92: {  	s13 =	simm.s32 $0x15080;
	v10 =	vld [tilespmem:s19+$0xFFFFFD90];
	v22 =	vbroadcast v2, $0x0  }
0x93: {  	v14 =	vbroadcast v4, $0x1;
	v16 =	vbroadcast v4, $0x2;
	v7 =	vld [tilespmem:s19+$0xFFFFFF00];
	[tilespmem:s13+$0x40] =	vst v3  }
0x94: {  	v11 =	vmul.f32 v11, v22;
	v3 =	vbroadcast v4, $0x0;
	v15 =	vld [tilespmem:s19+$0x190]  }
0x95: {  	v17 =	vbroadcast v4, $0x3;
	v25 =	vbroadcast v2, $0x1;
	v18 =	vld [tilespmem:s19+$0x1D0]  }
0x96: {  	v24 =	vbroadcast v6, $0x4;
	v8 =	vadd.f32 v11, v8;
	v11 =	vld [tilespmem:s19+$0xFFFFFDB0];
	v3 =	vmul.f32 v9, v3  }
0x97: {  	v19 =	vbroadcast v5, $0x0;
	v9 =	vmul.f32 v10, v25;
	v10 =	vld [tilespmem:s19+$0xFFFFFEE0]  }
0x98: {  	v26 =	vbroadcast v2, $0x2;
	v21 =	vld [tilespmem:s19+$0x1A0];
	v3 =	vadd.f32 v3, v7;
	v7 =	vmul.f32 v13, v14  }
0x99: {  	v20 =	vbroadcast v5, $0x1;
	v12 =	vmul.f32 v12, v19;
	v8 =	vadd.f32 v9, v8;
	v9 =	vld [tilespmem:s19+$0xFFFFFEF0]  }
0x9a: {  	v22 =	vbroadcast v2, $0x3;
	v27 =	vld [tilespmem:s19+$0x1B0];
	v3 =	vadd.f32 v7, v3;
	v7 =	vmul.f32 v30, v26  }
0x9b: {  	v53 =	vld [tilespmem:s15+$0x150];
	v15 =	vmul.f32 v15, v24;
	v24 =	vbroadcast v6, $0x5  }
0x9c: {  	v29 =	vld [tilespmem:s19+$0x1C0];
	v10 =	vmul.f32 v10, v16;
	v7 =	vadd.f32 v7, v8;
	v8 =	vmul.f32 v11, v22  }
0x9d: {  	v55 =	vld [tilespmem:s15+$0x160];
	v15 =	vadd.f32 v15, v18;
	v18 =	vmul.f32 v21, v24;
	v21 =	vbroadcast v6, $0x6  }
0x9e: {  	v57 =	vld [tilespmem:s15+$0x170];
	v3 =	vadd.f32 v10, v3;
	v9 =	vmul.f32 v9, v17;
	v7 =	vadd.f32 v8, v7  }
0x9f: {  	v13 =	vld [tilespmem:s19+$0x20];
	v15 =	vadd.f32 v18, v15;
	v18 =	vmul.f32 v27, v21;
	v21 =	vbroadcast v6, $0x7  }
0xa0: {  	v12 =	vadd.f32 v12, v23;
	v16 =	vld [tilespmem:s19+$0x30];
	v3 =	vadd.f32 v9, v3;
	[tilespmem:s13+$0xFFFFFF80] =	vst v7  }
0xa1: {  	v14 =	vadd.f32 v18, v15;
	v15 =	vmul.f32 v29, v21;
	v18 =	vmul.f32 v28, v20;
	v9 =	vld [tilespmem:s19+$0xFFFFFDD0]  }
0xa2: {  	v21 =	vld [tilespmem:s19+$0xFFFFFDE0]  }
0xa3: {  	[tilespmem:s13+$0xFFFFFFC0] =	vst v3;
	v14 =	vadd.f32 v15, v14;
	v12 =	vadd.f32 v18, v12;
	v18 =	vld [tilespmem:s19+$0xFFFFFE10]  }
0xa4: {  	v15 =	vbroadcast v5, $0x2;
	v22 =	vld [tilespmem:s19+$0xFFFFFF50]  }
0xa5: {  	v25 =	vld [tilespmem:s19+$0xFFFFFF20];
	[tilespmem:s13+$0x50] =	vst v14  }
0xa6: {  	v11 =	vbroadcast v5, $0x3;
	v10 =	vmul.f32 v13, v15;
	v8 =	vld [tilespmem:s19+$0x1E0]  }
0xa7: {  	v13 =	vld [tilespmem:s19+$0x220]  }
0xa8: {  	v11 =	vmul.f32 v16, v11;
	v7 =	vld [tilespmem:s19+$0x1F0];
	v10 =	vadd.f32 v10, v12  }
0xa9: {  	v3 =	vld [tilespmem:s19+$0x200];
	v12 =	vbroadcast v2, $0x4  }
0xaa: {  	v10 =	vadd.f32 v11, v10;
	v11 =	vld [tilespmem:s19+$0xFFFFFF10]  }
0xab: {  	v17 =	vbroadcast v6, $0x8;
	v9 =	vmul.f32 v9, v12;
	v12 =	vld [tilespmem:s19+$0xFFFFFF30]  }
0xac: {  	v36 =	vbroadcast v4, $0x8;
	v40 =	vbroadcast v4, $0x9;
	[tilespmem:s13+$0x0] =	vst v10;
	v10 =	vld [tilespmem:s19+$0x210]  }
0xad: {  	v8 =	vmul.f32 v8, v17;
	v17 =	vbroadcast v6, $0x9;
	v15 =	vld [tilespmem:s19+$0x50]  }
0xae: {  	v19 =	vbroadcast v2, $0x5;
	v14 =	vbroadcast v4, $0x4;
	v28 =	vld [tilespmem:s19+$0x60]  }
0xaf: {  	v8 =	vadd.f32 v8, v13;
	v7 =	vmul.f32 v7, v17;
	v13 =	vbroadcast v6, $0xA;
	v17 =	vld [tilespmem:s19+$0x90]  }
0xb0: {  	s14 =	simm.s32 $0x840;
	v11 =	vmul.f32 v11, v14;
	v14 =	vmul.f32 v21, v19;
	v19 =	vld [tilespmem:s19+$0x80]  }
0xb1: {  	v21 =	vld [tilespmem:s14+$0xFFFFFFE0];
	v7 =	vadd.f32 v7, v8;
	v3 =	vmul.f32 v3, v13;
	v8 =	vbroadcast v6, $0xB  }
0xb2: {  	v23 =	vbroadcast v5, $0x5;
	v16 =	vbroadcast v5, $0x4;
	v13 =	vld [tilespmem:s19+$0xFFFFFDF0]  }
0xb3: {  	v26 =	vbroadcast v4, $0x6;
	v3 =	vadd.f32 v3, v7;
	v7 =	vmul.f32 v10, v8;
	v8 =	vld [tilespmem:s19+$0xFFFFFE00]  }
0xb4: {  	v20 =	vbroadcast v4, $0x5;
	v10 =	vmul.f32 v15, v16;
	v15 =	vld [tilespmem:s19+$0x70]  }
0xb5: {  	v24 =	vbroadcast v2, $0x6;
	v9 =	vadd.f32 v9, v18;
	v16 =	vld [tilespmem:s19+$0xFFFFFF40];
	v3 =	vadd.f32 v7, v3  }
0xb6: {  	v27 =	vbroadcast v2, $0x7;
	v7 =	vadd.f32 v11, v22;
	v11 =	vmul.f32 v25, v20;
	v20 =	vld [tilespmem:s14+$0x0]  }
0xb7: {  	v9 =	vadd.f32 v14, v9;
	v13 =	vmul.f32 v13, v24;
	[tilespmem:s13+$0x60] =	vst v3;
	v3 =	vadd.f32 v10, v17;
	v17 =	vld [tilespmem:s14+$0xFFFFFFF0]  }
0xb8: {  	v18 =	vbroadcast v4, $0x7;
	v12 =	vmul.f32 v12, v26;
	v14 =	vld [tilespmem:s19+$0x230]  }
0xb9: {  	v10 =	vadd.f32 v11, v7;
	v9 =	vadd.f32 v13, v9;
	v8 =	vmul.f32 v8, v27;
	v7 =	vld [tilespmem:s19+$0x270]  }
0xba: {  	v45 =	vbroadcast v4, $0xA;
	v11 =	vmul.f32 v28, v23;
	v23 =	vld [tilespmem:s19+$0x240]  }
0xbb: {  	v22 =	vld [tilespmem:s19+$0x250];
	v10 =	vadd.f32 v12, v10;
	v12 =	vmul.f32 v16, v18;
	v9 =	vadd.f32 v8, v9  }
0xbc: {  	v49 =	vbroadcast v4, $0xB;
	v56 =	vbroadcast v6, $0xC;
	v8 =	vld [tilespmem:s19+$0x260]  }
0xbd: {  	v37 =	vbroadcast v5, $0x8;
	v43 =	vbroadcast v5, $0x9;
	[tilespmem:s13+$0xFFFFFF90] =	vst v9;
	v9 =	vadd.f32 v12, v10;
	v12 =	vld [tilespmem:s14+$0x10]  }
0xbe: {  	v46 =	vbroadcast v5, $0xA;
	v50 =	vbroadcast v5, $0xB;
	v24 =	vld [tilespmem:s19+$0xFFFFFE20]  }
0xbf: {  	v34 =	vbroadcast v2, $0x8;
	v29 =	vbroadcast v5, $0x6;
	v25 =	vld [tilespmem:s19+$0xFFFFFE60]  }
0xc0: {  	v39 =	vbroadcast v2, $0x9;
	v42 =	vbroadcast v2, $0xA;
	v28 =	vld [tilespmem:s19+$0xFFFFFE30]  }
0xc1: {  	v13 =	vbroadcast v5, $0x7;
	v3 =	vadd.f32 v11, v3;
	v11 =	vmul.f32 v15, v29;
	v33 =	vld [tilespmem:s19+$0xFFFFFE40]  }
0xc2: {  	v48 =	vbroadcast v2, $0xB;
	v18 =	vbroadcast v4, $0xD;
	v41 =	vld [tilespmem:s19+$0xFFFFFE50];
	[tilespmem:s13+$0xFFFFFFD0] =	vst v9  }
0xc3: {  	v16 =	vbroadcast v2, $0xE;
	v3 =	vadd.f32 v11, v3;
	v11 =	vmul.f32 v19, v13;
	v26 =	vld [tilespmem:s19+$0xFFFFFF60]  }
0xc4: {  	v15 =	vbroadcast v4, $0xE;
	v13 =	vbroadcast v2, $0xD;
	v29 =	vld [tilespmem:s19+$0xFFFFFFA0]  }
0xc5: {  	v19 =	vbroadcast v5, $0xD;
	v10 =	vbroadcast v2, $0xC;
	v3 =	vadd.f32 v11, v3;
	v30 =	vld [tilespmem:s19+$0xFFFFFF70]  }
0xc6: {  	v2 =	vbroadcast v2, $0xF;
	v11 =	vbroadcast v4, $0xC;
	v35 =	vld [tilespmem:s19+$0xFFFFFF80]  }
0xc7: {  	v4 =	vbroadcast v4, $0xF;
	v14 =	vmul.f32 v14, v56;
	[tilespmem:s13+$0x10] =	vst v3;
	v44 =	vld [tilespmem:s19+$0xFFFFFF90]  }
0xc8: {  	v9 =	vbroadcast v5, $0xC;
	v3 =	vbroadcast v5, $0xE;
	v27 =	vld [tilespmem:s19+$0xA0]  }
0xc9: {  	v31 =	vld [tilespmem:s19+$0xE0];
	v54 =	vbroadcast v12, $0x0;
	v60 =	vbroadcast v12, $0x1  }
0xca: {  	v32 =	vld [tilespmem:s19+$0xB0];
	v61 =	vbroadcast v12, $0x2;
	v63 =	vbroadcast v12, $0x3  }
0xcb: {  	v38 =	vld [tilespmem:s19+$0xC0];
	v24 =	vmul.f32 v24, v34;
	v33 =	vmul.f32 v33, v42  }
0xcc: {  	v47 =	vld [tilespmem:s19+$0xD0];
	v51 =	vmul.f32 v51, v54;
	v53 =	vmul.f32 v53, v60  }
0xcd: {  	v34 =	vld [tilespmem:s15+$0xFFFFFEC0];
	v62 =	vmul.f32 v55, v61;
	v55 =	vmul.f32 v57, v63  }
0xce: {  	v42 =	vld [tilespmem:s15+$0x10];
	v57 =	vmul.f32 v41, v48;
	v60 =	vbroadcast v12, $0x4  }
0xcf: {  	v48 =	vld [tilespmem:s15+$0xFFFFFDA0];
	v61 =	vbroadcast v21, $0x1;
	v26 =	vmul.f32 v26, v36;
	v51 =	vadd.f32 v51, v52  }
0xd0: {  	v36 =	vld [tilespmem:s15+$0x0];
	v24 =	vadd.f32 v24, v25;
	v25 =	vmul.f32 v27, v37;
	v27 =	vmul.f32 v28, v39  }
0xd1: {  	v63 =	vbroadcast v12, $0x5;
	v35 =	vmul.f32 v35, v45;
	v52 =	vld [tilespmem:s15+$0xFFFFFD80];
	v51 =	vadd.f32 v53, v51  }
0xd2: {  	v28 =	vld [tilespmem:s15+$0xFFFFFDC0];
	v58 =	vmul.f32 v47, v50;
	v24 =	vadd.f32 v27, v24;
	v27 =	vmul.f32 v30, v40  }
0xd3: {  	v39 =	vld [tilespmem:s15+$0x40];
	v30 =	vmul.f32 v32, v43;
	v25 =	vadd.f32 v25, v31;
	v53 =	vadd.f32 v62, v51  }
0xd4: {  	v50 =	vbroadcast v21, $0x2;
	v26 =	vadd.f32 v26, v29;
	v29 =	vld [tilespmem:s15+$0xFFFFFD90];
	v31 =	vmul.f32 v38, v46  }
0xd5: {  	v32 =	vld [tilespmem:s15+$0xFFFFFF00];
	v46 =	vbroadcast v20, $0x1;
	v25 =	vadd.f32 v30, v25;
	v37 =	vadd.f32 v55, v53  }
0xd6: {  	s14 =	simm.s32 $0x15180;
	v40 =	vld [tilespmem:s15+$0xFFFFFED0];
	v26 =	vadd.f32 v27, v26;
	v27 =	vmul.f32 v44, v49;
	v30 =	vbroadcast v17, $0x0  }
0xd7: {  	v24 =	vadd.f32 v33, v24;
	v25 =	vadd.f32 v31, v25;
	v31 =	vbroadcast v21, $0x0;
	v53 =	vld [tilespmem:s15+$0xFFFFFEE0];
	[tilespmem:s14+$0x40] =	vst v37  }
0xd8: {  	v33 =	vbroadcast v17, $0x2;
	v51 =	vmul.f32 v42, v46;
	v26 =	vadd.f32 v35, v26;
	v59 =	vld [tilespmem:s15+$0x190]  }
0xd9: {  	v35 =	vbroadcast v20, $0x0;
	v24 =	vadd.f32 v57, v24;
	v31 =	vmul.f32 v52, v31;
	v45 =	vld [tilespmem:s15+$0x1D0]  }
0xda: {  	v57 =	vbroadcast v21, $0x3;
	v30 =	vmul.f32 v34, v30;
	v47 =	vld [tilespmem:s15+$0x1A0]  }
0xdb: {  	v25 =	vadd.f32 v58, v25;
	[tilespmem:s13+$0xFFFFFFA0] =	vst v24;
	v24 =	vmul.f32 v36, v35;
	v28 =	vadd.f32 v31, v28;
	v31 =	vld [tilespmem:s15+$0xFFFFFDB0]  }
0xdc: {  	v29 =	vmul.f32 v29, v61;
	v61 =	vld [tilespmem:s15+$0xFFFFFEF0];
	v37 =	vbroadcast v17, $0x1;
	v26 =	vadd.f32 v27, v26  }
0xdd: {  	v30 =	vadd.f32 v30, v32;
	v62 =	vld [tilespmem:s15+$0x1B0];
	[tilespmem:s13+$0x20] =	vst v25;
	v25 =	vadd.f32 v24, v39;
	v24 =	vmul.f32 v48, v50  }
0xde: {  	v58 =	vld [tilespmem:s15+$0x1C0];
	[tilespmem:s13+$0xFFFFFFE0] =	vst v26;
	v33 =	vmul.f32 v53, v33;
	v28 =	vadd.f32 v29, v28;
	v27 =	vmul.f32 v59, v60  }
0xdf: {  	v32 =	vld [tilespmem:s19+$0xFFFFFFB0];
	v36 =	vadd.f32 v51, v25;
	v43 =	vmul.f32 v47, v63;
	v60 =	vbroadcast v12, $0x6  }
0xe0: {  	v25 =	vld [tilespmem:s19+$0xFFFFFE80];
	v28 =	vadd.f32 v24, v28;
	v31 =	vmul.f32 v31, v57;
	v27 =	vadd.f32 v27, v45  }
0xe1: {  	v59 =	vld [tilespmem:s15+$0x20];
	v63 =	vbroadcast v12, $0x7;
	v45 =	vmul.f32 v40, v37  }
0xe2: {  	v47 =	vld [tilespmem:s15+$0x30];
	v62 =	vmul.f32 v62, v60;
	v28 =	vadd.f32 v31, v28;
	v27 =	vadd.f32 v43, v27  }
0xe3: {  	v24 =	vld [tilespmem:s19+$0xFFFFFEB0];
	v57 =	vbroadcast v6, $0xD;
	v29 =	vmul.f32 v58, v63;
	v30 =	vadd.f32 v45, v30  }
0xe4: {  	v60 =	vbroadcast v6, $0xE;
	v6 =	vbroadcast v6, $0xF;
	[tilespmem:s14+$0xFFFFFF80] =	vst v28;
	v26 =	vadd.f32 v62, v27;
	v27 =	vld [tilespmem:s19+$0xFFFFFE70]  }
0xe5: {  	v5 =	vbroadcast v5, $0xF;
	v54 =	vbroadcast v20, $0x3;
	v30 =	vadd.f32 v33, v30;
	v33 =	vld [tilespmem:s15+$0xFFFFFDD0]  }
0xe6: {  	v44 =	vbroadcast v17, $0x3;
	v37 =	vmul.f32 v8, v6;
	v8 =	vld [tilespmem:s15+$0xFFFFFE10];
	v29 =	vadd.f32 v29, v26  }
0xe7: {  	v41 =	vbroadcast v17, $0xA;
	v49 =	vbroadcast v17, $0x7;
	v38 =	vld [tilespmem:s15+$0xFFFFFDE0]  }
0xe8: {  	v46 =	vbroadcast v17, $0xB;
	v55 =	vmul.f32 v61, v44;
	v26 =	vld [tilespmem:s19+$0xF0];
	[tilespmem:s14+$0x50] =	vst v29  }
0xe9: {  	v52 =	vbroadcast v17, $0x8;
	v39 =	vbroadcast v20, $0x4;
	v31 =	vld [tilespmem:s15+$0x1E0]  }
0xea: {  	v50 =	vbroadcast v20, $0x7;
	v53 =	vbroadcast v20, $0x2;
	v30 =	vadd.f32 v55, v30;
	v58 =	vld [tilespmem:s15+$0x220]  }
0xeb: {  	v61 =	vbroadcast v12, $0x9;
	v44 =	vbroadcast v21, $0x6;
	v28 =	vld [tilespmem:s15+$0x1F0]  }
0xec: {  	v6 =	vbroadcast v21, $0x4;
	v29 =	vmul.f32 v59, v53;
	[tilespmem:s14+$0xFFFFFFC0] =	vst v30;
	v30 =	vld [tilespmem:s15+$0x200]  }
0xed: {  	v63 =	vbroadcast v21, $0x5;
	v32 =	vmul.f32 v32, v11;
	v40 =	vld [tilespmem:s15+$0xFFFFFF50]  }
0xee: {  	v35 =	vmul.f32 v47, v54;
	v42 =	vld [tilespmem:s15+$0xFFFFFF20];
	v6 =	vmul.f32 v33, v6;
	v29 =	vadd.f32 v29, v36  }
0xef: {  	v23 =	vmul.f32 v23, v57;
	v59 =	vbroadcast v12, $0x8;
	v51 =	vld [tilespmem:s15+$0xFFFFFF30]  }
0xf0: {  	v6 =	vadd.f32 v6, v8;
	v8 =	vmul.f32 v38, v63;
	v63 =	vld [tilespmem:s15+$0xFFFFFE00];
	v29 =	vadd.f32 v35, v29  }
0xf1: {  	v57 =	vbroadcast v17, $0x9;
	v35 =	vld [tilespmem:s15+$0xFFFFFF10];
	v31 =	vmul.f32 v31, v59  }
0xf2: {  	v25 =	vmul.f32 v25, v13;
	v13 =	vbroadcast v17, $0xE;
	[tilespmem:s14+$0x0] =	vst v29;
	v29 =	vld [tilespmem:s15+$0x210]  }
0xf3: {  	v62 =	vbroadcast v12, $0xA;
	v28 =	vmul.f32 v28, v61;
	v34 =	vld [tilespmem:s15+$0x50];
	v31 =	vadd.f32 v31, v58  }
0xf4: {  	v7 =	vadd.f32 v14, v7;
	v22 =	vmul.f32 v22, v60;
	v36 =	vbroadcast v17, $0x4;
	v61 =	vld [tilespmem:s15+$0x60]  }
0xf5: {  	v30 =	vmul.f32 v30, v62;
	v62 =	vld [tilespmem:s15+$0xFFFFFDF0];
	v28 =	vadd.f32 v28, v31;
	v31 =	vbroadcast v12, $0xB  }
0xf6: {  	v45 =	vbroadcast v17, $0x6;
	v23 =	vadd.f32 v23, v7;
	v7 =	vmul.f32 v35, v36;
	v35 =	vld [tilespmem:s15+$0x70]  }
0xf7: {  	v60 =	vld [tilespmem:s15+$0x90];
	v29 =	vmul.f32 v29, v31;
	v31 =	vbroadcast v20, $0x5  }
0xf8: {  	v28 =	vadd.f32 v30, v28;
	v30 =	vbroadcast v17, $0x5;
	v14 =	vmul.f32 v34, v39;
	v34 =	vld [tilespmem:s19+$0xFFFFFFC0]  }
0xf9: {  	v47 =	vbroadcast v20, $0x6;
	v31 =	vmul.f32 v61, v31;
	v61 =	vld [tilespmem:s15+$0xFFFFFF40]  }
0xfa: {  	v8 =	vadd.f32 v8, v6;
	v7 =	vadd.f32 v7, v40;
	v6 =	vmul.f32 v42, v30;
	v42 =	vld [tilespmem:s19+$0xFFFFFFF0]  }
0xfb: {  	v54 =	vbroadcast v20, $0x8;
	v28 =	vadd.f32 v29, v28;
	v35 =	vmul.f32 v35, v47;
	v47 =	vld [tilespmem:s19+$0x130]  }
0xfc: {  	v55 =	vbroadcast v21, $0x9;
	v59 =	vadd.f32 v6, v7;
	v7 =	vmul.f32 v62, v44;
	v62 =	vld [tilespmem:s15+$0x80]  }
0xfd: {  	v22 =	vadd.f32 v22, v23;
	v27 =	vmul.f32 v27, v10;
	v23 =	vmul.f32 v26, v9;
	[tilespmem:s14+$0x60] =	vst v28;
	v44 =	vld [tilespmem:s19+$0xFFFFFE90]  }
0xfe: {  	v9 =	vbroadcast v21, $0xD;
	v29 =	vbroadcast v21, $0x7;
	v53 =	vld [tilespmem:s15+$0x230]  }
0xff: {  	v45 =	vmul.f32 v51, v45;
	v58 =	vbroadcast v21, $0xA;
	v56 =	vld [tilespmem:s15+$0x270]  }
0x100: {  	v36 =	vbroadcast v20, $0x9;
	v29 =	vmul.f32 v63, v29;
	v33 =	vld [tilespmem:s15+$0x240];
	v48 =	vadd.f32 v7, v8  }
0x101: {  	v40 =	vbroadcast v21, $0xB;
	v39 =	vbroadcast v20, $0xA;
	v38 =	vld [tilespmem:s15+$0x250]  }
0x102: {  	v60 =	vadd.f32 v14, v60;
	v14 =	vbroadcast v20, $0xB;
	v30 =	vld [tilespmem:s15+$0x260];
	v29 =	vadd.f32 v29, v48  }
0x103: {  	v28 =	vbroadcast v21, $0x8;
	v45 =	vadd.f32 v45, v59;
	v43 =	vmul.f32 v61, v49;
	v48 =	vld [tilespmem:s19+$0x100]  }
0x104: {  	v31 =	vadd.f32 v31, v60;
	v6 =	vbroadcast v21, $0xC;
	v63 =	vbroadcast v12, $0xC;
	[tilespmem:s14+$0xFFFFFF90] =	vst v29;
	v29 =	vld [tilespmem:s19+$0xFFFFFFD0]  }
0x105: {  	v60 =	vbroadcast v12, $0xE;
	v51 =	vmul.f32 v62, v50;
	v10 =	vadd.f32 v43, v45;
	v45 =	vld [tilespmem:s15+$0xFFFFFE20]  }
0x106: {  	v31 =	vadd.f32 v35, v31;
	v11 =	vmul.f32 v53, v63;
	v53 =	vbroadcast v12, $0xD;
	v26 =	vld [tilespmem:s15+$0xFFFFFE60]  }
0x107: {  	v24 =	vadd.f32 v27, v24;
	v18 =	vmul.f32 v34, v18;
	v7 =	vbroadcast v17, $0xC;
	[tilespmem:s14+$0xFFFFFFD0] =	vst v10;
	v50 =	vld [tilespmem:s15+$0xFFFFFE30]  }
0x108: {  	v31 =	vadd.f32 v51, v31;
	v59 =	vadd.f32 v11, v56;
	v33 =	vmul.f32 v33, v53;
	v61 =	vld [tilespmem:s15+$0xFFFFFF60]  }
0x109: {  	v24 =	vadd.f32 v25, v24;
	v8 =	vbroadcast v20, $0xC;
	v43 =	vbroadcast v12, $0xF;
	v27 =	vld [tilespmem:s15+$0xFFFFFFA0]  }
0x10a: {  	v63 =	vmul.f32 v38, v60;
	v51 =	vld [tilespmem:s15+$0xFFFFFF70];
	[tilespmem:s14+$0x10] =	vst v31;
	v31 =	vadd.f32 v37, v22;
	v22 =	vadd.f32 v33, v59  }
0x10b: {  	v32 =	vadd.f32 v32, v42;
	v16 =	vmul.f32 v44, v16;
	v12 =	vbroadcast v21, $0xE;
	v56 =	vld [tilespmem:s15+$0xFFFFFE40]  }
0x10c: {  	v21 =	vbroadcast v21, $0xF;
	v30 =	vmul.f32 v30, v43;
	v62 =	vld [tilespmem:s15+$0xA0];
	v33 =	vadd.f32 v63, v22  }
0x10d: {  	v23 =	vadd.f32 v23, v47;
	v10 =	vbroadcast v20, $0xD;
	v11 =	vbroadcast v17, $0xD;
	v25 =	vld [tilespmem:s15+$0xE0]  }
0x10e: {  	v17 =	vbroadcast v17, $0xF;
	v19 =	vmul.f32 v48, v19;
	v53 =	vadd.f32 v30, v33;
	v30 =	vld [tilespmem:s15+$0xB0]  }
0x10f: {  	v32 =	vadd.f32 v18, v32;
	v59 =	vld [tilespmem:s15+$0xFFFFFF80];
	v15 =	vmul.f32 v29, v15;
	v28 =	vmul.f32 v45, v28  }
0x110: {  	v60 =	vld [tilespmem:s15+$0xC0];
	v18 =	vadd.f32 v19, v23;
	v22 =	vbroadcast v20, $0xE;
	v29 =	vmul.f32 v61, v52  }
0x111: {  	v20 =	vbroadcast v20, $0xF;
	v19 =	vadd.f32 v28, v26;
	v28 =	vld [tilespmem:s15+$0xFFFFFE50];
	v23 =	vmul.f32 v62, v54  }
0x112: {  	v61 =	vld [tilespmem:s15+$0xFFFFFF90];
	v26 =	vmul.f32 v50, v55;
	v33 =	vadd.f32 v16, v24;
	v27 =	vadd.f32 v29, v27  }
0x113: {  	v16 =	vld [tilespmem:s15+$0xD0];
	v29 =	vmul.f32 v51, v57;
	v24 =	vadd.f32 v23, v25;
	v25 =	vmul.f32 v30, v36  }
0x114: {  	v62 =	vmul.f32 v59, v41;
	v19 =	vadd.f32 v26, v19;
	v26 =	vmul.f32 v56, v58;
	v23 =	vld [tilespmem:s19+$0x110]  }
0x115: {  	v63 =	vmul.f32 v60, v39;
	v27 =	vadd.f32 v29, v27;
	v36 =	vadd.f32 v25, v24;
	v25 =	vld [tilespmem:s19+$0xFFFFFEA0]  }
0x116: {  	[tilespmem:s13+$0x70] =	vst v31;
	v29 =	vadd.f32 v15, v32;
	v26 =	vadd.f32 v26, v19;
	v30 =	vmul.f32 v28, v40;
	v24 =	vld [tilespmem:s19+$0xFFFFFFE0]  }
0x117: {  	s20 =	simm.s32 $0x4;
	s21 =	simm.s32 $0x880;
	[tilespmem:s14+$0x70] =	vst v53;
	v31 =	vmul.f32 v61, v46;
	v19 =	vld [tilespmem:s19+$0x120];
	v28 =	vadd.f32 v62, v27;
	s19 =	simm.s32 $0x1F00;
	v27 =	vadd.f32 v63, v36  }
.LBB2_9:
0x118: {  	v15 =	vld [tilespmem:s21+$0x10];
	s20 =	sadd.s32 $0x4, s20;
	v26 =	vadd.f32 v30, v26;
	v14 =	vmul.f32 v16, v14  }
0x119: {  	s15 =	sadd.s32 $0x500, s15;
	v16 =	vld [tilespmem:s21+$0xFFFFFFF0];
	p0 =	slt.u32 s20, $0x78;
	v28 =	vadd.f32 v31, v28;
	v23 =	vmul.f32 v23, v3;
	v3 =	vmov v22  }
0x11a: {  	v22 =	vld [tilespmem:s15+$0x140];
	[tilespmem:s14+$0xFFFFFFA0] =	vst v26;
	v14 =	vadd.f32 v14, v27;
	v25 =	vmul.f32 v25, v2;
	v2 =	vmov v21  }
0x11b: {  	v21 =	vld [tilespmem:s15+$0x180];
	[tilespmem:s14+$0xFFFFFFE0] =	vst v28;
	v24 =	vmul.f32 v24, v4;
	v23 =	vadd.f32 v23, v18;
	v4 =	vmov v17  }
0x11c: {  	v26 =	vld [tilespmem:s15+$0x150];
	[tilespmem:s14+$0x20] =	vst v14;
	v14 =	vadd.f32 v25, v33;
	v17 =	vmul.f32 v19, v5;
	v5 =	vmov v20  }
0x11d: {  	v18 =	vld [tilespmem:s21+$0x0];
	v19 =	vbroadcast v15, $0x0;
	v20 =	vadd.f32 v24, v29  }
0x11e: {  	v24 =	vbroadcast v16, $0x0;
	v25 =	vbroadcast v16, $0x1;
	v27 =	vld [tilespmem:s15+$0x160];
	[tilespmem:s13+$0xFFFFFFB0] =	vst v14;
	v14 =	vadd.f32 v17, v23  }
0x11f: {  	v17 =	vld [tilespmem:s21+$0xFFFFFFE0];
	v19 =	vmul.f32 v22, v19;
	v22 =	vbroadcast v15, $0x1;
	[tilespmem:s13+$0xFFFFFFF0] =	vst v20  }
0x120: {  	v23 =	vbroadcast v16, $0x2;
	v28 =	vbroadcast v16, $0x3;
	v20 =	vld [tilespmem:s15+$0x170];
	[tilespmem:s13+$0x30] =	vst v14;
	s13 =	smov.u32 s14  }
0x121: {  	v14 =	vld [tilespmem:s15+$0xFFFFFD80];
	v19 =	vadd.f32 v19, v21;
	v21 =	vmul.f32 v26, v22;
	v22 =	vbroadcast v15, $0x2  }
0x122: {  	v26 =	vld [tilespmem:s15+$0xFFFFFEC0];
	v29 =	vbroadcast v18, $0x0;
	v30 =	vbroadcast v18, $0x1  }
0x123: {  	v31 =	vld [tilespmem:s15+$0x0];
	v19 =	vadd.f32 v21, v19;
	v21 =	vmul.f32 v27, v22;
	v22 =	vbroadcast v15, $0x3  }
0x124: {  	v27 =	vld [tilespmem:s15+$0xFFFFFDC0];
	v32 =	vbroadcast v17, $0x0;
	v33 =	vbroadcast v17, $0x1  }
0x125: {  	v36 =	vbroadcast v17, $0x2;
	v34 =	vld [tilespmem:s15+$0xFFFFFD90];
	v19 =	vadd.f32 v21, v19;
	v20 =	vmul.f32 v20, v22  }
0x126: {  	v14 =	vmul.f32 v14, v32;
	v21 =	vld [tilespmem:s15+$0xFFFFFF00];
	v32 =	vbroadcast v18, $0x2  }
0x127: {  	v41 =	vbroadcast v17, $0x3;
	v24 =	vmul.f32 v26, v24;
	v26 =	vld [tilespmem:s15+$0xFFFFFED0];
	v19 =	vadd.f32 v20, v19  }
0x128: {  	s14 =	sadd.s32 $0x100, s14;
	v42 =	vbroadcast v18, $0x3;
	v35 =	vld [tilespmem:s15+$0x40];
	v29 =	vmul.f32 v31, v29  }
0x129: {  	v40 =	vbroadcast v16, $0x4;
	v43 =	vbroadcast v17, $0x4;
	v14 =	vadd.f32 v14, v27;
	v27 =	vld [tilespmem:s15+$0x10];
	[tilespmem:s14+$0x40] =	vst v19  }
0x12a: {  	v39 =	vbroadcast v18, $0x4;
	v19 =	vmul.f32 v34, v33;
	v31 =	vld [tilespmem:s15+$0x190]  }
0x12b: {  	v22 =	vbroadcast v17, $0x5;
	v24 =	vadd.f32 v24, v21;
	v21 =	vbroadcast v16, $0x5;
	v34 =	vld [tilespmem:s15+$0x1D0]  }
0x12c: {  	v20 =	vbroadcast v18, $0x5;
	v14 =	vadd.f32 v19, v14;
	v19 =	vmul.f32 v26, v25;
	v25 =	vld [tilespmem:s15+$0x1A0]  }
0x12d: {  	v37 =	vbroadcast v17, $0x6;
	v33 =	vbroadcast v15, $0x4;
	v26 =	vld [tilespmem:s15+$0xFFFFFDA0];
	v29 =	vadd.f32 v29, v35  }
0x12e: {  	v38 =	vbroadcast v16, $0x6;
	v19 =	vadd.f32 v19, v24;
	v24 =	vmul.f32 v27, v30;
	v27 =	vld [tilespmem:s15+$0x1B0]  }
0x12f: {  	v44 =	vbroadcast v15, $0x5;
	v30 =	vld [tilespmem:s15+$0xFFFFFEE0];
	v31 =	vmul.f32 v31, v33  }
0x130: {  	v35 =	vbroadcast v18, $0x6;
	v33 =	vbroadcast v17, $0x7;
	v24 =	vadd.f32 v24, v29;
	v45 =	vld [tilespmem:s15+$0x1C0]  }
0x131: {  	v46 =	vld [tilespmem:s15+$0x20];
	v29 =	vadd.f32 v31, v34;
	v25 =	vmul.f32 v25, v44;
	v31 =	vbroadcast v15, $0x6  }
0x132: {  	v34 =	vbroadcast v16, $0x7;
	v26 =	vmul.f32 v26, v36;
	v44 =	vld [tilespmem:s15+$0xFFFFFDB0]  }
0x133: {  	v47 =	vld [tilespmem:s15+$0xFFFFFEF0];
	v25 =	vadd.f32 v25, v29;
	v27 =	vmul.f32 v27, v31;
	v31 =	vbroadcast v15, $0x7  }
0x134: {  	v36 =	vbroadcast v18, $0x7;
	v14 =	vadd.f32 v26, v14;
	v23 =	vmul.f32 v30, v23;
	v48 =	vld [tilespmem:s15+$0x30]  }
0x135: {  	v29 =	vbroadcast v17, $0x8;
	v25 =	vadd.f32 v27, v25;
	v27 =	vmul.f32 v45, v31;
	v45 =	vld [tilespmem:s19+$0xFFFFFE70]  }
0x136: {  	v26 =	vbroadcast v16, $0x8;
	v19 =	vadd.f32 v23, v19;
	v23 =	vmul.f32 v46, v32;
	v46 =	vld [tilespmem:s19+$0xFFFFFFB0]  }
0x137: {  	v31 =	vbroadcast v18, $0x8;
	v30 =	vmul.f32 v44, v41;
	v25 =	vadd.f32 v27, v25;
	v41 =	vld [tilespmem:s19+$0xF0]  }
0x138: {  	v32 =	vbroadcast v17, $0x9;
	v27 =	vmul.f32 v47, v28;
	v24 =	vadd.f32 v23, v24;
	v44 =	vld [tilespmem:s19+$0xFFFFFEB0]  }
0x139: {  	v14 =	vadd.f32 v30, v14;
	v30 =	vbroadcast v16, $0x9;
	v42 =	vmul.f32 v48, v42;
	[tilespmem:s14+$0x50] =	vst v25;
	v47 =	vld [tilespmem:s19+$0xFFFFFE80]  }
0x13a: {  	v23 =	vbroadcast v17, $0xA;
	v28 =	vbroadcast v18, $0x9;
	v19 =	vadd.f32 v27, v19;
	v48 =	vld [tilespmem:s15+$0x1E0]  }
0x13b: {  	v25 =	vbroadcast v18, $0xA;
	v27 =	vbroadcast v16, $0xA;
	[tilespmem:s14+$0xFFFFFF80] =	vst v14;
	v14 =	vadd.f32 v42, v24;
	v42 =	vld [tilespmem:s15+$0x220]  }
0x13c: {  	v24 =	vbroadcast v17, $0xB;
	[tilespmem:s14+$0xFFFFFFC0] =	vst v19;
	v19 =	vbroadcast v16, $0xB;
	v49 =	vld [tilespmem:s15+$0x1F0]  }
0x13d: {  	v51 =	vbroadcast v15, $0x8;
	v50 =	vld [tilespmem:s15+$0xFFFFFDD0];
	[tilespmem:s14+$0x0] =	vst v14;
	v14 =	vbroadcast v18, $0xB  }
0x13e: {  	v53 =	vbroadcast v16, $0xC;
	v52 =	vbroadcast v17, $0xC;
	v54 =	vld [tilespmem:s15+$0x200]  }
0x13f: {  	v55 =	vld [tilespmem:s15+$0xFFFFFF10];
	v48 =	vmul.f32 v48, v51;
	v51 =	vbroadcast v15, $0x9  }
0x140: {  	v56 =	vbroadcast v18, $0xC;
	v45 =	vmul.f32 v45, v6;
	v6 =	vmov v52;
	v57 =	vld [tilespmem:s15+$0x210]  }
0x141: {  	v52 =	vld [tilespmem:s15+$0x50];
	v42 =	vadd.f32 v48, v42;
	v48 =	vmul.f32 v49, v51;
	v49 =	vbroadcast v15, $0xA  }
0x142: {  	v44 =	vadd.f32 v45, v44;
	v45 =	vmul.f32 v46, v7;
	v7 =	vmovc v53;
	v51 =	vld [tilespmem:s15+$0xFFFFFE10];
	v43 =	vmul.f32 v50, v43  }
0x143: {  	v46 =	vld [tilespmem:s15+$0xFFFFFDE0];
	v42 =	vadd.f32 v48, v42;
	v48 =	vmul.f32 v54, v49;
	v49 =	vbroadcast v15, $0xB  }
0x144: {  	v41 =	vmul.f32 v41, v8;
	v8 =	vmov v56;
	v50 =	vld [tilespmem:s15+$0xFFFFFF50];
	v40 =	vmul.f32 v55, v40  }
0x145: {  	v53 =	vbroadcast v17, $0xD;
	v54 =	vld [tilespmem:s15+$0xFFFFFF20];
	v42 =	vadd.f32 v48, v42;
	v48 =	vmul.f32 v57, v49  }
0x146: {  	v49 =	vbroadcast v16, $0xD;
	v55 =	vld [tilespmem:s15+$0x90];
	v39 =	vmul.f32 v52, v39  }
0x147: {  	v52 =	vbroadcast v18, $0xD;
	v43 =	vadd.f32 v43, v51;
	v51 =	vld [tilespmem:s15+$0x60];
	v42 =	vadd.f32 v48, v42  }
0x148: {  	v47 =	vmul.f32 v47, v9;
	v9 =	vmov v53;
	v22 =	vmul.f32 v46, v22;
	v46 =	vld [tilespmem:s15+$0xFFFFFDF0]  }
0x149: {  	v53 =	vbroadcast v16, $0xE;
	v48 =	vbroadcast v17, $0xE;
	v40 =	vadd.f32 v40, v50;
	v50 =	vld [tilespmem:s15+$0xFFFFFF30];
	[tilespmem:s14+$0x60] =	vst v42  }
0x14a: {  	v42 =	vadd.f32 v22, v43;
	v43 =	vmul.f32 v54, v21;
	v22 =	vbroadcast v18, $0xE;
	v54 =	vld [tilespmem:s15+$0x230]  }
0x14b: {  	v44 =	vadd.f32 v47, v44;
	v21 =	vbroadcast v17, $0xF;
	v39 =	vadd.f32 v39, v55;
	v55 =	vld [tilespmem:s15+$0x270]  }
0x14c: {  	v17 =	vbroadcast v16, $0xF;
	v40 =	vadd.f32 v43, v40;
	v16 =	vmul.f32 v51, v20;
	v43 =	vld [tilespmem:s15+$0x240]  }
0x14d: {  	v47 =	vbroadcast v15, $0xC;
	v37 =	vmul.f32 v46, v37;
	v46 =	vld [tilespmem:s15+$0x70]  }
0x14e: {  	v20 =	vbroadcast v18, $0xF;
	v38 =	vmul.f32 v50, v38;
	v16 =	vadd.f32 v16, v39;
	v18 =	vld [tilespmem:s15+$0x250]  }
0x14f: {  	v37 =	vadd.f32 v37, v42;
	v39 =	vld [tilespmem:s15+$0xFFFFFE00];
	v42 =	vmul.f32 v54, v47;
	v47 =	vbroadcast v15, $0xD  }
0x150: {  	v38 =	vadd.f32 v38, v40;
	v40 =	vld [tilespmem:s15+$0x260]  }
0x151: {  	v50 =	vld [tilespmem:s15+$0xFFFFFF40];
	v42 =	vadd.f32 v42, v55;
	v43 =	vmul.f32 v43, v47;
	v47 =	vbroadcast v15, $0xE  }
0x152: {  	v35 =	vmul.f32 v46, v35;
	v46 =	vld [tilespmem:s15+$0x80]  }
0x153: {  	v15 =	vbroadcast v15, $0xF;
	v42 =	vadd.f32 v43, v42;
	v18 =	vmul.f32 v18, v47;
	v43 =	vld [tilespmem:s19+$0xFFFFFFF0]  }
0x154: {  	v33 =	vmul.f32 v39, v33;
	v16 =	vadd.f32 v35, v16;
	v35 =	vld [tilespmem:s19+$0xFFFFFFC0]  }
0x155: {  	v18 =	vadd.f32 v18, v42;
	v15 =	vmul.f32 v40, v15;
	v39 =	vld [tilespmem:s19+$0x130]  }
0x156: {  	v33 =	vadd.f32 v33, v37;
	v34 =	vmul.f32 v50, v34;
	v37 =	vld [tilespmem:s19+$0x100]  }
0x157: {  	v36 =	vmul.f32 v46, v36;
	v15 =	vadd.f32 v15, v18;
	v18 =	vld [tilespmem:s19+$0xFFFFFE90]  }
0x158: {  	[tilespmem:s14+$0xFFFFFF90] =	vst v33;
	v33 =	vadd.f32 v34, v38;
	v34 =	vadd.f32 v45, v43;
	v38 =	vld [tilespmem:s19+$0xFFFFFFD0]  }
0x159: {  	v40 =	vld [tilespmem:s15+$0xFFFFFE20];
	v16 =	vadd.f32 v36, v16;
	[tilespmem:s14+$0x70] =	vst v15;
	v15 =	vmul.f32 v35, v11;
	v11 =	vmov v49  }
0x15a: {  	v35 =	vld [tilespmem:s15+$0xFFFFFE60];
	[tilespmem:s14+$0xFFFFFFD0] =	vst v33;
	v33 =	vadd.f32 v41, v39  }
0x15b: {  	v36 =	vld [tilespmem:s15+$0xFFFFFF60];
	[tilespmem:s14+$0x10] =	vst v16;
	v15 =	vadd.f32 v15, v34;
	v16 =	vmul.f32 v37, v10;
	v10 =	vmov v52  }
0x15c: {  	v34 =	vld [tilespmem:s15+$0xA0];
	v37 =	vmul.f32 v18, v12;
	v12 =	vmov v48  }
0x15d: {  	v39 =	vld [tilespmem:s15+$0xFFFFFE30];
	v38 =	vmul.f32 v38, v13;
	v18 =	vadd.f32 v16, v33;
	v13 =	vmov v53  }
0x15e: {  	v16 =	vmul.f32 v40, v29;
	v40 =	vld [tilespmem:s15+$0xFFFFFFA0];
	v33 =	vadd.f32 v37, v44  }
0x15f: {  	v37 =	vld [tilespmem:s15+$0xFFFFFF70];
	v29 =	vadd.f32 v38, v15  }
0x160: {  	v15 =	vadd.f32 v16, v35;
	v16 =	vmul.f32 v36, v26;
	v26 =	vld [tilespmem:s15+$0xE0]  }
0x161: {  	v31 =	vmul.f32 v34, v31;
	v34 =	vld [tilespmem:s15+$0xB0]  }
0x162: {  	v32 =	vmul.f32 v39, v32;
	v35 =	vld [tilespmem:s15+$0xFFFFFE40]  }
0x163: {  	v16 =	vadd.f32 v16, v40;
	v36 =	vld [tilespmem:s15+$0xFFFFFF80]  }
0x164: {  	v15 =	vadd.f32 v32, v15;
	v30 =	vmul.f32 v37, v30;
	v32 =	vld [tilespmem:s15+$0xC0]  }
0x165: {  	v37 =	vld [tilespmem:s15+$0xFFFFFE50];
	v26 =	vadd.f32 v31, v26  }
0x166: {  	v31 =	vadd.f32 v30, v16;
	v38 =	vld [tilespmem:s15+$0xFFFFFF90];
	v28 =	vmul.f32 v34, v28  }
.Ltmp5:
0x167: {  	v30 =	vmul.f32 v35, v23;
	v16 =	vld [tilespmem:s15+$0xD0];
	(pc) =	sbr.rel @p0 .LBB2_9-.Ltmp5, $4  }
0x168: {  	v27 =	vmul.f32 v36, v27;
	v34 =	vadd.f32 v28, v26;
	v23 =	vld [tilespmem:s19+$0x110]  }
0x169: {  	v26 =	vadd.f32 v30, v15;
	v15 =	vmul.f32 v32, v25;
	v25 =	vld [tilespmem:s19+$0xFFFFFEA0]  }
0x16a: {  	v30 =	vmul.f32 v37, v24;
	v28 =	vadd.f32 v27, v31;
	v24 =	vld [tilespmem:s19+$0xFFFFFFE0]  }
0x16b: {  	s21 =	sadd.s32 $0x40, s21;
	v31 =	vmul.f32 v38, v19;
	v27 =	vadd.f32 v15, v34;
	v19 =	vld [tilespmem:s19+$0x120];
	s19 =	smov.u32 s15  }
0x16c: {  	v15 =	vadd.f32 v30, v26;
	_ =	sdelay $0x1  }
0x16d: {  	[tilespmem:s14+$0xFFFFFFA0] =	vst v15  }
0x16e: {  	v15 =	vld [tilespmem:s19+$0xFFFFFE70]  }
0x16f: {  	v53 =	vadd.f32 v31, v28;
	v56 =	vld [tilespmem:s19+$0xFFFFFEB0]  }
0x170: {  	v57 =	vld [tilespmem:s19+$0xFFFFFE80]  }
0x171: {  	v14 =	vmul.f32 v16, v14;
	[tilespmem:s14+$0xFFFFFFE0] =	vst v53;
	v61 =	vld [tilespmem:s19+$0xFFFFFE90]  }
0x172: {  	v54 =	vld [tilespmem:s19+$0xFFFFFFB0]  }
0x173: {  	v14 =	vadd.f32 v14, v27;
	v58 =	vld [tilespmem:s19+$0xFFFFFFF0]  }
0x174: {  	v59 =	vld [tilespmem:s19+$0xFFFFFFC0]  }
0x175: {  	[tilespmem:s14+$0x20] =	vst v14;
	v62 =	vld [tilespmem:s19+$0xFFFFFFD0]  }
0x176: {  	v55 =	vld [tilespmem:s19+$0xF0]  }
0x177: {  	v3 =	vmul.f32 v23, v3;
	v2 =	vmul.f32 v25, v2;
	v60 =	vld [tilespmem:s19+$0x130]  }
0x178: {  	v4 =	vmul.f32 v24, v4;
	v32 =	vld [tilespmem:s19+$0x100]  }
0x179: {  	v3 =	vadd.f32 v3, v18;
	v2 =	vadd.f32 v2, v33;
	v63 =	vld [tilespmem:s19+$0x110];
	v6 =	vmul.f32 v15, v6  }
0x17a: {  	v25 =	vld [tilespmem:s19+$0xFFFFFEA0];
	v5 =	vmul.f32 v19, v5;
	v4 =	vadd.f32 v4, v29;
	v7 =	vmul.f32 v54, v7  }
0x17b: {  	v27 =	vld [tilespmem:s19+$0xFFFFFFE0];
	v9 =	vmul.f32 v57, v9;
	v8 =	vmul.f32 v55, v8;
	v6 =	vadd.f32 v6, v56  }
0x17c: {  	v28 =	vld [tilespmem:s19+$0x120];
	v29 =	vmul.f32 v61, v12;
	v11 =	vmul.f32 v59, v11;
	v7 =	vadd.f32 v7, v58  }
0x17d: {  	v10 =	vmul.f32 v32, v10;
	v8 =	vadd.f32 v8, v60;
	v6 =	vadd.f32 v9, v6  }
0x17e: {  	v30 =	vmul.f32 v62, v13;
	v31 =	vmul.f32 v63, v22;
	v7 =	vadd.f32 v11, v7  }
0x17f: {  	v32 =	vmul.f32 v25, v21;
	v8 =	vadd.f32 v10, v8;
	v6 =	vadd.f32 v29, v6  }
0x180: {  	[tilespmem:s13+$0xFFFFFFB0] =	vst v2;
	v2 =	vadd.f32 v5, v3;
	v5 =	vmul.f32 v27, v17;
	v3 =	vadd.f32 v30, v7  }
0x181: {  	[tilespmem:s13+$0xFFFFFFF0] =	vst v4;
	v7 =	vmul.f32 v28, v20;
	v4 =	vadd.f32 v31, v8;
	v6 =	vadd.f32 v32, v6  }
0x182: {  	[tilespmem:s13+$0x30] =	vst v2;
	v2 =	vadd.f32 v5, v3  }
0x183: {  	[tilespmem:s14+$0xFFFFFFB0] =	vst v6;
	v3 =	vadd.f32 v7, v4  }
0x184: {  	[tilespmem:s14+$0xFFFFFFF0] =	vst v2  }
0x185: {  	[tilespmem:s14+$0x30] =	vst v3  }
0x186: {  	v2 =	vld [tilespmem:$0xFA0]  }
0x187: {  	v3 =	vld [tilespmem:$0xB2C0]  }
0x188: {  	v4 =	vld [tilespmem:$0xB280]  }
0x189: {  	v5 =	vld [tilespmem:$0xB290]  }
0x18a: {  	v6 =	vld [tilespmem:$0xB2A0]  }
0x18b: {  	v7 =	vld [tilespmem:$0xB2B0]  }
0x18c: {  	v33 =	vld [tilespmem:$0xB310]  }
0x18d: {  	v34 =	vld [tilespmem:$0xB2D0]  }
0x18e: {  	v36 =	vld [tilespmem:$0xB2E0]  }
0x18f: {  	v38 =	vld [tilespmem:$0xB2F0];
	v35 =	vbroadcast v2, $0x0;
	v37 =	vbroadcast v2, $0x1  }
0x190: {  	v40 =	vld [tilespmem:$0xB300];
	v39 =	vbroadcast v2, $0x2;
	v41 =	vbroadcast v2, $0x4  }
0x191: {  	v42 =	vld [tilespmem:$0xB360];
	v43 =	vbroadcast v2, $0x3;
	v45 =	vbroadcast v2, $0x5  }
0x192: {  	v44 =	vld [tilespmem:$0xB320];
	v49 =	vbroadcast v2, $0x7;
	v54 =	vbroadcast v2, $0xC  }
0x193: {  	v46 =	vld [tilespmem:$0xB330];
	v57 =	vbroadcast v2, $0xD;
	v4 =	vmul.f32 v4, v35  }
0x194: {  	v47 =	vld [tilespmem:$0xB370];
	v58 =	vbroadcast v2, $0xA;
	v5 =	vmul.f32 v5, v37  }
0x195: {  	v50 =	vld [tilespmem:$0xB3B0];
	v3 =	vadd.f32 v4, v3;
	v4 =	vmul.f32 v7, v43;
	v7 =	vbroadcast v2, $0x6  }
0x196: {  	v51 =	vld [tilespmem:$0xB380];
	v61 =	vbroadcast v2, $0xE;
	v6 =	vmul.f32 v6, v39  }
0x197: {  	v53 =	vld [tilespmem:$0xB340];
	v3 =	vadd.f32 v5, v3;
	v5 =	vmul.f32 v38, v7;
	v7 =	vbroadcast v2, $0x8  }
0x198: {  	v55 =	vld [tilespmem:$0xB390];
	v62 =	vbroadcast v2, $0xB;
	v9 =	vmul.f32 v34, v41  }
0x199: {  	v3 =	vadd.f32 v6, v3;
	v6 =	vmul.f32 v44, v7;
	v7 =	vbroadcast v2, $0x9  }
0x19a: {  	v56 =	vld [tilespmem:$0xB350];
	v48 =	vmul.f32 v36, v45;
	v10 =	vmul.f32 v47, v54;
	v8 =	vadd.f32 v9, v33  }
0x19b: {  	v59 =	vld [tilespmem:$0xB3A0];
	v52 =	vmul.f32 v40, v49;
	v6 =	vadd.f32 v6, v42;
	v7 =	vmul.f32 v46, v7  }
0x19c: {  	v60 =	vmul.f32 v51, v57;
	v10 =	vadd.f32 v10, v50;
	v8 =	vadd.f32 v48, v8  }
0x19d: {  	v63 =	vmul.f32 v55, v61;
	v6 =	vadd.f32 v7, v6;
	v7 =	vmul.f32 v53, v58  }
0x19e: {  	v10 =	vadd.f32 v60, v10;
	v5 =	vadd.f32 v5, v8;
	v2 =	vbroadcast v2, $0xF  }
0x19f: {  	v3 =	vadd.f32 v4, v3;
	v4 =	vadd.f32 v7, v6;
	v6 =	vmul.f32 v56, v62  }
0x1a0: {  	v5 =	vadd.f32 v52, v5;
	v2 =	vmul.f32 v59, v2;
	v7 =	vadd.f32 v63, v10  }
0x1a1: {  	[tilespmem:$0x16F00] =	vst v3;
	v3 =	vadd.f32 v6, v4  }
0x1a2: {  	[tilespmem:$0x16F10] =	vst v5;
	v2 =	vadd.f32 v2, v7  }
0x1a3: {  	[tilespmem:$0x16F20] =	vst v3  }
0x1a4: {  	[tilespmem:$0x16F30] =	vst v2  }
0x1a5: {  	[spmem:s2] =	stream.indirect.scatter.add.f32 [tilespmem:s8], [sflag:$0x5], $0x10, s22, s30, $0xb8;
	[tilespmem:$0x1DD10] =	vst v63  }
0x1a6: {  	_ =	swait.ge [sflag:s28], $0x1F40  }
0x1a7: {  	p0 =	seq.s32 s12, $0x4;
	s13 =	sshll.u32 s12, $0x1;
	[sflag:s28] =	ssyncset.done $0x0  }
0x1a8: {  	s15 =	sadd.s32 @!p0 s13, s17;
	s14 =	simm.s32 @p0 $0x4;
	[sflag:s28] =	ssyncadd.s32 $0xFFFFE0C0  }
0x1a9: {  	s16 =	smul.u32 @!p0 $0x3F, s15;
	_ =	swait.ge @p0 [sflag:s14], $0x9C40  }
0x1aa: {  	[sflag:s14] =	ssyncset.done @p0 $0x0  }
0x1ab: {  	s19 =	simm.s32 @!p0 $0x0;
	[sflag:s14] =	ssyncadd.s32 @p0 $0xFFFF63C0;
	s14 =	sadd.s32 @!p0 s5, s16  }
0x1ac: {  	[tilespmem:s19], [sflag:$0x1] =	stream.linear.gather @!p0 [hbm4b:s14+s19], $0x1F8, $0x38;
	[tilespmem:$0x1DD10] =	vst v63  }
0x1ad: {  	s15 =	smul.u32 @!p0 $0xFA, s15;
	s14 =	sadd.s32 @!p0 s6, s16;
	s16 =	simm.s32 @!p0 $0x3F0  }
0x1ae: {  	[tilespmem:s16], [sflag:$0x1] =	stream.linear.gather @!p0 [hbm4b:s14+s19], $0x1F8, $0x38;
	[tilespmem:$0x1DD10] =	vst v63  }
0x1af: {  	s14 =	sadd.s32 @!p0 s7, s15;
	s15 =	simm.s32 @!p0 $0x7E0  }
0x1b0: {  	[tilespmem:s15], [sflag:$0x1] =	stream.linear.gather @!p0 [hbm4b:s14+s19], $0x7D0, $0x38;
	[tilespmem:$0x1DD10] =	vst v63  }
0x1b1: {  	s14 =	simm.s32 @!p0 $0x4  }
0x1b2: {  	_ =	swait.ge @!p0 [sflag:s14], $0x9C40  }
0x1b3: {  	[sflag:s14] =	ssyncset.done @!p0 $0x0  }
0x1b4: {  	[sflag:s14] =	ssyncadd.s32 @!p0 $0xFFFF63C0;
	s14 =	simm.s32 @!p0 $0x1  }
0x1b5: {  	_ =	swait.ge @!p0 [sflag:s14], $0x1F8  }
0x1b6: {  	[sflag:s14] =	ssyncset.done @!p0 $0x0  }
0x1b7: {  	[sflag:s14] =	ssyncadd.s32 @!p0 $0xFFFFFE08  }
0x1b8: {  	_ =	swait.ge @!p0 [sflag:s14], $0x1F8  }
0x1b9: {  	[sflag:s14] =	ssyncset.done @!p0 $0x0  }
0x1ba: {  	[sflag:s14] =	ssyncadd.s32 @!p0 $0xFFFFFE08  }
0x1bb: {  	_ =	swait.ge @!p0 [sflag:s14], $0x7D0  }
0x1bc: {  	s21 =	simm.s32 $0x618;
	[sflag:s14] =	ssyncset.done @!p0 $0x0  }
0x1bd: {  	s15 =	simm.s32 @!p0 $0x1780;
	[sflag:s14] =	ssyncadd.s32 @!p0 $0xFFFFF830;
	s14 =	simm.s32 @!p0 $0x1F4  }
0x1be: {  	[tilespmem:s15], [sflag:$0x3] =	stream.indirect.gather @!p0 [hbm4b:s4+s14], $0x50, s19, s14, $0xb8;
	[tilespmem:$0x1DD10] =	vst v63  }
0x1bf: {  	v5 =	vld [tilespmem:s21+$0x0];
	_ =	sdelay $0x4  }
0x1c0: {  	v4 =	vld [tilespmem:s21+$0xFFFFFFD0]  }
0x1c1: {  	v2 =	vld [tilespmem:s21+$0xFFFFFFE0]  }
0x1c2: {  	v3 =	vld [tilespmem:s21+$0xFFFFFFF0]  }
0x1c3: {  	s14 =	simm.s32 $0x0;
	s15 =	simm.s32 $0x658;
	[tilespmem:v5+s31+$0x0] =	vst.idx.add.f32.msk $0xffff, v1  }
.LBB2_11:
0x1c4: {  	v5 =	vld [tilespmem:s15+$0x0];
	s14 =	sadd.s32 $0x4, s14  }
0x1c5: {  	v6 =	vld [tilespmem:s15+$0xFFFFFFE0];
	p1 =	slt.u32 s14, $0x18  }
0x1c6: {  	v7 =	vld [tilespmem:s15+$0xFFFFFFF0]  }
0x1c7: {  	v8 =	vld [tilespmem:s15+$0xFFFFFFD0]  }
.Ltmp6:
0x1c8: {  	[tilespmem:v4+s31+$0x0] =	vst.idx.add.f32.msk $0xffff, v1;
	(pc) =	sbr.rel @p1 .LBB2_11-.Ltmp6, $4  }
0x1c9: {  	[tilespmem:v2+s31+$0x0] =	vst.idx.add.f32.msk $0xffff, v1  }
0x1ca: {  	[tilespmem:v3+s31+$0x0] =	vst.idx.add.f32.msk $0xffff, v1;
	v2 =	vmov v6  }
0x1cb: {  	v3 =	vmov v7  }
0x1cc: {  	s16 =	simm.s32 $0x0;
	s15 =	sadd.s32 $0x40, s15;
	[tilespmem:v5+s31+$0x0] =	vst.idx.add.f32.msk $0xffff, v1;
	v4 =	vmov v8  }
0x1cd: {  	_ =	sdelay $0x3  }
0x1ce: {  	[tilespmem:v4+s31+$0x0] =	vst.idx.add.f32.msk $0xffff, v1  }
0x1cf: {  	[tilespmem:v2+s31+$0x0] =	vst.idx.add.f32.msk $0xffff, v1  }
0x1d0: {  	[tilespmem:v3+s31+$0x0] =	vst.idx.add.f32.msk $0xffff, v1  }
.LBB2_13:
0x1d1: {  	s14 =	sshra.s32 s16, $0x2  }
0x1d2: {  	v2 =	vld [tilespmem:s14+$0x7A8];
	_ =	sdelay $0x2  }
0x1d3: {  	p1 =	sne.s32 s16, $0x80  }
.Ltmp7:
0x1d4: {  	_ = 	snop;
	(pc) =	sbr.rel @p1 .LBB2_13-.Ltmp7, $2  }
0x1d5: {  	_ =	sdelay $0x2  }
0x1d6: {  	s16 =	sadd.s32 $0x40, s16;
	[tilespmem:v2+s31+$0x0] =	vst.idx.add.f32.msk $0xffff, v1  }
0x1d7: {  	v2 =	vld [tilespmem:$0x7CC];
	_ =	sdelay $0x7  }
0x1d8: {  	s14 =	simm.s32 $0xFE0;
	[tilespmem:v2+s31+$0x0] =	vst.idx.add.f32.msk vm0, v1  }
0x1d9: {  	s20 =	simm.s32 $0xB8B0;
	v6 =	vld [tilespmem:s14+$0x0]  }
0x1da: {  	v2 =	vld [tilespmem:s20+$0xFFFFFED0]  }
0x1db: {  	v3 =	vld [tilespmem:s20+$0xFFFFFF10]  }
0x1dc: {  	v7 =	vld [tilespmem:s20+$0xFFFFFEE0]  }
0x1dd: {  	v8 =	vld [tilespmem:s20+$0xFFFFFEF0]  }
0x1de: {  	v4 =	vld [tilespmem:s14+$0xFFFFFFE0]  }
0x1df: {  	v10 =	vld [tilespmem:s20+$0xFFFFFF00]  }
0x1e0: {  	v11 =	vld [tilespmem:s20+$0xFFFFFB10]  }
0x1e1: {  	v12 =	vld [tilespmem:s20+$0xFFFFFD90];
	v5 =	vbroadcast v6, $0x0  }
0x1e2: {  	v13 =	vld [tilespmem:s20+$0xFFFFFC60]  }
0x1e3: {  	v23 =	vld [tilespmem:s20+$0xFFFFFDD0];
	v9 =	vbroadcast v6, $0x1;
	v2 =	vmul.f32 v2, v5  }
0x1e4: {  	v28 =	vld [tilespmem:s20+$0xFFFFFDA0]  }
0x1e5: {  	s19 =	simm.s32 $0xBDB0;
	v30 =	vld [tilespmem:s20+$0xFFFFFB30];
	v7 =	vmul.f32 v7, v9;
	v9 =	vbroadcast v6, $0x2;
	v3 =	vadd.f32 v2, v3  }
0x1e6: {  	v51 =	vld [tilespmem:s19+$0xFFFFFED0]  }
0x1e7: {  	v2 =	vld [tilespmem:s14+$0xFFFFFFD0];
	v3 =	vadd.f32 v7, v3;
	v7 =	vmul.f32 v8, v9;
	v8 =	vbroadcast v6, $0x3  }
0x1e8: {  	v52 =	vld [tilespmem:s19+$0xFFFFFF10]  }
0x1e9: {  	v5 =	vld [tilespmem:s14+$0xFFFFFFF0];
	v3 =	vadd.f32 v7, v3;
	v7 =	vmul.f32 v10, v8  }
0x1ea: {  	v9 =	vld [tilespmem:s20+$0xFFFFFC50]  }
0x1eb: {  	v8 =	vld [tilespmem:s20+$0xFFFFFB50];
	v3 =	vadd.f32 v7, v3  }
0x1ec: {  	s14 =	simm.s32 $0x17030;
	v10 =	vld [tilespmem:s20+$0xFFFFFB20];
	v22 =	vbroadcast v2, $0x0  }
0x1ed: {  	v14 =	vbroadcast v4, $0x1;
	v16 =	vbroadcast v4, $0x2;
	v7 =	vld [tilespmem:s20+$0xFFFFFC90];
	[tilespmem:s14+$0xFFFFFFD0] =	vst v3  }
0x1ee: {  	v11 =	vmul.f32 v11, v22;
	v3 =	vbroadcast v4, $0x0;
	v15 =	vld [tilespmem:s20+$0xFFFFFF20]  }
0x1ef: {  	v17 =	vbroadcast v4, $0x3;
	v25 =	vbroadcast v2, $0x1;
	v18 =	vld [tilespmem:s20+$0xFFFFFF60]  }
0x1f0: {  	v24 =	vbroadcast v6, $0x4;
	v8 =	vadd.f32 v11, v8;
	v11 =	vld [tilespmem:s20+$0xFFFFFB40];
	v3 =	vmul.f32 v9, v3  }
0x1f1: {  	v19 =	vbroadcast v5, $0x0;
	v9 =	vmul.f32 v10, v25;
	v10 =	vld [tilespmem:s20+$0xFFFFFC70]  }
0x1f2: {  	v26 =	vbroadcast v2, $0x2;
	v21 =	vld [tilespmem:s20+$0xFFFFFF30];
	v3 =	vadd.f32 v3, v7;
	v7 =	vmul.f32 v13, v14  }
0x1f3: {  	v20 =	vbroadcast v5, $0x1;
	v12 =	vmul.f32 v12, v19;
	v8 =	vadd.f32 v9, v8;
	v9 =	vld [tilespmem:s20+$0xFFFFFC80]  }
0x1f4: {  	v22 =	vbroadcast v2, $0x3;
	v27 =	vld [tilespmem:s20+$0xFFFFFF40];
	v3 =	vadd.f32 v7, v3;
	v7 =	vmul.f32 v30, v26  }
0x1f5: {  	v53 =	vld [tilespmem:s19+$0xFFFFFEE0];
	v15 =	vmul.f32 v15, v24;
	v24 =	vbroadcast v6, $0x5  }
0x1f6: {  	v29 =	vld [tilespmem:s20+$0xFFFFFF50];
	v10 =	vmul.f32 v10, v16;
	v7 =	vadd.f32 v7, v8;
	v8 =	vmul.f32 v11, v22  }
0x1f7: {  	v55 =	vld [tilespmem:s19+$0xFFFFFEF0];
	v15 =	vadd.f32 v15, v18;
	v18 =	vmul.f32 v21, v24;
	v21 =	vbroadcast v6, $0x6  }
0x1f8: {  	v57 =	vld [tilespmem:s19+$0xFFFFFF00];
	v3 =	vadd.f32 v10, v3;
	v9 =	vmul.f32 v9, v17;
	v7 =	vadd.f32 v8, v7  }
0x1f9: {  	v13 =	vld [tilespmem:s20+$0xFFFFFDB0];
	v15 =	vadd.f32 v18, v15;
	v18 =	vmul.f32 v27, v21;
	v21 =	vbroadcast v6, $0x7  }
0x1fa: {  	v12 =	vadd.f32 v12, v23;
	v16 =	vld [tilespmem:s20+$0xFFFFFDC0];
	v3 =	vadd.f32 v9, v3;
	[tilespmem:s14+$0xFFFFFF10] =	vst v7  }
0x1fb: {  	v14 =	vadd.f32 v18, v15;
	v15 =	vmul.f32 v29, v21;
	v18 =	vmul.f32 v28, v20;
	v9 =	vld [tilespmem:s20+$0xFFFFFB60]  }
0x1fc: {  	v21 =	vld [tilespmem:s20+$0xFFFFFB70]  }
0x1fd: {  	[tilespmem:s14+$0xFFFFFF50] =	vst v3;
	v14 =	vadd.f32 v15, v14;
	v12 =	vadd.f32 v18, v12;
	v18 =	vld [tilespmem:s20+$0xFFFFFBA0]  }
0x1fe: {  	v15 =	vbroadcast v5, $0x2;
	v22 =	vld [tilespmem:s20+$0xFFFFFCE0]  }
0x1ff: {  	v25 =	vld [tilespmem:s20+$0xFFFFFCB0];
	[tilespmem:s14+$0xFFFFFFE0] =	vst v14  }
0x200: {  	v11 =	vbroadcast v5, $0x3;
	v10 =	vmul.f32 v13, v15;
	v8 =	vld [tilespmem:s20+$0xFFFFFF70]  }
0x201: {  	v13 =	vld [tilespmem:s20+$0xFFFFFFB0]  }
0x202: {  	v11 =	vmul.f32 v16, v11;
	v7 =	vld [tilespmem:s20+$0xFFFFFF80];
	v10 =	vadd.f32 v10, v12  }
0x203: {  	v3 =	vld [tilespmem:s20+$0xFFFFFF90];
	v12 =	vbroadcast v2, $0x4  }
0x204: {  	v10 =	vadd.f32 v11, v10;
	v11 =	vld [tilespmem:s20+$0xFFFFFCA0]  }
0x205: {  	v17 =	vbroadcast v6, $0x8;
	v9 =	vmul.f32 v9, v12;
	v12 =	vld [tilespmem:s20+$0xFFFFFCC0]  }
0x206: {  	v36 =	vbroadcast v4, $0x8;
	v40 =	vbroadcast v4, $0x9;
	[tilespmem:s14+$0xFFFFFF90] =	vst v10;
	v10 =	vld [tilespmem:s20+$0xFFFFFFA0]  }
0x207: {  	v8 =	vmul.f32 v8, v17;
	v17 =	vbroadcast v6, $0x9;
	v15 =	vld [tilespmem:s20+$0xFFFFFDE0]  }
0x208: {  	v19 =	vbroadcast v2, $0x5;
	v14 =	vbroadcast v4, $0x4;
	v28 =	vld [tilespmem:s20+$0xFFFFFDF0]  }
0x209: {  	v8 =	vadd.f32 v8, v13;
	v7 =	vmul.f32 v7, v17;
	v13 =	vbroadcast v6, $0xA;
	v17 =	vld [tilespmem:s20+$0xFFFFFE20]  }
0x20a: {  	s15 =	simm.s32 $0x1020;
	v11 =	vmul.f32 v11, v14;
	v14 =	vmul.f32 v21, v19;
	v19 =	vld [tilespmem:s20+$0xFFFFFE10]  }
0x20b: {  	v21 =	vld [tilespmem:s15+$0xFFFFFFD0];
	v7 =	vadd.f32 v7, v8;
	v3 =	vmul.f32 v3, v13;
	v8 =	vbroadcast v6, $0xB  }
0x20c: {  	v23 =	vbroadcast v5, $0x5;
	v16 =	vbroadcast v5, $0x4;
	v13 =	vld [tilespmem:s20+$0xFFFFFB80]  }
0x20d: {  	v26 =	vbroadcast v4, $0x6;
	v3 =	vadd.f32 v3, v7;
	v7 =	vmul.f32 v10, v8;
	v8 =	vld [tilespmem:s20+$0xFFFFFB90]  }
0x20e: {  	v20 =	vbroadcast v4, $0x5;
	v10 =	vmul.f32 v15, v16;
	v15 =	vld [tilespmem:s20+$0xFFFFFE00]  }
0x20f: {  	v24 =	vbroadcast v2, $0x6;
	v9 =	vadd.f32 v9, v18;
	v16 =	vld [tilespmem:s20+$0xFFFFFCD0];
	v3 =	vadd.f32 v7, v3  }
0x210: {  	v27 =	vbroadcast v2, $0x7;
	v7 =	vadd.f32 v11, v22;
	v11 =	vmul.f32 v25, v20;
	v20 =	vld [tilespmem:s15+$0xFFFFFFF0]  }
0x211: {  	v9 =	vadd.f32 v14, v9;
	v13 =	vmul.f32 v13, v24;
	[tilespmem:s14+$0xFFFFFFF0] =	vst v3;
	v3 =	vadd.f32 v10, v17;
	v17 =	vld [tilespmem:s15+$0xFFFFFFE0]  }
0x212: {  	v18 =	vbroadcast v4, $0x7;
	v12 =	vmul.f32 v12, v26;
	v14 =	vld [tilespmem:s20+$0xFFFFFFC0]  }
0x213: {  	v10 =	vadd.f32 v11, v7;
	v9 =	vadd.f32 v13, v9;
	v8 =	vmul.f32 v8, v27;
	v7 =	vld [tilespmem:s20+$0x0]  }
0x214: {  	v45 =	vbroadcast v4, $0xA;
	v11 =	vmul.f32 v28, v23;
	v23 =	vld [tilespmem:s20+$0xFFFFFFD0]  }
0x215: {  	v22 =	vld [tilespmem:s20+$0xFFFFFFE0];
	v10 =	vadd.f32 v12, v10;
	v12 =	vmul.f32 v16, v18;
	v9 =	vadd.f32 v8, v9  }
0x216: {  	v49 =	vbroadcast v4, $0xB;
	v56 =	vbroadcast v6, $0xC;
	v8 =	vld [tilespmem:s20+$0xFFFFFFF0]  }
0x217: {  	v37 =	vbroadcast v5, $0x8;
	v43 =	vbroadcast v5, $0x9;
	[tilespmem:s14+$0xFFFFFF20] =	vst v9;
	v9 =	vadd.f32 v12, v10;
	v12 =	vld [tilespmem:s15+$0x0]  }
0x218: {  	v46 =	vbroadcast v5, $0xA;
	v50 =	vbroadcast v5, $0xB;
	v24 =	vld [tilespmem:s20+$0xFFFFFBB0]  }
0x219: {  	v34 =	vbroadcast v2, $0x8;
	v29 =	vbroadcast v5, $0x6;
	v25 =	vld [tilespmem:s20+$0xFFFFFBF0]  }
0x21a: {  	v39 =	vbroadcast v2, $0x9;
	v42 =	vbroadcast v2, $0xA;
	v28 =	vld [tilespmem:s20+$0xFFFFFBC0]  }
0x21b: {  	v13 =	vbroadcast v5, $0x7;
	v3 =	vadd.f32 v11, v3;
	v11 =	vmul.f32 v15, v29;
	v33 =	vld [tilespmem:s20+$0xFFFFFBD0]  }
0x21c: {  	v48 =	vbroadcast v2, $0xB;
	v18 =	vbroadcast v4, $0xD;
	v41 =	vld [tilespmem:s20+$0xFFFFFBE0];
	[tilespmem:s14+$0xFFFFFF60] =	vst v9  }
0x21d: {  	v16 =	vbroadcast v2, $0xE;
	v3 =	vadd.f32 v11, v3;
	v11 =	vmul.f32 v19, v13;
	v26 =	vld [tilespmem:s20+$0xFFFFFCF0]  }
0x21e: {  	v15 =	vbroadcast v4, $0xE;
	v13 =	vbroadcast v2, $0xD;
	v29 =	vld [tilespmem:s20+$0xFFFFFD30]  }
0x21f: {  	v19 =	vbroadcast v5, $0xD;
	v10 =	vbroadcast v2, $0xC;
	v3 =	vadd.f32 v11, v3;
	v30 =	vld [tilespmem:s20+$0xFFFFFD00]  }
0x220: {  	v2 =	vbroadcast v2, $0xF;
	v11 =	vbroadcast v4, $0xC;
	v35 =	vld [tilespmem:s20+$0xFFFFFD10]  }
0x221: {  	v4 =	vbroadcast v4, $0xF;
	v14 =	vmul.f32 v14, v56;
	[tilespmem:s14+$0xFFFFFFA0] =	vst v3;
	v44 =	vld [tilespmem:s20+$0xFFFFFD20]  }
0x222: {  	v9 =	vbroadcast v5, $0xC;
	v3 =	vbroadcast v5, $0xE;
	v27 =	vld [tilespmem:s20+$0xFFFFFE30]  }
0x223: {  	v31 =	vld [tilespmem:s20+$0xFFFFFE70];
	v54 =	vbroadcast v12, $0x0;
	v60 =	vbroadcast v12, $0x1  }
0x224: {  	v32 =	vld [tilespmem:s20+$0xFFFFFE40];
	v61 =	vbroadcast v12, $0x2;
	v63 =	vbroadcast v12, $0x3  }
0x225: {  	v38 =	vld [tilespmem:s20+$0xFFFFFE50];
	v24 =	vmul.f32 v24, v34;
	v33 =	vmul.f32 v33, v42  }
0x226: {  	v47 =	vld [tilespmem:s20+$0xFFFFFE60];
	v51 =	vmul.f32 v51, v54;
	v53 =	vmul.f32 v53, v60  }
0x227: {  	v34 =	vld [tilespmem:s19+$0xFFFFFC50];
	v62 =	vmul.f32 v55, v61;
	v55 =	vmul.f32 v57, v63  }
0x228: {  	v42 =	vld [tilespmem:s19+$0xFFFFFDA0];
	v57 =	vmul.f32 v41, v48;
	v60 =	vbroadcast v12, $0x4  }
0x229: {  	v48 =	vld [tilespmem:s19+$0xFFFFFB30];
	v61 =	vbroadcast v21, $0x1;
	v26 =	vmul.f32 v26, v36;
	v51 =	vadd.f32 v51, v52  }
0x22a: {  	v36 =	vld [tilespmem:s19+$0xFFFFFD90];
	v24 =	vadd.f32 v24, v25;
	v25 =	vmul.f32 v27, v37;
	v27 =	vmul.f32 v28, v39  }
0x22b: {  	v63 =	vbroadcast v12, $0x5;
	v35 =	vmul.f32 v35, v45;
	v52 =	vld [tilespmem:s19+$0xFFFFFB10];
	v51 =	vadd.f32 v53, v51  }
0x22c: {  	v28 =	vld [tilespmem:s19+$0xFFFFFB50];
	v58 =	vmul.f32 v47, v50;
	v24 =	vadd.f32 v27, v24;
	v27 =	vmul.f32 v30, v40  }
0x22d: {  	v39 =	vld [tilespmem:s19+$0xFFFFFDD0];
	v30 =	vmul.f32 v32, v43;
	v25 =	vadd.f32 v25, v31;
	v53 =	vadd.f32 v62, v51  }
0x22e: {  	v50 =	vbroadcast v21, $0x2;
	v26 =	vadd.f32 v26, v29;
	v29 =	vld [tilespmem:s19+$0xFFFFFB20];
	v31 =	vmul.f32 v38, v46  }
0x22f: {  	v32 =	vld [tilespmem:s19+$0xFFFFFC90];
	v46 =	vbroadcast v20, $0x1;
	v25 =	vadd.f32 v30, v25;
	v37 =	vadd.f32 v55, v53  }
0x230: {  	s15 =	simm.s32 $0x17130;
	v40 =	vld [tilespmem:s19+$0xFFFFFC60];
	v26 =	vadd.f32 v27, v26;
	v27 =	vmul.f32 v44, v49;
	v30 =	vbroadcast v17, $0x0  }
0x231: {  	v24 =	vadd.f32 v33, v24;
	v25 =	vadd.f32 v31, v25;
	v31 =	vbroadcast v21, $0x0;
	v53 =	vld [tilespmem:s19+$0xFFFFFC70];
	[tilespmem:s15+$0xFFFFFFD0] =	vst v37  }
0x232: {  	v33 =	vbroadcast v17, $0x2;
	v51 =	vmul.f32 v42, v46;
	v26 =	vadd.f32 v35, v26;
	v59 =	vld [tilespmem:s19+$0xFFFFFF20]  }
0x233: {  	v35 =	vbroadcast v20, $0x0;
	v24 =	vadd.f32 v57, v24;
	v31 =	vmul.f32 v52, v31;
	v45 =	vld [tilespmem:s19+$0xFFFFFF60]  }
0x234: {  	v57 =	vbroadcast v21, $0x3;
	v30 =	vmul.f32 v34, v30;
	v47 =	vld [tilespmem:s19+$0xFFFFFF30]  }
0x235: {  	v25 =	vadd.f32 v58, v25;
	[tilespmem:s14+$0xFFFFFF30] =	vst v24;
	v24 =	vmul.f32 v36, v35;
	v28 =	vadd.f32 v31, v28;
	v31 =	vld [tilespmem:s19+$0xFFFFFB40]  }
0x236: {  	v29 =	vmul.f32 v29, v61;
	v61 =	vld [tilespmem:s19+$0xFFFFFC80];
	v37 =	vbroadcast v17, $0x1;
	v26 =	vadd.f32 v27, v26  }
0x237: {  	v30 =	vadd.f32 v30, v32;
	v62 =	vld [tilespmem:s19+$0xFFFFFF40];
	[tilespmem:s14+$0xFFFFFFB0] =	vst v25;
	v25 =	vadd.f32 v24, v39;
	v24 =	vmul.f32 v48, v50  }
0x238: {  	v58 =	vld [tilespmem:s19+$0xFFFFFF50];
	[tilespmem:s14+$0xFFFFFF70] =	vst v26;
	v33 =	vmul.f32 v53, v33;
	v28 =	vadd.f32 v29, v28;
	v27 =	vmul.f32 v59, v60  }
0x239: {  	v32 =	vld [tilespmem:s20+$0xFFFFFD40];
	v36 =	vadd.f32 v51, v25;
	v43 =	vmul.f32 v47, v63;
	v60 =	vbroadcast v12, $0x6  }
0x23a: {  	v25 =	vld [tilespmem:s20+$0xFFFFFC10];
	v28 =	vadd.f32 v24, v28;
	v31 =	vmul.f32 v31, v57;
	v27 =	vadd.f32 v27, v45  }
0x23b: {  	v59 =	vld [tilespmem:s19+$0xFFFFFDB0];
	v63 =	vbroadcast v12, $0x7;
	v45 =	vmul.f32 v40, v37  }
0x23c: {  	v47 =	vld [tilespmem:s19+$0xFFFFFDC0];
	v62 =	vmul.f32 v62, v60;
	v28 =	vadd.f32 v31, v28;
	v27 =	vadd.f32 v43, v27  }
0x23d: {  	v24 =	vld [tilespmem:s20+$0xFFFFFC40];
	v57 =	vbroadcast v6, $0xD;
	v29 =	vmul.f32 v58, v63;
	v30 =	vadd.f32 v45, v30  }
0x23e: {  	v60 =	vbroadcast v6, $0xE;
	v6 =	vbroadcast v6, $0xF;
	[tilespmem:s15+$0xFFFFFF10] =	vst v28;
	v26 =	vadd.f32 v62, v27;
	v27 =	vld [tilespmem:s20+$0xFFFFFC00]  }
0x23f: {  	v5 =	vbroadcast v5, $0xF;
	v54 =	vbroadcast v20, $0x3;
	v30 =	vadd.f32 v33, v30;
	v33 =	vld [tilespmem:s19+$0xFFFFFB60]  }
0x240: {  	v44 =	vbroadcast v17, $0x3;
	v37 =	vmul.f32 v8, v6;
	v8 =	vld [tilespmem:s19+$0xFFFFFBA0];
	v29 =	vadd.f32 v29, v26  }
0x241: {  	v41 =	vbroadcast v17, $0xA;
	v49 =	vbroadcast v17, $0x7;
	v38 =	vld [tilespmem:s19+$0xFFFFFB70]  }
0x242: {  	v46 =	vbroadcast v17, $0xB;
	v55 =	vmul.f32 v61, v44;
	v26 =	vld [tilespmem:s20+$0xFFFFFE80];
	[tilespmem:s15+$0xFFFFFFE0] =	vst v29  }
0x243: {  	v52 =	vbroadcast v17, $0x8;
	v39 =	vbroadcast v20, $0x4;
	v31 =	vld [tilespmem:s19+$0xFFFFFF70]  }
0x244: {  	v50 =	vbroadcast v20, $0x7;
	v53 =	vbroadcast v20, $0x2;
	v30 =	vadd.f32 v55, v30;
	v58 =	vld [tilespmem:s19+$0xFFFFFFB0]  }
0x245: {  	v61 =	vbroadcast v12, $0x9;
	v44 =	vbroadcast v21, $0x6;
	v28 =	vld [tilespmem:s19+$0xFFFFFF80]  }
0x246: {  	v6 =	vbroadcast v21, $0x4;
	v29 =	vmul.f32 v59, v53;
	[tilespmem:s15+$0xFFFFFF50] =	vst v30;
	v30 =	vld [tilespmem:s19+$0xFFFFFF90]  }
0x247: {  	v63 =	vbroadcast v21, $0x5;
	v32 =	vmul.f32 v32, v11;
	v40 =	vld [tilespmem:s19+$0xFFFFFCE0]  }
0x248: {  	v35 =	vmul.f32 v47, v54;
	v42 =	vld [tilespmem:s19+$0xFFFFFCB0];
	v6 =	vmul.f32 v33, v6;
	v29 =	vadd.f32 v29, v36  }
0x249: {  	v23 =	vmul.f32 v23, v57;
	v59 =	vbroadcast v12, $0x8;
	v51 =	vld [tilespmem:s19+$0xFFFFFCC0]  }
0x24a: {  	v6 =	vadd.f32 v6, v8;
	v8 =	vmul.f32 v38, v63;
	v63 =	vld [tilespmem:s19+$0xFFFFFB90];
	v29 =	vadd.f32 v35, v29  }
0x24b: {  	v57 =	vbroadcast v17, $0x9;
	v35 =	vld [tilespmem:s19+$0xFFFFFCA0];
	v31 =	vmul.f32 v31, v59  }
0x24c: {  	v25 =	vmul.f32 v25, v13;
	v13 =	vbroadcast v17, $0xE;
	[tilespmem:s15+$0xFFFFFF90] =	vst v29;
	v29 =	vld [tilespmem:s19+$0xFFFFFFA0]  }
0x24d: {  	v62 =	vbroadcast v12, $0xA;
	v28 =	vmul.f32 v28, v61;
	v34 =	vld [tilespmem:s19+$0xFFFFFDE0];
	v31 =	vadd.f32 v31, v58  }
0x24e: {  	v7 =	vadd.f32 v14, v7;
	v22 =	vmul.f32 v22, v60;
	v36 =	vbroadcast v17, $0x4;
	v61 =	vld [tilespmem:s19+$0xFFFFFDF0]  }
0x24f: {  	v30 =	vmul.f32 v30, v62;
	v62 =	vld [tilespmem:s19+$0xFFFFFB80];
	v28 =	vadd.f32 v28, v31;
	v31 =	vbroadcast v12, $0xB  }
0x250: {  	v45 =	vbroadcast v17, $0x6;
	v23 =	vadd.f32 v23, v7;
	v7 =	vmul.f32 v35, v36;
	v35 =	vld [tilespmem:s19+$0xFFFFFE00]  }
0x251: {  	v60 =	vld [tilespmem:s19+$0xFFFFFE20];
	v29 =	vmul.f32 v29, v31;
	v31 =	vbroadcast v20, $0x5  }
0x252: {  	v28 =	vadd.f32 v30, v28;
	v30 =	vbroadcast v17, $0x5;
	v14 =	vmul.f32 v34, v39;
	v34 =	vld [tilespmem:s20+$0xFFFFFD50]  }
0x253: {  	v47 =	vbroadcast v20, $0x6;
	v31 =	vmul.f32 v61, v31;
	v61 =	vld [tilespmem:s19+$0xFFFFFCD0]  }
0x254: {  	v8 =	vadd.f32 v8, v6;
	v7 =	vadd.f32 v7, v40;
	v6 =	vmul.f32 v42, v30;
	v42 =	vld [tilespmem:s20+$0xFFFFFD80]  }
0x255: {  	v54 =	vbroadcast v20, $0x8;
	v28 =	vadd.f32 v29, v28;
	v35 =	vmul.f32 v35, v47;
	v47 =	vld [tilespmem:s20+$0xFFFFFEC0]  }
0x256: {  	v55 =	vbroadcast v21, $0x9;
	v59 =	vadd.f32 v6, v7;
	v7 =	vmul.f32 v62, v44;
	v62 =	vld [tilespmem:s19+$0xFFFFFE10]  }
0x257: {  	v22 =	vadd.f32 v22, v23;
	v27 =	vmul.f32 v27, v10;
	v23 =	vmul.f32 v26, v9;
	[tilespmem:s15+$0xFFFFFFF0] =	vst v28;
	v44 =	vld [tilespmem:s20+$0xFFFFFC20]  }
0x258: {  	v9 =	vbroadcast v21, $0xD;
	v29 =	vbroadcast v21, $0x7;
	v53 =	vld [tilespmem:s19+$0xFFFFFFC0]  }
0x259: {  	v45 =	vmul.f32 v51, v45;
	v58 =	vbroadcast v21, $0xA;
	v56 =	vld [tilespmem:s19+$0x0]  }
0x25a: {  	v36 =	vbroadcast v20, $0x9;
	v29 =	vmul.f32 v63, v29;
	v33 =	vld [tilespmem:s19+$0xFFFFFFD0];
	v48 =	vadd.f32 v7, v8  }
0x25b: {  	v40 =	vbroadcast v21, $0xB;
	v39 =	vbroadcast v20, $0xA;
	v38 =	vld [tilespmem:s19+$0xFFFFFFE0]  }
0x25c: {  	v60 =	vadd.f32 v14, v60;
	v14 =	vbroadcast v20, $0xB;
	v30 =	vld [tilespmem:s19+$0xFFFFFFF0];
	v29 =	vadd.f32 v29, v48  }
0x25d: {  	v28 =	vbroadcast v21, $0x8;
	v45 =	vadd.f32 v45, v59;
	v43 =	vmul.f32 v61, v49;
	v48 =	vld [tilespmem:s20+$0xFFFFFE90]  }
0x25e: {  	v31 =	vadd.f32 v31, v60;
	v6 =	vbroadcast v21, $0xC;
	v63 =	vbroadcast v12, $0xC;
	[tilespmem:s15+$0xFFFFFF20] =	vst v29;
	v29 =	vld [tilespmem:s20+$0xFFFFFD60]  }
0x25f: {  	v60 =	vbroadcast v12, $0xE;
	v51 =	vmul.f32 v62, v50;
	v10 =	vadd.f32 v43, v45;
	v45 =	vld [tilespmem:s19+$0xFFFFFBB0]  }
0x260: {  	v31 =	vadd.f32 v35, v31;
	v11 =	vmul.f32 v53, v63;
	v53 =	vbroadcast v12, $0xD;
	v26 =	vld [tilespmem:s19+$0xFFFFFBF0]  }
0x261: {  	v24 =	vadd.f32 v27, v24;
	v18 =	vmul.f32 v34, v18;
	v7 =	vbroadcast v17, $0xC;
	[tilespmem:s15+$0xFFFFFF60] =	vst v10;
	v50 =	vld [tilespmem:s19+$0xFFFFFBC0]  }
0x262: {  	v31 =	vadd.f32 v51, v31;
	v59 =	vadd.f32 v11, v56;
	v33 =	vmul.f32 v33, v53;
	v61 =	vld [tilespmem:s19+$0xFFFFFCF0]  }
0x263: {  	v24 =	vadd.f32 v25, v24;
	v8 =	vbroadcast v20, $0xC;
	v43 =	vbroadcast v12, $0xF;
	v27 =	vld [tilespmem:s19+$0xFFFFFD30]  }
0x264: {  	v63 =	vmul.f32 v38, v60;
	v51 =	vld [tilespmem:s19+$0xFFFFFD00];
	[tilespmem:s15+$0xFFFFFFA0] =	vst v31;
	v31 =	vadd.f32 v37, v22;
	v22 =	vadd.f32 v33, v59  }
0x265: {  	v32 =	vadd.f32 v32, v42;
	v16 =	vmul.f32 v44, v16;
	v12 =	vbroadcast v21, $0xE;
	v56 =	vld [tilespmem:s19+$0xFFFFFBD0]  }
0x266: {  	v21 =	vbroadcast v21, $0xF;
	v30 =	vmul.f32 v30, v43;
	v62 =	vld [tilespmem:s19+$0xFFFFFE30];
	v33 =	vadd.f32 v63, v22  }
0x267: {  	v23 =	vadd.f32 v23, v47;
	v10 =	vbroadcast v20, $0xD;
	v11 =	vbroadcast v17, $0xD;
	v25 =	vld [tilespmem:s19+$0xFFFFFE70]  }
0x268: {  	v17 =	vbroadcast v17, $0xF;
	v19 =	vmul.f32 v48, v19;
	v53 =	vadd.f32 v30, v33;
	v30 =	vld [tilespmem:s19+$0xFFFFFE40]  }
0x269: {  	v32 =	vadd.f32 v18, v32;
	v59 =	vld [tilespmem:s19+$0xFFFFFD10];
	v15 =	vmul.f32 v29, v15;
	v28 =	vmul.f32 v45, v28  }
0x26a: {  	v60 =	vld [tilespmem:s19+$0xFFFFFE50];
	v18 =	vadd.f32 v19, v23;
	v22 =	vbroadcast v20, $0xE;
	v29 =	vmul.f32 v61, v52  }
0x26b: {  	v20 =	vbroadcast v20, $0xF;
	v19 =	vadd.f32 v28, v26;
	v28 =	vld [tilespmem:s19+$0xFFFFFBE0];
	v23 =	vmul.f32 v62, v54  }
0x26c: {  	v61 =	vld [tilespmem:s19+$0xFFFFFD20];
	v26 =	vmul.f32 v50, v55;
	v33 =	vadd.f32 v16, v24;
	v27 =	vadd.f32 v29, v27  }
0x26d: {  	v16 =	vld [tilespmem:s19+$0xFFFFFE60];
	v29 =	vmul.f32 v51, v57;
	v24 =	vadd.f32 v23, v25;
	v25 =	vmul.f32 v30, v36  }
0x26e: {  	v62 =	vmul.f32 v59, v41;
	v19 =	vadd.f32 v26, v19;
	v26 =	vmul.f32 v56, v58;
	v23 =	vld [tilespmem:s20+$0xFFFFFEA0]  }
0x26f: {  	v63 =	vmul.f32 v60, v39;
	v27 =	vadd.f32 v29, v27;
	v36 =	vadd.f32 v25, v24;
	v25 =	vld [tilespmem:s20+$0xFFFFFC30]  }
0x270: {  	[tilespmem:s14+$0x0] =	vst v31;
	v29 =	vadd.f32 v15, v32;
	v26 =	vadd.f32 v26, v19;
	v30 =	vmul.f32 v28, v40;
	v24 =	vld [tilespmem:s20+$0xFFFFFD70]  }
0x271: {  	s21 =	simm.s32 $0x4;
	s16 =	simm.s32 $0x1060;
	[tilespmem:s15+$0x0] =	vst v53;
	v31 =	vmul.f32 v61, v46;
	v19 =	vld [tilespmem:s20+$0xFFFFFEB0];
	v28 =	vadd.f32 v62, v27;
	s20 =	simm.s32 $0xBDB0;
	v27 =	vadd.f32 v63, v36  }
.LBB2_15:
0x272: {  	v15 =	vld [tilespmem:s16+$0x0];
	s21 =	sadd.s32 $0x4, s21;
	v26 =	vadd.f32 v30, v26;
	v14 =	vmul.f32 v16, v14  }
0x273: {  	s19 =	sadd.s32 $0x500, s19;
	v16 =	vld [tilespmem:s16+$0xFFFFFFE0];
	p1 =	slt.u32 s21, $0x78;
	v28 =	vadd.f32 v31, v28;
	v23 =	vmul.f32 v23, v3;
	v3 =	vmov v22  }
0x274: {  	v22 =	vld [tilespmem:s19+$0xFFFFFED0];
	[tilespmem:s15+$0xFFFFFF30] =	vst v26;
	v14 =	vadd.f32 v14, v27;
	v25 =	vmul.f32 v25, v2;
	v2 =	vmov v21  }
0x275: {  	v21 =	vld [tilespmem:s19+$0xFFFFFF10];
	[tilespmem:s15+$0xFFFFFF70] =	vst v28;
	v24 =	vmul.f32 v24, v4;
	v23 =	vadd.f32 v23, v18;
	v4 =	vmov v17  }
0x276: {  	v26 =	vld [tilespmem:s19+$0xFFFFFEE0];
	[tilespmem:s15+$0xFFFFFFB0] =	vst v14;
	v14 =	vadd.f32 v25, v33;
	v17 =	vmul.f32 v19, v5;
	v5 =	vmov v20  }
0x277: {  	v18 =	vld [tilespmem:s16+$0xFFFFFFF0];
	v19 =	vbroadcast v15, $0x0;
	v20 =	vadd.f32 v24, v29  }
0x278: {  	v24 =	vbroadcast v16, $0x0;
	v25 =	vbroadcast v16, $0x1;
	v27 =	vld [tilespmem:s19+$0xFFFFFEF0];
	[tilespmem:s14+$0xFFFFFF40] =	vst v14;
	v14 =	vadd.f32 v17, v23  }
0x279: {  	v17 =	vld [tilespmem:s16+$0xFFFFFFD0];
	v19 =	vmul.f32 v22, v19;
	v22 =	vbroadcast v15, $0x1;
	[tilespmem:s14+$0xFFFFFF80] =	vst v20  }
0x27a: {  	v23 =	vbroadcast v16, $0x2;
	v28 =	vbroadcast v16, $0x3;
	v20 =	vld [tilespmem:s19+$0xFFFFFF00];
	[tilespmem:s14+$0xFFFFFFC0] =	vst v14;
	s14 =	smov.u32 s15  }
0x27b: {  	v14 =	vld [tilespmem:s19+$0xFFFFFB10];
	v19 =	vadd.f32 v19, v21;
	v21 =	vmul.f32 v26, v22;
	v22 =	vbroadcast v15, $0x2  }
0x27c: {  	v26 =	vld [tilespmem:s19+$0xFFFFFC50];
	v29 =	vbroadcast v18, $0x0;
	v30 =	vbroadcast v18, $0x1  }
0x27d: {  	v31 =	vld [tilespmem:s19+$0xFFFFFD90];
	v19 =	vadd.f32 v21, v19;
	v21 =	vmul.f32 v27, v22;
	v22 =	vbroadcast v15, $0x3  }
0x27e: {  	v27 =	vld [tilespmem:s19+$0xFFFFFB50];
	v32 =	vbroadcast v17, $0x0;
	v33 =	vbroadcast v17, $0x1  }
0x27f: {  	v36 =	vbroadcast v17, $0x2;
	v34 =	vld [tilespmem:s19+$0xFFFFFB20];
	v19 =	vadd.f32 v21, v19;
	v20 =	vmul.f32 v20, v22  }
0x280: {  	v14 =	vmul.f32 v14, v32;
	v21 =	vld [tilespmem:s19+$0xFFFFFC90];
	v32 =	vbroadcast v18, $0x2  }
0x281: {  	v41 =	vbroadcast v17, $0x3;
	v24 =	vmul.f32 v26, v24;
	v26 =	vld [tilespmem:s19+$0xFFFFFC60];
	v19 =	vadd.f32 v20, v19  }
0x282: {  	s15 =	sadd.s32 $0x100, s15;
	v42 =	vbroadcast v18, $0x3;
	v35 =	vld [tilespmem:s19+$0xFFFFFDD0];
	v29 =	vmul.f32 v31, v29  }
0x283: {  	v40 =	vbroadcast v16, $0x4;
	v43 =	vbroadcast v17, $0x4;
	v14 =	vadd.f32 v14, v27;
	v27 =	vld [tilespmem:s19+$0xFFFFFDA0];
	[tilespmem:s15+$0xFFFFFFD0] =	vst v19  }
0x284: {  	v39 =	vbroadcast v18, $0x4;
	v19 =	vmul.f32 v34, v33;
	v31 =	vld [tilespmem:s19+$0xFFFFFF20]  }
0x285: {  	v22 =	vbroadcast v17, $0x5;
	v24 =	vadd.f32 v24, v21;
	v21 =	vbroadcast v16, $0x5;
	v34 =	vld [tilespmem:s19+$0xFFFFFF60]  }
0x286: {  	v20 =	vbroadcast v18, $0x5;
	v14 =	vadd.f32 v19, v14;
	v19 =	vmul.f32 v26, v25;
	v25 =	vld [tilespmem:s19+$0xFFFFFF30]  }
0x287: {  	v37 =	vbroadcast v17, $0x6;
	v33 =	vbroadcast v15, $0x4;
	v26 =	vld [tilespmem:s19+$0xFFFFFB30];
	v29 =	vadd.f32 v29, v35  }
0x288: {  	v38 =	vbroadcast v16, $0x6;
	v19 =	vadd.f32 v19, v24;
	v24 =	vmul.f32 v27, v30;
	v27 =	vld [tilespmem:s19+$0xFFFFFF40]  }
0x289: {  	v44 =	vbroadcast v15, $0x5;
	v30 =	vld [tilespmem:s19+$0xFFFFFC70];
	v31 =	vmul.f32 v31, v33  }
0x28a: {  	v35 =	vbroadcast v18, $0x6;
	v33 =	vbroadcast v17, $0x7;
	v24 =	vadd.f32 v24, v29;
	v45 =	vld [tilespmem:s19+$0xFFFFFF50]  }
0x28b: {  	v46 =	vld [tilespmem:s19+$0xFFFFFDB0];
	v29 =	vadd.f32 v31, v34;
	v25 =	vmul.f32 v25, v44;
	v31 =	vbroadcast v15, $0x6  }
0x28c: {  	v34 =	vbroadcast v16, $0x7;
	v26 =	vmul.f32 v26, v36;
	v44 =	vld [tilespmem:s19+$0xFFFFFB40]  }
0x28d: {  	v47 =	vld [tilespmem:s19+$0xFFFFFC80];
	v25 =	vadd.f32 v25, v29;
	v27 =	vmul.f32 v27, v31;
	v31 =	vbroadcast v15, $0x7  }
0x28e: {  	v36 =	vbroadcast v18, $0x7;
	v14 =	vadd.f32 v26, v14;
	v23 =	vmul.f32 v30, v23;
	v48 =	vld [tilespmem:s19+$0xFFFFFDC0]  }
0x28f: {  	v29 =	vbroadcast v17, $0x8;
	v25 =	vadd.f32 v27, v25;
	v27 =	vmul.f32 v45, v31;
	v45 =	vld [tilespmem:s20+$0xFFFFFC00]  }
0x290: {  	v26 =	vbroadcast v16, $0x8;
	v19 =	vadd.f32 v23, v19;
	v23 =	vmul.f32 v46, v32;
	v46 =	vld [tilespmem:s20+$0xFFFFFD40]  }
0x291: {  	v31 =	vbroadcast v18, $0x8;
	v30 =	vmul.f32 v44, v41;
	v25 =	vadd.f32 v27, v25;
	v41 =	vld [tilespmem:s20+$0xFFFFFE80]  }
0x292: {  	v32 =	vbroadcast v17, $0x9;
	v27 =	vmul.f32 v47, v28;
	v24 =	vadd.f32 v23, v24;
	v44 =	vld [tilespmem:s20+$0xFFFFFC40]  }
0x293: {  	v14 =	vadd.f32 v30, v14;
	v30 =	vbroadcast v16, $0x9;
	v42 =	vmul.f32 v48, v42;
	[tilespmem:s15+$0xFFFFFFE0] =	vst v25;
	v47 =	vld [tilespmem:s20+$0xFFFFFC10]  }
0x294: {  	v23 =	vbroadcast v17, $0xA;
	v28 =	vbroadcast v18, $0x9;
	v19 =	vadd.f32 v27, v19;
	v48 =	vld [tilespmem:s19+$0xFFFFFF70]  }
0x295: {  	v25 =	vbroadcast v18, $0xA;
	v27 =	vbroadcast v16, $0xA;
	[tilespmem:s15+$0xFFFFFF10] =	vst v14;
	v14 =	vadd.f32 v42, v24;
	v42 =	vld [tilespmem:s19+$0xFFFFFFB0]  }
0x296: {  	v24 =	vbroadcast v17, $0xB;
	[tilespmem:s15+$0xFFFFFF50] =	vst v19;
	v19 =	vbroadcast v16, $0xB;
	v49 =	vld [tilespmem:s19+$0xFFFFFF80]  }
0x297: {  	v51 =	vbroadcast v15, $0x8;
	v50 =	vld [tilespmem:s19+$0xFFFFFB60];
	[tilespmem:s15+$0xFFFFFF90] =	vst v14;
	v14 =	vbroadcast v18, $0xB  }
0x298: {  	v53 =	vbroadcast v16, $0xC;
	v52 =	vbroadcast v17, $0xC;
	v54 =	vld [tilespmem:s19+$0xFFFFFF90]  }
0x299: {  	v55 =	vld [tilespmem:s19+$0xFFFFFCA0];
	v48 =	vmul.f32 v48, v51;
	v51 =	vbroadcast v15, $0x9  }
0x29a: {  	v56 =	vbroadcast v18, $0xC;
	v45 =	vmul.f32 v45, v6;
	v6 =	vmov v52;
	v57 =	vld [tilespmem:s19+$0xFFFFFFA0]  }
0x29b: {  	v52 =	vld [tilespmem:s19+$0xFFFFFDE0];
	v42 =	vadd.f32 v48, v42;
	v48 =	vmul.f32 v49, v51;
	v49 =	vbroadcast v15, $0xA  }
0x29c: {  	v44 =	vadd.f32 v45, v44;
	v45 =	vmul.f32 v46, v7;
	v7 =	vmovc v53;
	v51 =	vld [tilespmem:s19+$0xFFFFFBA0];
	v43 =	vmul.f32 v50, v43  }
0x29d: {  	v46 =	vld [tilespmem:s19+$0xFFFFFB70];
	v42 =	vadd.f32 v48, v42;
	v48 =	vmul.f32 v54, v49;
	v49 =	vbroadcast v15, $0xB  }
0x29e: {  	v41 =	vmul.f32 v41, v8;
	v8 =	vmov v56;
	v50 =	vld [tilespmem:s19+$0xFFFFFCE0];
	v40 =	vmul.f32 v55, v40  }
0x29f: {  	v53 =	vbroadcast v17, $0xD;
	v54 =	vld [tilespmem:s19+$0xFFFFFCB0];
	v42 =	vadd.f32 v48, v42;
	v48 =	vmul.f32 v57, v49  }
0x2a0: {  	v49 =	vbroadcast v16, $0xD;
	v55 =	vld [tilespmem:s19+$0xFFFFFE20];
	v39 =	vmul.f32 v52, v39  }
0x2a1: {  	v52 =	vbroadcast v18, $0xD;
	v43 =	vadd.f32 v43, v51;
	v51 =	vld [tilespmem:s19+$0xFFFFFDF0];
	v42 =	vadd.f32 v48, v42  }
0x2a2: {  	v47 =	vmul.f32 v47, v9;
	v9 =	vmov v53;
	v22 =	vmul.f32 v46, v22;
	v46 =	vld [tilespmem:s19+$0xFFFFFB80]  }
0x2a3: {  	v53 =	vbroadcast v16, $0xE;
	v48 =	vbroadcast v17, $0xE;
	v40 =	vadd.f32 v40, v50;
	v50 =	vld [tilespmem:s19+$0xFFFFFCC0];
	[tilespmem:s15+$0xFFFFFFF0] =	vst v42  }
0x2a4: {  	v42 =	vadd.f32 v22, v43;
	v43 =	vmul.f32 v54, v21;
	v22 =	vbroadcast v18, $0xE;
	v54 =	vld [tilespmem:s19+$0xFFFFFFC0]  }
0x2a5: {  	v44 =	vadd.f32 v47, v44;
	v21 =	vbroadcast v17, $0xF;
	v39 =	vadd.f32 v39, v55;
	v55 =	vld [tilespmem:s19+$0x0]  }
0x2a6: {  	v17 =	vbroadcast v16, $0xF;
	v40 =	vadd.f32 v43, v40;
	v16 =	vmul.f32 v51, v20;
	v43 =	vld [tilespmem:s19+$0xFFFFFFD0]  }
0x2a7: {  	v47 =	vbroadcast v15, $0xC;
	v37 =	vmul.f32 v46, v37;
	v46 =	vld [tilespmem:s19+$0xFFFFFE00]  }
0x2a8: {  	v20 =	vbroadcast v18, $0xF;
	v38 =	vmul.f32 v50, v38;
	v16 =	vadd.f32 v16, v39;
	v18 =	vld [tilespmem:s19+$0xFFFFFFE0]  }
0x2a9: {  	v37 =	vadd.f32 v37, v42;
	v39 =	vld [tilespmem:s19+$0xFFFFFB90];
	v42 =	vmul.f32 v54, v47;
	v47 =	vbroadcast v15, $0xD  }
0x2aa: {  	v38 =	vadd.f32 v38, v40;
	v40 =	vld [tilespmem:s19+$0xFFFFFFF0]  }
0x2ab: {  	v50 =	vld [tilespmem:s19+$0xFFFFFCD0];
	v42 =	vadd.f32 v42, v55;
	v43 =	vmul.f32 v43, v47;
	v47 =	vbroadcast v15, $0xE  }
0x2ac: {  	v35 =	vmul.f32 v46, v35;
	v46 =	vld [tilespmem:s19+$0xFFFFFE10]  }
0x2ad: {  	v15 =	vbroadcast v15, $0xF;
	v42 =	vadd.f32 v43, v42;
	v18 =	vmul.f32 v18, v47;
	v43 =	vld [tilespmem:s20+$0xFFFFFD80]  }
0x2ae: {  	v33 =	vmul.f32 v39, v33;
	v16 =	vadd.f32 v35, v16;
	v35 =	vld [tilespmem:s20+$0xFFFFFD50]  }
0x2af: {  	v18 =	vadd.f32 v18, v42;
	v15 =	vmul.f32 v40, v15;
	v39 =	vld [tilespmem:s20+$0xFFFFFEC0]  }
0x2b0: {  	v33 =	vadd.f32 v33, v37;
	v34 =	vmul.f32 v50, v34;
	v37 =	vld [tilespmem:s20+$0xFFFFFE90]  }
0x2b1: {  	v36 =	vmul.f32 v46, v36;
	v15 =	vadd.f32 v15, v18;
	v18 =	vld [tilespmem:s20+$0xFFFFFC20]  }
0x2b2: {  	[tilespmem:s15+$0xFFFFFF20] =	vst v33;
	v33 =	vadd.f32 v34, v38;
	v34 =	vadd.f32 v45, v43;
	v38 =	vld [tilespmem:s20+$0xFFFFFD60]  }
0x2b3: {  	v40 =	vld [tilespmem:s19+$0xFFFFFBB0];
	v16 =	vadd.f32 v36, v16;
	[tilespmem:s15+$0x0] =	vst v15;
	v15 =	vmul.f32 v35, v11;
	v11 =	vmov v49  }
0x2b4: {  	v35 =	vld [tilespmem:s19+$0xFFFFFBF0];
	[tilespmem:s15+$0xFFFFFF60] =	vst v33;
	v33 =	vadd.f32 v41, v39  }
0x2b5: {  	v36 =	vld [tilespmem:s19+$0xFFFFFCF0];
	[tilespmem:s15+$0xFFFFFFA0] =	vst v16;
	v15 =	vadd.f32 v15, v34;
	v16 =	vmul.f32 v37, v10;
	v10 =	vmov v52  }
0x2b6: {  	v34 =	vld [tilespmem:s19+$0xFFFFFE30];
	v37 =	vmul.f32 v18, v12;
	v12 =	vmov v48  }
0x2b7: {  	v39 =	vld [tilespmem:s19+$0xFFFFFBC0];
	v38 =	vmul.f32 v38, v13;
	v18 =	vadd.f32 v16, v33;
	v13 =	vmov v53  }
0x2b8: {  	v16 =	vmul.f32 v40, v29;
	v40 =	vld [tilespmem:s19+$0xFFFFFD30];
	v33 =	vadd.f32 v37, v44  }
0x2b9: {  	v37 =	vld [tilespmem:s19+$0xFFFFFD00];
	v29 =	vadd.f32 v38, v15  }
0x2ba: {  	v15 =	vadd.f32 v16, v35;
	v16 =	vmul.f32 v36, v26;
	v26 =	vld [tilespmem:s19+$0xFFFFFE70]  }
0x2bb: {  	v31 =	vmul.f32 v34, v31;
	v34 =	vld [tilespmem:s19+$0xFFFFFE40]  }
0x2bc: {  	v32 =	vmul.f32 v39, v32;
	v35 =	vld [tilespmem:s19+$0xFFFFFBD0]  }
0x2bd: {  	v16 =	vadd.f32 v16, v40;
	v36 =	vld [tilespmem:s19+$0xFFFFFD10]  }
0x2be: {  	v15 =	vadd.f32 v32, v15;
	v30 =	vmul.f32 v37, v30;
	v32 =	vld [tilespmem:s19+$0xFFFFFE50]  }
0x2bf: {  	v37 =	vld [tilespmem:s19+$0xFFFFFBE0];
	v26 =	vadd.f32 v31, v26  }
0x2c0: {  	v31 =	vadd.f32 v30, v16;
	v38 =	vld [tilespmem:s19+$0xFFFFFD20];
	v28 =	vmul.f32 v34, v28  }
.Ltmp8:
0x2c1: {  	v30 =	vmul.f32 v35, v23;
	v16 =	vld [tilespmem:s19+$0xFFFFFE60];
	(pc) =	sbr.rel @p1 .LBB2_15-.Ltmp8, $4  }
0x2c2: {  	v27 =	vmul.f32 v36, v27;
	v34 =	vadd.f32 v28, v26;
	v23 =	vld [tilespmem:s20+$0xFFFFFEA0]  }
0x2c3: {  	v26 =	vadd.f32 v30, v15;
	v15 =	vmul.f32 v32, v25;
	v25 =	vld [tilespmem:s20+$0xFFFFFC30]  }
0x2c4: {  	v30 =	vmul.f32 v37, v24;
	v28 =	vadd.f32 v27, v31;
	v24 =	vld [tilespmem:s20+$0xFFFFFD70]  }
0x2c5: {  	s16 =	sadd.s32 $0x40, s16;
	v31 =	vmul.f32 v38, v19;
	v27 =	vadd.f32 v15, v34;
	v19 =	vld [tilespmem:s20+$0xFFFFFEB0];
	s20 =	smov.u32 s19  }
0x2c6: {  	v15 =	vadd.f32 v30, v26;
	_ =	sdelay $0x1  }
0x2c7: {  	[tilespmem:s15+$0xFFFFFF30] =	vst v15  }
0x2c8: {  	v15 =	vld [tilespmem:s20+$0xFFFFFC00]  }
0x2c9: {  	v53 =	vld [tilespmem:s20+$0xFFFFFC40]  }
0x2ca: {  	v50 =	vadd.f32 v31, v28;
	v54 =	vld [tilespmem:s20+$0xFFFFFC10]  }
0x2cb: {  	v14 =	vmul.f32 v16, v14;
	v58 =	vld [tilespmem:s20+$0xFFFFFC20]  }
0x2cc: {  	[tilespmem:s15+$0xFFFFFF70] =	vst v50;
	v61 =	vld [tilespmem:s20+$0xFFFFFC30]  }
0x2cd: {  	v14 =	vadd.f32 v14, v27;
	v51 =	vld [tilespmem:s20+$0xFFFFFD40]  }
0x2ce: {  	v55 =	vld [tilespmem:s20+$0xFFFFFD80]  }
0x2cf: {  	[tilespmem:s15+$0xFFFFFFB0] =	vst v14;
	v56 =	vld [tilespmem:s20+$0xFFFFFD50]  }
0x2d0: {  	v52 =	vld [tilespmem:s20+$0xFFFFFE80]  }
0x2d1: {  	v3 =	vmul.f32 v23, v3;
	v2 =	vmul.f32 v25, v2;
	v57 =	vld [tilespmem:s20+$0xFFFFFEC0]  }
0x2d2: {  	v4 =	vmul.f32 v24, v4;
	v32 =	vld [tilespmem:s20+$0xFFFFFE90]  }
0x2d3: {  	v3 =	vadd.f32 v3, v18;
	v59 =	vld [tilespmem:s20+$0xFFFFFD60];
	v2 =	vadd.f32 v2, v33;
	v6 =	vmul.f32 v15, v6  }
0x2d4: {  	v5 =	vmul.f32 v19, v5;
	v60 =	vld [tilespmem:s20+$0xFFFFFEA0];
	v4 =	vadd.f32 v4, v29;
	v7 =	vmul.f32 v51, v7  }
0x2d5: {  	v62 =	vld [tilespmem:s20+$0xFFFFFD70];
	v9 =	vmul.f32 v54, v9;
	v8 =	vmul.f32 v52, v8;
	v6 =	vadd.f32 v6, v53  }
0x2d6: {  	v63 =	vld [tilespmem:s20+$0xFFFFFEB0];
	v12 =	vmul.f32 v58, v12;
	v11 =	vmul.f32 v56, v11;
	v7 =	vadd.f32 v7, v55  }
0x2d7: {  	v10 =	vmul.f32 v32, v10;
	v8 =	vadd.f32 v8, v57;
	v6 =	vadd.f32 v9, v6  }
0x2d8: {  	v15 =	vmul.f32 v61, v21;
	v13 =	vmul.f32 v59, v13;
	v7 =	vadd.f32 v11, v7  }
0x2d9: {  	v14 =	vmul.f32 v60, v22;
	v8 =	vadd.f32 v10, v8;
	v6 =	vadd.f32 v12, v6  }
0x2da: {  	[tilespmem:s14+$0xFFFFFF40] =	vst v2;
	v2 =	vadd.f32 v5, v3;
	v16 =	vmul.f32 v62, v17;
	v3 =	vadd.f32 v13, v7  }
0x2db: {  	[tilespmem:s14+$0xFFFFFF80] =	vst v4;
	v19 =	vmul.f32 v63, v20;
	v17 =	vadd.f32 v14, v8;
	v6 =	vadd.f32 v15, v6  }
0x2dc: {  	[tilespmem:s14+$0xFFFFFFC0] =	vst v2;
	v2 =	vadd.f32 v16, v3  }
0x2dd: {  	[tilespmem:s15+$0xFFFFFF40] =	vst v6;
	v3 =	vadd.f32 v19, v17  }
0x2de: {  	[tilespmem:s15+$0xFFFFFF80] =	vst v2  }
0x2df: {  	[tilespmem:s15+$0xFFFFFFC0] =	vst v3  }
0x2e0: {  	v2 =	vld [tilespmem:$0x1770]  }
0x2e1: {  	v3 =	vld [tilespmem:$0x14F00]  }
0x2e2: {  	v20 =	vld [tilespmem:$0x14EC0]  }
0x2e3: {  	v21 =	vld [tilespmem:$0x14ED0]  }
0x2e4: {  	v6 =	vld [tilespmem:$0x14EE0]  }
0x2e5: {  	v22 =	vld [tilespmem:$0x14EF0]  }
0x2e6: {  	v23 =	vld [tilespmem:$0x14F50]  }
0x2e7: {  	v24 =	vld [tilespmem:$0x14F10];
	v25 =	vbroadcast v2, $0x0  }
0x2e8: {  	v26 =	vld [tilespmem:$0x14F20];
	v27 =	vbroadcast v2, $0x1;
	v29 =	vbroadcast v2, $0x2  }
0x2e9: {  	v28 =	vld [tilespmem:$0x14F30];
	v31 =	vbroadcast v2, $0x4;
	v33 =	vbroadcast v2, $0x3  }
0x2ea: {  	v30 =	vld [tilespmem:$0x14F40];
	v35 =	vbroadcast v2, $0x5;
	v38 =	vbroadcast v2, $0x6  }
0x2eb: {  	v32 =	vld [tilespmem:$0x14FA0];
	v41 =	vbroadcast v2, $0x7;
	v44 =	vbroadcast v2, $0x8  }
0x2ec: {  	v34 =	vld [tilespmem:$0x14F60];
	v48 =	vbroadcast v2, $0xC;
	v50 =	vbroadcast v2, $0x9  }
0x2ed: {  	v39 =	vld [tilespmem:$0x14FB0];
	v53 =	vbroadcast v2, $0xD;
	v54 =	vbroadcast v2, $0xA  }
0x2ee: {  	v42 =	vld [tilespmem:$0x14FF0];
	v57 =	vbroadcast v2, $0xE;
	v59 =	vbroadcast v2, $0xB  }
0x2ef: {  	v45 =	vld [tilespmem:$0x14FC0];
	v2 =	vbroadcast v2, $0xF;
	v4 =	vmul.f32 v20, v25  }
0x2f0: {  	v36 =	vld [tilespmem:$0x14F70];
	v5 =	vmul.f32 v21, v27;
	v9 =	vmul.f32 v24, v31  }
0x2f1: {  	v51 =	vld [tilespmem:$0x14FD0];
	v6 =	vmul.f32 v6, v29;
	v37 =	vmul.f32 v22, v33;
	v3 =	vadd.f32 v4, v3  }
0x2f2: {  	v47 =	vld [tilespmem:$0x14F80];
	v40 =	vmul.f32 v26, v35;
	v10 =	vmul.f32 v39, v48;
	v8 =	vadd.f32 v9, v23  }
0x2f3: {  	v55 =	vld [tilespmem:$0x14FE0];
	v43 =	vmul.f32 v28, v38;
	v49 =	vmul.f32 v34, v44;
	v3 =	vadd.f32 v5, v3  }
0x2f4: {  	v52 =	vld [tilespmem:$0x14F90];
	v56 =	vmul.f32 v45, v53;
	v10 =	vadd.f32 v10, v42;
	v8 =	vadd.f32 v40, v8  }
0x2f5: {  	v7 =	vmul.f32 v36, v50;
	v3 =	vadd.f32 v6, v3;
	v6 =	vadd.f32 v49, v32  }
0x2f6: {  	v46 =	vmul.f32 v30, v41;
	v60 =	vmul.f32 v51, v57;
	v10 =	vadd.f32 v56, v10  }
0x2f7: {  	v58 =	vmul.f32 v47, v54;
	v5 =	vadd.f32 v43, v8;
	v6 =	vadd.f32 v7, v6  }
0x2f8: {  	v2 =	vmul.f32 v55, v2;
	v63 =	vadd.f32 v60, v10;
	v3 =	vadd.f32 v37, v3  }
0x2f9: {  	v62 =	vmul.f32 v52, v59;
	v5 =	vadd.f32 v46, v5;
	v61 =	vadd.f32 v58, v6  }
0x2fa: {  	v2 =	vadd.f32 v2, v63;
	[tilespmem:$0x18E40] =	vst v3  }
0x2fb: {  	[tilespmem:$0x18E50] =	vst v5;
	v3 =	vadd.f32 v62, v61  }
0x2fc: {  	[tilespmem:$0x18E70] =	vst v2  }
.Ltmp9:
0x2fd: {  	[tilespmem:$0x18E60] =	vst v3;
	(pc) =	sbr.rel @p0 .LBB2_18-.Ltmp9, $4  }
0x2fe: {  	[spmem:s2] =	stream.indirect.scatter.add.f32 [tilespmem:s9], [sflag:$0x5], $0x10, s25, s30, $0xb8;
	[tilespmem:$0x1DD10] =	vst v63  }
0x2ff: {  	_ =	swait.ge [sflag:s28], $0x1F40  }
0x300: {  	[sflag:s28] =	ssyncset.done $0x0  }
0x301: {  	[sflag:s28] =	ssyncadd.s32 $0xFFFFE0C0  }
0x302: {  	s13 =	sadd.s32 s13, s18  }
0x303: {  	s14 =	smul.u32 $0x3F, s13;
	_ =	sdelay $0x1  }
0x304: {  	s15 =	sadd.s32 s5, s14  }
0x305: {  	[tilespmem:s24], [sflag:$0x2] =	stream.linear.gather [hbm4b:s15+s3], $0x1F8, $0x38;
	[tilespmem:$0x1DD10] =	vst v63  }
.Ltmp10:
0x306: {  	_ = 	snop;
	(pc) =	sbr.rel .LBB2_4-.Ltmp10, $4  }
0x307: {  	s13 =	smul.u32 $0xFA, s13;
	s14 =	sadd.s32 s6, s14  }
0x308: {  	[tilespmem:s25], [sflag:$0x2] =	stream.linear.gather [hbm4b:s14+s3], $0x1F8, $0x38;
	[tilespmem:$0x1DD10] =	vst v63  }
0x309: {  	s12 =	sadd.s32 $0x1, s12;
	s13 =	sadd.s32 s7, s13  }
0x30a: {  	[tilespmem:s26], [sflag:$0x2] =	stream.linear.gather [hbm4b:s13+s3], $0x7D0, $0x38;
	[tilespmem:$0x1DD10] =	vst v63  }
.LBB2_19:
0x30b: {  	_ =	sfence.sel $0x180000  }
0x30c: {  	[bflag:$0x0] =	sbarrier.arrive $0xFFFF  }
0x30d: {  	_ =	strace $0x90000047  }
0x30e: {  	s0 =	stileid.u32;
	[bflag:$0x2] =	sbarrier.arrive $0xFFFF  }
0x30f: {  	p0 =	sne.s32 s0, $0x0;
	s0 =	rddreg [dreg:$0x2]  }
0x310: {  	s0 =	sadd.s32 @!p0 $0x100000, s0  }
0x311: {  	[sflag:s0] =	ssyncadd.tile.s32 @!p0 $0x1;
	_ =	shalt  }
.Lfunc_end2:
_tile_overlayer_lowered:
.L_overlay_start_2:
0x312: {  	(tag) =	ssettag $0x2  }
0x313: {  	s0 =	rddreg [dreg:$0x0];
	s2 =	stileid.u32  }
0x314: {  	s1 =	rddreg [dreg:$0x1];
	p0 =	sne.s32 s2, $0x0  }
0x315: {  	s3 =	rddreg [dreg:$0x2];
	[bflag:$0x3] =	sbarrier.arrive $0xFFFF;
	s2 =	simm.s32 @!p0 $0x1C05  }
0x316: {  	[timem:s3], [sflag:s2] =	dma.local @!p0 [hbm:s0], s1  }
0x317: {  	s0 =	simm.s32 @!p0 $0x5  }
0x318: {  	_ =	swait.ge @!p0 [sflag:s0], s1  }
0x319: {  	s1 =	ssub.s32 @!p0 $0x0, s1;
	[sflag:s0] =	ssyncset.done @!p0 $0x0  }
0x31a: {  	[sflag:s0] =	ssyncadd.s32 @!p0 s1  }
0x31b: {  	[bflag:$0x3] =	sbarrier.arrive $0xFFFF  }
0x31c: {  	_ =	shalt  }

</sc_bundles>
